<compile_context>
chip_gen: v7x
topology: tpu7x:2x2x1
jax: 0.10.2.dev20260603
libtpu: 0.0.44.dev20260713+nightly
codegen_flags: <defaults>
</compile_context>

<pallas_src>
import functools

import jax
import jax.numpy as jnp
from jax import lax
from jax.experimental import pallas as pl
from jax.experimental.pallas import tpu as pltpu
from jax.experimental.pallas import tpu_sc as plsc

N = 10000
E = 320000
XF = 128
H = 10
EF = 16
P = 5000
HP = 16
NC, NS = 2, 16
NW = NC * NS
BB = 128
NB = 80
EPW = NB * BB
EP = NW * EPW
NPAD = N + 8
SRW = 624
TAIL = NPAD - SRW * NS
PB = 200
NPB = P // PB
NBLK = 5
BR = N // NBLK
EBLK = 40
EBR = E // EBLK
EPS = 1e-5


@functools.lru_cache(maxsize=None)
def _get_mesh():
    return plsc.VectorSubcoreMesh(core_axis_name="c", subcore_axis_name="s",
                                  num_cores=NC, num_subcores=NS)


@functools.lru_cache(maxsize=None)
def _sc_pass1():
    @functools.partial(
        pl.kernel,
        out_type=(jax.ShapeDtypeStruct((NC, NPAD, HP), jnp.float32),
                  jax.ShapeDtypeStruct((NC, NPAD, 8), jnp.float32)),
        mesh=_get_mesh(),
        compiler_params=pltpu.CompilerParams(use_tc_tiling_on_sc=False),
        scratch_types=(pltpu.VMEM((NB, BB), jnp.int32),
                       pltpu.VMEM((2, BB, EF), jnp.float32),
                       pltpu.VMEM((BB, 8), jnp.float32),
                       pltpu.VMEM_SHARED((NPAD, HP), jnp.float32),
                       pltpu.VMEM_SHARED((NPAD, 8), jnp.float32),
                       pltpu.SemaphoreType.DMA,
                       pltpu.SemaphoreType.DMA),
    )
    def k(ea_hbm, dst3_hbm, zeros_hbm, zeros8_hbm, ones_hbm,
          ea_out, deg_out,
          dst_v, rows_v, ones_v, ea_s, deg_s, lsem, ssem):
        c = lax.axis_index("c")
        s = lax.axis_index("s")
        w = s * NC + c
        base = w * EPW
        pltpu.sync_copy(dst3_hbm.at[w], dst_v)
        pltpu.sync_copy(ones_hbm, ones_v)
        pltpu.sync_copy(zeros_hbm, ea_s.at[pl.ds(s * SRW, SRW)])
        pltpu.sync_copy(zeros8_hbm, deg_s.at[pl.ds(s * SRW, SRW)])

        @pl.when(s == NS - 1)
        def _():
            pltpu.sync_copy(zeros_hbm.at[pl.ds(0, TAIL)], ea_s.at[pl.ds(SRW * NS, TAIL)])
            pltpu.sync_copy(zeros8_hbm.at[pl.ds(0, TAIL)], deg_s.at[pl.ds(SRW * NS, TAIL)])

        plsc.subcore_barrier()

        def eoff(j):
            o = base + j * BB
            return lax.select(o <= E - BB, o, 0)

        pltpu.async_copy(ea_hbm.at[pl.ds(eoff(0), BB)], rows_v.at[0], lsem)

        def body(j, carry):
            b = lax.rem(j, 2)
            nb = 1 - b
            pltpu.make_async_copy(ea_hbm.at[pl.ds(eoff(j), BB)],
                                  rows_v.at[b], lsem).wait()

            @pl.when(j >= 1)
            def _():
                pltpu.make_async_copy(rows_v.at[nb], ea_s.at[dst_v.at[j]], ssem).wait()
                pltpu.make_async_copy(ones_v, deg_s.at[dst_v.at[j]], ssem).wait()

            @pl.when(j < NB - 1)
            def _():
                pltpu.async_copy(ea_hbm.at[pl.ds(eoff(j + 1), BB)],
                                 rows_v.at[nb], lsem)

            pltpu.async_copy(rows_v.at[b], ea_s.at[dst_v.at[j]], ssem, add=True)
            pltpu.async_copy(ones_v, deg_s.at[dst_v.at[j]], ssem, add=True)
            return carry

        lax.fori_loop(0, NB, body, 0)
        pltpu.make_async_copy(rows_v.at[1], ea_s.at[dst_v.at[NB - 1]], ssem).wait()
        pltpu.make_async_copy(ones_v, deg_s.at[dst_v.at[NB - 1]], ssem).wait()
        plsc.subcore_barrier()
        pltpu.sync_copy(ea_s.at[pl.ds(s * SRW, SRW)], ea_out.at[c, pl.ds(s * SRW, SRW)])
        pltpu.sync_copy(deg_s.at[pl.ds(s * SRW, SRW)], deg_out.at[c, pl.ds(s * SRW, SRW)])

        @pl.when(s == NS - 1)
        def _():
            pltpu.sync_copy(ea_s.at[pl.ds(SRW * NS, TAIL)], ea_out.at[c, pl.ds(SRW * NS, TAIL)])
            pltpu.sync_copy(deg_s.at[pl.ds(SRW * NS, TAIL)], deg_out.at[c, pl.ds(SRW * NS, TAIL)])

    return k


@functools.lru_cache(maxsize=None)
def _sc_segsum():
    @functools.partial(
        pl.kernel,
        out_type=jax.ShapeDtypeStruct((NC, NPAD, HP), jnp.float32),
        mesh=_get_mesh(),
        compiler_params=pltpu.CompilerParams(use_tc_tiling_on_sc=False),
        scratch_types=(pltpu.VMEM((NB, BB), jnp.int32),
                       pltpu.VMEM((NB, BB), jnp.int32),
                       pltpu.VMEM((4, BB, HP), jnp.float32),
                       pltpu.VMEM_SHARED((NPAD, HP), jnp.float32),
                       pltpu.SemaphoreType.DMA,
                       pltpu.SemaphoreType.DMA),
    )
    def k(y_hbm, src3_hbm, dst3_hbm, zeros_hbm,
          out_hbm,
          src_v, dst_v, rows_v, agg_s, gsem, ssem):
        c = lax.axis_index("c")
        s = lax.axis_index("s")
        w = s * NC + c
        pltpu.sync_copy(src3_hbm.at[w], src_v)
        pltpu.sync_copy(dst3_hbm.at[w], dst_v)
        pltpu.sync_copy(zeros_hbm, agg_s.at[pl.ds(s * SRW, SRW)])

        @pl.when(s == NS - 1)
        def _():
            pltpu.sync_copy(zeros_hbm.at[pl.ds(0, TAIL)], agg_s.at[pl.ds(SRW * NS, TAIL)])

        plsc.subcore_barrier()
        pltpu.async_copy(y_hbm.at[src_v.at[0]], rows_v.at[0], gsem)
        pltpu.async_copy(y_hbm.at[src_v.at[1]], rows_v.at[1], gsem)
        pltpu.async_copy(y_hbm.at[src_v.at[2]], rows_v.at[2], gsem)

        def body(j, carry):
            b = lax.rem(j, 4)
            pltpu.make_async_copy(y_hbm.at[src_v.at[j]], rows_v.at[b], gsem).wait()

            @pl.when(j >= 1)
            def _():
                pltpu.make_async_copy(rows_v.at[lax.rem(j + 3, 4)],
                                      agg_s.at[dst_v.at[j]], ssem).wait()

            @pl.when(j + 3 < NB)
            def _():
                pltpu.async_copy(y_hbm.at[src_v.at[j + 3]],
                                 rows_v.at[lax.rem(j + 3, 4)], gsem)

            pltpu.async_copy(rows_v.at[b], agg_s.at[dst_v.at[j]], ssem, add=True)
            return carry

        lax.fori_loop(0, NB, body, 0)
        pltpu.make_async_copy(rows_v.at[lax.rem(NB - 1, 4)],
                              agg_s.at[dst_v.at[NB - 1]], ssem).wait()
        plsc.subcore_barrier()
        pltpu.sync_copy(agg_s.at[pl.ds(s * SRW, SRW)], out_hbm.at[c, pl.ds(s * SRW, SRW)])

        @pl.when(s == NS - 1)
        def _():
            pltpu.sync_copy(agg_s.at[pl.ds(SRW * NS, TAIL)], out_hbm.at[c, pl.ds(SRW * NS, TAIL)])

    return k


@functools.lru_cache(maxsize=None)
def _sc_pick():
    @functools.partial(
        pl.kernel,
        out_type=jax.ShapeDtypeStruct((P, 8), jnp.float32),
        mesh=_get_mesh(),
        compiler_params=pltpu.CompilerParams(use_tc_tiling_on_sc=False),
        scratch_types=(pltpu.VMEM((2, PB // 2), jnp.int32),
                       pltpu.VMEM((PB, 8), jnp.float32),
                       pltpu.SemaphoreType.DMA),
    )
    def k(probs_hbm, idx3_hbm, out_hbm, idx_v, rows_v, sem):
        c = lax.axis_index("c")
        s = lax.axis_index("s")
        w = s * NC + c

        @pl.when(w < NPB)
        def _():
            pltpu.sync_copy(idx3_hbm.at[w], idx_v)
            pltpu.async_copy(probs_hbm.at[idx_v.at[0]],
                             rows_v.at[pl.ds(0, PB // 2)], sem).wait()
            pltpu.async_copy(probs_hbm.at[idx_v.at[1]],
                             rows_v.at[pl.ds(PB // 2, PB // 2)], sem).wait()
            pltpu.sync_copy(rows_v, out_hbm.at[pl.ds(w * PB, PB)])

    return k



def _k1_body(x_ref, w0_ref, b0_ref, w80_ref, x1a_ref, p_ref, st_ref):
    i = pl.program_id(0)
    xb = x_ref[...]
    x1 = jnp.dot(xb, w0_ref[...], preferred_element_type=jnp.float32) + b0_ref[...]
    x1a_ref[...] = x1
    p_ref[...] = jnp.dot(xb, w80_ref[...], preferred_element_type=jnp.float32)
    s0 = jnp.sum(x1, axis=0, keepdims=True)
    s1 = jnp.sum(x1 * x1, axis=0, keepdims=True)
    st = jnp.concatenate([s0, s1, jnp.zeros((6, XF), jnp.float32)], axis=0)

    @pl.when(i == 0)
    def _():
        st_ref[...] = st

    @pl.when(i > 0)
    def _():
        st_ref[...] += st


def _k1(x, w0, b0, w80):
    return pl.pallas_call(
        _k1_body,
        grid=(NBLK,),
        in_specs=[pl.BlockSpec((BR, XF), lambda i: (i, 0)),
                  pl.BlockSpec((XF, XF), lambda i: (0, 0)),
                  pl.BlockSpec((1, XF), lambda i: (0, 0)),
                  pl.BlockSpec((XF, 128), lambda i: (0, 0))],
        out_specs=[pl.BlockSpec((BR, XF), lambda i: (i, 0)),
                   pl.BlockSpec((BR, 128), lambda i: (i, 0)),
                   pl.BlockSpec((8, XF), lambda i: (0, 0))],
        out_shape=[jax.ShapeDtypeStruct((N, XF), jnp.float32),
                   jax.ShapeDtypeStruct((N, 128), jnp.float32),
                   jax.ShapeDtypeStruct((8, XF), jnp.float32)],
    )(x, w0, b0, w80)


def _k2_body(x1a_ref, st_ref, p_ref, ng_ref, nb_ref, na_ref, w02_ref, b02_ref,
             wmr1_ref, r0_ref, y1_ref):
    st = st_ref[...]
    mean = st[0:1, :] / N
    ex2 = st[1:2, :] / N
    al = na_ref[...]
    var = ex2 - (2.0 * al - al * al) * mean * mean
    sg = ng_ref[...] * lax.rsqrt(var + EPS)
    tg = nb_ref[...] - sg * al * mean
    x1n = x1a_ref[...] * sg + tg
    r0 = jnp.maximum(jnp.dot(x1n, w02_ref[...], preferred_element_type=jnp.float32)
                     + b02_ref[...], 0.0)
    r0_ref[...] = r0
    y1_ref[...] = p_ref[...][:, 0:HP] + jnp.dot(r0, wmr1_ref[...],
                                                preferred_element_type=jnp.float32)


def _k2(x1a, st, p, ng, nb, na, w02, b02, wmr1):
    return pl.pallas_call(
        _k2_body,
        grid=(NBLK,),
        in_specs=[pl.BlockSpec((BR, XF), lambda i: (i, 0)),
                  pl.BlockSpec((8, XF), lambda i: (0, 0)),
                  pl.BlockSpec((BR, 128), lambda i: (i, 0)),
                  pl.BlockSpec((1, XF), lambda i: (0, 0)),
                  pl.BlockSpec((1, XF), lambda i: (0, 0)),
                  pl.BlockSpec((1, XF), lambda i: (0, 0)),
                  pl.BlockSpec((XF, HP), lambda i: (0, 0)),
                  pl.BlockSpec((1, HP), lambda i: (0, 0)),
                  pl.BlockSpec((HP, HP), lambda i: (0, 0))],
        out_specs=[pl.BlockSpec((BR, HP), lambda i: (i, 0)),
                   pl.BlockSpec((BR, HP), lambda i: (i, 0))],
        out_shape=[jax.ShapeDtypeStruct((N, HP), jnp.float32),
                   jax.ShapeDtypeStruct((NPAD, HP), jnp.float32)],
    )(x1a, st, p, ng, nb, na, w02, b02, wmr1)


def _k3_body(x_ref, ca_ref):
    i = pl.program_id(0)
    xb = x_ref[...]
    mm = lax.dot_general(xb, xb, (((0,), (0,)), ((), ())),
                         preferred_element_type=jnp.float32)
    ms = jnp.sum(xb, axis=0, keepdims=True)
    c16 = mm[0:EF, 0:EF]
    m16 = ms[:, 0:EF]
    for g in range(1, 8):
        c16 = c16 + mm[g * EF:(g + 1) * EF, g * EF:(g + 1) * EF]
        m16 = m16 + ms[:, g * EF:(g + 1) * EF]
    ca = jnp.concatenate(
        [jnp.concatenate([c16, jnp.zeros((EF, 16), jnp.float32)], axis=1),
         jnp.concatenate([m16, jnp.zeros((1, 16), jnp.float32)], axis=1),
         jnp.zeros((15, 32), jnp.float32)], axis=0)

    @pl.when(i == 0)
    def _():
        ca_ref[...] = ca

    @pl.when(i > 0)
    def _():
        ca_ref[...] += ca


def _k3(ea128):
    return pl.pallas_call(
        _k3_body,
        grid=(EBLK,),
        in_specs=[pl.BlockSpec((E // 8 // EBLK, 128), lambda i: (i, 0))],
        out_specs=pl.BlockSpec((32, 32), lambda i: (0, 0)),
        out_shape=jax.ShapeDtypeStruct((32, 32), jnp.float32),
    )(ea128)


def _k4_body(eap_ref, degp_ref, ca_ref, p_ref, w0e_ref, b0e_ref,
             n2g_ref, n2b_ref, n2a_ref, wme_ref, bm4_ref, br4_ref,
             const_ref):
    ca = ca_ref[...]
    m = ca[16:17, 0:EF] / E
    cmat = ca[0:EF, 0:EF] / E
    w = w0e_ref[...]
    b = b0e_ref[...]
    mw = jnp.dot(m, w, preferred_element_type=jnp.float32)
    mu = mw + b
    cw = jnp.dot(cmat, w, preferred_element_type=jnp.float32)
    eu2 = jnp.sum(w * cw, axis=0, keepdims=True) + 2.0 * b * mw + b * b
    al = n2a_ref[...]
    var = eu2 - (2.0 * al - al * al) * mu * mu
    sg = n2g_ref[...] * lax.rsqrt(var + EPS)
    tg = n2b_ref[...] - sg * al * mu
    ea = eap_ref[0] + eap_ref[1]
    deg = (degp_ref[0] + degp_ref[1])[:, 0:1]
    ea_agg = (jnp.dot(ea, w, preferred_element_type=jnp.float32) + deg * b) * sg + deg * tg
    pblk = p_ref[...]
    for l in range(4):
        cl = (pblk[:, (4 + l) * HP:(5 + l) * HP]
              + jnp.dot(ea_agg, wme_ref[...][:, l * HP:(l + 1) * HP],
                        preferred_element_type=jnp.float32)
              + deg * bm4_ref[l:l + 1, :] + br4_ref[l:l + 1, :])
        const_ref[l] = cl


def _k4(eap, degp, ca, p, w0e, b0e, n2g, n2b, n2a, wme, bm4, br4):
    return pl.pallas_call(
        _k4_body,
        grid=(NBLK,),
        in_specs=[pl.BlockSpec((NC, BR, HP), lambda i: (0, i, 0)),
                  pl.BlockSpec((NC, BR, 8), lambda i: (0, i, 0)),
                  pl.BlockSpec((32, 32), lambda i: (0, 0)),
                  pl.BlockSpec((BR, 128), lambda i: (i, 0)),
                  pl.BlockSpec((EF, EF), lambda i: (0, 0)),
                  pl.BlockSpec((1, EF), lambda i: (0, 0)),
                  pl.BlockSpec((1, EF), lambda i: (0, 0)),
                  pl.BlockSpec((1, EF), lambda i: (0, 0)),
                  pl.BlockSpec((1, EF), lambda i: (0, 0)),
                  pl.BlockSpec((EF, 4 * HP), lambda i: (0, 0)),
                  pl.BlockSpec((4, HP), lambda i: (0, 0)),
                  pl.BlockSpec((4, HP), lambda i: (0, 0))],
        out_specs=pl.BlockSpec((4, BR, HP), lambda i: (0, i, 0)),
        out_shape=jax.ShapeDtypeStruct((4, N, HP), jnp.float32),
    )(eap, degp, ca, p, w0e, b0e, n2g, n2b, n2a, wme, bm4, br4)


def _k5_body(sp_ref, const_ref, r_ref, pa_ref, wrr_ref, wmr_ref,
             rn_ref, y_ref):
    rn = jnp.maximum(const_ref[...]
                     + jnp.dot(r_ref[...], wrr_ref[...], preferred_element_type=jnp.float32)
                     + sp_ref[0] + sp_ref[1], 0.0)
    rn_ref[...] = rn
    y_ref[...] = pa_ref[...] + jnp.dot(rn, wmr_ref[...],
                                       preferred_element_type=jnp.float32)


def _k5(sp, const, r, pa, wrr, wmr):
    return pl.pallas_call(
        _k5_body,
        grid=(NBLK,),
        in_specs=[pl.BlockSpec((NC, BR, HP), lambda i: (0, i, 0)),
                  pl.BlockSpec((BR, HP), lambda i: (i, 0)),
                  pl.BlockSpec((BR, HP), lambda i: (i, 0)),
                  pl.BlockSpec((BR, HP), lambda i: (i, 0)),
                  pl.BlockSpec((HP, HP), lambda i: (0, 0)),
                  pl.BlockSpec((HP, HP), lambda i: (0, 0))],
        out_specs=[pl.BlockSpec((BR, HP), lambda i: (i, 0)),
                   pl.BlockSpec((BR, HP), lambda i: (i, 0))],
        out_shape=[jax.ShapeDtypeStruct((N, HP), jnp.float32),
                   jax.ShapeDtypeStruct((NPAD, HP), jnp.float32)],
    )(sp, const, r, pa, wrr, wmr)


def _k6_body(sp_ref, const_ref, r_ref, wrr_ref, w5_ref, b5_ref, probs_ref):
    r4 = jnp.maximum(const_ref[...]
                     + jnp.dot(r_ref[...], wrr_ref[...], preferred_element_type=jnp.float32)
                     + sp_ref[0] + sp_ref[1], 0.0)
    logits = jnp.dot(r4, w5_ref[...], preferred_element_type=jnp.float32) + b5_ref[...]
    a = logits[:, 0:1]
    b = logits[:, 1:2]
    mx = jnp.maximum(a, b)
    e0 = jnp.exp(a - mx)
    e1 = jnp.exp(b - mx)
    den = e0 + e1
    probs_ref[...] = jnp.concatenate(
        [e0 / den, e1 / den, jnp.zeros((BR, 6), jnp.float32)], axis=1)


def _k6(sp, const, r, wrr, w5, b5):
    return pl.pallas_call(
        _k6_body,
        grid=(NBLK,),
        in_specs=[pl.BlockSpec((NC, BR, HP), lambda i: (0, i, 0)),
                  pl.BlockSpec((BR, HP), lambda i: (i, 0)),
                  pl.BlockSpec((BR, HP), lambda i: (i, 0)),
                  pl.BlockSpec((HP, HP), lambda i: (0, 0)),
                  pl.BlockSpec((HP, HP), lambda i: (0, 0)),
                  pl.BlockSpec((1, HP), lambda i: (0, 0))],
        out_specs=pl.BlockSpec((BR, 8), lambda i: (i, 0)),
        out_shape=jax.ShapeDtypeStruct((N, 8), jnp.float32),
    )(sp, const, r, wrr, w5, b5)



def _pad(w, rows, cols):
    return jnp.zeros((rows, cols), jnp.float32).at[:w.shape[0], :w.shape[1]].set(w)


def kernel(x, z, edge_index, z1edge_index, z2edge_index, z3edge_index,
           edge_attr, pickable, l0_W, l0_b, l02_W, l02_b, l0e_W, l0e_b,
           n_gamma, n_beta, n_alpha, n2_gamma, n2_beta, n2_alpha,
           l1_Wm, l1_bm, l1_Wr, l1_br, l2_Wm, l2_bm, l2_Wr, l2_br,
           l3_Wm, l3_bm, l3_Wr, l3_br, l4_Wm, l4_bm, l4_Wr, l4_br,
           l5_W, l5_b):
    wms = [l1_Wm, l2_Wm, l3_Wm, l4_Wm]
    wrs = [l1_Wr, l2_Wr, l3_Wr, l4_Wr]
    bms = [l1_bm, l2_bm, l3_bm, l4_bm]
    brs = [l1_br, l2_br, l3_br, l4_br]

    w80 = jnp.concatenate(
        [_pad(wm[:XF], XF, HP) for wm in wms] + [_pad(wr[:XF], XF, HP) for wr in wrs],
        axis=1)
    wmr = [_pad(wm[XF:XF + H], HP, HP) for wm in wms]
    wrr = [_pad(wr[XF:], HP, HP) for wr in wrs]
    wme = jnp.concatenate([_pad(wm[XF + H:], EF, HP) for wm in wms], axis=1)
    bm4 = jnp.concatenate([_pad(b[None, :], 1, HP) for b in bms], axis=0)
    br4 = jnp.concatenate([_pad(b[None, :], 1, HP) for b in brs], axis=0)
    w02 = _pad(l02_W, XF, HP)
    b02 = _pad(l02_b[None, :], 1, HP)
    w5 = _pad(l5_W, HP, HP)
    b5 = _pad(l5_b[None, :], 1, HP)

    pad_idx = jnp.full((EP - E,), N, jnp.int32)
    src3 = jnp.concatenate([edge_index[0], pad_idx]).reshape(NW, NB, BB)
    dst3 = jnp.concatenate([edge_index[1], pad_idx]).reshape(NW, NB, BB)
    pick2 = pickable.reshape(NPB, 2, PB // 2)
    zeros_s = jnp.zeros((SRW, HP), jnp.float32)
    zeros8_s = jnp.zeros((SRW, 8), jnp.float32)
    ones_b = jnp.ones((BB, 8), jnp.float32)

    x1a, p, st = _k1(x, l0_W, l0_b[None, :], w80)
    r0, y1 = _k2(x1a, st, p, n_gamma[None, :], n_beta[None, :], n_alpha[None, :],
                 w02, b02, wmr[0])
    ca = _k3(edge_attr.reshape(E // 8, 128))
    eap, degp = _sc_pass1()(edge_attr, dst3, zeros_s, zeros8_s, ones_b)
    const = _k4(eap, degp, ca, p, l0e_W, l0e_b[None, :],
                n2_gamma[None, :], n2_beta[None, :], n2_alpha[None, :],
                wme, bm4, br4)

    r = r0
    y = y1 + eap[0, 0:1, 0:1] * 0.0
    probs = None
    for l in range(4):
        sp = _sc_segsum()(y, src3, dst3, zeros_s)
        if l < 3:
            pa = lax.slice(p, (0, (l + 1) * HP), (N, (l + 2) * HP))
            r, y = _k5(sp, const[l], r, pa, wrr[l], wmr[l + 1])
        else:
            probs = _k6(sp, const[l], r, wrr[l], w5, b5)

    picked = _sc_pick()(probs, pick2)
    return picked[:, 0:2]

# --- scband reference (transcript-rebuilt; emitter-appended) ---
"""Pipeline reference for scband-clique-69329362092378 (READ-ONLY COPY).

The authoritative reference and input builder live on the scoring server;
editing this copy changes nothing except your own understanding.
"""

import jax, jax.numpy as jnp
import numpy as np

N = 10000
E = 320000
XF = 128
EF = 16
H = 10
OUT = 2
P = 5000

def _gn(x, gamma, beta, alpha, eps=1e-5):
    mean = jnp.mean(x, axis=0, keepdims=True)
    xs = x - alpha * mean
    var = jnp.mean(xs * xs, axis=0, keepdims=True)
    return gamma * xs / jnp.sqrt(var + eps) + beta

def _own(x, edge_index, edge_attr, Wm, bm, Wr, br):
    src = edge_index[0]
    dst = edge_index[1]
    h = jnp.concatenate([jnp.take(x, src, axis=0), edge_attr], axis=1)
    msg = h @ Wm + bm
    agg = jax.ops.segment_sum(msg, dst, num_segments=x.shape[0])
    return x @ Wr + br + agg

def setup_inputs(seed: int = 0):
    key = jax.random.key(seed)
    ks = jax.random.split(key, 48)
    def p(k, shape):
        return jax.random.normal(k, shape, dtype=jnp.float32) * 0.05
    inp = {}
    inp['x'] = jax.random.normal(ks[0], (N, XF), dtype=jnp.float32)
    inp['z'] = jax.random.normal(ks[1], (N, XF), dtype=jnp.float32)
    inp['edge_index'] = jax.random.randint(ks[2], (2, E), 0, N, dtype=jnp.int32)
    inp['z1edge_index'] = jax.random.randint(ks[3], (2, E), 0, N, dtype=jnp.int32)
    inp['z2edge_index'] = jax.random.randint(ks[4], (2, E), 0, N, dtype=jnp.int32)
    inp['z3edge_index'] = jax.random.randint(ks[5], (2, E), 0, N, dtype=jnp.int32)
    inp['edge_attr'] = jax.random.normal(ks[6], (E, EF), dtype=jnp.float32)
    inp['pickable'] = jax.random.randint(ks[7], (P,), 0, N, dtype=jnp.int32)
    inp['l0_W'] = p(ks[8], (XF, XF)); inp['l0_b'] = jnp.zeros((XF,), jnp.float32)
    inp['l02_W'] = p(ks[9], (XF, H)); inp['l02_b'] = jnp.zeros((H,), jnp.float32)
    inp['l0e_W'] = p(ks[10], (EF, EF)); inp['l0e_b'] = jnp.zeros((EF,), jnp.float32)
    inp['n_gamma'] = jnp.ones((XF,), jnp.float32); inp['n_beta'] = jnp.zeros((XF,), jnp.float32); inp['n_alpha'] = jnp.ones((XF,), jnp.float32)
    inp['n2_gamma'] = jnp.ones((EF,), jnp.float32); inp['n2_beta'] = jnp.zeros((EF,), jnp.float32); inp['n2_alpha'] = jnp.ones((EF,), jnp.float32)
    kid = 11
    for i in range(1, 5):
        inp['l%d_Wm' % i] = p(ks[kid], (XF + H + EF, H)); kid += 1
        inp['l%d_bm' % i] = jnp.zeros((H,), jnp.float32)
        inp['l%d_Wr' % i] = p(ks[kid], (XF + H, H)); kid += 1
        inp['l%d_br' % i] = jnp.zeros((H,), jnp.float32)
    inp['l5_W'] = p(ks[kid], (H, OUT)); inp['l5_b'] = jnp.zeros((OUT,), jnp.float32)
    return inp

def reference(x, z, edge_index, z1edge_index, z2edge_index, z3edge_index, edge_attr, pickable, l0_W, l0_b, l02_W, l02_b, l0e_W, l0e_b, n_gamma, n_beta, n_alpha, n2_gamma, n2_beta, n2_alpha, l1_Wm, l1_bm, l1_Wr, l1_br, l2_Wm, l2_bm, l2_Wr, l2_br, l3_Wm, l3_bm, l3_Wr, l3_br, l4_Wm, l4_bm, l4_Wr, l4_br, l5_W, l5_b):
    x1 = x @ l0_W + l0_b
    x1 = _gn(x1, n_gamma, n_beta, n_alpha)
    x1 = x1 @ l02_W + l02_b
    x1 = jax.nn.relu(x1)
    ea = edge_attr @ l0e_W + l0e_b
    ea = _gn(ea, n2_gamma, n2_beta, n2_alpha)
    x1 = jnp.hstack((x, x1))
    x1 = jax.nn.relu(_own(x1, edge_index, ea, l1_Wm, l1_bm, l1_Wr, l1_br))
    x1 = jnp.hstack((x, x1))
    x1 = jax.nn.relu(_own(x1, edge_index, ea, l2_Wm, l2_bm, l2_Wr, l2_br))
    x1 = jnp.hstack((x, x1))
    x1 = jax.nn.relu(_own(x1, edge_index, ea, l3_Wm, l3_bm, l3_Wr, l3_br))
    x1 = jnp.hstack((x, x1))
    x1 = jax.nn.relu(_own(x1, edge_index, ea, l4_Wm, l4_bm, l4_Wr, l4_br))
    x1 = x1 @ l5_W + l5_b
    x1 = jnp.take(x1, pickable, axis=0)
    return jax.nn.softmax(x1, axis=1)

if __name__ == "__main__":
    import jax
    _d = setup_inputs()
    print(jax.jit(kernel)(*tuple(_d.values())))

</pallas_src>

<mosaic_0001>
#map = affine_map<(d0, d1) -> (0, 0)>
#map1 = affine_map<(d0, d1) -> (0, 0, 0)>
module attributes {stable_mosaic.version = 14 : i64} {
  func.func @k(%arg0: i32, %arg1: i32, %arg2: memref<320000x16xf32, #tpu.memory_space<hbm>>, %arg3: memref<32x80x128xi32, #tpu.memory_space<hbm>>, %arg4: memref<624x16xf32, #tpu.memory_space<hbm>>, %arg5: memref<624x8xf32, #tpu.memory_space<hbm>>, %arg6: memref<128x8xf32, #tpu.memory_space<hbm>>, %arg7: memref<2x10008x16xf32, #tpu.memory_space<hbm>>, %arg8: memref<2x10008x8xf32, #tpu.memory_space<hbm>>, %arg9: memref<80x128xi32, #tpu.memory_space<vmem>>, %arg10: memref<2x128x16xf32, #tpu.memory_space<vmem>>, %arg11: memref<128x8xf32, #tpu.memory_space<vmem>>, %arg12: memref<10008x16xf32, #tpu.memory_space<vmem_shared>>, %arg13: memref<10008x8xf32, #tpu.memory_space<vmem_shared>>, %arg14: memref<!tpu.dma_semaphore, #tpu.memory_space<semaphore_mem>>, %arg15: memref<!tpu.dma_semaphore, #tpu.memory_space<semaphore_mem>>) attributes {dimension_semantics = [#tpu.dimension_semantics<core_parallel>, #tpu.dimension_semantics<subcore_parallel>], iteration_bounds = array<i64: 2, 16>, scalar_prefetch = 0 : i64, scratch_operands = 7 : i64, tpu.core_type = #tpu.core_type<sc_vector_subcore>, window_params = [{transform_indices = #map}, {transform_indices = #map1}, {transform_indices = #map}, {transform_indices = #map}, {transform_indices = #map}, {transform_indices = #map1}, {transform_indices = #map1}]} {
    %mul3A = arith.constant 2 : i32
    %mul3A_0 = arith.muli %arg1, %mul3A : i32
    %add3A = arith.addi %mul3A_0, %arg0 : i32
    %mul3A_1 = arith.constant 10240 : i32
    %mul3A_2 = arith.muli %add3A, %mul3A_1 : i32
    "tpu.region"() ({
      %run_scoped3A = tpu.sem_alloc : memref<!tpu.dma_semaphore, #tpu.memory_space<semaphore_mem>>
      %dma_start3A_62 = arith.constant 0 : i32
      %dma_start3A_63 = arith.constant 0 : i32
      %dma_start3A_64 = tpu.memref_slice %arg3[%add3A, %dma_start3A_62, %dma_start3A_63] : memref<32x80x128xi32, #tpu.memory_space<hbm>> -> memref<1x80x128xi32, #tpu.memory_space<hbm>>
      %dma_start3A_65 = tpu.memref_squeeze %dma_start3A_64 : memref<1x80x128xi32, #tpu.memory_space<hbm>> -> memref<80x128xi32, #tpu.memory_space<hbm>>
      %dma_start3A_66 = arith.constant 0 : i32
      %dma_start3A_67 = arith.constant 0 : i32
      %dma_start3A_68 = tpu.memref_slice %arg3[%add3A, %dma_start3A_66, %dma_start3A_67] : memref<32x80x128xi32, #tpu.memory_space<hbm>> -> memref<1x80x128xi32, #tpu.memory_space<hbm>>
      %dma_start3A_69 = tpu.memref_squeeze %dma_start3A_68 : memref<1x80x128xi32, #tpu.memory_space<hbm>> -> memref<80x128xi32, #tpu.memory_space<hbm>>
      tpu.enqueue_dma source(%dma_start3A_69 : memref<80x128xi32, #tpu.memory_space<hbm>>) target(%arg9 : memref<80x128xi32, #tpu.memory_space<vmem>>) target_semaphore(%run_scoped3A : memref<!tpu.dma_semaphore, #tpu.memory_space<semaphore_mem>>)
      %dma_wait3A_70 = arith.constant 0 : i32
      %dma_wait3A_71 = arith.constant 0 : i32
      %dma_wait3A_72 = tpu.memref_slice %arg3[%add3A, %dma_wait3A_70, %dma_wait3A_71] : memref<32x80x128xi32, #tpu.memory_space<hbm>> -> memref<1x80x128xi32, #tpu.memory_space<hbm>>
      %dma_wait3A_73 = tpu.memref_squeeze %dma_wait3A_72 : memref<1x80x128xi32, #tpu.memory_space<hbm>> -> memref<80x128xi32, #tpu.memory_space<hbm>>
      %dma_wait3A_74 = arith.constant 0 : i32
      %dma_wait3A_75 = arith.constant 0 : i32
      %dma_wait3A_76 = tpu.memref_slice %arg3[%add3A, %dma_wait3A_74, %dma_wait3A_75] : memref<32x80x128xi32, #tpu.memory_space<hbm>> -> memref<1x80x128xi32, #tpu.memory_space<hbm>>
      %dma_wait3A_77 = tpu.memref_squeeze %dma_wait3A_76 : memref<1x80x128xi32, #tpu.memory_space<hbm>> -> memref<80x128xi32, #tpu.memory_space<hbm>>
      tpu.wait_dma2 semaphore(%run_scoped3A : memref<!tpu.dma_semaphore, #tpu.memory_space<semaphore_mem>>) src(%dma_wait3A_77 : memref<80x128xi32, #tpu.memory_space<hbm>>) dst(%arg9 : memref<80x128xi32, #tpu.memory_space<vmem>>)
      tpu.yield
    }) : () -> ()
    "tpu.region"() ({
      %run_scoped3A = tpu.sem_alloc : memref<!tpu.dma_semaphore, #tpu.memory_space<semaphore_mem>>
      tpu.enqueue_dma source(%arg6 : memref<128x8xf32, #tpu.memory_space<hbm>>) target(%arg11 : memref<128x8xf32, #tpu.memory_space<vmem>>) target_semaphore(%run_scoped3A : memref<!tpu.dma_semaphore, #tpu.memory_space<semaphore_mem>>)
      tpu.wait_dma2 semaphore(%run_scoped3A : memref<!tpu.dma_semaphore, #tpu.memory_space<semaphore_mem>>) src(%arg6 : memref<128x8xf32, #tpu.memory_space<hbm>>) dst(%arg11 : memref<128x8xf32, #tpu.memory_space<vmem>>)
      tpu.yield
    }) : () -> ()
    %mul3A_3 = arith.constant 624 : i32
    %mul3A_4 = arith.muli %arg1, %mul3A_3 : i32
    "tpu.region"() ({
      %run_scoped3A = tpu.sem_alloc : memref<!tpu.dma_semaphore, #tpu.memory_space<semaphore_mem>>
      %dma_start3A_62 = arith.constant 0 : i32
      %dma_start3A_63 = tpu.memref_slice %arg12[%mul3A_4, %dma_start3A_62] : memref<10008x16xf32, #tpu.memory_space<vmem_shared>> -> memref<624x16xf32, #tpu.memory_space<vmem_shared>>
      tpu.enqueue_dma source(%arg4 : memref<624x16xf32, #tpu.memory_space<hbm>>) target(%dma_start3A_63 : memref<624x16xf32, #tpu.memory_space<vmem_shared>>) target_semaphore(%run_scoped3A : memref<!tpu.dma_semaphore, #tpu.memory_space<semaphore_mem>>)
      %dma_wait3A_64 = arith.constant 0 : i32
      %dma_wait3A_65 = tpu.memref_slice %arg12[%mul3A_4, %dma_wait3A_64] : memref<10008x16xf32, #tpu.memory_space<vmem_shared>> -> memref<624x16xf32, #tpu.memory_space<vmem_shared>>
      tpu.wait_dma2 semaphore(%run_scoped3A : memref<!tpu.dma_semaphore, #tpu.memory_space<semaphore_mem>>) src(%arg4 : memref<624x16xf32, #tpu.memory_space<hbm>>) dst(%dma_wait3A_65 : memref<624x16xf32, #tpu.memory_space<vmem_shared>>)
      tpu.yield
    }) : () -> ()
    %mul3A_5 = arith.constant 624 : i32
    %mul3A_6 = arith.muli %arg1, %mul3A_5 : i32
    "tpu.region"() ({
      %run_scoped3A = tpu.sem_alloc : memref<!tpu.dma_semaphore, #tpu.memory_space<semaphore_mem>>
      %dma_start3A_62 = arith.constant 0 : i32
      %dma_start3A_63 = tpu.memref_slice %arg13[%mul3A_6, %dma_start3A_62] : memref<10008x8xf32, #tpu.memory_space<vmem_shared>> -> memref<624x8xf32, #tpu.memory_space<vmem_shared>>
      tpu.enqueue_dma source(%arg5 : memref<624x8xf32, #tpu.memory_space<hbm>>) target(%dma_start3A_63 : memref<624x8xf32, #tpu.memory_space<vmem_shared>>) target_semaphore(%run_scoped3A : memref<!tpu.dma_semaphore, #tpu.memory_space<semaphore_mem>>)
      %dma_wait3A_64 = arith.constant 0 : i32
      %dma_wait3A_65 = tpu.memref_slice %arg13[%mul3A_6, %dma_wait3A_64] : memref<10008x8xf32, #tpu.memory_space<vmem_shared>> -> memref<624x8xf32, #tpu.memory_space<vmem_shared>>
      tpu.wait_dma2 semaphore(%run_scoped3A : memref<!tpu.dma_semaphore, #tpu.memory_space<semaphore_mem>>) src(%arg5 : memref<624x8xf32, #tpu.memory_space<hbm>>) dst(%dma_wait3A_65 : memref<624x8xf32, #tpu.memory_space<vmem_shared>>)
      tpu.yield
    }) : () -> ()
    %eq3A = arith.constant 15 : i32
    %eq3A_7 = arith.cmpi eq, %arg1, %eq3A : i32
    %convert_element_type3A = arith.extui %eq3A_7 : i1 to i32
    %cond3A = arith.constant 0 : i32
    %cond3A_8 = arith.cmpi ne, %convert_element_type3A, %cond3A : i32
    scf.if %cond3A_8 {
      "tpu.region"() ({
        %run_scoped3A = tpu.sem_alloc : memref<!tpu.dma_semaphore, #tpu.memory_space<semaphore_mem>>
        %dma_start3A_62 = arith.constant 9984 : i32
        %dma_start3A_63 = arith.constant 0 : i32
        %dma_start3A_64 = tpu.memref_slice %arg12[%dma_start3A_62, %dma_start3A_63] : memref<10008x16xf32, #tpu.memory_space<vmem_shared>> -> memref<24x16xf32, #tpu.memory_space<vmem_shared>>
        %dma_start3A_65 = arith.constant 0 : i32
        %dma_start3A_66 = arith.constant 0 : i32
        %dma_start3A_67 = tpu.memref_slice %arg4[%dma_start3A_65, %dma_start3A_66] : memref<624x16xf32, #tpu.memory_space<hbm>> -> memref<24x16xf32, #tpu.memory_space<hbm>>
        tpu.enqueue_dma source(%dma_start3A_67 : memref<24x16xf32, #tpu.memory_space<hbm>>) target(%dma_start3A_64 : memref<24x16xf32, #tpu.memory_space<vmem_shared>>) target_semaphore(%run_scoped3A : memref<!tpu.dma_semaphore, #tpu.memory_space<semaphore_mem>>)
        %dma_wait3A_68 = arith.constant 9984 : i32
        %dma_wait3A_69 = arith.constant 0 : i32
        %dma_wait3A_70 = tpu.memref_slice %arg12[%dma_wait3A_68, %dma_wait3A_69] : memref<10008x16xf32, #tpu.memory_space<vmem_shared>> -> memref<24x16xf32, #tpu.memory_space<vmem_shared>>
        %dma_wait3A_71 = arith.constant 0 : i32
        %dma_wait3A_72 = arith.constant 0 : i32
        %dma_wait3A_73 = tpu.memref_slice %arg4[%dma_wait3A_71, %dma_wait3A_72] : memref<624x16xf32, #tpu.memory_space<hbm>> -> memref<24x16xf32, #tpu.memory_space<hbm>>
        tpu.wait_dma2 semaphore(%run_scoped3A : memref<!tpu.dma_semaphore, #tpu.memory_space<semaphore_mem>>) src(%dma_wait3A_73 : memref<24x16xf32, #tpu.memory_space<hbm>>) dst(%dma_wait3A_70 : memref<24x16xf32, #tpu.memory_space<vmem_shared>>)
        tpu.yield
      }) : () -> ()
      "tpu.region"() ({
        %run_scoped3A = tpu.sem_alloc : memref<!tpu.dma_semaphore, #tpu.memory_space<semaphore_mem>>
        %dma_start3A_62 = arith.constant 9984 : i32
        %dma_start3A_63 = arith.constant 0 : i32
        %dma_start3A_64 = tpu.memref_slice %arg13[%dma_start3A_62, %dma_start3A_63] : memref<10008x8xf32, #tpu.memory_space<vmem_shared>> -> memref<24x8xf32, #tpu.memory_space<vmem_shared>>
        %dma_start3A_65 = arith.constant 0 : i32
        %dma_start3A_66 = arith.constant 0 : i32
        %dma_start3A_67 = tpu.memref_slice %arg5[%dma_start3A_65, %dma_start3A_66] : memref<624x8xf32, #tpu.memory_space<hbm>> -> memref<24x8xf32, #tpu.memory_space<hbm>>
        tpu.enqueue_dma source(%dma_start3A_67 : memref<24x8xf32, #tpu.memory_space<hbm>>) target(%dma_start3A_64 : memref<24x8xf32, #tpu.memory_space<vmem_shared>>) target_semaphore(%run_scoped3A : memref<!tpu.dma_semaphore, #tpu.memory_space<semaphore_mem>>)
        %dma_wait3A_68 = arith.constant 9984 : i32
        %dma_wait3A_69 = arith.constant 0 : i32
        %dma_wait3A_70 = tpu.memref_slice %arg13[%dma_wait3A_68, %dma_wait3A_69] : memref<10008x8xf32, #tpu.memory_space<vmem_shared>> -> memref<24x8xf32, #tpu.memory_space<vmem_shared>>
        %dma_wait3A_71 = arith.constant 0 : i32
        %dma_wait3A_72 = arith.constant 0 : i32
        %dma_wait3A_73 = tpu.memref_slice %arg5[%dma_wait3A_71, %dma_wait3A_72] : memref<624x8xf32, #tpu.memory_space<hbm>> -> memref<24x8xf32, #tpu.memory_space<hbm>>
        tpu.wait_dma2 semaphore(%run_scoped3A : memref<!tpu.dma_semaphore, #tpu.memory_space<semaphore_mem>>) src(%dma_wait3A_73 : memref<24x8xf32, #tpu.memory_space<hbm>>) dst(%dma_wait3A_70 : memref<24x8xf32, #tpu.memory_space<vmem_shared>>)
        tpu.yield
      }) : () -> ()
    } else {
    }
    %barrier3A = arith.constant 0 : index
    tpu.barrier barrier_id(%barrier3A)
    %add3A_9 = arith.constant 0 : i32
    %add3A_10 = arith.addi %mul3A_2, %add3A_9 : i32
    %le3A = arith.constant 319872 : i32
    %le3A_11 = arith.cmpi sle, %add3A_10, %le3A : i32
    %select_n3A = arith.constant 0 : i32
    %select_n3A_12 = arith.select %le3A_11, %add3A_10, %select_n3A : i32
    %dma_start3A = arith.constant 0 : i32
    %dma_start3A_13 = arith.constant 0 : i32
    %dma_start3A_14 = arith.constant 0 : i32
    %dma_start3A_15 = tpu.memref_slice %arg10[%dma_start3A, %dma_start3A_13, %dma_start3A_14] : memref<2x128x16xf32, #tpu.memory_space<vmem>> -> memref<1x128x16xf32, #tpu.memory_space<vmem>>
    %dma_start3A_16 = tpu.memref_squeeze %dma_start3A_15 : memref<1x128x16xf32, #tpu.memory_space<vmem>> -> memref<128x16xf32, #tpu.memory_space<vmem>>
    %dma_start3A_17 = arith.constant 0 : i32
    %dma_start3A_18 = tpu.memref_slice %arg2[%select_n3A_12, %dma_start3A_17] : memref<320000x16xf32, #tpu.memory_space<hbm>> -> memref<128x16xf32, #tpu.memory_space<hbm>>
    %dma_start3A_19 = arith.constant 0 : i32
    %dma_start3A_20 = arith.constant 0 : i32
    %dma_start3A_21 = tpu.memref_slice %arg10[%dma_start3A, %dma_start3A_19, %dma_start3A_20] : memref<2x128x16xf32, #tpu.memory_space<vmem>> -> memref<1x128x16xf32, #tpu.memory_space<vmem>>
    %dma_start3A_22 = tpu.memref_squeeze %dma_start3A_21 : memref<1x128x16xf32, #tpu.memory_space<vmem>> -> memref<128x16xf32, #tpu.memory_space<vmem>>
    %dma_start3A_23 = arith.constant 0 : i32
    %dma_start3A_24 = tpu.memref_slice %arg2[%select_n3A_12, %dma_start3A_23] : memref<320000x16xf32, #tpu.memory_space<hbm>> -> memref<128x16xf32, #tpu.memory_space<hbm>>
    tpu.enqueue_dma source(%dma_start3A_24 : memref<128x16xf32, #tpu.memory_space<hbm>>) target(%dma_start3A_22 : memref<128x16xf32, #tpu.memory_space<vmem>>) target_semaphore(%arg14 : memref<!tpu.dma_semaphore, #tpu.memory_space<semaphore_mem>>)
    %scan3A = arith.constant 0 : i32
    %scan3A_25 = arith.constant 0 : i32
    %scan3A_26 = arith.constant 80 : i32
    %scan3A_27 = arith.addi %scan3A_25, %scan3A_26 : i32
    %scan3A_28 = arith.constant 1 : i32
    scf.for %scan3A_62 = %scan3A_25 to %scan3A_27 step %scan3A_28  : i32 {
      %rem3A = arith.constant 2 : i32
      %rem3A_63 = arith.remsi %scan3A_62, %rem3A : i32
      %sub3A = arith.constant 1 : i32
      %sub3A_64 = arith.subi %sub3A, %rem3A_63 : i32
      %mul3A_65 = arith.constant 128 : i32
      %mul3A_66 = arith.muli %scan3A_62, %mul3A_65 : i32
      %add3A_67 = arith.addi %mul3A_2, %mul3A_66 : i32
      %le3A_68 = arith.constant 319872 : i32
      %le3A_69 = arith.cmpi sle, %add3A_67, %le3A_68 : i32
      %select_n3A_70 = arith.constant 0 : i32
      %select_n3A_71 = arith.select %le3A_69, %add3A_67, %select_n3A_70 : i32
      %dma_wait3A_72 = arith.constant 0 : i32
      %dma_wait3A_73 = arith.constant 0 : i32
      %dma_wait3A_74 = tpu.memref_slice %arg10[%rem3A_63, %dma_wait3A_72, %dma_wait3A_73] : memref<2x128x16xf32, #tpu.memory_space<vmem>> -> memref<1x128x16xf32, #tpu.memory_space<vmem>>
      %dma_wait3A_75 = tpu.memref_squeeze %dma_wait3A_74 : memref<1x128x16xf32, #tpu.memory_space<vmem>> -> memref<128x16xf32, #tpu.memory_space<vmem>>
      %dma_wait3A_76 = arith.constant 0 : i32
      %dma_wait3A_77 = tpu.memref_slice %arg2[%select_n3A_71, %dma_wait3A_76] : memref<320000x16xf32, #tpu.memory_space<hbm>> -> memref<128x16xf32, #tpu.memory_space<hbm>>
      %dma_wait3A_78 = arith.constant 0 : i32
      %dma_wait3A_79 = arith.constant 0 : i32
      %dma_wait3A_80 = tpu.memref_slice %arg10[%rem3A_63, %dma_wait3A_78, %dma_wait3A_79] : memref<2x128x16xf32, #tpu.memory_space<vmem>> -> memref<1x128x16xf32, #tpu.memory_space<vmem>>
      %dma_wait3A_81 = tpu.memref_squeeze %dma_wait3A_80 : memref<1x128x16xf32, #tpu.memory_space<vmem>> -> memref<128x16xf32, #tpu.memory_space<vmem>>
      %dma_wait3A_82 = arith.constant 0 : i32
      %dma_wait3A_83 = tpu.memref_slice %arg2[%select_n3A_71, %dma_wait3A_82] : memref<320000x16xf32, #tpu.memory_space<hbm>> -> memref<128x16xf32, #tpu.memory_space<hbm>>
      tpu.wait_dma2 semaphore(%arg14 : memref<!tpu.dma_semaphore, #tpu.memory_space<semaphore_mem>>) src(%dma_wait3A_83 : memref<128x16xf32, #tpu.memory_space<hbm>>) dst(%dma_wait3A_81 : memref<128x16xf32, #tpu.memory_space<vmem>>)
      %ge3A = arith.constant 1 : i32
      %ge3A_84 = arith.cmpi sge, %scan3A_62, %ge3A : i32
      %convert_element_type3A_85 = arith.extui %ge3A_84 : i1 to i32
      %cond3A_86 = arith.constant 0 : i32
      %cond3A_87 = arith.cmpi ne, %convert_element_type3A_85, %cond3A_86 : i32
      scf.if %cond3A_87 {
        %dma_wait3A_108 = arith.constant 0 : i32
        %dma_wait3A_109 = arith.constant 0 : i32
        %dma_wait3A_110 = tpu.memref_slice %arg10[%sub3A_64, %dma_wait3A_108, %dma_wait3A_109] : memref<2x128x16xf32, #tpu.memory_space<vmem>> -> memref<1x128x16xf32, #tpu.memory_space<vmem>>
        %dma_wait3A_111 = tpu.memref_squeeze %dma_wait3A_110 : memref<1x128x16xf32, #tpu.memory_space<vmem>> -> memref<128x16xf32, #tpu.memory_space<vmem>>
        %dma_wait3A_112 = arith.constant 0 : i32
        %dma_wait3A_113 = tpu.memref_slice %arg9[%scan3A_62, %dma_wait3A_112] : memref<80x128xi32, #tpu.memory_space<vmem>> -> memref<1x128xi32, #tpu.memory_space<vmem>>
        %dma_wait3A_114 = tpu.memref_squeeze %dma_wait3A_113 : memref<1x128xi32, #tpu.memory_space<vmem>> -> memref<128xi32, #tpu.memory_space<vmem>>
        %dma_wait3A_115 = arith.constant 0 : i32
        %dma_wait3A_116 = arith.constant 0 : i32
        %dma_wait3A_117 = tpu.memref_slice %arg12[%dma_wait3A_115, %dma_wait3A_116] : memref<10008x16xf32, #tpu.memory_space<vmem_shared>> -> memref<10008x16xf32, #tpu.memory_space<vmem_shared>>
        tpu.wait_indirect_dma semaphore(%arg15 : memref<!tpu.dma_semaphore, #tpu.memory_space<semaphore_mem>>) src(%dma_wait3A_111 : memref<128x16xf32, #tpu.memory_space<vmem>>) dst(%dma_wait3A_117 : memref<10008x16xf32, #tpu.memory_space<vmem_shared>>)
        %dma_wait3A_118 = arith.constant 0 : i32
        %dma_wait3A_119 = tpu.memref_slice %arg9[%scan3A_62, %dma_wait3A_118] : memref<80x128xi32, #tpu.memory_space<vmem>> -> memref<1x128xi32, #tpu.memory_space<vmem>>
        %dma_wait3A_120 = tpu.memref_squeeze %dma_wait3A_119 : memref<1x128xi32, #tpu.memory_space<vmem>> -> memref<128xi32, #tpu.memory_space<vmem>>
        %dma_wait3A_121 = arith.constant 0 : i32
        %dma_wait3A_122 = arith.constant 0 : i32
        %dma_wait3A_123 = tpu.memref_slice %arg13[%dma_wait3A_121, %dma_wait3A_122] : memref<10008x8xf32, #tpu.memory_space<vmem_shared>> -> memref<10008x8xf32, #tpu.memory_space<vmem_shared>>
        tpu.wait_indirect_dma semaphore(%arg15 : memref<!tpu.dma_semaphore, #tpu.memory_space<semaphore_mem>>) src(%arg11 : memref<128x8xf32, #tpu.memory_space<vmem>>) dst(%dma_wait3A_123 : memref<10008x8xf32, #tpu.memory_space<vmem_shared>>)
      } else {
      }
      %lt3A = arith.constant 79 : i32
      %lt3A_88 = arith.cmpi slt, %scan3A_62, %lt3A : i32
      %convert_element_type3A_89 = arith.extui %lt3A_88 : i1 to i32
      %cond3A_90 = arith.constant 0 : i32
      %cond3A_91 = arith.cmpi ne, %convert_element_type3A_89, %cond3A_90 : i32
      scf.if %cond3A_91 {
        %add3A_108 = arith.constant 1 : i32
        %add3A_109 = arith.addi %scan3A_62, %add3A_108 : i32
        %mul3A_110 = arith.constant 128 : i32
        %mul3A_111 = arith.muli %add3A_109, %mul3A_110 : i32
        %add3A_112 = arith.addi %mul3A_2, %mul3A_111 : i32
        %le3A_113 = arith.constant 319872 : i32
        %le3A_114 = arith.cmpi sle, %add3A_112, %le3A_113 : i32
        %select_n3A_115 = arith.constant 0 : i32
        %select_n3A_116 = arith.select %le3A_114, %add3A_112, %select_n3A_115 : i32
        %dma_start3A_117 = arith.constant 0 : i32
        %dma_start3A_118 = arith.constant 0 : i32
        %dma_start3A_119 = tpu.memref_slice %arg10[%sub3A_64, %dma_start3A_117, %dma_start3A_118] : memref<2x128x16xf32, #tpu.memory_space<vmem>> -> memref<1x128x16xf32, #tpu.memory_space<vmem>>
        %dma_start3A_120 = tpu.memref_squeeze %dma_start3A_119 : memref<1x128x16xf32, #tpu.memory_space<vmem>> -> memref<128x16xf32, #tpu.memory_space<vmem>>
        %dma_start3A_121 = arith.constant 0 : i32
        %dma_start3A_122 = tpu.memref_slice %arg2[%select_n3A_116, %dma_start3A_121] : memref<320000x16xf32, #tpu.memory_space<hbm>> -> memref<128x16xf32, #tpu.memory_space<hbm>>
        %dma_start3A_123 = arith.constant 0 : i32
        %dma_start3A_124 = arith.constant 0 : i32
        %dma_start3A_125 = tpu.memref_slice %arg10[%sub3A_64, %dma_start3A_123, %dma_start3A_124] : memref<2x128x16xf32, #tpu.memory_space<vmem>> -> memref<1x128x16xf32, #tpu.memory_space<vmem>>
        %dma_start3A_126 = tpu.memref_squeeze %dma_start3A_125 : memref<1x128x16xf32, #tpu.memory_space<vmem>> -> memref<128x16xf32, #tpu.memory_space<vmem>>
        %dma_start3A_127 = arith.constant 0 : i32
        %dma_start3A_128 = tpu.memref_slice %arg2[%select_n3A_116, %dma_start3A_127] : memref<320000x16xf32, #tpu.memory_space<hbm>> -> memref<128x16xf32, #tpu.memory_space<hbm>>
        tpu.enqueue_dma source(%dma_start3A_128 : memref<128x16xf32, #tpu.memory_space<hbm>>) target(%dma_start3A_126 : memref<128x16xf32, #tpu.memory_space<vmem>>) target_semaphore(%arg14 : memref<!tpu.dma_semaphore, #tpu.memory_space<semaphore_mem>>)
      } else {
      }
      %dma_start3A_92 = arith.constant 0 : i32
      %dma_start3A_93 = arith.constant 0 : i32
      %dma_start3A_94 = tpu.memref_slice %arg10[%rem3A_63, %dma_start3A_92, %dma_start3A_93] : memref<2x128x16xf32, #tpu.memory_space<vmem>> -> memref<1x128x16xf32, #tpu.memory_space<vmem>>
      %dma_start3A_95 = tpu.memref_squeeze %dma_start3A_94 : memref<1x128x16xf32, #tpu.memory_space<vmem>> -> memref<128x16xf32, #tpu.memory_space<vmem>>
      %dma_start3A_96 = arith.constant 0 : i32
      %dma_start3A_97 = tpu.memref_slice %arg9[%scan3A_62, %dma_start3A_96] : memref<80x128xi32, #tpu.memory_space<vmem>> -> memref<1x128xi32, #tpu.memory_space<vmem>>
      %dma_start3A_98 = tpu.memref_squeeze %dma_start3A_97 : memref<1x128xi32, #tpu.memory_space<vmem>> -> memref<128xi32, #tpu.memory_space<vmem>>
      %dma_start3A_99 = arith.constant 0 : i32
      %dma_start3A_100 = arith.constant 0 : i32
      %dma_start3A_101 = tpu.memref_slice %arg12[%dma_start3A_99, %dma_start3A_100] : memref<10008x16xf32, #tpu.memory_space<vmem_shared>> -> memref<10008x16xf32, #tpu.memory_space<vmem_shared>>
      tpu.enqueue_indirect_dma source(%dma_start3A_95 : memref<128x16xf32, #tpu.memory_space<vmem>>) target(%dma_start3A_101 : memref<10008x16xf32, #tpu.memory_space<vmem_shared>>) offsets(%dma_start3A_98 : memref<128xi32, #tpu.memory_space<vmem>>) semaphore(%arg15 : memref<!tpu.dma_semaphore, #tpu.memory_space<semaphore_mem>>) {add = true}
      %dma_start3A_102 = arith.constant 0 : i32
      %dma_start3A_103 = tpu.memref_slice %arg9[%scan3A_62, %dma_start3A_102] : memref<80x128xi32, #tpu.memory_space<vmem>> -> memref<1x128xi32, #tpu.memory_space<vmem>>
      %dma_start3A_104 = tpu.memref_squeeze %dma_start3A_103 : memref<1x128xi32, #tpu.memory_space<vmem>> -> memref<128xi32, #tpu.memory_space<vmem>>
      %dma_start3A_105 = arith.constant 0 : i32
      %dma_start3A_106 = arith.constant 0 : i32
      %dma_start3A_107 = tpu.memref_slice %arg13[%dma_start3A_105, %dma_start3A_106] : memref<10008x8xf32, #tpu.memory_space<vmem_shared>> -> memref<10008x8xf32, #tpu.memory_space<vmem_shared>>
      tpu.enqueue_indirect_dma source(%arg11 : memref<128x8xf32, #tpu.memory_space<vmem>>) target(%dma_start3A_107 : memref<10008x8xf32, #tpu.memory_space<vmem_shared>>) offsets(%dma_start3A_104 : memref<128xi32, #tpu.memory_space<vmem>>) semaphore(%arg15 : memref<!tpu.dma_semaphore, #tpu.memory_space<semaphore_mem>>) {add = true}
    }
    %scan3A_29 = arith.constant 80 : i32
    %dma_wait3A = arith.constant 1 : i32
    %dma_wait3A_30 = arith.constant 79 : i32
    %dma_wait3A_31 = arith.constant 0 : i32
    %dma_wait3A_32 = arith.constant 0 : i32
    %dma_wait3A_33 = tpu.memref_slice %arg10[%dma_wait3A, %dma_wait3A_31, %dma_wait3A_32] : memref<2x128x16xf32, #tpu.memory_space<vmem>> -> memref<1x128x16xf32, #tpu.memory_space<vmem>>
    %dma_wait3A_34 = tpu.memref_squeeze %dma_wait3A_33 : memref<1x128x16xf32, #tpu.memory_space<vmem>> -> memref<128x16xf32, #tpu.memory_space<vmem>>
    %dma_wait3A_35 = arith.constant 0 : i32
    %dma_wait3A_36 = tpu.memref_slice %arg9[%dma_wait3A_30, %dma_wait3A_35] : memref<80x128xi32, #tpu.memory_space<vmem>> -> memref<1x128xi32, #tpu.memory_space<vmem>>
    %dma_wait3A_37 = tpu.memref_squeeze %dma_wait3A_36 : memref<1x128xi32, #tpu.memory_space<vmem>> -> memref<128xi32, #tpu.memory_space<vmem>>
    %dma_wait3A_38 = arith.constant 0 : i32
    %dma_wait3A_39 = arith.constant 0 : i32
    %dma_wait3A_40 = tpu.memref_slice %arg12[%dma_wait3A_38, %dma_wait3A_39] : memref<10008x16xf32, #tpu.memory_space<vmem_shared>> -> memref<10008x16xf32, #tpu.memory_space<vmem_shared>>
    tpu.wait_indirect_dma semaphore(%arg15 : memref<!tpu.dma_semaphore, #tpu.memory_space<semaphore_mem>>) src(%dma_wait3A_34 : memref<128x16xf32, #tpu.memory_space<vmem>>) dst(%dma_wait3A_40 : memref<10008x16xf32, #tpu.memory_space<vmem_shared>>)
    %dma_wait3A_41 = arith.constant 79 : i32
    %dma_wait3A_42 = arith.constant 0 : i32
    %dma_wait3A_43 = tpu.memref_slice %arg9[%dma_wait3A_41, %dma_wait3A_42] : memref<80x128xi32, #tpu.memory_space<vmem>> -> memref<1x128xi32, #tpu.memory_space<vmem>>
    %dma_wait3A_44 = tpu.memref_squeeze %dma_wait3A_43 : memref<1x128xi32, #tpu.memory_space<vmem>> -> memref<128xi32, #tpu.memory_space<vmem>>
    %dma_wait3A_45 = arith.constant 0 : i32
    %dma_wait3A_46 = arith.constant 0 : i32
    %dma_wait3A_47 = tpu.memref_slice %arg13[%dma_wait3A_45, %dma_wait3A_46] : memref<10008x8xf32, #tpu.memory_space<vmem_shared>> -> memref<10008x8xf32, #tpu.memory_space<vmem_shared>>
    tpu.wait_indirect_dma semaphore(%arg15 : memref<!tpu.dma_semaphore, #tpu.memory_space<semaphore_mem>>) src(%arg11 : memref<128x8xf32, #tpu.memory_space<vmem>>) dst(%dma_wait3A_47 : memref<10008x8xf32, #tpu.memory_space<vmem_shared>>)
    %barrier3A_48 = arith.constant 0 : index
    tpu.barrier barrier_id(%barrier3A_48)
    %mul3A_49 = arith.constant 624 : i32
    %mul3A_50 = arith.muli %arg1, %mul3A_49 : i32
    %mul3A_51 = arith.constant 624 : i32
    %mul3A_52 = arith.muli %arg1, %mul3A_51 : i32
    "tpu.region"() ({
      %run_scoped3A = tpu.sem_alloc : memref<!tpu.dma_semaphore, #tpu.memory_space<semaphore_mem>>
      %dma_start3A_62 = arith.constant 0 : i32
      %dma_start3A_63 = tpu.memref_slice %arg7[%arg0, %mul3A_52, %dma_start3A_62] : memref<2x10008x16xf32, #tpu.memory_space<hbm>> -> memref<1x624x16xf32, #tpu.memory_space<hbm>>
      %dma_start3A_64 = tpu.memref_squeeze %dma_start3A_63 : memref<1x624x16xf32, #tpu.memory_space<hbm>> -> memref<624x16xf32, #tpu.memory_space<hbm>>
      %dma_start3A_65 = arith.constant 0 : i32
      %dma_start3A_66 = tpu.memref_slice %arg12[%mul3A_50, %dma_start3A_65] : memref<10008x16xf32, #tpu.memory_space<vmem_shared>> -> memref<624x16xf32, #tpu.memory_space<vmem_shared>>
      tpu.enqueue_dma source(%dma_start3A_66 : memref<624x16xf32, #tpu.memory_space<vmem_shared>>) target(%dma_start3A_64 : memref<624x16xf32, #tpu.memory_space<hbm>>) target_semaphore(%run_scoped3A : memref<!tpu.dma_semaphore, #tpu.memory_space<semaphore_mem>>)
      %dma_wait3A_67 = arith.constant 0 : i32
      %dma_wait3A_68 = tpu.memref_slice %arg7[%arg0, %mul3A_52, %dma_wait3A_67] : memref<2x10008x16xf32, #tpu.memory_space<hbm>> -> memref<1x624x16xf32, #tpu.memory_space<hbm>>
      %dma_wait3A_69 = tpu.memref_squeeze %dma_wait3A_68 : memref<1x624x16xf32, #tpu.memory_space<hbm>> -> memref<624x16xf32, #tpu.memory_space<hbm>>
      %dma_wait3A_70 = arith.constant 0 : i32
      %dma_wait3A_71 = tpu.memref_slice %arg12[%mul3A_50, %dma_wait3A_70] : memref<10008x16xf32, #tpu.memory_space<vmem_shared>> -> memref<624x16xf32, #tpu.memory_space<vmem_shared>>
      tpu.wait_dma2 semaphore(%run_scoped3A : memref<!tpu.dma_semaphore, #tpu.memory_space<semaphore_mem>>) src(%dma_wait3A_71 : memref<624x16xf32, #tpu.memory_space<vmem_shared>>) dst(%dma_wait3A_69 : memref<624x16xf32, #tpu.memory_space<hbm>>)
      tpu.yield
    }) : () -> ()
    %mul3A_53 = arith.constant 624 : i32
    %mul3A_54 = arith.muli %arg1, %mul3A_53 : i32
    %mul3A_55 = arith.constant 624 : i32
    %mul3A_56 = arith.muli %arg1, %mul3A_55 : i32
    "tpu.region"() ({
      %run_scoped3A = tpu.sem_alloc : memref<!tpu.dma_semaphore, #tpu.memory_space<semaphore_mem>>
      %dma_start3A_62 = arith.constant 0 : i32
      %dma_start3A_63 = tpu.memref_slice %arg8[%arg0, %mul3A_56, %dma_start3A_62] : memref<2x10008x8xf32, #tpu.memory_space<hbm>> -> memref<1x624x8xf32, #tpu.memory_space<hbm>>
      %dma_start3A_64 = tpu.memref_squeeze %dma_start3A_63 : memref<1x624x8xf32, #tpu.memory_space<hbm>> -> memref<624x8xf32, #tpu.memory_space<hbm>>
      %dma_start3A_65 = arith.constant 0 : i32
      %dma_start3A_66 = tpu.memref_slice %arg13[%mul3A_54, %dma_start3A_65] : memref<10008x8xf32, #tpu.memory_space<vmem_shared>> -> memref<624x8xf32, #tpu.memory_space<vmem_shared>>
      tpu.enqueue_dma source(%dma_start3A_66 : memref<624x8xf32, #tpu.memory_space<vmem_shared>>) target(%dma_start3A_64 : memref<624x8xf32, #tpu.memory_space<hbm>>) target_semaphore(%run_scoped3A : memref<!tpu.dma_semaphore, #tpu.memory_space<semaphore_mem>>)
      %dma_wait3A_67 = arith.constant 0 : i32
      %dma_wait3A_68 = tpu.memref_slice %arg8[%arg0, %mul3A_56, %dma_wait3A_67] : memref<2x10008x8xf32, #tpu.memory_space<hbm>> -> memref<1x624x8xf32, #tpu.memory_space<hbm>>
      %dma_wait3A_69 = tpu.memref_squeeze %dma_wait3A_68 : memref<1x624x8xf32, #tpu.memory_space<hbm>> -> memref<624x8xf32, #tpu.memory_space<hbm>>
      %dma_wait3A_70 = arith.constant 0 : i32
      %dma_wait3A_71 = tpu.memref_slice %arg13[%mul3A_54, %dma_wait3A_70] : memref<10008x8xf32, #tpu.memory_space<vmem_shared>> -> memref<624x8xf32, #tpu.memory_space<vmem_shared>>
      tpu.wait_dma2 semaphore(%run_scoped3A : memref<!tpu.dma_semaphore, #tpu.memory_space<semaphore_mem>>) src(%dma_wait3A_71 : memref<624x8xf32, #tpu.memory_space<vmem_shared>>) dst(%dma_wait3A_69 : memref<624x8xf32, #tpu.memory_space<hbm>>)
      tpu.yield
    }) : () -> ()
    %eq3A_57 = arith.constant 15 : i32
    %eq3A_58 = arith.cmpi eq, %arg1, %eq3A_57 : i32
    %convert_element_type3A_59 = arith.extui %eq3A_58 : i1 to i32
    %cond3A_60 = arith.constant 0 : i32
    %cond3A_61 = arith.cmpi ne, %convert_element_type3A_59, %cond3A_60 : i32
    scf.if %cond3A_61 {
      "tpu.region"() ({
        %run_scoped3A = tpu.sem_alloc : memref<!tpu.dma_semaphore, #tpu.memory_space<semaphore_mem>>
        %dma_start3A_62 = arith.constant 9984 : i32
        %dma_start3A_63 = arith.constant 0 : i32
        %dma_start3A_64 = tpu.memref_slice %arg7[%arg0, %dma_start3A_62, %dma_start3A_63] : memref<2x10008x16xf32, #tpu.memory_space<hbm>> -> memref<1x24x16xf32, #tpu.memory_space<hbm>>
        %dma_start3A_65 = tpu.memref_squeeze %dma_start3A_64 : memref<1x24x16xf32, #tpu.memory_space<hbm>> -> memref<24x16xf32, #tpu.memory_space<hbm>>
        %dma_start3A_66 = arith.constant 9984 : i32
        %dma_start3A_67 = arith.constant 0 : i32
        %dma_start3A_68 = tpu.memref_slice %arg12[%dma_start3A_66, %dma_start3A_67] : memref<10008x16xf32, #tpu.memory_space<vmem_shared>> -> memref<24x16xf32, #tpu.memory_space<vmem_shared>>
        tpu.enqueue_dma source(%dma_start3A_68 : memref<24x16xf32, #tpu.memory_space<vmem_shared>>) target(%dma_start3A_65 : memref<24x16xf32, #tpu.memory_space<hbm>>) target_semaphore(%run_scoped3A : memref<!tpu.dma_semaphore, #tpu.memory_space<semaphore_mem>>)
        %dma_wait3A_69 = arith.constant 9984 : i32
        %dma_wait3A_70 = arith.constant 0 : i32
        %dma_wait3A_71 = tpu.memref_slice %arg7[%arg0, %dma_wait3A_69, %dma_wait3A_70] : memref<2x10008x16xf32, #tpu.memory_space<hbm>> -> memref<1x24x16xf32, #tpu.memory_space<hbm>>
        %dma_wait3A_72 = tpu.memref_squeeze %dma_wait3A_71 : memref<1x24x16xf32, #tpu.memory_space<hbm>> -> memref<24x16xf32, #tpu.memory_space<hbm>>
        %dma_wait3A_73 = arith.constant 9984 : i32
        %dma_wait3A_74 = arith.constant 0 : i32
        %dma_wait3A_75 = tpu.memref_slice %arg12[%dma_wait3A_73, %dma_wait3A_74] : memref<10008x16xf32, #tpu.memory_space<vmem_shared>> -> memref<24x16xf32, #tpu.memory_space<vmem_shared>>
        tpu.wait_dma2 semaphore(%run_scoped3A : memref<!tpu.dma_semaphore, #tpu.memory_space<semaphore_mem>>) src(%dma_wait3A_75 : memref<24x16xf32, #tpu.memory_space<vmem_shared>>) dst(%dma_wait3A_72 : memref<24x16xf32, #tpu.memory_space<hbm>>)
        tpu.yield
      }) : () -> ()
      "tpu.region"() ({
        %run_scoped3A = tpu.sem_alloc : memref<!tpu.dma_semaphore, #tpu.memory_space<semaphore_mem>>
        %dma_start3A_62 = arith.constant 9984 : i32
        %dma_start3A_63 = arith.constant 0 : i32
        %dma_start3A_64 = tpu.memref_slice %arg8[%arg0, %dma_start3A_62, %dma_start3A_63] : memref<2x10008x8xf32, #tpu.memory_space<hbm>> -> memref<1x24x8xf32, #tpu.memory_space<hbm>>
        %dma_start3A_65 = tpu.memref_squeeze %dma_start3A_64 : memref<1x24x8xf32, #tpu.memory_space<hbm>> -> memref<24x8xf32, #tpu.memory_space<hbm>>
        %dma_start3A_66 = arith.constant 9984 : i32
        %dma_start3A_67 = arith.constant 0 : i32
        %dma_start3A_68 = tpu.memref_slice %arg13[%dma_start3A_66, %dma_start3A_67] : memref<10008x8xf32, #tpu.memory_space<vmem_shared>> -> memref<24x8xf32, #tpu.memory_space<vmem_shared>>
        tpu.enqueue_dma source(%dma_start3A_68 : memref<24x8xf32, #tpu.memory_space<vmem_shared>>) target(%dma_start3A_65 : memref<24x8xf32, #tpu.memory_space<hbm>>) target_semaphore(%run_scoped3A : memref<!tpu.dma_semaphore, #tpu.memory_space<semaphore_mem>>)
        %dma_wait3A_69 = arith.constant 9984 : i32
        %dma_wait3A_70 = arith.constant 0 : i32
        %dma_wait3A_71 = tpu.memref_slice %arg8[%arg0, %dma_wait3A_69, %dma_wait3A_70] : memref<2x10008x8xf32, #tpu.memory_space<hbm>> -> memref<1x24x8xf32, #tpu.memory_space<hbm>>
        %dma_wait3A_72 = tpu.memref_squeeze %dma_wait3A_71 : memref<1x24x8xf32, #tpu.memory_space<hbm>> -> memref<24x8xf32, #tpu.memory_space<hbm>>
        %dma_wait3A_73 = arith.constant 9984 : i32
        %dma_wait3A_74 = arith.constant 0 : i32
        %dma_wait3A_75 = tpu.memref_slice %arg13[%dma_wait3A_73, %dma_wait3A_74] : memref<10008x8xf32, #tpu.memory_space<vmem_shared>> -> memref<24x8xf32, #tpu.memory_space<vmem_shared>>
        tpu.wait_dma2 semaphore(%run_scoped3A : memref<!tpu.dma_semaphore, #tpu.memory_space<semaphore_mem>>) src(%dma_wait3A_75 : memref<24x8xf32, #tpu.memory_space<vmem_shared>>) dst(%dma_wait3A_72 : memref<24x8xf32, #tpu.memory_space<hbm>>)
        tpu.yield
      }) : () -> ()
    } else {
    }
    return
  }
}

#map = affine_map<(d0, d1) -> (0, 0)>
#map1 = affine_map<(d0, d1) -> (0, 0, 0)>
module attributes {stable_mosaic.version = 14 : i64} {
  func.func @k(%arg0: i32, %arg1: i32, %arg2: memref<10008x16xf32, #tpu.memory_space<hbm>>, %arg3: memref<32x80x128xi32, #tpu.memory_space<hbm>>, %arg4: memref<32x80x128xi32, #tpu.memory_space<hbm>>, %arg5: memref<624x16xf32, #tpu.memory_space<hbm>>, %arg6: memref<2x10008x16xf32, #tpu.memory_space<hbm>>, %arg7: memref<80x128xi32, #tpu.memory_space<vmem>>, %arg8: memref<80x128xi32, #tpu.memory_space<vmem>>, %arg9: memref<4x128x16xf32, #tpu.memory_space<vmem>>, %arg10: memref<10008x16xf32, #tpu.memory_space<vmem_shared>>, %arg11: memref<!tpu.dma_semaphore, #tpu.memory_space<semaphore_mem>>, %arg12: memref<!tpu.dma_semaphore, #tpu.memory_space<semaphore_mem>>) attributes {dimension_semantics = [#tpu.dimension_semantics<core_parallel>, #tpu.dimension_semantics<subcore_parallel>], iteration_bounds = array<i64: 2, 16>, scalar_prefetch = 0 : i64, scratch_operands = 6 : i64, tpu.core_type = #tpu.core_type<sc_vector_subcore>, window_params = [{transform_indices = #map}, {transform_indices = #map1}, {transform_indices = #map1}, {transform_indices = #map}, {transform_indices = #map1}]} {
    %mul3A = arith.constant 2 : i32
    %mul3A_0 = arith.muli %arg1, %mul3A : i32
    %add3A = arith.addi %mul3A_0, %arg0 : i32
    "tpu.region"() ({
      %run_scoped3A = tpu.sem_alloc : memref<!tpu.dma_semaphore, #tpu.memory_space<semaphore_mem>>
      %dma_start3A_67 = arith.constant 0 : i32
      %dma_start3A_68 = arith.constant 0 : i32
      %dma_start3A_69 = tpu.memref_slice %arg3[%add3A, %dma_start3A_67, %dma_start3A_68] : memref<32x80x128xi32, #tpu.memory_space<hbm>> -> memref<1x80x128xi32, #tpu.memory_space<hbm>>
      %dma_start3A_70 = tpu.memref_squeeze %dma_start3A_69 : memref<1x80x128xi32, #tpu.memory_space<hbm>> -> memref<80x128xi32, #tpu.memory_space<hbm>>
      %dma_start3A_71 = arith.constant 0 : i32
      %dma_start3A_72 = arith.constant 0 : i32
      %dma_start3A_73 = tpu.memref_slice %arg3[%add3A, %dma_start3A_71, %dma_start3A_72] : memref<32x80x128xi32, #tpu.memory_space<hbm>> -> memref<1x80x128xi32, #tpu.memory_space<hbm>>
      %dma_start3A_74 = tpu.memref_squeeze %dma_start3A_73 : memref<1x80x128xi32, #tpu.memory_space<hbm>> -> memref<80x128xi32, #tpu.memory_space<hbm>>
      tpu.enqueue_dma source(%dma_start3A_74 : memref<80x128xi32, #tpu.memory_space<hbm>>) target(%arg7 : memref<80x128xi32, #tpu.memory_space<vmem>>) target_semaphore(%run_scoped3A : memref<!tpu.dma_semaphore, #tpu.memory_space<semaphore_mem>>)
      %dma_wait3A_75 = arith.constant 0 : i32
      %dma_wait3A_76 = arith.constant 0 : i32
      %dma_wait3A_77 = tpu.memref_slice %arg3[%add3A, %dma_wait3A_75, %dma_wait3A_76] : memref<32x80x128xi32, #tpu.memory_space<hbm>> -> memref<1x80x128xi32, #tpu.memory_space<hbm>>
      %dma_wait3A_78 = tpu.memref_squeeze %dma_wait3A_77 : memref<1x80x128xi32, #tpu.memory_space<hbm>> -> memref<80x128xi32, #tpu.memory_space<hbm>>
      %dma_wait3A_79 = arith.constant 0 : i32
      %dma_wait3A_80 = arith.constant 0 : i32
      %dma_wait3A_81 = tpu.memref_slice %arg3[%add3A, %dma_wait3A_79, %dma_wait3A_80] : memref<32x80x128xi32, #tpu.memory_space<hbm>> -> memref<1x80x128xi32, #tpu.memory_space<hbm>>
      %dma_wait3A_82 = tpu.memref_squeeze %dma_wait3A_81 : memref<1x80x128xi32, #tpu.memory_space<hbm>> -> memref<80x128xi32, #tpu.memory_space<hbm>>
      tpu.wait_dma2 semaphore(%run_scoped3A : memref<!tpu.dma_semaphore, #tpu.memory_space<semaphore_mem>>) src(%dma_wait3A_82 : memref<80x128xi32, #tpu.memory_space<hbm>>) dst(%arg7 : memref<80x128xi32, #tpu.memory_space<vmem>>)
      tpu.yield
    }) : () -> ()
    "tpu.region"() ({
      %run_scoped3A = tpu.sem_alloc : memref<!tpu.dma_semaphore, #tpu.memory_space<semaphore_mem>>
      %dma_start3A_67 = arith.constant 0 : i32
      %dma_start3A_68 = arith.constant 0 : i32
      %dma_start3A_69 = tpu.memref_slice %arg4[%add3A, %dma_start3A_67, %dma_start3A_68] : memref<32x80x128xi32, #tpu.memory_space<hbm>> -> memref<1x80x128xi32, #tpu.memory_space<hbm>>
      %dma_start3A_70 = tpu.memref_squeeze %dma_start3A_69 : memref<1x80x128xi32, #tpu.memory_space<hbm>> -> memref<80x128xi32, #tpu.memory_space<hbm>>
      %dma_start3A_71 = arith.constant 0 : i32
      %dma_start3A_72 = arith.constant 0 : i32
      %dma_start3A_73 = tpu.memref_slice %arg4[%add3A, %dma_start3A_71, %dma_start3A_72] : memref<32x80x128xi32, #tpu.memory_space<hbm>> -> memref<1x80x128xi32, #tpu.memory_space<hbm>>
      %dma_start3A_74 = tpu.memref_squeeze %dma_start3A_73 : memref<1x80x128xi32, #tpu.memory_space<hbm>> -> memref<80x128xi32, #tpu.memory_space<hbm>>
      tpu.enqueue_dma source(%dma_start3A_74 : memref<80x128xi32, #tpu.memory_space<hbm>>) target(%arg8 : memref<80x128xi32, #tpu.memory_space<vmem>>) target_semaphore(%run_scoped3A : memref<!tpu.dma_semaphore, #tpu.memory_space<semaphore_mem>>)
      %dma_wait3A_75 = arith.constant 0 : i32
      %dma_wait3A_76 = arith.constant 0 : i32
      %dma_wait3A_77 = tpu.memref_slice %arg4[%add3A, %dma_wait3A_75, %dma_wait3A_76] : memref<32x80x128xi32, #tpu.memory_space<hbm>> -> memref<1x80x128xi32, #tpu.memory_space<hbm>>
      %dma_wait3A_78 = tpu.memref_squeeze %dma_wait3A_77 : memref<1x80x128xi32, #tpu.memory_space<hbm>> -> memref<80x128xi32, #tpu.memory_space<hbm>>
      %dma_wait3A_79 = arith.constant 0 : i32
      %dma_wait3A_80 = arith.constant 0 : i32
      %dma_wait3A_81 = tpu.memref_slice %arg4[%add3A, %dma_wait3A_79, %dma_wait3A_80] : memref<32x80x128xi32, #tpu.memory_space<hbm>> -> memref<1x80x128xi32, #tpu.memory_space<hbm>>
      %dma_wait3A_82 = tpu.memref_squeeze %dma_wait3A_81 : memref<1x80x128xi32, #tpu.memory_space<hbm>> -> memref<80x128xi32, #tpu.memory_space<hbm>>
      tpu.wait_dma2 semaphore(%run_scoped3A : memref<!tpu.dma_semaphore, #tpu.memory_space<semaphore_mem>>) src(%dma_wait3A_82 : memref<80x128xi32, #tpu.memory_space<hbm>>) dst(%arg8 : memref<80x128xi32, #tpu.memory_space<vmem>>)
      tpu.yield
    }) : () -> ()
    %mul3A_1 = arith.constant 624 : i32
    %mul3A_2 = arith.muli %arg1, %mul3A_1 : i32
    "tpu.region"() ({
      %run_scoped3A = tpu.sem_alloc : memref<!tpu.dma_semaphore, #tpu.memory_space<semaphore_mem>>
      %dma_start3A_67 = arith.constant 0 : i32
      %dma_start3A_68 = tpu.memref_slice %arg10[%mul3A_2, %dma_start3A_67] : memref<10008x16xf32, #tpu.memory_space<vmem_shared>> -> memref<624x16xf32, #tpu.memory_space<vmem_shared>>
      tpu.enqueue_dma source(%arg5 : memref<624x16xf32, #tpu.memory_space<hbm>>) target(%dma_start3A_68 : memref<624x16xf32, #tpu.memory_space<vmem_shared>>) target_semaphore(%run_scoped3A : memref<!tpu.dma_semaphore, #tpu.memory_space<semaphore_mem>>)
      %dma_wait3A_69 = arith.constant 0 : i32
      %dma_wait3A_70 = tpu.memref_slice %arg10[%mul3A_2, %dma_wait3A_69] : memref<10008x16xf32, #tpu.memory_space<vmem_shared>> -> memref<624x16xf32, #tpu.memory_space<vmem_shared>>
      tpu.wait_dma2 semaphore(%run_scoped3A : memref<!tpu.dma_semaphore, #tpu.memory_space<semaphore_mem>>) src(%arg5 : memref<624x16xf32, #tpu.memory_space<hbm>>) dst(%dma_wait3A_70 : memref<624x16xf32, #tpu.memory_space<vmem_shared>>)
      tpu.yield
    }) : () -> ()
    %eq3A = arith.constant 15 : i32
    %eq3A_3 = arith.cmpi eq, %arg1, %eq3A : i32
    %convert_element_type3A = arith.extui %eq3A_3 : i1 to i32
    %cond3A = arith.constant 0 : i32
    %cond3A_4 = arith.cmpi ne, %convert_element_type3A, %cond3A : i32
    scf.if %cond3A_4 {
      "tpu.region"() ({
        %run_scoped3A = tpu.sem_alloc : memref<!tpu.dma_semaphore, #tpu.memory_space<semaphore_mem>>
        %dma_start3A_67 = arith.constant 9984 : i32
        %dma_start3A_68 = arith.constant 0 : i32
        %dma_start3A_69 = tpu.memref_slice %arg10[%dma_start3A_67, %dma_start3A_68] : memref<10008x16xf32, #tpu.memory_space<vmem_shared>> -> memref<24x16xf32, #tpu.memory_space<vmem_shared>>
        %dma_start3A_70 = arith.constant 0 : i32
        %dma_start3A_71 = arith.constant 0 : i32
        %dma_start3A_72 = tpu.memref_slice %arg5[%dma_start3A_70, %dma_start3A_71] : memref<624x16xf32, #tpu.memory_space<hbm>> -> memref<24x16xf32, #tpu.memory_space<hbm>>
        tpu.enqueue_dma source(%dma_start3A_72 : memref<24x16xf32, #tpu.memory_space<hbm>>) target(%dma_start3A_69 : memref<24x16xf32, #tpu.memory_space<vmem_shared>>) target_semaphore(%run_scoped3A : memref<!tpu.dma_semaphore, #tpu.memory_space<semaphore_mem>>)
        %dma_wait3A_73 = arith.constant 9984 : i32
        %dma_wait3A_74 = arith.constant 0 : i32
        %dma_wait3A_75 = tpu.memref_slice %arg10[%dma_wait3A_73, %dma_wait3A_74] : memref<10008x16xf32, #tpu.memory_space<vmem_shared>> -> memref<24x16xf32, #tpu.memory_space<vmem_shared>>
        %dma_wait3A_76 = arith.constant 0 : i32
        %dma_wait3A_77 = arith.constant 0 : i32
        %dma_wait3A_78 = tpu.memref_slice %arg5[%dma_wait3A_76, %dma_wait3A_77] : memref<624x16xf32, #tpu.memory_space<hbm>> -> memref<24x16xf32, #tpu.memory_space<hbm>>
        tpu.wait_dma2 semaphore(%run_scoped3A : memref<!tpu.dma_semaphore, #tpu.memory_space<semaphore_mem>>) src(%dma_wait3A_78 : memref<24x16xf32, #tpu.memory_space<hbm>>) dst(%dma_wait3A_75 : memref<24x16xf32, #tpu.memory_space<vmem_shared>>)
        tpu.yield
      }) : () -> ()
    } else {
    }
    %barrier3A = arith.constant 0 : index
    tpu.barrier barrier_id(%barrier3A)
    %dma_start3A = arith.constant 0 : i32
    %dma_start3A_5 = arith.constant 0 : i32
    %dma_start3A_6 = arith.constant 0 : i32
    %dma_start3A_7 = arith.constant 0 : i32
    %dma_start3A_8 = tpu.memref_slice %arg9[%dma_start3A_5, %dma_start3A_6, %dma_start3A_7] : memref<4x128x16xf32, #tpu.memory_space<vmem>> -> memref<1x128x16xf32, #tpu.memory_space<vmem>>
    %dma_start3A_9 = tpu.memref_squeeze %dma_start3A_8 : memref<1x128x16xf32, #tpu.memory_space<vmem>> -> memref<128x16xf32, #tpu.memory_space<vmem>>
    %dma_start3A_10 = arith.constant 0 : i32
    %dma_start3A_11 = tpu.memref_slice %arg7[%dma_start3A, %dma_start3A_10] : memref<80x128xi32, #tpu.memory_space<vmem>> -> memref<1x128xi32, #tpu.memory_space<vmem>>
    %dma_start3A_12 = tpu.memref_squeeze %dma_start3A_11 : memref<1x128xi32, #tpu.memory_space<vmem>> -> memref<128xi32, #tpu.memory_space<vmem>>
    %dma_start3A_13 = arith.constant 0 : i32
    %dma_start3A_14 = arith.constant 0 : i32
    %dma_start3A_15 = tpu.memref_slice %arg2[%dma_start3A_13, %dma_start3A_14] : memref<10008x16xf32, #tpu.memory_space<hbm>> -> memref<10008x16xf32, #tpu.memory_space<hbm>>
    tpu.enqueue_indirect_dma source(%dma_start3A_15 : memref<10008x16xf32, #tpu.memory_space<hbm>>) target(%dma_start3A_9 : memref<128x16xf32, #tpu.memory_space<vmem>>) offsets(%dma_start3A_12 : memref<128xi32, #tpu.memory_space<vmem>>) semaphore(%arg11 : memref<!tpu.dma_semaphore, #tpu.memory_space<semaphore_mem>>)
    %dma_start3A_16 = arith.constant 1 : i32
    %dma_start3A_17 = arith.constant 1 : i32
    %dma_start3A_18 = arith.constant 0 : i32
    %dma_start3A_19 = arith.constant 0 : i32
    %dma_start3A_20 = tpu.memref_slice %arg9[%dma_start3A_17, %dma_start3A_18, %dma_start3A_19] : memref<4x128x16xf32, #tpu.memory_space<vmem>> -> memref<1x128x16xf32, #tpu.memory_space<vmem>>
    %dma_start3A_21 = tpu.memref_squeeze %dma_start3A_20 : memref<1x128x16xf32, #tpu.memory_space<vmem>> -> memref<128x16xf32, #tpu.memory_space<vmem>>
    %dma_start3A_22 = arith.constant 0 : i32
    %dma_start3A_23 = tpu.memref_slice %arg7[%dma_start3A_16, %dma_start3A_22] : memref<80x128xi32, #tpu.memory_space<vmem>> -> memref<1x128xi32, #tpu.memory_space<vmem>>
    %dma_start3A_24 = tpu.memref_squeeze %dma_start3A_23 : memref<1x128xi32, #tpu.memory_space<vmem>> -> memref<128xi32, #tpu.memory_space<vmem>>
    %dma_start3A_25 = arith.constant 0 : i32
    %dma_start3A_26 = arith.constant 0 : i32
    %dma_start3A_27 = tpu.memref_slice %arg2[%dma_start3A_25, %dma_start3A_26] : memref<10008x16xf32, #tpu.memory_space<hbm>> -> memref<10008x16xf32, #tpu.memory_space<hbm>>
    tpu.enqueue_indirect_dma source(%dma_start3A_27 : memref<10008x16xf32, #tpu.memory_space<hbm>>) target(%dma_start3A_21 : memref<128x16xf32, #tpu.memory_space<vmem>>) offsets(%dma_start3A_24 : memref<128xi32, #tpu.memory_space<vmem>>) semaphore(%arg11 : memref<!tpu.dma_semaphore, #tpu.memory_space<semaphore_mem>>)
    %dma_start3A_28 = arith.constant 2 : i32
    %dma_start3A_29 = arith.constant 2 : i32
    %dma_start3A_30 = arith.constant 0 : i32
    %dma_start3A_31 = arith.constant 0 : i32
    %dma_start3A_32 = tpu.memref_slice %arg9[%dma_start3A_29, %dma_start3A_30, %dma_start3A_31] : memref<4x128x16xf32, #tpu.memory_space<vmem>> -> memref<1x128x16xf32, #tpu.memory_space<vmem>>
    %dma_start3A_33 = tpu.memref_squeeze %dma_start3A_32 : memref<1x128x16xf32, #tpu.memory_space<vmem>> -> memref<128x16xf32, #tpu.memory_space<vmem>>
    %dma_start3A_34 = arith.constant 0 : i32
    %dma_start3A_35 = tpu.memref_slice %arg7[%dma_start3A_28, %dma_start3A_34] : memref<80x128xi32, #tpu.memory_space<vmem>> -> memref<1x128xi32, #tpu.memory_space<vmem>>
    %dma_start3A_36 = tpu.memref_squeeze %dma_start3A_35 : memref<1x128xi32, #tpu.memory_space<vmem>> -> memref<128xi32, #tpu.memory_space<vmem>>
    %dma_start3A_37 = arith.constant 0 : i32
    %dma_start3A_38 = arith.constant 0 : i32
    %dma_start3A_39 = tpu.memref_slice %arg2[%dma_start3A_37, %dma_start3A_38] : memref<10008x16xf32, #tpu.memory_space<hbm>> -> memref<10008x16xf32, #tpu.memory_space<hbm>>
    tpu.enqueue_indirect_dma source(%dma_start3A_39 : memref<10008x16xf32, #tpu.memory_space<hbm>>) target(%dma_start3A_33 : memref<128x16xf32, #tpu.memory_space<vmem>>) offsets(%dma_start3A_36 : memref<128xi32, #tpu.memory_space<vmem>>) semaphore(%arg11 : memref<!tpu.dma_semaphore, #tpu.memory_space<semaphore_mem>>)
    %scan3A = arith.constant 0 : i32
    %scan3A_40 = arith.constant 0 : i32
    %scan3A_41 = arith.constant 80 : i32
    %scan3A_42 = arith.addi %scan3A_40, %scan3A_41 : i32
    %scan3A_43 = arith.constant 1 : i32
    scf.for %scan3A_67 = %scan3A_40 to %scan3A_42 step %scan3A_43  : i32 {
      %rem3A_68 = arith.constant 4 : i32
      %rem3A_69 = arith.remsi %scan3A_67, %rem3A_68 : i32
      %dma_wait3A_70 = arith.constant 0 : i32
      %dma_wait3A_71 = arith.constant 0 : i32
      %dma_wait3A_72 = tpu.memref_slice %arg9[%rem3A_69, %dma_wait3A_70, %dma_wait3A_71] : memref<4x128x16xf32, #tpu.memory_space<vmem>> -> memref<1x128x16xf32, #tpu.memory_space<vmem>>
      %dma_wait3A_73 = tpu.memref_squeeze %dma_wait3A_72 : memref<1x128x16xf32, #tpu.memory_space<vmem>> -> memref<128x16xf32, #tpu.memory_space<vmem>>
      %dma_wait3A_74 = arith.constant 0 : i32
      %dma_wait3A_75 = tpu.memref_slice %arg7[%scan3A_67, %dma_wait3A_74] : memref<80x128xi32, #tpu.memory_space<vmem>> -> memref<1x128xi32, #tpu.memory_space<vmem>>
      %dma_wait3A_76 = tpu.memref_squeeze %dma_wait3A_75 : memref<1x128xi32, #tpu.memory_space<vmem>> -> memref<128xi32, #tpu.memory_space<vmem>>
      %dma_wait3A_77 = arith.constant 0 : i32
      %dma_wait3A_78 = arith.constant 0 : i32
      %dma_wait3A_79 = tpu.memref_slice %arg2[%dma_wait3A_77, %dma_wait3A_78] : memref<10008x16xf32, #tpu.memory_space<hbm>> -> memref<10008x16xf32, #tpu.memory_space<hbm>>
      tpu.wait_indirect_dma semaphore(%arg11 : memref<!tpu.dma_semaphore, #tpu.memory_space<semaphore_mem>>) src(%dma_wait3A_79 : memref<10008x16xf32, #tpu.memory_space<hbm>>) dst(%dma_wait3A_73 : memref<128x16xf32, #tpu.memory_space<vmem>>)
      %ge3A = arith.constant 1 : i32
      %ge3A_80 = arith.cmpi sge, %scan3A_67, %ge3A : i32
      %convert_element_type3A_81 = arith.extui %ge3A_80 : i1 to i32
      %cond3A_82 = arith.constant 0 : i32
      %cond3A_83 = arith.cmpi ne, %convert_element_type3A_81, %cond3A_82 : i32
      scf.if %cond3A_83 {
        %add3A_100 = arith.constant 3 : i32
        %add3A_101 = arith.addi %scan3A_67, %add3A_100 : i32
        %rem3A_102 = arith.constant 4 : i32
        %rem3A_103 = arith.remsi %add3A_101, %rem3A_102 : i32
        %dma_wait3A_104 = arith.constant 0 : i32
        %dma_wait3A_105 = arith.constant 0 : i32
        %dma_wait3A_106 = tpu.memref_slice %arg9[%rem3A_103, %dma_wait3A_104, %dma_wait3A_105] : memref<4x128x16xf32, #tpu.memory_space<vmem>> -> memref<1x128x16xf32, #tpu.memory_space<vmem>>
        %dma_wait3A_107 = tpu.memref_squeeze %dma_wait3A_106 : memref<1x128x16xf32, #tpu.memory_space<vmem>> -> memref<128x16xf32, #tpu.memory_space<vmem>>
        %dma_wait3A_108 = arith.constant 0 : i32
        %dma_wait3A_109 = tpu.memref_slice %arg8[%scan3A_67, %dma_wait3A_108] : memref<80x128xi32, #tpu.memory_space<vmem>> -> memref<1x128xi32, #tpu.memory_space<vmem>>
        %dma_wait3A_110 = tpu.memref_squeeze %dma_wait3A_109 : memref<1x128xi32, #tpu.memory_space<vmem>> -> memref<128xi32, #tpu.memory_space<vmem>>
        %dma_wait3A_111 = arith.constant 0 : i32
        %dma_wait3A_112 = arith.constant 0 : i32
        %dma_wait3A_113 = tpu.memref_slice %arg10[%dma_wait3A_111, %dma_wait3A_112] : memref<10008x16xf32, #tpu.memory_space<vmem_shared>> -> memref<10008x16xf32, #tpu.memory_space<vmem_shared>>
        tpu.wait_indirect_dma semaphore(%arg12 : memref<!tpu.dma_semaphore, #tpu.memory_space<semaphore_mem>>) src(%dma_wait3A_107 : memref<128x16xf32, #tpu.memory_space<vmem>>) dst(%dma_wait3A_113 : memref<10008x16xf32, #tpu.memory_space<vmem_shared>>)
      } else {
      }
      %add3A_84 = arith.constant 3 : i32
      %add3A_85 = arith.addi %scan3A_67, %add3A_84 : i32
      %lt3A = arith.constant 80 : i32
      %lt3A_86 = arith.cmpi slt, %add3A_85, %lt3A : i32
      %convert_element_type3A_87 = arith.extui %lt3A_86 : i1 to i32
      %cond3A_88 = arith.constant 0 : i32
      %cond3A_89 = arith.cmpi ne, %convert_element_type3A_87, %cond3A_88 : i32
      scf.if %cond3A_89 {
        %add3A_100 = arith.constant 3 : i32
        %add3A_101 = arith.addi %scan3A_67, %add3A_100 : i32
        %add3A_102 = arith.constant 3 : i32
        %add3A_103 = arith.addi %scan3A_67, %add3A_102 : i32
        %rem3A_104 = arith.constant 4 : i32
        %rem3A_105 = arith.remsi %add3A_103, %rem3A_104 : i32
        %dma_start3A_106 = arith.constant 0 : i32
        %dma_start3A_107 = arith.constant 0 : i32
        %dma_start3A_108 = tpu.memref_slice %arg9[%rem3A_105, %dma_start3A_106, %dma_start3A_107] : memref<4x128x16xf32, #tpu.memory_space<vmem>> -> memref<1x128x16xf32, #tpu.memory_space<vmem>>
        %dma_start3A_109 = tpu.memref_squeeze %dma_start3A_108 : memref<1x128x16xf32, #tpu.memory_space<vmem>> -> memref<128x16xf32, #tpu.memory_space<vmem>>
        %dma_start3A_110 = arith.constant 0 : i32
        %dma_start3A_111 = tpu.memref_slice %arg7[%add3A_101, %dma_start3A_110] : memref<80x128xi32, #tpu.memory_space<vmem>> -> memref<1x128xi32, #tpu.memory_space<vmem>>
        %dma_start3A_112 = tpu.memref_squeeze %dma_start3A_111 : memref<1x128xi32, #tpu.memory_space<vmem>> -> memref<128xi32, #tpu.memory_space<vmem>>
        %dma_start3A_113 = arith.constant 0 : i32
        %dma_start3A_114 = arith.constant 0 : i32
        %dma_start3A_115 = tpu.memref_slice %arg2[%dma_start3A_113, %dma_start3A_114] : memref<10008x16xf32, #tpu.memory_space<hbm>> -> memref<10008x16xf32, #tpu.memory_space<hbm>>
        tpu.enqueue_indirect_dma source(%dma_start3A_115 : memref<10008x16xf32, #tpu.memory_space<hbm>>) target(%dma_start3A_109 : memref<128x16xf32, #tpu.memory_space<vmem>>) offsets(%dma_start3A_112 : memref<128xi32, #tpu.memory_space<vmem>>) semaphore(%arg11 : memref<!tpu.dma_semaphore, #tpu.memory_space<semaphore_mem>>)
      } else {
      }
      %dma_start3A_90 = arith.constant 0 : i32
      %dma_start3A_91 = arith.constant 0 : i32
      %dma_start3A_92 = tpu.memref_slice %arg9[%rem3A_69, %dma_start3A_90, %dma_start3A_91] : memref<4x128x16xf32, #tpu.memory_space<vmem>> -> memref<1x128x16xf32, #tpu.memory_space<vmem>>
      %dma_start3A_93 = tpu.memref_squeeze %dma_start3A_92 : memref<1x128x16xf32, #tpu.memory_space<vmem>> -> memref<128x16xf32, #tpu.memory_space<vmem>>
      %dma_start3A_94 = arith.constant 0 : i32
      %dma_start3A_95 = tpu.memref_slice %arg8[%scan3A_67, %dma_start3A_94] : memref<80x128xi32, #tpu.memory_space<vmem>> -> memref<1x128xi32, #tpu.memory_space<vmem>>
      %dma_start3A_96 = tpu.memref_squeeze %dma_start3A_95 : memref<1x128xi32, #tpu.memory_space<vmem>> -> memref<128xi32, #tpu.memory_space<vmem>>
      %dma_start3A_97 = arith.constant 0 : i32
      %dma_start3A_98 = arith.constant 0 : i32
      %dma_start3A_99 = tpu.memref_slice %arg10[%dma_start3A_97, %dma_start3A_98] : memref<10008x16xf32, #tpu.memory_space<vmem_shared>> -> memref<10008x16xf32, #tpu.memory_space<vmem_shared>>
      tpu.enqueue_indirect_dma source(%dma_start3A_93 : memref<128x16xf32, #tpu.memory_space<vmem>>) target(%dma_start3A_99 : memref<10008x16xf32, #tpu.memory_space<vmem_shared>>) offsets(%dma_start3A_96 : memref<128xi32, #tpu.memory_space<vmem>>) semaphore(%arg12 : memref<!tpu.dma_semaphore, #tpu.memory_space<semaphore_mem>>) {add = true}
    }
    %scan3A_44 = arith.constant 80 : i32
    %rem3A = arith.constant 79 : i32
    %rem3A_45 = arith.constant 4 : i32
    %rem3A_46 = arith.remsi %rem3A, %rem3A_45 : i32
    %dma_wait3A = arith.constant 79 : i32
    %dma_wait3A_47 = arith.constant 0 : i32
    %dma_wait3A_48 = arith.constant 0 : i32
    %dma_wait3A_49 = tpu.memref_slice %arg9[%rem3A_46, %dma_wait3A_47, %dma_wait3A_48] : memref<4x128x16xf32, #tpu.memory_space<vmem>> -> memref<1x128x16xf32, #tpu.memory_space<vmem>>
    %dma_wait3A_50 = tpu.memref_squeeze %dma_wait3A_49 : memref<1x128x16xf32, #tpu.memory_space<vmem>> -> memref<128x16xf32, #tpu.memory_space<vmem>>
    %dma_wait3A_51 = arith.constant 0 : i32
    %dma_wait3A_52 = tpu.memref_slice %arg8[%dma_wait3A, %dma_wait3A_51] : memref<80x128xi32, #tpu.memory_space<vmem>> -> memref<1x128xi32, #tpu.memory_space<vmem>>
    %dma_wait3A_53 = tpu.memref_squeeze %dma_wait3A_52 : memref<1x128xi32, #tpu.memory_space<vmem>> -> memref<128xi32, #tpu.memory_space<vmem>>
    %dma_wait3A_54 = arith.constant 0 : i32
    %dma_wait3A_55 = arith.constant 0 : i32
    %dma_wait3A_56 = tpu.memref_slice %arg10[%dma_wait3A_54, %dma_wait3A_55] : memref<10008x16xf32, #tpu.memory_space<vmem_shared>> -> memref<10008x16xf32, #tpu.memory_space<vmem_shared>>
    tpu.wait_indirect_dma semaphore(%arg12 : memref<!tpu.dma_semaphore, #tpu.memory_space<semaphore_mem>>) src(%dma_wait3A_50 : memref<128x16xf32, #tpu.memory_space<vmem>>) dst(%dma_wait3A_56 : memref<10008x16xf32, #tpu.memory_space<vmem_shared>>)
    %barrier3A_57 = arith.constant 0 : index
    tpu.barrier barrier_id(%barrier3A_57)
    %mul3A_58 = arith.constant 624 : i32
    %mul3A_59 = arith.muli %arg1, %mul3A_58 : i32
    %mul3A_60 = arith.constant 624 : i32
    %mul3A_61 = arith.muli %arg1, %mul3A_60 : i32
    "tpu.region"() ({
      %run_scoped3A = tpu.sem_alloc : memref<!tpu.dma_semaphore, #tpu.memory_space<semaphore_mem>>
      %dma_start3A_67 = arith.constant 0 : i32
      %dma_start3A_68 = tpu.memref_slice %arg6[%arg0, %mul3A_61, %dma_start3A_67] : memref<2x10008x16xf32, #tpu.memory_space<hbm>> -> memref<1x624x16xf32, #tpu.memory_space<hbm>>
      %dma_start3A_69 = tpu.memref_squeeze %dma_start3A_68 : memref<1x624x16xf32, #tpu.memory_space<hbm>> -> memref<624x16xf32, #tpu.memory_space<hbm>>
      %dma_start3A_70 = arith.constant 0 : i32
      %dma_start3A_71 = tpu.memref_slice %arg10[%mul3A_59, %dma_start3A_70] : memref<10008x16xf32, #tpu.memory_space<vmem_shared>> -> memref<624x16xf32, #tpu.memory_space<vmem_shared>>
      tpu.enqueue_dma source(%dma_start3A_71 : memref<624x16xf32, #tpu.memory_space<vmem_shared>>) target(%dma_start3A_69 : memref<624x16xf32, #tpu.memory_space<hbm>>) target_semaphore(%run_scoped3A : memref<!tpu.dma_semaphore, #tpu.memory_space<semaphore_mem>>)
      %dma_wait3A_72 = arith.constant 0 : i32
      %dma_wait3A_73 = tpu.memref_slice %arg6[%arg0, %mul3A_61, %dma_wait3A_72] : memref<2x10008x16xf32, #tpu.memory_space<hbm>> -> memref<1x624x16xf32, #tpu.memory_space<hbm>>
      %dma_wait3A_74 = tpu.memref_squeeze %dma_wait3A_73 : memref<1x624x16xf32, #tpu.memory_space<hbm>> -> memref<624x16xf32, #tpu.memory_space<hbm>>
      %dma_wait3A_75 = arith.constant 0 : i32
      %dma_wait3A_76 = tpu.memref_slice %arg10[%mul3A_59, %dma_wait3A_75] : memref<10008x16xf32, #tpu.memory_space<vmem_shared>> -> memref<624x16xf32, #tpu.memory_space<vmem_shared>>
      tpu.wait_dma2 semaphore(%run_scoped3A : memref<!tpu.dma_semaphore, #tpu.memory_space<semaphore_mem>>) src(%dma_wait3A_76 : memref<624x16xf32, #tpu.memory_space<vmem_shared>>) dst(%dma_wait3A_74 : memref<624x16xf32, #tpu.memory_space<hbm>>)
      tpu.yield
    }) : () -> ()
    %eq3A_62 = arith.constant 15 : i32
    %eq3A_63 = arith.cmpi eq, %arg1, %eq3A_62 : i32
    %convert_element_type3A_64 = arith.extui %eq3A_63 : i1 to i32
    %cond3A_65 = arith.constant 0 : i32
    %cond3A_66 = arith.cmpi ne, %convert_element_type3A_64, %cond3A_65 : i32
    scf.if %cond3A_66 {
      "tpu.region"() ({
        %run_scoped3A = tpu.sem_alloc : memref<!tpu.dma_semaphore, #tpu.memory_space<semaphore_mem>>
        %dma_start3A_67 = arith.constant 9984 : i32
        %dma_start3A_68 = arith.constant 0 : i32
        %dma_start3A_69 = tpu.memref_slice %arg6[%arg0, %dma_start3A_67, %dma_start3A_68] : memref<2x10008x16xf32, #tpu.memory_space<hbm>> -> memref<1x24x16xf32, #tpu.memory_space<hbm>>
        %dma_start3A_70 = tpu.memref_squeeze %dma_start3A_69 : memref<1x24x16xf32, #tpu.memory_space<hbm>> -> memref<24x16xf32, #tpu.memory_space<hbm>>
        %dma_start3A_71 = arith.constant 9984 : i32
        %dma_start3A_72 = arith.constant 0 : i32
        %dma_start3A_73 = tpu.memref_slice %arg10[%dma_start3A_71, %dma_start3A_72] : memref<10008x16xf32, #tpu.memory_space<vmem_shared>> -> memref<24x16xf32, #tpu.memory_space<vmem_shared>>
        tpu.enqueue_dma source(%dma_start3A_73 : memref<24x16xf32, #tpu.memory_space<vmem_shared>>) target(%dma_start3A_70 : memref<24x16xf32, #tpu.memory_space<hbm>>) target_semaphore(%run_scoped3A : memref<!tpu.dma_semaphore, #tpu.memory_space<semaphore_mem>>)
        %dma_wait3A_74 = arith.constant 9984 : i32
        %dma_wait3A_75 = arith.constant 0 : i32
        %dma_wait3A_76 = tpu.memref_slice %arg6[%arg0, %dma_wait3A_74, %dma_wait3A_75] : memref<2x10008x16xf32, #tpu.memory_space<hbm>> -> memref<1x24x16xf32, #tpu.memory_space<hbm>>
        %dma_wait3A_77 = tpu.memref_squeeze %dma_wait3A_76 : memref<1x24x16xf32, #tpu.memory_space<hbm>> -> memref<24x16xf32, #tpu.memory_space<hbm>>
        %dma_wait3A_78 = arith.constant 9984 : i32
        %dma_wait3A_79 = arith.constant 0 : i32
        %dma_wait3A_80 = tpu.memref_slice %arg10[%dma_wait3A_78, %dma_wait3A_79] : memref<10008x16xf32, #tpu.memory_space<vmem_shared>> -> memref<24x16xf32, #tpu.memory_space<vmem_shared>>
        tpu.wait_dma2 semaphore(%run_scoped3A : memref<!tpu.dma_semaphore, #tpu.memory_space<semaphore_mem>>) src(%dma_wait3A_80 : memref<24x16xf32, #tpu.memory_space<vmem_shared>>) dst(%dma_wait3A_77 : memref<24x16xf32, #tpu.memory_space<hbm>>)
        tpu.yield
      }) : () -> ()
    } else {
    }
    return
  }
}

#map = affine_map<(d0, d1) -> (0, 0)>
#map1 = affine_map<(d0, d1) -> (0, 0, 0)>
module attributes {stable_mosaic.version = 14 : i64} {
  func.func @k(%arg0: i32, %arg1: i32, %arg2: memref<10008x16xf32, #tpu.memory_space<hbm>>, %arg3: memref<32x80x128xi32, #tpu.memory_space<hbm>>, %arg4: memref<32x80x128xi32, #tpu.memory_space<hbm>>, %arg5: memref<624x16xf32, #tpu.memory_space<hbm>>, %arg6: memref<2x10008x16xf32, #tpu.memory_space<hbm>>, %arg7: memref<80x128xi32, #tpu.memory_space<vmem>>, %arg8: memref<80x128xi32, #tpu.memory_space<vmem>>, %arg9: memref<4x128x16xf32, #tpu.memory_space<vmem>>, %arg10: memref<10008x16xf32, #tpu.memory_space<vmem_shared>>, %arg11: memref<!tpu.dma_semaphore, #tpu.memory_space<semaphore_mem>>, %arg12: memref<!tpu.dma_semaphore, #tpu.memory_space<semaphore_mem>>) attributes {dimension_semantics = [#tpu.dimension_semantics<core_parallel>, #tpu.dimension_semantics<subcore_parallel>], iteration_bounds = array<i64: 2, 16>, scalar_prefetch = 0 : i64, scratch_operands = 6 : i64, tpu.core_type = #tpu.core_type<sc_vector_subcore>, window_params = [{transform_indices = #map}, {transform_indices = #map1}, {transform_indices = #map1}, {transform_indices = #map}, {transform_indices = #map1}]} {
    %mul3A = arith.constant 2 : i32
    %mul3A_0 = arith.muli %arg1, %mul3A : i32
    %add3A = arith.addi %mul3A_0, %arg0 : i32
    "tpu.region"() ({
      %run_scoped3A = tpu.sem_alloc : memref<!tpu.dma_semaphore, #tpu.memory_space<semaphore_mem>>
      %dma_start3A_67 = arith.constant 0 : i32
      %dma_start3A_68 = arith.constant 0 : i32
      %dma_start3A_69 = tpu.memref_slice %arg3[%add3A, %dma_start3A_67, %dma_start3A_68] : memref<32x80x128xi32, #tpu.memory_space<hbm>> -> memref<1x80x128xi32, #tpu.memory_space<hbm>>
      %dma_start3A_70 = tpu.memref_squeeze %dma_start3A_69 : memref<1x80x128xi32, #tpu.memory_space<hbm>> -> memref<80x128xi32, #tpu.memory_space<hbm>>
      %dma_start3A_71 = arith.constant 0 : i32
      %dma_start3A_72 = arith.constant 0 : i32
      %dma_start3A_73 = tpu.memref_slice %arg3[%add3A, %dma_start3A_71, %dma_start3A_72] : memref<32x80x128xi32, #tpu.memory_space<hbm>> -> memref<1x80x128xi32, #tpu.memory_space<hbm>>
      %dma_start3A_74 = tpu.memref_squeeze %dma_start3A_73 : memref<1x80x128xi32, #tpu.memory_space<hbm>> -> memref<80x128xi32, #tpu.memory_space<hbm>>
      tpu.enqueue_dma source(%dma_start3A_74 : memref<80x128xi32, #tpu.memory_space<hbm>>) target(%arg7 : memref<80x128xi32, #tpu.memory_space<vmem>>) target_semaphore(%run_scoped3A : memref<!tpu.dma_semaphore, #tpu.memory_space<semaphore_mem>>)
      %dma_wait3A_75 = arith.constant 0 : i32
      %dma_wait3A_76 = arith.constant 0 : i32
      %dma_wait3A_77 = tpu.memref_slice %arg3[%add3A, %dma_wait3A_75, %dma_wait3A_76] : memref<32x80x128xi32, #tpu.memory_space<hbm>> -> memref<1x80x128xi32, #tpu.memory_space<hbm>>
      %dma_wait3A_78 = tpu.memref_squeeze %dma_wait3A_77 : memref<1x80x128xi32, #tpu.memory_space<hbm>> -> memref<80x128xi32, #tpu.memory_space<hbm>>
      %dma_wait3A_79 = arith.constant 0 : i32
      %dma_wait3A_80 = arith.constant 0 : i32
      %dma_wait3A_81 = tpu.memref_slice %arg3[%add3A, %dma_wait3A_79, %dma_wait3A_80] : memref<32x80x128xi32, #tpu.memory_space<hbm>> -> memref<1x80x128xi32, #tpu.memory_space<hbm>>
      %dma_wait3A_82 = tpu.memref_squeeze %dma_wait3A_81 : memref<1x80x128xi32, #tpu.memory_space<hbm>> -> memref<80x128xi32, #tpu.memory_space<hbm>>
      tpu.wait_dma2 semaphore(%run_scoped3A : memref<!tpu.dma_semaphore, #tpu.memory_space<semaphore_mem>>) src(%dma_wait3A_82 : memref<80x128xi32, #tpu.memory_space<hbm>>) dst(%arg7 : memref<80x128xi32, #tpu.memory_space<vmem>>)
      tpu.yield
    }) : () -> ()
    "tpu.region"() ({
      %run_scoped3A = tpu.sem_alloc : memref<!tpu.dma_semaphore, #tpu.memory_space<semaphore_mem>>
      %dma_start3A_67 = arith.constant 0 : i32
      %dma_start3A_68 = arith.constant 0 : i32
      %dma_start3A_69 = tpu.memref_slice %arg4[%add3A, %dma_start3A_67, %dma_start3A_68] : memref<32x80x128xi32, #tpu.memory_space<hbm>> -> memref<1x80x128xi32, #tpu.memory_space<hbm>>
      %dma_start3A_70 = tpu.memref_squeeze %dma_start3A_69 : memref<1x80x128xi32, #tpu.memory_space<hbm>> -> memref<80x128xi32, #tpu.memory_space<hbm>>
      %dma_start3A_71 = arith.constant 0 : i32
      %dma_start3A_72 = arith.constant 0 : i32
      %dma_start3A_73 = tpu.memref_slice %arg4[%add3A, %dma_start3A_71, %dma_start3A_72] : memref<32x80x128xi32, #tpu.memory_space<hbm>> -> memref<1x80x128xi32, #tpu.memory_space<hbm>>
      %dma_start3A_74 = tpu.memref_squeeze %dma_start3A_73 : memref<1x80x128xi32, #tpu.memory_space<hbm>> -> memref<80x128xi32, #tpu.memory_space<hbm>>
      tpu.enqueue_dma source(%dma_start3A_74 : memref<80x128xi32, #tpu.memory_space<hbm>>) target(%arg8 : memref<80x128xi32, #tpu.memory_space<vmem>>) target_semaphore(%run_scoped3A : memref<!tpu.dma_semaphore, #tpu.memory_space<semaphore_mem>>)
      %dma_wait3A_75 = arith.constant 0 : i32
      %dma_wait3A_76 = arith.constant 0 : i32
      %dma_wait3A_77 = tpu.memref_slice %arg4[%add3A, %dma_wait3A_75, %dma_wait3A_76] : memref<32x80x128xi32, #tpu.memory_space<hbm>> -> memref<1x80x128xi32, #tpu.memory_space<hbm>>
      %dma_wait3A_78 = tpu.memref_squeeze %dma_wait3A_77 : memref<1x80x128xi32, #tpu.memory_space<hbm>> -> memref<80x128xi32, #tpu.memory_space<hbm>>
      %dma_wait3A_79 = arith.constant 0 : i32
      %dma_wait3A_80 = arith.constant 0 : i32
      %dma_wait3A_81 = tpu.memref_slice %arg4[%add3A, %dma_wait3A_79, %dma_wait3A_80] : memref<32x80x128xi32, #tpu.memory_space<hbm>> -> memref<1x80x128xi32, #tpu.memory_space<hbm>>
      %dma_wait3A_82 = tpu.memref_squeeze %dma_wait3A_81 : memref<1x80x128xi32, #tpu.memory_space<hbm>> -> memref<80x128xi32, #tpu.memory_space<hbm>>
      tpu.wait_dma2 semaphore(%run_scoped3A : memref<!tpu.dma_semaphore, #tpu.memory_space<semaphore_mem>>) src(%dma_wait3A_82 : memref<80x128xi32, #tpu.memory_space<hbm>>) dst(%arg8 : memref<80x128xi32, #tpu.memory_space<vmem>>)
      tpu.yield
    }) : () -> ()
    %mul3A_1 = arith.constant 624 : i32
    %mul3A_2 = arith.muli %arg1, %mul3A_1 : i32
    "tpu.region"() ({
      %run_scoped3A = tpu.sem_alloc : memref<!tpu.dma_semaphore, #tpu.memory_space<semaphore_mem>>
      %dma_start3A_67 = arith.constant 0 : i32
      %dma_start3A_68 = tpu.memref_slice %arg10[%mul3A_2, %dma_start3A_67] : memref<10008x16xf32, #tpu.memory_space<vmem_shared>> -> memref<624x16xf32, #tpu.memory_space<vmem_shared>>
      tpu.enqueue_dma source(%arg5 : memref<624x16xf32, #tpu.memory_space<hbm>>) target(%dma_start3A_68 : memref<624x16xf32, #tpu.memory_space<vmem_shared>>) target_semaphore(%run_scoped3A : memref<!tpu.dma_semaphore, #tpu.memory_space<semaphore_mem>>)
      %dma_wait3A_69 = arith.constant 0 : i32
      %dma_wait3A_70 = tpu.memref_slice %arg10[%mul3A_2, %dma_wait3A_69] : memref<10008x16xf32, #tpu.memory_space<vmem_shared>> -> memref<624x16xf32, #tpu.memory_space<vmem_shared>>
      tpu.wait_dma2 semaphore(%run_scoped3A : memref<!tpu.dma_semaphore, #tpu.memory_space<semaphore_mem>>) src(%arg5 : memref<624x16xf32, #tpu.memory_space<hbm>>) dst(%dma_wait3A_70 : memref<624x16xf32, #tpu.memory_space<vmem_shared>>)
      tpu.yield
    }) : () -> ()
    %eq3A = arith.constant 15 : i32
    %eq3A_3 = arith.cmpi eq, %arg1, %eq3A : i32
    %convert_element_type3A = arith.extui %eq3A_3 : i1 to i32
    %cond3A = arith.constant 0 : i32
    %cond3A_4 = arith.cmpi ne, %convert_element_type3A, %cond3A : i32
    scf.if %cond3A_4 {
      "tpu.region"() ({
        %run_scoped3A = tpu.sem_alloc : memref<!tpu.dma_semaphore, #tpu.memory_space<semaphore_mem>>
        %dma_start3A_67 = arith.constant 9984 : i32
        %dma_start3A_68 = arith.constant 0 : i32
        %dma_start3A_69 = tpu.memref_slice %arg10[%dma_start3A_67, %dma_start3A_68] : memref<10008x16xf32, #tpu.memory_space<vmem_shared>> -> memref<24x16xf32, #tpu.memory_space<vmem_shared>>
        %dma_start3A_70 = arith.constant 0 : i32
        %dma_start3A_71 = arith.constant 0 : i32
        %dma_start3A_72 = tpu.memref_slice %arg5[%dma_start3A_70, %dma_start3A_71] : memref<624x16xf32, #tpu.memory_space<hbm>> -> memref<24x16xf32, #tpu.memory_space<hbm>>
        tpu.enqueue_dma source(%dma_start3A_72 : memref<24x16xf32, #tpu.memory_space<hbm>>) target(%dma_start3A_69 : memref<24x16xf32, #tpu.memory_space<vmem_shared>>) target_semaphore(%run_scoped3A : memref<!tpu.dma_semaphore, #tpu.memory_space<semaphore_mem>>)
        %dma_wait3A_73 = arith.constant 9984 : i32
        %dma_wait3A_74 = arith.constant 0 : i32
        %dma_wait3A_75 = tpu.memref_slice %arg10[%dma_wait3A_73, %dma_wait3A_74] : memref<10008x16xf32, #tpu.memory_space<vmem_shared>> -> memref<24x16xf32, #tpu.memory_space<vmem_shared>>
        %dma_wait3A_76 = arith.constant 0 : i32
        %dma_wait3A_77 = arith.constant 0 : i32
        %dma_wait3A_78 = tpu.memref_slice %arg5[%dma_wait3A_76, %dma_wait3A_77] : memref<624x16xf32, #tpu.memory_space<hbm>> -> memref<24x16xf32, #tpu.memory_space<hbm>>
        tpu.wait_dma2 semaphore(%run_scoped3A : memref<!tpu.dma_semaphore, #tpu.memory_space<semaphore_mem>>) src(%dma_wait3A_78 : memref<24x16xf32, #tpu.memory_space<hbm>>) dst(%dma_wait3A_75 : memref<24x16xf32, #tpu.memory_space<vmem_shared>>)
        tpu.yield
      }) : () -> ()
    } else {
    }
    %barrier3A = arith.constant 0 : index
    tpu.barrier barrier_id(%barrier3A)
    %dma_start3A = arith.constant 0 : i32
    %dma_start3A_5 = arith.constant 0 : i32
    %dma_start3A_6 = arith.constant 0 : i32
    %dma_start3A_7 = arith.constant 0 : i32
    %dma_start3A_8 = tpu.memref_slice %arg9[%dma_start3A_5, %dma_start3A_6, %dma_start3A_7] : memref<4x128x16xf32, #tpu.memory_space<vmem>> -> memref<1x128x16xf32, #tpu.memory_space<vmem>>
    %dma_start3A_9 = tpu.memref_squeeze %dma_start3A_8 : memref<1x128x16xf32, #tpu.memory_space<vmem>> -> memref<128x16xf32, #tpu.memory_space<vmem>>
    %dma_start3A_10 = arith.constant 0 : i32
    %dma_start3A_11 = tpu.memref_slice %arg7[%dma_start3A, %dma_start3A_10] : memref<80x128xi32, #tpu.memory_space<vmem>> -> memref<1x128xi32, #tpu.memory_space<vmem>>
    %dma_start3A_12 = tpu.memref_squeeze %dma_start3A_11 : memref<1x128xi32, #tpu.memory_space<vmem>> -> memref<128xi32, #tpu.memory_space<vmem>>
    %dma_start3A_13 = arith.constant 0 : i32
    %dma_start3A_14 = arith.constant 0 : i32
    %dma_start3A_15 = tpu.memref_slice %arg2[%dma_start3A_13, %dma_start3A_14] : memref<10008x16xf32, #tpu.memory_space<hbm>> -> memref<10008x16xf32, #tpu.memory_space<hbm>>
    tpu.enqueue_indirect_dma source(%dma_start3A_15 : memref<10008x16xf32, #tpu.memory_space<hbm>>) target(%dma_start3A_9 : memref<128x16xf32, #tpu.memory_space<vmem>>) offsets(%dma_start3A_12 : memref<128xi32, #tpu.memory_space<vmem>>) semaphore(%arg11 : memref<!tpu.dma_semaphore, #tpu.memory_space<semaphore_mem>>)
    %dma_start3A_16 = arith.constant 1 : i32
    %dma_start3A_17 = arith.constant 1 : i32
    %dma_start3A_18 = arith.constant 0 : i32
    %dma_start3A_19 = arith.constant 0 : i32
    %dma_start3A_20 = tpu.memref_slice %arg9[%dma_start3A_17, %dma_start3A_18, %dma_start3A_19] : memref<4x128x16xf32, #tpu.memory_space<vmem>> -> memref<1x128x16xf32, #tpu.memory_space<vmem>>
    %dma_start3A_21 = tpu.memref_squeeze %dma_start3A_20 : memref<1x128x16xf32, #tpu.memory_space<vmem>> -> memref<128x16xf32, #tpu.memory_space<vmem>>
    %dma_start3A_22 = arith.constant 0 : i32
    %dma_start3A_23 = tpu.memref_slice %arg7[%dma_start3A_16, %dma_start3A_22] : memref<80x128xi32, #tpu.memory_space<vmem>> -> memref<1x128xi32, #tpu.memory_space<vmem>>
    %dma_start3A_24 = tpu.memref_squeeze %dma_start3A_23 : memref<1x128xi32, #tpu.memory_space<vmem>> -> memref<128xi32, #tpu.memory_space<vmem>>
    %dma_start3A_25 = arith.constant 0 : i32
    %dma_start3A_26 = arith.constant 0 : i32
    %dma_start3A_27 = tpu.memref_slice %arg2[%dma_start3A_25, %dma_start3A_26] : memref<10008x16xf32, #tpu.memory_space<hbm>> -> memref<10008x16xf32, #tpu.memory_space<hbm>>
    tpu.enqueue_indirect_dma source(%dma_start3A_27 : memref<10008x16xf32, #tpu.memory_space<hbm>>) target(%dma_start3A_21 : memref<128x16xf32, #tpu.memory_space<vmem>>) offsets(%dma_start3A_24 : memref<128xi32, #tpu.memory_space<vmem>>) semaphore(%arg11 : memref<!tpu.dma_semaphore, #tpu.memory_space<semaphore_mem>>)
    %dma_start3A_28 = arith.constant 2 : i32
    %dma_start3A_29 = arith.constant 2 : i32
    %dma_start3A_30 = arith.constant 0 : i32
    %dma_start3A_31 = arith.constant 0 : i32
    %dma_start3A_32 = tpu.memref_slice %arg9[%dma_start3A_29, %dma_start3A_30, %dma_start3A_31] : memref<4x128x16xf32, #tpu.memory_space<vmem>> -> memref<1x128x16xf32, #tpu.memory_space<vmem>>
    %dma_start3A_33 = tpu.memref_squeeze %dma_start3A_32 : memref<1x128x16xf32, #tpu.memory_space<vmem>> -> memref<128x16xf32, #tpu.memory_space<vmem>>
    %dma_start3A_34 = arith.constant 0 : i32
    %dma_start3A_35 = tpu.memref_slice %arg7[%dma_start3A_28, %dma_start3A_34] : memref<80x128xi32, #tpu.memory_space<vmem>> -> memref<1x128xi32, #tpu.memory_space<vmem>>
    %dma_start3A_36 = tpu.memref_squeeze %dma_start3A_35 : memref<1x128xi32, #tpu.memory_space<vmem>> -> memref<128xi32, #tpu.memory_space<vmem>>
    %dma_start3A_37 = arith.constant 0 : i32
    %dma_start3A_38 = arith.constant 0 : i32
    %dma_start3A_39 = tpu.memref_slice %arg2[%dma_start3A_37, %dma_start3A_38] : memref<10008x16xf32, #tpu.memory_space<hbm>> -> memref<10008x16xf32, #tpu.memory_space<hbm>>
    tpu.enqueue_indirect_dma source(%dma_start3A_39 : memref<10008x16xf32, #tpu.memory_space<hbm>>) target(%dma_start3A_33 : memref<128x16xf32, #tpu.memory_space<vmem>>) offsets(%dma_start3A_36 : memref<128xi32, #tpu.memory_space<vmem>>) semaphore(%arg11 : memref<!tpu.dma_semaphore, #tpu.memory_space<semaphore_mem>>)
    %scan3A = arith.constant 0 : i32
    %scan3A_40 = arith.constant 0 : i32
    %scan3A_41 = arith.constant 80 : i32
    %scan3A_42 = arith.addi %scan3A_40, %scan3A_41 : i32
    %scan3A_43 = arith.constant 1 : i32
    scf.for %scan3A_67 = %scan3A_40 to %scan3A_42 step %scan3A_43  : i32 {
      %rem3A_68 = arith.constant 4 : i32
      %rem3A_69 = arith.remsi %scan3A_67, %rem3A_68 : i32
      %dma_wait3A_70 = arith.constant 0 : i32
      %dma_wait3A_71 = arith.constant 0 : i32
      %dma_wait3A_72 = tpu.memref_slice %arg9[%rem3A_69, %dma_wait3A_70, %dma_wait3A_71] : memref<4x128x16xf32, #tpu.memory_space<vmem>> -> memref<1x128x16xf32, #tpu.memory_space<vmem>>
      %dma_wait3A_73 = tpu.memref_squeeze %dma_wait3A_72 : memref<1x128x16xf32, #tpu.memory_space<vmem>> -> memref<128x16xf32, #tpu.memory_space<vmem>>
      %dma_wait3A_74 = arith.constant 0 : i32
      %dma_wait3A_75 = tpu.memref_slice %arg7[%scan3A_67, %dma_wait3A_74] : memref<80x128xi32, #tpu.memory_space<vmem>> -> memref<1x128xi32, #tpu.memory_space<vmem>>
      %dma_wait3A_76 = tpu.memref_squeeze %dma_wait3A_75 : memref<1x128xi32, #tpu.memory_space<vmem>> -> memref<128xi32, #tpu.memory_space<vmem>>
      %dma_wait3A_77 = arith.constant 0 : i32
      %dma_wait3A_78 = arith.constant 0 : i32
      %dma_wait3A_79 = tpu.memref_slice %arg2[%dma_wait3A_77, %dma_wait3A_78] : memref<10008x16xf32, #tpu.memory_space<hbm>> -> memref<10008x16xf32, #tpu.memory_space<hbm>>
      tpu.wait_indirect_dma semaphore(%arg11 : memref<!tpu.dma_semaphore, #tpu.memory_space<semaphore_mem>>) src(%dma_wait3A_79 : memref<10008x16xf32, #tpu.memory_space<hbm>>) dst(%dma_wait3A_73 : memref<128x16xf32, #tpu.memory_space<vmem>>)
      %ge3A = arith.constant 1 : i32
      %ge3A_80 = arith.cmpi sge, %scan3A_67, %ge3A : i32
      %convert_element_type3A_81 = arith.extui %ge3A_80 : i1 to i32
      %cond3A_82 = arith.constant 0 : i32
      %cond3A_83 = arith.cmpi ne, %convert_element_type3A_81, %cond3A_82 : i32
      scf.if %cond3A_83 {
        %add3A_100 = arith.constant 3 : i32
        %add3A_101 = arith.addi %scan3A_67, %add3A_100 : i32
        %rem3A_102 = arith.constant 4 : i32
        %rem3A_103 = arith.remsi %add3A_101, %rem3A_102 : i32
        %dma_wait3A_104 = arith.constant 0 : i32
        %dma_wait3A_105 = arith.constant 0 : i32
        %dma_wait3A_106 = tpu.memref_slice %arg9[%rem3A_103, %dma_wait3A_104, %dma_wait3A_105] : memref<4x128x16xf32, #tpu.memory_space<vmem>> -> memref<1x128x16xf32, #tpu.memory_space<vmem>>
        %dma_wait3A_107 = tpu.memref_squeeze %dma_wait3A_106 : memref<1x128x16xf32, #tpu.memory_space<vmem>> -> memref<128x16xf32, #tpu.memory_space<vmem>>
        %dma_wait3A_108 = arith.constant 0 : i32
        %dma_wait3A_109 = tpu.memref_slice %arg8[%scan3A_67, %dma_wait3A_108] : memref<80x128xi32, #tpu.memory_space<vmem>> -> memref<1x128xi32, #tpu.memory_space<vmem>>
        %dma_wait3A_110 = tpu.memref_squeeze %dma_wait3A_109 : memref<1x128xi32, #tpu.memory_space<vmem>> -> memref<128xi32, #tpu.memory_space<vmem>>
        %dma_wait3A_111 = arith.constant 0 : i32
        %dma_wait3A_112 = arith.constant 0 : i32
        %dma_wait3A_113 = tpu.memref_slice %arg10[%dma_wait3A_111, %dma_wait3A_112] : memref<10008x16xf32, #tpu.memory_space<vmem_shared>> -> memref<10008x16xf32, #tpu.memory_space<vmem_shared>>
        tpu.wait_indirect_dma semaphore(%arg12 : memref<!tpu.dma_semaphore, #tpu.memory_space<semaphore_mem>>) src(%dma_wait3A_107 : memref<128x16xf32, #tpu.memory_space<vmem>>) dst(%dma_wait3A_113 : memref<10008x16xf32, #tpu.memory_space<vmem_shared>>)
      } else {
      }
      %add3A_84 = arith.constant 3 : i32
      %add3A_85 = arith.addi %scan3A_67, %add3A_84 : i32
      %lt3A = arith.constant 80 : i32
      %lt3A_86 = arith.cmpi slt, %add3A_85, %lt3A : i32
      %convert_element_type3A_87 = arith.extui %lt3A_86 : i1 to i32
      %cond3A_88 = arith.constant 0 : i32
      %cond3A_89 = arith.cmpi ne, %convert_element_type3A_87, %cond3A_88 : i32
      scf.if %cond3A_89 {
        %add3A_100 = arith.constant 3 : i32
        %add3A_101 = arith.addi %scan3A_67, %add3A_100 : i32
        %add3A_102 = arith.constant 3 : i32
        %add3A_103 = arith.addi %scan3A_67, %add3A_102 : i32
        %rem3A_104 = arith.constant 4 : i32
        %rem3A_105 = arith.remsi %add3A_103, %rem3A_104 : i32
        %dma_start3A_106 = arith.constant 0 : i32
        %dma_start3A_107 = arith.constant 0 : i32
        %dma_start3A_108 = tpu.memref_slice %arg9[%rem3A_105, %dma_start3A_106, %dma_start3A_107] : memref<4x128x16xf32, #tpu.memory_space<vmem>> -> memref<1x128x16xf32, #tpu.memory_space<vmem>>
        %dma_start3A_109 = tpu.memref_squeeze %dma_start3A_108 : memref<1x128x16xf32, #tpu.memory_space<vmem>> -> memref<128x16xf32, #tpu.memory_space<vmem>>
        %dma_start3A_110 = arith.constant 0 : i32
        %dma_start3A_111 = tpu.memref_slice %arg7[%add3A_101, %dma_start3A_110] : memref<80x128xi32, #tpu.memory_space<vmem>> -> memref<1x128xi32, #tpu.memory_space<vmem>>
        %dma_start3A_112 = tpu.memref_squeeze %dma_start3A_111 : memref<1x128xi32, #tpu.memory_space<vmem>> -> memref<128xi32, #tpu.memory_space<vmem>>
        %dma_start3A_113 = arith.constant 0 : i32
        %dma_start3A_114 = arith.constant 0 : i32
        %dma_start3A_115 = tpu.memref_slice %arg2[%dma_start3A_113, %dma_start3A_114] : memref<10008x16xf32, #tpu.memory_space<hbm>> -> memref<10008x16xf32, #tpu.memory_space<hbm>>
        tpu.enqueue_indirect_dma source(%dma_start3A_115 : memref<10008x16xf32, #tpu.memory_space<hbm>>) target(%dma_start3A_109 : memref<128x16xf32, #tpu.memory_space<vmem>>) offsets(%dma_start3A_112 : memref<128xi32, #tpu.memory_space<vmem>>) semaphore(%arg11 : memref<!tpu.dma_semaphore, #tpu.memory_space<semaphore_mem>>)
      } else {
      }
      %dma_start3A_90 = arith.constant 0 : i32
      %dma_start3A_91 = arith.constant 0 : i32
      %dma_start3A_92 = tpu.memref_slice %arg9[%rem3A_69, %dma_start3A_90, %dma_start3A_91] : memref<4x128x16xf32, #tpu.memory_space<vmem>> -> memref<1x128x16xf32, #tpu.memory_space<vmem>>
      %dma_start3A_93 = tpu.memref_squeeze %dma_start3A_92 : memref<1x128x16xf32, #tpu.memory_space<vmem>> -> memref<128x16xf32, #tpu.memory_space<vmem>>
      %dma_start3A_94 = arith.constant 0 : i32
      %dma_start3A_95 = tpu.memref_slice %arg8[%scan3A_67, %dma_start3A_94] : memref<80x128xi32, #tpu.memory_space<vmem>> -> memref<1x128xi32, #tpu.memory_space<vmem>>
      %dma_start3A_96 = tpu.memref_squeeze %dma_start3A_95 : memref<1x128xi32, #tpu.memory_space<vmem>> -> memref<128xi32, #tpu.memory_space<vmem>>
      %dma_start3A_97 = arith.constant 0 : i32
      %dma_start3A_98 = arith.constant 0 : i32
      %dma_start3A_99 = tpu.memref_slice %arg10[%dma_start3A_97, %dma_start3A_98] : memref<10008x16xf32, #tpu.memory_space<vmem_shared>> -> memref<10008x16xf32, #tpu.memory_space<vmem_shared>>
      tpu.enqueue_indirect_dma source(%dma_start3A_93 : memref<128x16xf32, #tpu.memory_space<vmem>>) target(%dma_start3A_99 : memref<10008x16xf32, #tpu.memory_space<vmem_shared>>) offsets(%dma_start3A_96 : memref<128xi32, #tpu.memory_space<vmem>>) semaphore(%arg12 : memref<!tpu.dma_semaphore, #tpu.memory_space<semaphore_mem>>) {add = true}
    }
    %scan3A_44 = arith.constant 80 : i32
    %rem3A = arith.constant 79 : i32
    %rem3A_45 = arith.constant 4 : i32
    %rem3A_46 = arith.remsi %rem3A, %rem3A_45 : i32
    %dma_wait3A = arith.constant 79 : i32
    %dma_wait3A_47 = arith.constant 0 : i32
    %dma_wait3A_48 = arith.constant 0 : i32
    %dma_wait3A_49 = tpu.memref_slice %arg9[%rem3A_46, %dma_wait3A_47, %dma_wait3A_48] : memref<4x128x16xf32, #tpu.memory_space<vmem>> -> memref<1x128x16xf32, #tpu.memory_space<vmem>>
    %dma_wait3A_50 = tpu.memref_squeeze %dma_wait3A_49 : memref<1x128x16xf32, #tpu.memory_space<vmem>> -> memref<128x16xf32, #tpu.memory_space<vmem>>
    %dma_wait3A_51 = arith.constant 0 : i32
    %dma_wait3A_52 = tpu.memref_slice %arg8[%dma_wait3A, %dma_wait3A_51] : memref<80x128xi32, #tpu.memory_space<vmem>> -> memref<1x128xi32, #tpu.memory_space<vmem>>
    %dma_wait3A_53 = tpu.memref_squeeze %dma_wait3A_52 : memref<1x128xi32, #tpu.memory_space<vmem>> -> memref<128xi32, #tpu.memory_space<vmem>>
    %dma_wait3A_54 = arith.constant 0 : i32
    %dma_wait3A_55 = arith.constant 0 : i32
    %dma_wait3A_56 = tpu.memref_slice %arg10[%dma_wait3A_54, %dma_wait3A_55] : memref<10008x16xf32, #tpu.memory_space<vmem_shared>> -> memref<10008x16xf32, #tpu.memory_space<vmem_shared>>
    tpu.wait_indirect_dma semaphore(%arg12 : memref<!tpu.dma_semaphore, #tpu.memory_space<semaphore_mem>>) src(%dma_wait3A_50 : memref<128x16xf32, #tpu.memory_space<vmem>>) dst(%dma_wait3A_56 : memref<10008x16xf32, #tpu.memory_space<vmem_shared>>)
    %barrier3A_57 = arith.constant 0 : index
    tpu.barrier barrier_id(%barrier3A_57)
    %mul3A_58 = arith.constant 624 : i32
    %mul3A_59 = arith.muli %arg1, %mul3A_58 : i32
    %mul3A_60 = arith.constant 624 : i32
    %mul3A_61 = arith.muli %arg1, %mul3A_60 : i32
    "tpu.region"() ({
      %run_scoped3A = tpu.sem_alloc : memref<!tpu.dma_semaphore, #tpu.memory_space<semaphore_mem>>
      %dma_start3A_67 = arith.constant 0 : i32
      %dma_start3A_68 = tpu.memref_slice %arg6[%arg0, %mul3A_61, %dma_start3A_67] : memref<2x10008x16xf32, #tpu.memory_space<hbm>> -> memref<1x624x16xf32, #tpu.memory_space<hbm>>
      %dma_start3A_69 = tpu.memref_squeeze %dma_start3A_68 : memref<1x624x16xf32, #tpu.memory_space<hbm>> -> memref<624x16xf32, #tpu.memory_space<hbm>>
      %dma_start3A_70 = arith.constant 0 : i32
      %dma_start3A_71 = tpu.memref_slice %arg10[%mul3A_59, %dma_start3A_70] : memref<10008x16xf32, #tpu.memory_space<vmem_shared>> -> memref<624x16xf32, #tpu.memory_space<vmem_shared>>
      tpu.enqueue_dma source(%dma_start3A_71 : memref<624x16xf32, #tpu.memory_space<vmem_shared>>) target(%dma_start3A_69 : memref<624x16xf32, #tpu.memory_space<hbm>>) target_semaphore(%run_scoped3A : memref<!tpu.dma_semaphore, #tpu.memory_space<semaphore_mem>>)
      %dma_wait3A_72 = arith.constant 0 : i32
      %dma_wait3A_73 = tpu.memref_slice %arg6[%arg0, %mul3A_61, %dma_wait3A_72] : memref<2x10008x16xf32, #tpu.memory_space<hbm>> -> memref<1x624x16xf32, #tpu.memory_space<hbm>>
      %dma_wait3A_74 = tpu.memref_squeeze %dma_wait3A_73 : memref<1x624x16xf32, #tpu.memory_space<hbm>> -> memref<624x16xf32, #tpu.memory_space<hbm>>
      %dma_wait3A_75 = arith.constant 0 : i32
      %dma_wait3A_76 = tpu.memref_slice %arg10[%mul3A_59, %dma_wait3A_75] : memref<10008x16xf32, #tpu.memory_space<vmem_shared>> -> memref<624x16xf32, #tpu.memory_space<vmem_shared>>
      tpu.wait_dma2 semaphore(%run_scoped3A : memref<!tpu.dma_semaphore, #tpu.memory_space<semaphore_mem>>) src(%dma_wait3A_76 : memref<624x16xf32, #tpu.memory_space<vmem_shared>>) dst(%dma_wait3A_74 : memref<624x16xf32, #tpu.memory_space<hbm>>)
      tpu.yield
    }) : () -> ()
    %eq3A_62 = arith.constant 15 : i32
    %eq3A_63 = arith.cmpi eq, %arg1, %eq3A_62 : i32
    %convert_element_type3A_64 = arith.extui %eq3A_63 : i1 to i32
    %cond3A_65 = arith.constant 0 : i32
    %cond3A_66 = arith.cmpi ne, %convert_element_type3A_64, %cond3A_65 : i32
    scf.if %cond3A_66 {
      "tpu.region"() ({
        %run_scoped3A = tpu.sem_alloc : memref<!tpu.dma_semaphore, #tpu.memory_space<semaphore_mem>>
        %dma_start3A_67 = arith.constant 9984 : i32
        %dma_start3A_68 = arith.constant 0 : i32
        %dma_start3A_69 = tpu.memref_slice %arg6[%arg0, %dma_start3A_67, %dma_start3A_68] : memref<2x10008x16xf32, #tpu.memory_space<hbm>> -> memref<1x24x16xf32, #tpu.memory_space<hbm>>
        %dma_start3A_70 = tpu.memref_squeeze %dma_start3A_69 : memref<1x24x16xf32, #tpu.memory_space<hbm>> -> memref<24x16xf32, #tpu.memory_space<hbm>>
        %dma_start3A_71 = arith.constant 9984 : i32
        %dma_start3A_72 = arith.constant 0 : i32
        %dma_start3A_73 = tpu.memref_slice %arg10[%dma_start3A_71, %dma_start3A_72] : memref<10008x16xf32, #tpu.memory_space<vmem_shared>> -> memref<24x16xf32, #tpu.memory_space<vmem_shared>>
        tpu.enqueue_dma source(%dma_start3A_73 : memref<24x16xf32, #tpu.memory_space<vmem_shared>>) target(%dma_start3A_70 : memref<24x16xf32, #tpu.memory_space<hbm>>) target_semaphore(%run_scoped3A : memref<!tpu.dma_semaphore, #tpu.memory_space<semaphore_mem>>)
        %dma_wait3A_74 = arith.constant 9984 : i32
        %dma_wait3A_75 = arith.constant 0 : i32
        %dma_wait3A_76 = tpu.memref_slice %arg6[%arg0, %dma_wait3A_74, %dma_wait3A_75] : memref<2x10008x16xf32, #tpu.memory_space<hbm>> -> memref<1x24x16xf32, #tpu.memory_space<hbm>>
        %dma_wait3A_77 = tpu.memref_squeeze %dma_wait3A_76 : memref<1x24x16xf32, #tpu.memory_space<hbm>> -> memref<24x16xf32, #tpu.memory_space<hbm>>
        %dma_wait3A_78 = arith.constant 9984 : i32
        %dma_wait3A_79 = arith.constant 0 : i32
        %dma_wait3A_80 = tpu.memref_slice %arg10[%dma_wait3A_78, %dma_wait3A_79] : memref<10008x16xf32, #tpu.memory_space<vmem_shared>> -> memref<24x16xf32, #tpu.memory_space<vmem_shared>>
        tpu.wait_dma2 semaphore(%run_scoped3A : memref<!tpu.dma_semaphore, #tpu.memory_space<semaphore_mem>>) src(%dma_wait3A_80 : memref<24x16xf32, #tpu.memory_space<vmem_shared>>) dst(%dma_wait3A_77 : memref<24x16xf32, #tpu.memory_space<hbm>>)
        tpu.yield
      }) : () -> ()
    } else {
    }
    return
  }
}

#map = affine_map<(d0, d1) -> (0, 0)>
#map1 = affine_map<(d0, d1) -> (0, 0, 0)>
module attributes {stable_mosaic.version = 14 : i64} {
  func.func @k(%arg0: i32, %arg1: i32, %arg2: memref<10008x16xf32, #tpu.memory_space<hbm>>, %arg3: memref<32x80x128xi32, #tpu.memory_space<hbm>>, %arg4: memref<32x80x128xi32, #tpu.memory_space<hbm>>, %arg5: memref<624x16xf32, #tpu.memory_space<hbm>>, %arg6: memref<2x10008x16xf32, #tpu.memory_space<hbm>>, %arg7: memref<80x128xi32, #tpu.memory_space<vmem>>, %arg8: memref<80x128xi32, #tpu.memory_space<vmem>>, %arg9: memref<4x128x16xf32, #tpu.memory_space<vmem>>, %arg10: memref<10008x16xf32, #tpu.memory_space<vmem_shared>>, %arg11: memref<!tpu.dma_semaphore, #tpu.memory_space<semaphore_mem>>, %arg12: memref<!tpu.dma_semaphore, #tpu.memory_space<semaphore_mem>>) attributes {dimension_semantics = [#tpu.dimension_semantics<core_parallel>, #tpu.dimension_semantics<subcore_parallel>], iteration_bounds = array<i64: 2, 16>, scalar_prefetch = 0 : i64, scratch_operands = 6 : i64, tpu.core_type = #tpu.core_type<sc_vector_subcore>, window_params = [{transform_indices = #map}, {transform_indices = #map1}, {transform_indices = #map1}, {transform_indices = #map}, {transform_indices = #map1}]} {
    %mul3A = arith.constant 2 : i32
    %mul3A_0 = arith.muli %arg1, %mul3A : i32
    %add3A = arith.addi %mul3A_0, %arg0 : i32
    "tpu.region"() ({
      %run_scoped3A = tpu.sem_alloc : memref<!tpu.dma_semaphore, #tpu.memory_space<semaphore_mem>>
      %dma_start3A_67 = arith.constant 0 : i32
      %dma_start3A_68 = arith.constant 0 : i32
      %dma_start3A_69 = tpu.memref_slice %arg3[%add3A, %dma_start3A_67, %dma_start3A_68] : memref<32x80x128xi32, #tpu.memory_space<hbm>> -> memref<1x80x128xi32, #tpu.memory_space<hbm>>
      %dma_start3A_70 = tpu.memref_squeeze %dma_start3A_69 : memref<1x80x128xi32, #tpu.memory_space<hbm>> -> memref<80x128xi32, #tpu.memory_space<hbm>>
      %dma_start3A_71 = arith.constant 0 : i32
      %dma_start3A_72 = arith.constant 0 : i32
      %dma_start3A_73 = tpu.memref_slice %arg3[%add3A, %dma_start3A_71, %dma_start3A_72] : memref<32x80x128xi32, #tpu.memory_space<hbm>> -> memref<1x80x128xi32, #tpu.memory_space<hbm>>
      %dma_start3A_74 = tpu.memref_squeeze %dma_start3A_73 : memref<1x80x128xi32, #tpu.memory_space<hbm>> -> memref<80x128xi32, #tpu.memory_space<hbm>>
      tpu.enqueue_dma source(%dma_start3A_74 : memref<80x128xi32, #tpu.memory_space<hbm>>) target(%arg7 : memref<80x128xi32, #tpu.memory_space<vmem>>) target_semaphore(%run_scoped3A : memref<!tpu.dma_semaphore, #tpu.memory_space<semaphore_mem>>)
      %dma_wait3A_75 = arith.constant 0 : i32
      %dma_wait3A_76 = arith.constant 0 : i32
      %dma_wait3A_77 = tpu.memref_slice %arg3[%add3A, %dma_wait3A_75, %dma_wait3A_76] : memref<32x80x128xi32, #tpu.memory_space<hbm>> -> memref<1x80x128xi32, #tpu.memory_space<hbm>>
      %dma_wait3A_78 = tpu.memref_squeeze %dma_wait3A_77 : memref<1x80x128xi32, #tpu.memory_space<hbm>> -> memref<80x128xi32, #tpu.memory_space<hbm>>
      %dma_wait3A_79 = arith.constant 0 : i32
      %dma_wait3A_80 = arith.constant 0 : i32
      %dma_wait3A_81 = tpu.memref_slice %arg3[%add3A, %dma_wait3A_79, %dma_wait3A_80] : memref<32x80x128xi32, #tpu.memory_space<hbm>> -> memref<1x80x128xi32, #tpu.memory_space<hbm>>
      %dma_wait3A_82 = tpu.memref_squeeze %dma_wait3A_81 : memref<1x80x128xi32, #tpu.memory_space<hbm>> -> memref<80x128xi32, #tpu.memory_space<hbm>>
      tpu.wait_dma2 semaphore(%run_scoped3A : memref<!tpu.dma_semaphore, #tpu.memory_space<semaphore_mem>>) src(%dma_wait3A_82 : memref<80x128xi32, #tpu.memory_space<hbm>>) dst(%arg7 : memref<80x128xi32, #tpu.memory_space<vmem>>)
      tpu.yield
    }) : () -> ()
    "tpu.region"() ({
      %run_scoped3A = tpu.sem_alloc : memref<!tpu.dma_semaphore, #tpu.memory_space<semaphore_mem>>
      %dma_start3A_67 = arith.constant 0 : i32
      %dma_start3A_68 = arith.constant 0 : i32
      %dma_start3A_69 = tpu.memref_slice %arg4[%add3A, %dma_start3A_67, %dma_start3A_68] : memref<32x80x128xi32, #tpu.memory_space<hbm>> -> memref<1x80x128xi32, #tpu.memory_space<hbm>>
      %dma_start3A_70 = tpu.memref_squeeze %dma_start3A_69 : memref<1x80x128xi32, #tpu.memory_space<hbm>> -> memref<80x128xi32, #tpu.memory_space<hbm>>
      %dma_start3A_71 = arith.constant 0 : i32
      %dma_start3A_72 = arith.constant 0 : i32
      %dma_start3A_73 = tpu.memref_slice %arg4[%add3A, %dma_start3A_71, %dma_start3A_72] : memref<32x80x128xi32, #tpu.memory_space<hbm>> -> memref<1x80x128xi32, #tpu.memory_space<hbm>>
      %dma_start3A_74 = tpu.memref_squeeze %dma_start3A_73 : memref<1x80x128xi32, #tpu.memory_space<hbm>> -> memref<80x128xi32, #tpu.memory_space<hbm>>
      tpu.enqueue_dma source(%dma_start3A_74 : memref<80x128xi32, #tpu.memory_space<hbm>>) target(%arg8 : memref<80x128xi32, #tpu.memory_space<vmem>>) target_semaphore(%run_scoped3A : memref<!tpu.dma_semaphore, #tpu.memory_space<semaphore_mem>>)
      %dma_wait3A_75 = arith.constant 0 : i32
      %dma_wait3A_76 = arith.constant 0 : i32
      %dma_wait3A_77 = tpu.memref_slice %arg4[%add3A, %dma_wait3A_75, %dma_wait3A_76] : memref<32x80x128xi32, #tpu.memory_space<hbm>> -> memref<1x80x128xi32, #tpu.memory_space<hbm>>
      %dma_wait3A_78 = tpu.memref_squeeze %dma_wait3A_77 : memref<1x80x128xi32, #tpu.memory_space<hbm>> -> memref<80x128xi32, #tpu.memory_space<hbm>>
      %dma_wait3A_79 = arith.constant 0 : i32
      %dma_wait3A_80 = arith.constant 0 : i32
      %dma_wait3A_81 = tpu.memref_slice %arg4[%add3A, %dma_wait3A_79, %dma_wait3A_80] : memref<32x80x128xi32, #tpu.memory_space<hbm>> -> memref<1x80x128xi32, #tpu.memory_space<hbm>>
      %dma_wait3A_82 = tpu.memref_squeeze %dma_wait3A_81 : memref<1x80x128xi32, #tpu.memory_space<hbm>> -> memref<80x128xi32, #tpu.memory_space<hbm>>
      tpu.wait_dma2 semaphore(%run_scoped3A : memref<!tpu.dma_semaphore, #tpu.memory_space<semaphore_mem>>) src(%dma_wait3A_82 : memref<80x128xi32, #tpu.memory_space<hbm>>) dst(%arg8 : memref<80x128xi32, #tpu.memory_space<vmem>>)
      tpu.yield
    }) : () -> ()
    %mul3A_1 = arith.constant 624 : i32
    %mul3A_2 = arith.muli %arg1, %mul3A_1 : i32
    "tpu.region"() ({
      %run_scoped3A = tpu.sem_alloc : memref<!tpu.dma_semaphore, #tpu.memory_space<semaphore_mem>>
      %dma_start3A_67 = arith.constant 0 : i32
      %dma_start3A_68 = tpu.memref_slice %arg10[%mul3A_2, %dma_start3A_67] : memref<10008x16xf32, #tpu.memory_space<vmem_shared>> -> memref<624x16xf32, #tpu.memory_space<vmem_shared>>
      tpu.enqueue_dma source(%arg5 : memref<624x16xf32, #tpu.memory_space<hbm>>) target(%dma_start3A_68 : memref<624x16xf32, #tpu.memory_space<vmem_shared>>) target_semaphore(%run_scoped3A : memref<!tpu.dma_semaphore, #tpu.memory_space<semaphore_mem>>)
      %dma_wait3A_69 = arith.constant 0 : i32
      %dma_wait3A_70 = tpu.memref_slice %arg10[%mul3A_2, %dma_wait3A_69] : memref<10008x16xf32, #tpu.memory_space<vmem_shared>> -> memref<624x16xf32, #tpu.memory_space<vmem_shared>>
      tpu.wait_dma2 semaphore(%run_scoped3A : memref<!tpu.dma_semaphore, #tpu.memory_space<semaphore_mem>>) src(%arg5 : memref<624x16xf32, #tpu.memory_space<hbm>>) dst(%dma_wait3A_70 : memref<624x16xf32, #tpu.memory_space<vmem_shared>>)
      tpu.yield
    }) : () -> ()
    %eq3A = arith.constant 15 : i32
    %eq3A_3 = arith.cmpi eq, %arg1, %eq3A : i32
    %convert_element_type3A = arith.extui %eq3A_3 : i1 to i32
    %cond3A = arith.constant 0 : i32
    %cond3A_4 = arith.cmpi ne, %convert_element_type3A, %cond3A : i32
    scf.if %cond3A_4 {
      "tpu.region"() ({
        %run_scoped3A = tpu.sem_alloc : memref<!tpu.dma_semaphore, #tpu.memory_space<semaphore_mem>>
        %dma_start3A_67 = arith.constant 9984 : i32
        %dma_start3A_68 = arith.constant 0 : i32
        %dma_start3A_69 = tpu.memref_slice %arg10[%dma_start3A_67, %dma_start3A_68] : memref<10008x16xf32, #tpu.memory_space<vmem_shared>> -> memref<24x16xf32, #tpu.memory_space<vmem_shared>>
        %dma_start3A_70 = arith.constant 0 : i32
        %dma_start3A_71 = arith.constant 0 : i32
        %dma_start3A_72 = tpu.memref_slice %arg5[%dma_start3A_70, %dma_start3A_71] : memref<624x16xf32, #tpu.memory_space<hbm>> -> memref<24x16xf32, #tpu.memory_space<hbm>>
        tpu.enqueue_dma source(%dma_start3A_72 : memref<24x16xf32, #tpu.memory_space<hbm>>) target(%dma_start3A_69 : memref<24x16xf32, #tpu.memory_space<vmem_shared>>) target_semaphore(%run_scoped3A : memref<!tpu.dma_semaphore, #tpu.memory_space<semaphore_mem>>)
        %dma_wait3A_73 = arith.constant 9984 : i32
        %dma_wait3A_74 = arith.constant 0 : i32
        %dma_wait3A_75 = tpu.memref_slice %arg10[%dma_wait3A_73, %dma_wait3A_74] : memref<10008x16xf32, #tpu.memory_space<vmem_shared>> -> memref<24x16xf32, #tpu.memory_space<vmem_shared>>
        %dma_wait3A_76 = arith.constant 0 : i32
        %dma_wait3A_77 = arith.constant 0 : i32
        %dma_wait3A_78 = tpu.memref_slice %arg5[%dma_wait3A_76, %dma_wait3A_77] : memref<624x16xf32, #tpu.memory_space<hbm>> -> memref<24x16xf32, #tpu.memory_space<hbm>>
        tpu.wait_dma2 semaphore(%run_scoped3A : memref<!tpu.dma_semaphore, #tpu.memory_space<semaphore_mem>>) src(%dma_wait3A_78 : memref<24x16xf32, #tpu.memory_space<hbm>>) dst(%dma_wait3A_75 : memref<24x16xf32, #tpu.memory_space<vmem_shared>>)
        tpu.yield
      }) : () -> ()
    } else {
    }
    %barrier3A = arith.constant 0 : index
    tpu.barrier barrier_id(%barrier3A)
    %dma_start3A = arith.constant 0 : i32
    %dma_start3A_5 = arith.constant 0 : i32
    %dma_start3A_6 = arith.constant 0 : i32
    %dma_start3A_7 = arith.constant 0 : i32
    %dma_start3A_8 = tpu.memref_slice %arg9[%dma_start3A_5, %dma_start3A_6, %dma_start3A_7] : memref<4x128x16xf32, #tpu.memory_space<vmem>> -> memref<1x128x16xf32, #tpu.memory_space<vmem>>
    %dma_start3A_9 = tpu.memref_squeeze %dma_start3A_8 : memref<1x128x16xf32, #tpu.memory_space<vmem>> -> memref<128x16xf32, #tpu.memory_space<vmem>>
    %dma_start3A_10 = arith.constant 0 : i32
    %dma_start3A_11 = tpu.memref_slice %arg7[%dma_start3A, %dma_start3A_10] : memref<80x128xi32, #tpu.memory_space<vmem>> -> memref<1x128xi32, #tpu.memory_space<vmem>>
    %dma_start3A_12 = tpu.memref_squeeze %dma_start3A_11 : memref<1x128xi32, #tpu.memory_space<vmem>> -> memref<128xi32, #tpu.memory_space<vmem>>
    %dma_start3A_13 = arith.constant 0 : i32
    %dma_start3A_14 = arith.constant 0 : i32
    %dma_start3A_15 = tpu.memref_slice %arg2[%dma_start3A_13, %dma_start3A_14] : memref<10008x16xf32, #tpu.memory_space<hbm>> -> memref<10008x16xf32, #tpu.memory_space<hbm>>
    tpu.enqueue_indirect_dma source(%dma_start3A_15 : memref<10008x16xf32, #tpu.memory_space<hbm>>) target(%dma_start3A_9 : memref<128x16xf32, #tpu.memory_space<vmem>>) offsets(%dma_start3A_12 : memref<128xi32, #tpu.memory_space<vmem>>) semaphore(%arg11 : memref<!tpu.dma_semaphore, #tpu.memory_space<semaphore_mem>>)
    %dma_start3A_16 = arith.constant 1 : i32
    %dma_start3A_17 = arith.constant 1 : i32
    %dma_start3A_18 = arith.constant 0 : i32
    %dma_start3A_19 = arith.constant 0 : i32
    %dma_start3A_20 = tpu.memref_slice %arg9[%dma_start3A_17, %dma_start3A_18, %dma_start3A_19] : memref<4x128x16xf32, #tpu.memory_space<vmem>> -> memref<1x128x16xf32, #tpu.memory_space<vmem>>
    %dma_start3A_21 = tpu.memref_squeeze %dma_start3A_20 : memref<1x128x16xf32, #tpu.memory_space<vmem>> -> memref<128x16xf32, #tpu.memory_space<vmem>>
    %dma_start3A_22 = arith.constant 0 : i32
    %dma_start3A_23 = tpu.memref_slice %arg7[%dma_start3A_16, %dma_start3A_22] : memref<80x128xi32, #tpu.memory_space<vmem>> -> memref<1x128xi32, #tpu.memory_space<vmem>>
    %dma_start3A_24 = tpu.memref_squeeze %dma_start3A_23 : memref<1x128xi32, #tpu.memory_space<vmem>> -> memref<128xi32, #tpu.memory_space<vmem>>
    %dma_start3A_25 = arith.constant 0 : i32
    %dma_start3A_26 = arith.constant 0 : i32
    %dma_start3A_27 = tpu.memref_slice %arg2[%dma_start3A_25, %dma_start3A_26] : memref<10008x16xf32, #tpu.memory_space<hbm>> -> memref<10008x16xf32, #tpu.memory_space<hbm>>
    tpu.enqueue_indirect_dma source(%dma_start3A_27 : memref<10008x16xf32, #tpu.memory_space<hbm>>) target(%dma_start3A_21 : memref<128x16xf32, #tpu.memory_space<vmem>>) offsets(%dma_start3A_24 : memref<128xi32, #tpu.memory_space<vmem>>) semaphore(%arg11 : memref<!tpu.dma_semaphore, #tpu.memory_space<semaphore_mem>>)
    %dma_start3A_28 = arith.constant 2 : i32
    %dma_start3A_29 = arith.constant 2 : i32
    %dma_start3A_30 = arith.constant 0 : i32
    %dma_start3A_31 = arith.constant 0 : i32
    %dma_start3A_32 = tpu.memref_slice %arg9[%dma_start3A_29, %dma_start3A_30, %dma_start3A_31] : memref<4x128x16xf32, #tpu.memory_space<vmem>> -> memref<1x128x16xf32, #tpu.memory_space<vmem>>
    %dma_start3A_33 = tpu.memref_squeeze %dma_start3A_32 : memref<1x128x16xf32, #tpu.memory_space<vmem>> -> memref<128x16xf32, #tpu.memory_space<vmem>>
    %dma_start3A_34 = arith.constant 0 : i32
    %dma_start3A_35 = tpu.memref_slice %arg7[%dma_start3A_28, %dma_start3A_34] : memref<80x128xi32, #tpu.memory_space<vmem>> -> memref<1x128xi32, #tpu.memory_space<vmem>>
    %dma_start3A_36 = tpu.memref_squeeze %dma_start3A_35 : memref<1x128xi32, #tpu.memory_space<vmem>> -> memref<128xi32, #tpu.memory_space<vmem>>
    %dma_start3A_37 = arith.constant 0 : i32
    %dma_start3A_38 = arith.constant 0 : i32
    %dma_start3A_39 = tpu.memref_slice %arg2[%dma_start3A_37, %dma_start3A_38] : memref<10008x16xf32, #tpu.memory_space<hbm>> -> memref<10008x16xf32, #tpu.memory_space<hbm>>
    tpu.enqueue_indirect_dma source(%dma_start3A_39 : memref<10008x16xf32, #tpu.memory_space<hbm>>) target(%dma_start3A_33 : memref<128x16xf32, #tpu.memory_space<vmem>>) offsets(%dma_start3A_36 : memref<128xi32, #tpu.memory_space<vmem>>) semaphore(%arg11 : memref<!tpu.dma_semaphore, #tpu.memory_space<semaphore_mem>>)
    %scan3A = arith.constant 0 : i32
    %scan3A_40 = arith.constant 0 : i32
    %scan3A_41 = arith.constant 80 : i32
    %scan3A_42 = arith.addi %scan3A_40, %scan3A_41 : i32
    %scan3A_43 = arith.constant 1 : i32
    scf.for %scan3A_67 = %scan3A_40 to %scan3A_42 step %scan3A_43  : i32 {
      %rem3A_68 = arith.constant 4 : i32
      %rem3A_69 = arith.remsi %scan3A_67, %rem3A_68 : i32
      %dma_wait3A_70 = arith.constant 0 : i32
      %dma_wait3A_71 = arith.constant 0 : i32
      %dma_wait3A_72 = tpu.memref_slice %arg9[%rem3A_69, %dma_wait3A_70, %dma_wait3A_71] : memref<4x128x16xf32, #tpu.memory_space<vmem>> -> memref<1x128x16xf32, #tpu.memory_space<vmem>>
      %dma_wait3A_73 = tpu.memref_squeeze %dma_wait3A_72 : memref<1x128x16xf32, #tpu.memory_space<vmem>> -> memref<128x16xf32, #tpu.memory_space<vmem>>
      %dma_wait3A_74 = arith.constant 0 : i32
      %dma_wait3A_75 = tpu.memref_slice %arg7[%scan3A_67, %dma_wait3A_74] : memref<80x128xi32, #tpu.memory_space<vmem>> -> memref<1x128xi32, #tpu.memory_space<vmem>>
      %dma_wait3A_76 = tpu.memref_squeeze %dma_wait3A_75 : memref<1x128xi32, #tpu.memory_space<vmem>> -> memref<128xi32, #tpu.memory_space<vmem>>
      %dma_wait3A_77 = arith.constant 0 : i32
      %dma_wait3A_78 = arith.constant 0 : i32
      %dma_wait3A_79 = tpu.memref_slice %arg2[%dma_wait3A_77, %dma_wait3A_78] : memref<10008x16xf32, #tpu.memory_space<hbm>> -> memref<10008x16xf32, #tpu.memory_space<hbm>>
      tpu.wait_indirect_dma semaphore(%arg11 : memref<!tpu.dma_semaphore, #tpu.memory_space<semaphore_mem>>) src(%dma_wait3A_79 : memref<10008x16xf32, #tpu.memory_space<hbm>>) dst(%dma_wait3A_73 : memref<128x16xf32, #tpu.memory_space<vmem>>)
      %ge3A = arith.constant 1 : i32
      %ge3A_80 = arith.cmpi sge, %scan3A_67, %ge3A : i32
      %convert_element_type3A_81 = arith.extui %ge3A_80 : i1 to i32
      %cond3A_82 = arith.constant 0 : i32
      %cond3A_83 = arith.cmpi ne, %convert_element_type3A_81, %cond3A_82 : i32
      scf.if %cond3A_83 {
        %add3A_100 = arith.constant 3 : i32
        %add3A_101 = arith.addi %scan3A_67, %add3A_100 : i32
        %rem3A_102 = arith.constant 4 : i32
        %rem3A_103 = arith.remsi %add3A_101, %rem3A_102 : i32
        %dma_wait3A_104 = arith.constant 0 : i32
        %dma_wait3A_105 = arith.constant 0 : i32
        %dma_wait3A_106 = tpu.memref_slice %arg9[%rem3A_103, %dma_wait3A_104, %dma_wait3A_105] : memref<4x128x16xf32, #tpu.memory_space<vmem>> -> memref<1x128x16xf32, #tpu.memory_space<vmem>>
        %dma_wait3A_107 = tpu.memref_squeeze %dma_wait3A_106 : memref<1x128x16xf32, #tpu.memory_space<vmem>> -> memref<128x16xf32, #tpu.memory_space<vmem>>
        %dma_wait3A_108 = arith.constant 0 : i32
        %dma_wait3A_109 = tpu.memref_slice %arg8[%scan3A_67, %dma_wait3A_108] : memref<80x128xi32, #tpu.memory_space<vmem>> -> memref<1x128xi32, #tpu.memory_space<vmem>>
        %dma_wait3A_110 = tpu.memref_squeeze %dma_wait3A_109 : memref<1x128xi32, #tpu.memory_space<vmem>> -> memref<128xi32, #tpu.memory_space<vmem>>
        %dma_wait3A_111 = arith.constant 0 : i32
        %dma_wait3A_112 = arith.constant 0 : i32
        %dma_wait3A_113 = tpu.memref_slice %arg10[%dma_wait3A_111, %dma_wait3A_112] : memref<10008x16xf32, #tpu.memory_space<vmem_shared>> -> memref<10008x16xf32, #tpu.memory_space<vmem_shared>>
        tpu.wait_indirect_dma semaphore(%arg12 : memref<!tpu.dma_semaphore, #tpu.memory_space<semaphore_mem>>) src(%dma_wait3A_107 : memref<128x16xf32, #tpu.memory_space<vmem>>) dst(%dma_wait3A_113 : memref<10008x16xf32, #tpu.memory_space<vmem_shared>>)
      } else {
      }
      %add3A_84 = arith.constant 3 : i32
      %add3A_85 = arith.addi %scan3A_67, %add3A_84 : i32
      %lt3A = arith.constant 80 : i32
      %lt3A_86 = arith.cmpi slt, %add3A_85, %lt3A : i32
      %convert_element_type3A_87 = arith.extui %lt3A_86 : i1 to i32
      %cond3A_88 = arith.constant 0 : i32
      %cond3A_89 = arith.cmpi ne, %convert_element_type3A_87, %cond3A_88 : i32
      scf.if %cond3A_89 {
        %add3A_100 = arith.constant 3 : i32
        %add3A_101 = arith.addi %scan3A_67, %add3A_100 : i32
        %add3A_102 = arith.constant 3 : i32
        %add3A_103 = arith.addi %scan3A_67, %add3A_102 : i32
        %rem3A_104 = arith.constant 4 : i32
        %rem3A_105 = arith.remsi %add3A_103, %rem3A_104 : i32
        %dma_start3A_106 = arith.constant 0 : i32
        %dma_start3A_107 = arith.constant 0 : i32
        %dma_start3A_108 = tpu.memref_slice %arg9[%rem3A_105, %dma_start3A_106, %dma_start3A_107] : memref<4x128x16xf32, #tpu.memory_space<vmem>> -> memref<1x128x16xf32, #tpu.memory_space<vmem>>
        %dma_start3A_109 = tpu.memref_squeeze %dma_start3A_108 : memref<1x128x16xf32, #tpu.memory_space<vmem>> -> memref<128x16xf32, #tpu.memory_space<vmem>>
        %dma_start3A_110 = arith.constant 0 : i32
        %dma_start3A_111 = tpu.memref_slice %arg7[%add3A_101, %dma_start3A_110] : memref<80x128xi32, #tpu.memory_space<vmem>> -> memref<1x128xi32, #tpu.memory_space<vmem>>
        %dma_start3A_112 = tpu.memref_squeeze %dma_start3A_111 : memref<1x128xi32, #tpu.memory_space<vmem>> -> memref<128xi32, #tpu.memory_space<vmem>>
        %dma_start3A_113 = arith.constant 0 : i32
        %dma_start3A_114 = arith.constant 0 : i32
        %dma_start3A_115 = tpu.memref_slice %arg2[%dma_start3A_113, %dma_start3A_114] : memref<10008x16xf32, #tpu.memory_space<hbm>> -> memref<10008x16xf32, #tpu.memory_space<hbm>>
        tpu.enqueue_indirect_dma source(%dma_start3A_115 : memref<10008x16xf32, #tpu.memory_space<hbm>>) target(%dma_start3A_109 : memref<128x16xf32, #tpu.memory_space<vmem>>) offsets(%dma_start3A_112 : memref<128xi32, #tpu.memory_space<vmem>>) semaphore(%arg11 : memref<!tpu.dma_semaphore, #tpu.memory_space<semaphore_mem>>)
      } else {
      }
      %dma_start3A_90 = arith.constant 0 : i32
      %dma_start3A_91 = arith.constant 0 : i32
      %dma_start3A_92 = tpu.memref_slice %arg9[%rem3A_69, %dma_start3A_90, %dma_start3A_91] : memref<4x128x16xf32, #tpu.memory_space<vmem>> -> memref<1x128x16xf32, #tpu.memory_space<vmem>>
      %dma_start3A_93 = tpu.memref_squeeze %dma_start3A_92 : memref<1x128x16xf32, #tpu.memory_space<vmem>> -> memref<128x16xf32, #tpu.memory_space<vmem>>
      %dma_start3A_94 = arith.constant 0 : i32
      %dma_start3A_95 = tpu.memref_slice %arg8[%scan3A_67, %dma_start3A_94] : memref<80x128xi32, #tpu.memory_space<vmem>> -> memref<1x128xi32, #tpu.memory_space<vmem>>
      %dma_start3A_96 = tpu.memref_squeeze %dma_start3A_95 : memref<1x128xi32, #tpu.memory_space<vmem>> -> memref<128xi32, #tpu.memory_space<vmem>>
      %dma_start3A_97 = arith.constant 0 : i32
      %dma_start3A_98 = arith.constant 0 : i32
      %dma_start3A_99 = tpu.memref_slice %arg10[%dma_start3A_97, %dma_start3A_98] : memref<10008x16xf32, #tpu.memory_space<vmem_shared>> -> memref<10008x16xf32, #tpu.memory_space<vmem_shared>>
      tpu.enqueue_indirect_dma source(%dma_start3A_93 : memref<128x16xf32, #tpu.memory_space<vmem>>) target(%dma_start3A_99 : memref<10008x16xf32, #tpu.memory_space<vmem_shared>>) offsets(%dma_start3A_96 : memref<128xi32, #tpu.memory_space<vmem>>) semaphore(%arg12 : memref<!tpu.dma_semaphore, #tpu.memory_space<semaphore_mem>>) {add = true}
    }
    %scan3A_44 = arith.constant 80 : i32
    %rem3A = arith.constant 79 : i32
    %rem3A_45 = arith.constant 4 : i32
    %rem3A_46 = arith.remsi %rem3A, %rem3A_45 : i32
    %dma_wait3A = arith.constant 79 : i32
    %dma_wait3A_47 = arith.constant 0 : i32
    %dma_wait3A_48 = arith.constant 0 : i32
    %dma_wait3A_49 = tpu.memref_slice %arg9[%rem3A_46, %dma_wait3A_47, %dma_wait3A_48] : memref<4x128x16xf32, #tpu.memory_space<vmem>> -> memref<1x128x16xf32, #tpu.memory_space<vmem>>
    %dma_wait3A_50 = tpu.memref_squeeze %dma_wait3A_49 : memref<1x128x16xf32, #tpu.memory_space<vmem>> -> memref<128x16xf32, #tpu.memory_space<vmem>>
    %dma_wait3A_51 = arith.constant 0 : i32
    %dma_wait3A_52 = tpu.memref_slice %arg8[%dma_wait3A, %dma_wait3A_51] : memref<80x128xi32, #tpu.memory_space<vmem>> -> memref<1x128xi32, #tpu.memory_space<vmem>>
    %dma_wait3A_53 = tpu.memref_squeeze %dma_wait3A_52 : memref<1x128xi32, #tpu.memory_space<vmem>> -> memref<128xi32, #tpu.memory_space<vmem>>
    %dma_wait3A_54 = arith.constant 0 : i32
    %dma_wait3A_55 = arith.constant 0 : i32
    %dma_wait3A_56 = tpu.memref_slice %arg10[%dma_wait3A_54, %dma_wait3A_55] : memref<10008x16xf32, #tpu.memory_space<vmem_shared>> -> memref<10008x16xf32, #tpu.memory_space<vmem_shared>>
    tpu.wait_indirect_dma semaphore(%arg12 : memref<!tpu.dma_semaphore, #tpu.memory_space<semaphore_mem>>) src(%dma_wait3A_50 : memref<128x16xf32, #tpu.memory_space<vmem>>) dst(%dma_wait3A_56 : memref<10008x16xf32, #tpu.memory_space<vmem_shared>>)
    %barrier3A_57 = arith.constant 0 : index
    tpu.barrier barrier_id(%barrier3A_57)
    %mul3A_58 = arith.constant 624 : i32
    %mul3A_59 = arith.muli %arg1, %mul3A_58 : i32
    %mul3A_60 = arith.constant 624 : i32
    %mul3A_61 = arith.muli %arg1, %mul3A_60 : i32
    "tpu.region"() ({
      %run_scoped3A = tpu.sem_alloc : memref<!tpu.dma_semaphore, #tpu.memory_space<semaphore_mem>>
      %dma_start3A_67 = arith.constant 0 : i32
      %dma_start3A_68 = tpu.memref_slice %arg6[%arg0, %mul3A_61, %dma_start3A_67] : memref<2x10008x16xf32, #tpu.memory_space<hbm>> -> memref<1x624x16xf32, #tpu.memory_space<hbm>>
      %dma_start3A_69 = tpu.memref_squeeze %dma_start3A_68 : memref<1x624x16xf32, #tpu.memory_space<hbm>> -> memref<624x16xf32, #tpu.memory_space<hbm>>
      %dma_start3A_70 = arith.constant 0 : i32
      %dma_start3A_71 = tpu.memref_slice %arg10[%mul3A_59, %dma_start3A_70] : memref<10008x16xf32, #tpu.memory_space<vmem_shared>> -> memref<624x16xf32, #tpu.memory_space<vmem_shared>>
      tpu.enqueue_dma source(%dma_start3A_71 : memref<624x16xf32, #tpu.memory_space<vmem_shared>>) target(%dma_start3A_69 : memref<624x16xf32, #tpu.memory_space<hbm>>) target_semaphore(%run_scoped3A : memref<!tpu.dma_semaphore, #tpu.memory_space<semaphore_mem>>)
      %dma_wait3A_72 = arith.constant 0 : i32
      %dma_wait3A_73 = tpu.memref_slice %arg6[%arg0, %mul3A_61, %dma_wait3A_72] : memref<2x10008x16xf32, #tpu.memory_space<hbm>> -> memref<1x624x16xf32, #tpu.memory_space<hbm>>
      %dma_wait3A_74 = tpu.memref_squeeze %dma_wait3A_73 : memref<1x624x16xf32, #tpu.memory_space<hbm>> -> memref<624x16xf32, #tpu.memory_space<hbm>>
      %dma_wait3A_75 = arith.constant 0 : i32
      %dma_wait3A_76 = tpu.memref_slice %arg10[%mul3A_59, %dma_wait3A_75] : memref<10008x16xf32, #tpu.memory_space<vmem_shared>> -> memref<624x16xf32, #tpu.memory_space<vmem_shared>>
      tpu.wait_dma2 semaphore(%run_scoped3A : memref<!tpu.dma_semaphore, #tpu.memory_space<semaphore_mem>>) src(%dma_wait3A_76 : memref<624x16xf32, #tpu.memory_space<vmem_shared>>) dst(%dma_wait3A_74 : memref<624x16xf32, #tpu.memory_space<hbm>>)
      tpu.yield
    }) : () -> ()
    %eq3A_62 = arith.constant 15 : i32
    %eq3A_63 = arith.cmpi eq, %arg1, %eq3A_62 : i32
    %convert_element_type3A_64 = arith.extui %eq3A_63 : i1 to i32
    %cond3A_65 = arith.constant 0 : i32
    %cond3A_66 = arith.cmpi ne, %convert_element_type3A_64, %cond3A_65 : i32
    scf.if %cond3A_66 {
      "tpu.region"() ({
        %run_scoped3A = tpu.sem_alloc : memref<!tpu.dma_semaphore, #tpu.memory_space<semaphore_mem>>
        %dma_start3A_67 = arith.constant 9984 : i32
        %dma_start3A_68 = arith.constant 0 : i32
        %dma_start3A_69 = tpu.memref_slice %arg6[%arg0, %dma_start3A_67, %dma_start3A_68] : memref<2x10008x16xf32, #tpu.memory_space<hbm>> -> memref<1x24x16xf32, #tpu.memory_space<hbm>>
        %dma_start3A_70 = tpu.memref_squeeze %dma_start3A_69 : memref<1x24x16xf32, #tpu.memory_space<hbm>> -> memref<24x16xf32, #tpu.memory_space<hbm>>
        %dma_start3A_71 = arith.constant 9984 : i32
        %dma_start3A_72 = arith.constant 0 : i32
        %dma_start3A_73 = tpu.memref_slice %arg10[%dma_start3A_71, %dma_start3A_72] : memref<10008x16xf32, #tpu.memory_space<vmem_shared>> -> memref<24x16xf32, #tpu.memory_space<vmem_shared>>
        tpu.enqueue_dma source(%dma_start3A_73 : memref<24x16xf32, #tpu.memory_space<vmem_shared>>) target(%dma_start3A_70 : memref<24x16xf32, #tpu.memory_space<hbm>>) target_semaphore(%run_scoped3A : memref<!tpu.dma_semaphore, #tpu.memory_space<semaphore_mem>>)
        %dma_wait3A_74 = arith.constant 9984 : i32
        %dma_wait3A_75 = arith.constant 0 : i32
        %dma_wait3A_76 = tpu.memref_slice %arg6[%arg0, %dma_wait3A_74, %dma_wait3A_75] : memref<2x10008x16xf32, #tpu.memory_space<hbm>> -> memref<1x24x16xf32, #tpu.memory_space<hbm>>
        %dma_wait3A_77 = tpu.memref_squeeze %dma_wait3A_76 : memref<1x24x16xf32, #tpu.memory_space<hbm>> -> memref<24x16xf32, #tpu.memory_space<hbm>>
        %dma_wait3A_78 = arith.constant 9984 : i32
        %dma_wait3A_79 = arith.constant 0 : i32
        %dma_wait3A_80 = tpu.memref_slice %arg10[%dma_wait3A_78, %dma_wait3A_79] : memref<10008x16xf32, #tpu.memory_space<vmem_shared>> -> memref<24x16xf32, #tpu.memory_space<vmem_shared>>
        tpu.wait_dma2 semaphore(%run_scoped3A : memref<!tpu.dma_semaphore, #tpu.memory_space<semaphore_mem>>) src(%dma_wait3A_80 : memref<24x16xf32, #tpu.memory_space<vmem_shared>>) dst(%dma_wait3A_77 : memref<24x16xf32, #tpu.memory_space<hbm>>)
        tpu.yield
      }) : () -> ()
    } else {
    }
    return
  }
}

#map = affine_map<(d0, d1) -> (0, 0)>
#map1 = affine_map<(d0, d1) -> (0, 0, 0)>
module attributes {stable_mosaic.version = 14 : i64} {
  func.func @k(%arg0: i32, %arg1: i32, %arg2: memref<10008x16xf32, #tpu.memory_space<hbm>>, %arg3: memref<32x80x128xi32, #tpu.memory_space<hbm>>, %arg4: memref<32x80x128xi32, #tpu.memory_space<hbm>>, %arg5: memref<624x16xf32, #tpu.memory_space<hbm>>, %arg6: memref<2x10008x16xf32, #tpu.memory_space<hbm>>, %arg7: memref<80x128xi32, #tpu.memory_space<vmem>>, %arg8: memref<80x128xi32, #tpu.memory_space<vmem>>, %arg9: memref<4x128x16xf32, #tpu.memory_space<vmem>>, %arg10: memref<10008x16xf32, #tpu.memory_space<vmem_shared>>, %arg11: memref<!tpu.dma_semaphore, #tpu.memory_space<semaphore_mem>>, %arg12: memref<!tpu.dma_semaphore, #tpu.memory_space<semaphore_mem>>) attributes {dimension_semantics = [#tpu.dimension_semantics<core_parallel>, #tpu.dimension_semantics<subcore_parallel>], iteration_bounds = array<i64: 2, 16>, scalar_prefetch = 0 : i64, scratch_operands = 6 : i64, tpu.core_type = #tpu.core_type<sc_vector_subcore>, window_params = [{transform_indices = #map}, {transform_indices = #map1}, {transform_indices = #map1}, {transform_indices = #map}, {transform_indices = #map1}]} {
    %mul3A = arith.constant 2 : i32
    %mul3A_0 = arith.muli %arg1, %mul3A : i32
    %add3A = arith.addi %mul3A_0, %arg0 : i32
    "tpu.region"() ({
      %run_scoped3A = tpu.sem_alloc : memref<!tpu.dma_semaphore, #tpu.memory_space<semaphore_mem>>
      %dma_start3A_67 = arith.constant 0 : i32
      %dma_start3A_68 = arith.constant 0 : i32
      %dma_start3A_69 = tpu.memref_slice %arg3[%add3A, %dma_start3A_67, %dma_start3A_68] : memref<32x80x128xi32, #tpu.memory_space<hbm>> -> memref<1x80x128xi32, #tpu.memory_space<hbm>>
      %dma_start3A_70 = tpu.memref_squeeze %dma_start3A_69 : memref<1x80x128xi32, #tpu.memory_space<hbm>> -> memref<80x128xi32, #tpu.memory_space<hbm>>
      %dma_start3A_71 = arith.constant 0 : i32
      %dma_start3A_72 = arith.constant 0 : i32
      %dma_start3A_73 = tpu.memref_slice %arg3[%add3A, %dma_start3A_71, %dma_start3A_72] : memref<32x80x128xi32, #tpu.memory_space<hbm>> -> memref<1x80x128xi32, #tpu.memory_space<hbm>>
      %dma_start3A_74 = tpu.memref_squeeze %dma_start3A_73 : memref<1x80x128xi32, #tpu.memory_space<hbm>> -> memref<80x128xi32, #tpu.memory_space<hbm>>
      tpu.enqueue_dma source(%dma_start3A_74 : memref<80x128xi32, #tpu.memory_space<hbm>>) target(%arg7 : memref<80x128xi32, #tpu.memory_space<vmem>>) target_semaphore(%run_scoped3A : memref<!tpu.dma_semaphore, #tpu.memory_space<semaphore_mem>>)
      %dma_wait3A_75 = arith.constant 0 : i32
      %dma_wait3A_76 = arith.constant 0 : i32
      %dma_wait3A_77 = tpu.memref_slice %arg3[%add3A, %dma_wait3A_75, %dma_wait3A_76] : memref<32x80x128xi32, #tpu.memory_space<hbm>> -> memref<1x80x128xi32, #tpu.memory_space<hbm>>
      %dma_wait3A_78 = tpu.memref_squeeze %dma_wait3A_77 : memref<1x80x128xi32, #tpu.memory_space<hbm>> -> memref<80x128xi32, #tpu.memory_space<hbm>>
      %dma_wait3A_79 = arith.constant 0 : i32
      %dma_wait3A_80 = arith.constant 0 : i32
      %dma_wait3A_81 = tpu.memref_slice %arg3[%add3A, %dma_wait3A_79, %dma_wait3A_80] : memref<32x80x128xi32, #tpu.memory_space<hbm>> -> memref<1x80x128xi32, #tpu.memory_space<hbm>>
      %dma_wait3A_82 = tpu.memref_squeeze %dma_wait3A_81 : memref<1x80x128xi32, #tpu.memory_space<hbm>> -> memref<80x128xi32, #tpu.memory_space<hbm>>
      tpu.wait_dma2 semaphore(%run_scoped3A : memref<!tpu.dma_semaphore, #tpu.memory_space<semaphore_mem>>) src(%dma_wait3A_82 : memref<80x128xi32, #tpu.memory_space<hbm>>) dst(%arg7 : memref<80x128xi32, #tpu.memory_space<vmem>>)
      tpu.yield
    }) : () -> ()
    "tpu.region"() ({
      %run_scoped3A = tpu.sem_alloc : memref<!tpu.dma_semaphore, #tpu.memory_space<semaphore_mem>>
      %dma_start3A_67 = arith.constant 0 : i32
      %dma_start3A_68 = arith.constant 0 : i32
      %dma_start3A_69 = tpu.memref_slice %arg4[%add3A, %dma_start3A_67, %dma_start3A_68] : memref<32x80x128xi32, #tpu.memory_space<hbm>> -> memref<1x80x128xi32, #tpu.memory_space<hbm>>
      %dma_start3A_70 = tpu.memref_squeeze %dma_start3A_69 : memref<1x80x128xi32, #tpu.memory_space<hbm>> -> memref<80x128xi32, #tpu.memory_space<hbm>>
      %dma_start3A_71 = arith.constant 0 : i32
      %dma_start3A_72 = arith.constant 0 : i32
      %dma_start3A_73 = tpu.memref_slice %arg4[%add3A, %dma_start3A_71, %dma_start3A_72] : memref<32x80x128xi32, #tpu.memory_space<hbm>> -> memref<1x80x128xi32, #tpu.memory_space<hbm>>
      %dma_start3A_74 = tpu.memref_squeeze %dma_start3A_73 : memref<1x80x128xi32, #tpu.memory_space<hbm>> -> memref<80x128xi32, #tpu.memory_space<hbm>>
      tpu.enqueue_dma source(%dma_start3A_74 : memref<80x128xi32, #tpu.memory_space<hbm>>) target(%arg8 : memref<80x128xi32, #tpu.memory_space<vmem>>) target_semaphore(%run_scoped3A : memref<!tpu.dma_semaphore, #tpu.memory_space<semaphore_mem>>)
      %dma_wait3A_75 = arith.constant 0 : i32
      %dma_wait3A_76 = arith.constant 0 : i32
      %dma_wait3A_77 = tpu.memref_slice %arg4[%add3A, %dma_wait3A_75, %dma_wait3A_76] : memref<32x80x128xi32, #tpu.memory_space<hbm>> -> memref<1x80x128xi32, #tpu.memory_space<hbm>>
      %dma_wait3A_78 = tpu.memref_squeeze %dma_wait3A_77 : memref<1x80x128xi32, #tpu.memory_space<hbm>> -> memref<80x128xi32, #tpu.memory_space<hbm>>
      %dma_wait3A_79 = arith.constant 0 : i32
      %dma_wait3A_80 = arith.constant 0 : i32
      %dma_wait3A_81 = tpu.memref_slice %arg4[%add3A, %dma_wait3A_79, %dma_wait3A_80] : memref<32x80x128xi32, #tpu.memory_space<hbm>> -> memref<1x80x128xi32, #tpu.memory_space<hbm>>
      %dma_wait3A_82 = tpu.memref_squeeze %dma_wait3A_81 : memref<1x80x128xi32, #tpu.memory_space<hbm>> -> memref<80x128xi32, #tpu.memory_space<hbm>>
      tpu.wait_dma2 semaphore(%run_scoped3A : memref<!tpu.dma_semaphore, #tpu.memory_space<semaphore_mem>>) src(%dma_wait3A_82 : memref<80x128xi32, #tpu.memory_space<hbm>>) dst(%arg8 : memref<80x128xi32, #tpu.memory_space<vmem>>)
      tpu.yield
    }) : () -> ()
    %mul3A_1 = arith.constant 624 : i32
    %mul3A_2 = arith.muli %arg1, %mul3A_1 : i32
    "tpu.region"() ({
      %run_scoped3A = tpu.sem_alloc : memref<!tpu.dma_semaphore, #tpu.memory_space<semaphore_mem>>
      %dma_start3A_67 = arith.constant 0 : i32
      %dma_start3A_68 = tpu.memref_slice %arg10[%mul3A_2, %dma_start3A_67] : memref<10008x16xf32, #tpu.memory_space<vmem_shared>> -> memref<624x16xf32, #tpu.memory_space<vmem_shared>>
      tpu.enqueue_dma source(%arg5 : memref<624x16xf32, #tpu.memory_space<hbm>>) target(%dma_start3A_68 : memref<624x16xf32, #tpu.memory_space<vmem_shared>>) target_semaphore(%run_scoped3A : memref<!tpu.dma_semaphore, #tpu.memory_space<semaphore_mem>>)
      %dma_wait3A_69 = arith.constant 0 : i32
      %dma_wait3A_70 = tpu.memref_slice %arg10[%mul3A_2, %dma_wait3A_69] : memref<10008x16xf32, #tpu.memory_space<vmem_shared>> -> memref<624x16xf32, #tpu.memory_space<vmem_shared>>
      tpu.wait_dma2 semaphore(%run_scoped3A : memref<!tpu.dma_semaphore, #tpu.memory_space<semaphore_mem>>) src(%arg5 : memref<624x16xf32, #tpu.memory_space<hbm>>) dst(%dma_wait3A_70 : memref<624x16xf32, #tpu.memory_space<vmem_shared>>)
      tpu.yield
    }) : () -> ()
    %eq3A = arith.constant 15 : i32
    %eq3A_3 = arith.cmpi eq, %arg1, %eq3A : i32
    %convert_element_type3A = arith.extui %eq3A_3 : i1 to i32
    %cond3A = arith.constant 0 : i32
    %cond3A_4 = arith.cmpi ne, %convert_element_type3A, %cond3A : i32
    scf.if %cond3A_4 {
      "tpu.region"() ({
        %run_scoped3A = tpu.sem_alloc : memref<!tpu.dma_semaphore, #tpu.memory_space<semaphore_mem>>
        %dma_start3A_67 = arith.constant 9984 : i32
        %dma_start3A_68 = arith.constant 0 : i32
        %dma_start3A_69 = tpu.memref_slice %arg10[%dma_start3A_67, %dma_start3A_68] : memref<10008x16xf32, #tpu.memory_space<vmem_shared>> -> memref<24x16xf32, #tpu.memory_space<vmem_shared>>
        %dma_start3A_70 = arith.constant 0 : i32
        %dma_start3A_71 = arith.constant 0 : i32
        %dma_start3A_72 = tpu.memref_slice %arg5[%dma_start3A_70, %dma_start3A_71] : memref<624x16xf32, #tpu.memory_space<hbm>> -> memref<24x16xf32, #tpu.memory_space<hbm>>
        tpu.enqueue_dma source(%dma_start3A_72 : memref<24x16xf32, #tpu.memory_space<hbm>>) target(%dma_start3A_69 : memref<24x16xf32, #tpu.memory_space<vmem_shared>>) target_semaphore(%run_scoped3A : memref<!tpu.dma_semaphore, #tpu.memory_space<semaphore_mem>>)
        %dma_wait3A_73 = arith.constant 9984 : i32
        %dma_wait3A_74 = arith.constant 0 : i32
        %dma_wait3A_75 = tpu.memref_slice %arg10[%dma_wait3A_73, %dma_wait3A_74] : memref<10008x16xf32, #tpu.memory_space<vmem_shared>> -> memref<24x16xf32, #tpu.memory_space<vmem_shared>>
        %dma_wait3A_76 = arith.constant 0 : i32
        %dma_wait3A_77 = arith.constant 0 : i32
        %dma_wait3A_78 = tpu.memref_slice %arg5[%dma_wait3A_76, %dma_wait3A_77] : memref<624x16xf32, #tpu.memory_space<hbm>> -> memref<24x16xf32, #tpu.memory_space<hbm>>
        tpu.wait_dma2 semaphore(%run_scoped3A : memref<!tpu.dma_semaphore, #tpu.memory_space<semaphore_mem>>) src(%dma_wait3A_78 : memref<24x16xf32, #tpu.memory_space<hbm>>) dst(%dma_wait3A_75 : memref<24x16xf32, #tpu.memory_space<vmem_shared>>)
        tpu.yield
      }) : () -> ()
    } else {
    }
    %barrier3A = arith.constant 0 : index
    tpu.barrier barrier_id(%barrier3A)
    %dma_start3A = arith.constant 0 : i32
    %dma_start3A_5 = arith.constant 0 : i32
    %dma_start3A_6 = arith.constant 0 : i32
    %dma_start3A_7 = arith.constant 0 : i32
    %dma_start3A_8 = tpu.memref_slice %arg9[%dma_start3A_5, %dma_start3A_6, %dma_start3A_7] : memref<4x128x16xf32, #tpu.memory_space<vmem>> -> memref<1x128x16xf32, #tpu.memory_space<vmem>>
    %dma_start3A_9 = tpu.memref_squeeze %dma_start3A_8 : memref<1x128x16xf32, #tpu.memory_space<vmem>> -> memref<128x16xf32, #tpu.memory_space<vmem>>
    %dma_start3A_10 = arith.constant 0 : i32
    %dma_start3A_11 = tpu.memref_slice %arg7[%dma_start3A, %dma_start3A_10] : memref<80x128xi32, #tpu.memory_space<vmem>> -> memref<1x128xi32, #tpu.memory_space<vmem>>
    %dma_start3A_12 = tpu.memref_squeeze %dma_start3A_11 : memref<1x128xi32, #tpu.memory_space<vmem>> -> memref<128xi32, #tpu.memory_space<vmem>>
    %dma_start3A_13 = arith.constant 0 : i32
    %dma_start3A_14 = arith.constant 0 : i32
    %dma_start3A_15 = tpu.memref_slice %arg2[%dma_start3A_13, %dma_start3A_14] : memref<10008x16xf32, #tpu.memory_space<hbm>> -> memref<10008x16xf32, #tpu.memory_space<hbm>>
    tpu.enqueue_indirect_dma source(%dma_start3A_15 : memref<10008x16xf32, #tpu.memory_space<hbm>>) target(%dma_start3A_9 : memref<128x16xf32, #tpu.memory_space<vmem>>) offsets(%dma_start3A_12 : memref<128xi32, #tpu.memory_space<vmem>>) semaphore(%arg11 : memref<!tpu.dma_semaphore, #tpu.memory_space<semaphore_mem>>)
    %dma_start3A_16 = arith.constant 1 : i32
    %dma_start3A_17 = arith.constant 1 : i32
    %dma_start3A_18 = arith.constant 0 : i32
    %dma_start3A_19 = arith.constant 0 : i32
    %dma_start3A_20 = tpu.memref_slice %arg9[%dma_start3A_17, %dma_start3A_18, %dma_start3A_19] : memref<4x128x16xf32, #tpu.memory_space<vmem>> -> memref<1x128x16xf32, #tpu.memory_space<vmem>>
    %dma_start3A_21 = tpu.memref_squeeze %dma_start3A_20 : memref<1x128x16xf32, #tpu.memory_space<vmem>> -> memref<128x16xf32, #tpu.memory_space<vmem>>
    %dma_start3A_22 = arith.constant 0 : i32
    %dma_start3A_23 = tpu.memref_slice %arg7[%dma_start3A_16, %dma_start3A_22] : memref<80x128xi32, #tpu.memory_space<vmem>> -> memref<1x128xi32, #tpu.memory_space<vmem>>
    %dma_start3A_24 = tpu.memref_squeeze %dma_start3A_23 : memref<1x128xi32, #tpu.memory_space<vmem>> -> memref<128xi32, #tpu.memory_space<vmem>>
    %dma_start3A_25 = arith.constant 0 : i32
    %dma_start3A_26 = arith.constant 0 : i32
    %dma_start3A_27 = tpu.memref_slice %arg2[%dma_start3A_25, %dma_start3A_26] : memref<10008x16xf32, #tpu.memory_space<hbm>> -> memref<10008x16xf32, #tpu.memory_space<hbm>>
    tpu.enqueue_indirect_dma source(%dma_start3A_27 : memref<10008x16xf32, #tpu.memory_space<hbm>>) target(%dma_start3A_21 : memref<128x16xf32, #tpu.memory_space<vmem>>) offsets(%dma_start3A_24 : memref<128xi32, #tpu.memory_space<vmem>>) semaphore(%arg11 : memref<!tpu.dma_semaphore, #tpu.memory_space<semaphore_mem>>)
    %dma_start3A_28 = arith.constant 2 : i32
    %dma_start3A_29 = arith.constant 2 : i32
    %dma_start3A_30 = arith.constant 0 : i32
    %dma_start3A_31 = arith.constant 0 : i32
    %dma_start3A_32 = tpu.memref_slice %arg9[%dma_start3A_29, %dma_start3A_30, %dma_start3A_31] : memref<4x128x16xf32, #tpu.memory_space<vmem>> -> memref<1x128x16xf32, #tpu.memory_space<vmem>>
    %dma_start3A_33 = tpu.memref_squeeze %dma_start3A_32 : memref<1x128x16xf32, #tpu.memory_space<vmem>> -> memref<128x16xf32, #tpu.memory_space<vmem>>
    %dma_start3A_34 = arith.constant 0 : i32
    %dma_start3A_35 = tpu.memref_slice %arg7[%dma_start3A_28, %dma_start3A_34] : memref<80x128xi32, #tpu.memory_space<vmem>> -> memref<1x128xi32, #tpu.memory_space<vmem>>
    %dma_start3A_36 = tpu.memref_squeeze %dma_start3A_35 : memref<1x128xi32, #tpu.memory_space<vmem>> -> memref<128xi32, #tpu.memory_space<vmem>>
    %dma_start3A_37 = arith.constant 0 : i32
    %dma_start3A_38 = arith.constant 0 : i32
    %dma_start3A_39 = tpu.memref_slice %arg2[%dma_start3A_37, %dma_start3A_38] : memref<10008x16xf32, #tpu.memory_space<hbm>> -> memref<10008x16xf32, #tpu.memory_space<hbm>>
    tpu.enqueue_indirect_dma source(%dma_start3A_39 : memref<10008x16xf32, #tpu.memory_space<hbm>>) target(%dma_start3A_33 : memref<128x16xf32, #tpu.memory_space<vmem>>) offsets(%dma_start3A_36 : memref<128xi32, #tpu.memory_space<vmem>>) semaphore(%arg11 : memref<!tpu.dma_semaphore, #tpu.memory_space<semaphore_mem>>)
    %scan3A = arith.constant 0 : i32
    %scan3A_40 = arith.constant 0 : i32
    %scan3A_41 = arith.constant 80 : i32
    %scan3A_42 = arith.addi %scan3A_40, %scan3A_41 : i32
    %scan3A_43 = arith.constant 1 : i32
    scf.for %scan3A_67 = %scan3A_40 to %scan3A_42 step %scan3A_43  : i32 {
      %rem3A_68 = arith.constant 4 : i32
      %rem3A_69 = arith.remsi %scan3A_67, %rem3A_68 : i32
      %dma_wait3A_70 = arith.constant 0 : i32
      %dma_wait3A_71 = arith.constant 0 : i32
      %dma_wait3A_72 = tpu.memref_slice %arg9[%rem3A_69, %dma_wait3A_70, %dma_wait3A_71] : memref<4x128x16xf32, #tpu.memory_space<vmem>> -> memref<1x128x16xf32, #tpu.memory_space<vmem>>
      %dma_wait3A_73 = tpu.memref_squeeze %dma_wait3A_72 : memref<1x128x16xf32, #tpu.memory_space<vmem>> -> memref<128x16xf32, #tpu.memory_space<vmem>>
      %dma_wait3A_74 = arith.constant 0 : i32
      %dma_wait3A_75 = tpu.memref_slice %arg7[%scan3A_67, %dma_wait3A_74] : memref<80x128xi32, #tpu.memory_space<vmem>> -> memref<1x128xi32, #tpu.memory_space<vmem>>
      %dma_wait3A_76 = tpu.memref_squeeze %dma_wait3A_75 : memref<1x128xi32, #tpu.memory_space<vmem>> -> memref<128xi32, #tpu.memory_space<vmem>>
      %dma_wait3A_77 = arith.constant 0 : i32
      %dma_wait3A_78 = arith.constant 0 : i32
      %dma_wait3A_79 = tpu.memref_slice %arg2[%dma_wait3A_77, %dma_wait3A_78] : memref<10008x16xf32, #tpu.memory_space<hbm>> -> memref<10008x16xf32, #tpu.memory_space<hbm>>
      tpu.wait_indirect_dma semaphore(%arg11 : memref<!tpu.dma_semaphore, #tpu.memory_space<semaphore_mem>>) src(%dma_wait3A_79 : memref<10008x16xf32, #tpu.memory_space<hbm>>) dst(%dma_wait3A_73 : memref<128x16xf32, #tpu.memory_space<vmem>>)
      %ge3A = arith.constant 1 : i32
      %ge3A_80 = arith.cmpi sge, %scan3A_67, %ge3A : i32
      %convert_element_type3A_81 = arith.extui %ge3A_80 : i1 to i32
      %cond3A_82 = arith.constant 0 : i32
      %cond3A_83 = arith.cmpi ne, %convert_element_type3A_81, %cond3A_82 : i32
      scf.if %cond3A_83 {
        %add3A_100 = arith.constant 3 : i32
        %add3A_101 = arith.addi %scan3A_67, %add3A_100 : i32
        %rem3A_102 = arith.constant 4 : i32
        %rem3A_103 = arith.remsi %add3A_101, %rem3A_102 : i32
        %dma_wait3A_104 = arith.constant 0 : i32
        %dma_wait3A_105 = arith.constant 0 : i32
        %dma_wait3A_106 = tpu.memref_slice %arg9[%rem3A_103, %dma_wait3A_104, %dma_wait3A_105] : memref<4x128x16xf32, #tpu.memory_space<vmem>> -> memref<1x128x16xf32, #tpu.memory_space<vmem>>
        %dma_wait3A_107 = tpu.memref_squeeze %dma_wait3A_106 : memref<1x128x16xf32, #tpu.memory_space<vmem>> -> memref<128x16xf32, #tpu.memory_space<vmem>>
        %dma_wait3A_108 = arith.constant 0 : i32
        %dma_wait3A_109 = tpu.memref_slice %arg8[%scan3A_67, %dma_wait3A_108] : memref<80x128xi32, #tpu.memory_space<vmem>> -> memref<1x128xi32, #tpu.memory_space<vmem>>
        %dma_wait3A_110 = tpu.memref_squeeze %dma_wait3A_109 : memref<1x128xi32, #tpu.memory_space<vmem>> -> memref<128xi32, #tpu.memory_space<vmem>>
        %dma_wait3A_111 = arith.constant 0 : i32
        %dma_wait3A_112 = arith.constant 0 : i32
        %dma_wait3A_113 = tpu.memref_slice %arg10[%dma_wait3A_111, %dma_wait3A_112] : memref<10008x16xf32, #tpu.memory_space<vmem_shared>> -> memref<10008x16xf32, #tpu.memory_space<vmem_shared>>
        tpu.wait_indirect_dma semaphore(%arg12 : memref<!tpu.dma_semaphore, #tpu.memory_space<semaphore_mem>>) src(%dma_wait3A_107 : memref<128x16xf32, #tpu.memory_space<vmem>>) dst(%dma_wait3A_113 : memref<10008x16xf32, #tpu.memory_space<vmem_shared>>)
      } else {
      }
      %add3A_84 = arith.constant 3 : i32
      %add3A_85 = arith.addi %scan3A_67, %add3A_84 : i32
      %lt3A = arith.constant 80 : i32
      %lt3A_86 = arith.cmpi slt, %add3A_85, %lt3A : i32
      %convert_element_type3A_87 = arith.extui %lt3A_86 : i1 to i32
      %cond3A_88 = arith.constant 0 : i32
      %cond3A_89 = arith.cmpi ne, %convert_element_type3A_87, %cond3A_88 : i32
      scf.if %cond3A_89 {
        %add3A_100 = arith.constant 3 : i32
        %add3A_101 = arith.addi %scan3A_67, %add3A_100 : i32
        %add3A_102 = arith.constant 3 : i32
        %add3A_103 = arith.addi %scan3A_67, %add3A_102 : i32
        %rem3A_104 = arith.constant 4 : i32
        %rem3A_105 = arith.remsi %add3A_103, %rem3A_104 : i32
        %dma_start3A_106 = arith.constant 0 : i32
        %dma_start3A_107 = arith.constant 0 : i32
        %dma_start3A_108 = tpu.memref_slice %arg9[%rem3A_105, %dma_start3A_106, %dma_start3A_107] : memref<4x128x16xf32, #tpu.memory_space<vmem>> -> memref<1x128x16xf32, #tpu.memory_space<vmem>>
        %dma_start3A_109 = tpu.memref_squeeze %dma_start3A_108 : memref<1x128x16xf32, #tpu.memory_space<vmem>> -> memref<128x16xf32, #tpu.memory_space<vmem>>
        %dma_start3A_110 = arith.constant 0 : i32
        %dma_start3A_111 = tpu.memref_slice %arg7[%add3A_101, %dma_start3A_110] : memref<80x128xi32, #tpu.memory_space<vmem>> -> memref<1x128xi32, #tpu.memory_space<vmem>>
        %dma_start3A_112 = tpu.memref_squeeze %dma_start3A_111 : memref<1x128xi32, #tpu.memory_space<vmem>> -> memref<128xi32, #tpu.memory_space<vmem>>
        %dma_start3A_113 = arith.constant 0 : i32
        %dma_start3A_114 = arith.constant 0 : i32
        %dma_start3A_115 = tpu.memref_slice %arg2[%dma_start3A_113, %dma_start3A_114] : memref<10008x16xf32, #tpu.memory_space<hbm>> -> memref<10008x16xf32, #tpu.memory_space<hbm>>
        tpu.enqueue_indirect_dma source(%dma_start3A_115 : memref<10008x16xf32, #tpu.memory_space<hbm>>) target(%dma_start3A_109 : memref<128x16xf32, #tpu.memory_space<vmem>>) offsets(%dma_start3A_112 : memref<128xi32, #tpu.memory_space<vmem>>) semaphore(%arg11 : memref<!tpu.dma_semaphore, #tpu.memory_space<semaphore_mem>>)
      } else {
      }
      %dma_start3A_90 = arith.constant 0 : i32
      %dma_start3A_91 = arith.constant 0 : i32
      %dma_start3A_92 = tpu.memref_slice %arg9[%rem3A_69, %dma_start3A_90, %dma_start3A_91] : memref<4x128x16xf32, #tpu.memory_space<vmem>> -> memref<1x128x16xf32, #tpu.memory_space<vmem>>
      %dma_start3A_93 = tpu.memref_squeeze %dma_start3A_92 : memref<1x128x16xf32, #tpu.memory_space<vmem>> -> memref<128x16xf32, #tpu.memory_space<vmem>>
      %dma_start3A_94 = arith.constant 0 : i32
      %dma_start3A_95 = tpu.memref_slice %arg8[%scan3A_67, %dma_start3A_94] : memref<80x128xi32, #tpu.memory_space<vmem>> -> memref<1x128xi32, #tpu.memory_space<vmem>>
      %dma_start3A_96 = tpu.memref_squeeze %dma_start3A_95 : memref<1x128xi32, #tpu.memory_space<vmem>> -> memref<128xi32, #tpu.memory_space<vmem>>
      %dma_start3A_97 = arith.constant 0 : i32
      %dma_start3A_98 = arith.constant 0 : i32
      %dma_start3A_99 = tpu.memref_slice %arg10[%dma_start3A_97, %dma_start3A_98] : memref<10008x16xf32, #tpu.memory_space<vmem_shared>> -> memref<10008x16xf32, #tpu.memory_space<vmem_shared>>
      tpu.enqueue_indirect_dma source(%dma_start3A_93 : memref<128x16xf32, #tpu.memory_space<vmem>>) target(%dma_start3A_99 : memref<10008x16xf32, #tpu.memory_space<vmem_shared>>) offsets(%dma_start3A_96 : memref<128xi32, #tpu.memory_space<vmem>>) semaphore(%arg12 : memref<!tpu.dma_semaphore, #tpu.memory_space<semaphore_mem>>) {add = true}
    }
    %scan3A_44 = arith.constant 80 : i32
    %rem3A = arith.constant 79 : i32
    %rem3A_45 = arith.constant 4 : i32
    %rem3A_46 = arith.remsi %rem3A, %rem3A_45 : i32
    %dma_wait3A = arith.constant 79 : i32
    %dma_wait3A_47 = arith.constant 0 : i32
    %dma_wait3A_48 = arith.constant 0 : i32
    %dma_wait3A_49 = tpu.memref_slice %arg9[%rem3A_46, %dma_wait3A_47, %dma_wait3A_48] : memref<4x128x16xf32, #tpu.memory_space<vmem>> -> memref<1x128x16xf32, #tpu.memory_space<vmem>>
    %dma_wait3A_50 = tpu.memref_squeeze %dma_wait3A_49 : memref<1x128x16xf32, #tpu.memory_space<vmem>> -> memref<128x16xf32, #tpu.memory_space<vmem>>
    %dma_wait3A_51 = arith.constant 0 : i32
    %dma_wait3A_52 = tpu.memref_slice %arg8[%dma_wait3A, %dma_wait3A_51] : memref<80x128xi32, #tpu.memory_space<vmem>> -> memref<1x128xi32, #tpu.memory_space<vmem>>
    %dma_wait3A_53 = tpu.memref_squeeze %dma_wait3A_52 : memref<1x128xi32, #tpu.memory_space<vmem>> -> memref<128xi32, #tpu.memory_space<vmem>>
    %dma_wait3A_54 = arith.constant 0 : i32
    %dma_wait3A_55 = arith.constant 0 : i32
    %dma_wait3A_56 = tpu.memref_slice %arg10[%dma_wait3A_54, %dma_wait3A_55] : memref<10008x16xf32, #tpu.memory_space<vmem_shared>> -> memref<10008x16xf32, #tpu.memory_space<vmem_shared>>
    tpu.wait_indirect_dma semaphore(%arg12 : memref<!tpu.dma_semaphore, #tpu.memory_space<semaphore_mem>>) src(%dma_wait3A_50 : memref<128x16xf32, #tpu.memory_space<vmem>>) dst(%dma_wait3A_56 : memref<10008x16xf32, #tpu.memory_space<vmem_shared>>)
    %barrier3A_57 = arith.constant 0 : index
    tpu.barrier barrier_id(%barrier3A_57)
    %mul3A_58 = arith.constant 624 : i32
    %mul3A_59 = arith.muli %arg1, %mul3A_58 : i32
    %mul3A_60 = arith.constant 624 : i32
    %mul3A_61 = arith.muli %arg1, %mul3A_60 : i32
    "tpu.region"() ({
      %run_scoped3A = tpu.sem_alloc : memref<!tpu.dma_semaphore, #tpu.memory_space<semaphore_mem>>
      %dma_start3A_67 = arith.constant 0 : i32
      %dma_start3A_68 = tpu.memref_slice %arg6[%arg0, %mul3A_61, %dma_start3A_67] : memref<2x10008x16xf32, #tpu.memory_space<hbm>> -> memref<1x624x16xf32, #tpu.memory_space<hbm>>
      %dma_start3A_69 = tpu.memref_squeeze %dma_start3A_68 : memref<1x624x16xf32, #tpu.memory_space<hbm>> -> memref<624x16xf32, #tpu.memory_space<hbm>>
      %dma_start3A_70 = arith.constant 0 : i32
      %dma_start3A_71 = tpu.memref_slice %arg10[%mul3A_59, %dma_start3A_70] : memref<10008x16xf32, #tpu.memory_space<vmem_shared>> -> memref<624x16xf32, #tpu.memory_space<vmem_shared>>
      tpu.enqueue_dma source(%dma_start3A_71 : memref<624x16xf32, #tpu.memory_space<vmem_shared>>) target(%dma_start3A_69 : memref<624x16xf32, #tpu.memory_space<hbm>>) target_semaphore(%run_scoped3A : memref<!tpu.dma_semaphore, #tpu.memory_space<semaphore_mem>>)
      %dma_wait3A_72 = arith.constant 0 : i32
      %dma_wait3A_73 = tpu.memref_slice %arg6[%arg0, %mul3A_61, %dma_wait3A_72] : memref<2x10008x16xf32, #tpu.memory_space<hbm>> -> memref<1x624x16xf32, #tpu.memory_space<hbm>>
      %dma_wait3A_74 = tpu.memref_squeeze %dma_wait3A_73 : memref<1x624x16xf32, #tpu.memory_space<hbm>> -> memref<624x16xf32, #tpu.memory_space<hbm>>
      %dma_wait3A_75 = arith.constant 0 : i32
      %dma_wait3A_76 = tpu.memref_slice %arg10[%mul3A_59, %dma_wait3A_75] : memref<10008x16xf32, #tpu.memory_space<vmem_shared>> -> memref<624x16xf32, #tpu.memory_space<vmem_shared>>
      tpu.wait_dma2 semaphore(%run_scoped3A : memref<!tpu.dma_semaphore, #tpu.memory_space<semaphore_mem>>) src(%dma_wait3A_76 : memref<624x16xf32, #tpu.memory_space<vmem_shared>>) dst(%dma_wait3A_74 : memref<624x16xf32, #tpu.memory_space<hbm>>)
      tpu.yield
    }) : () -> ()
    %eq3A_62 = arith.constant 15 : i32
    %eq3A_63 = arith.cmpi eq, %arg1, %eq3A_62 : i32
    %convert_element_type3A_64 = arith.extui %eq3A_63 : i1 to i32
    %cond3A_65 = arith.constant 0 : i32
    %cond3A_66 = arith.cmpi ne, %convert_element_type3A_64, %cond3A_65 : i32
    scf.if %cond3A_66 {
      "tpu.region"() ({
        %run_scoped3A = tpu.sem_alloc : memref<!tpu.dma_semaphore, #tpu.memory_space<semaphore_mem>>
        %dma_start3A_67 = arith.constant 9984 : i32
        %dma_start3A_68 = arith.constant 0 : i32
        %dma_start3A_69 = tpu.memref_slice %arg6[%arg0, %dma_start3A_67, %dma_start3A_68] : memref<2x10008x16xf32, #tpu.memory_space<hbm>> -> memref<1x24x16xf32, #tpu.memory_space<hbm>>
        %dma_start3A_70 = tpu.memref_squeeze %dma_start3A_69 : memref<1x24x16xf32, #tpu.memory_space<hbm>> -> memref<24x16xf32, #tpu.memory_space<hbm>>
        %dma_start3A_71 = arith.constant 9984 : i32
        %dma_start3A_72 = arith.constant 0 : i32
        %dma_start3A_73 = tpu.memref_slice %arg10[%dma_start3A_71, %dma_start3A_72] : memref<10008x16xf32, #tpu.memory_space<vmem_shared>> -> memref<24x16xf32, #tpu.memory_space<vmem_shared>>
        tpu.enqueue_dma source(%dma_start3A_73 : memref<24x16xf32, #tpu.memory_space<vmem_shared>>) target(%dma_start3A_70 : memref<24x16xf32, #tpu.memory_space<hbm>>) target_semaphore(%run_scoped3A : memref<!tpu.dma_semaphore, #tpu.memory_space<semaphore_mem>>)
        %dma_wait3A_74 = arith.constant 9984 : i32
        %dma_wait3A_75 = arith.constant 0 : i32
        %dma_wait3A_76 = tpu.memref_slice %arg6[%arg0, %dma_wait3A_74, %dma_wait3A_75] : memref<2x10008x16xf32, #tpu.memory_space<hbm>> -> memref<1x24x16xf32, #tpu.memory_space<hbm>>
        %dma_wait3A_77 = tpu.memref_squeeze %dma_wait3A_76 : memref<1x24x16xf32, #tpu.memory_space<hbm>> -> memref<24x16xf32, #tpu.memory_space<hbm>>
        %dma_wait3A_78 = arith.constant 9984 : i32
        %dma_wait3A_79 = arith.constant 0 : i32
        %dma_wait3A_80 = tpu.memref_slice %arg10[%dma_wait3A_78, %dma_wait3A_79] : memref<10008x16xf32, #tpu.memory_space<vmem_shared>> -> memref<24x16xf32, #tpu.memory_space<vmem_shared>>
        tpu.wait_dma2 semaphore(%run_scoped3A : memref<!tpu.dma_semaphore, #tpu.memory_space<semaphore_mem>>) src(%dma_wait3A_80 : memref<24x16xf32, #tpu.memory_space<vmem_shared>>) dst(%dma_wait3A_77 : memref<24x16xf32, #tpu.memory_space<hbm>>)
        tpu.yield
      }) : () -> ()
    } else {
    }
    return
  }
}

#map = affine_map<(d0, d1) -> (0, 0)>
#map1 = affine_map<(d0, d1) -> (0, 0, 0)>
module attributes {stable_mosaic.version = 14 : i64} {
  func.func @k(%arg0: i32, %arg1: i32, %arg2: memref<10000x8xf32, #tpu.memory_space<hbm>>, %arg3: memref<25x2x100xi32, #tpu.memory_space<hbm>>, %arg4: memref<5000x8xf32, #tpu.memory_space<hbm>>, %arg5: memref<2x100xi32, #tpu.memory_space<vmem>>, %arg6: memref<200x8xf32, #tpu.memory_space<vmem>>, %arg7: memref<!tpu.dma_semaphore, #tpu.memory_space<semaphore_mem>>) attributes {dimension_semantics = [#tpu.dimension_semantics<core_parallel>, #tpu.dimension_semantics<subcore_parallel>], iteration_bounds = array<i64: 2, 16>, scalar_prefetch = 0 : i64, scratch_operands = 3 : i64, tpu.core_type = #tpu.core_type<sc_vector_subcore>, window_params = [{transform_indices = #map}, {transform_indices = #map1}, {transform_indices = #map}]} {
    %mul3A = arith.constant 2 : i32
    %mul3A_0 = arith.muli %arg1, %mul3A : i32
    %add3A = arith.addi %mul3A_0, %arg0 : i32
    %lt3A = arith.constant 25 : i32
    %lt3A_1 = arith.cmpi slt, %add3A, %lt3A : i32
    %convert_element_type3A = arith.extui %lt3A_1 : i1 to i32
    %cond3A = arith.constant 0 : i32
    %cond3A_2 = arith.cmpi ne, %convert_element_type3A, %cond3A : i32
    scf.if %cond3A_2 {
      "tpu.region"() ({
        %run_scoped3A = tpu.sem_alloc : memref<!tpu.dma_semaphore, #tpu.memory_space<semaphore_mem>>
        %dma_start3A_43 = arith.constant 0 : i32
        %dma_start3A_44 = arith.constant 0 : i32
        %dma_start3A_45 = tpu.memref_slice %arg3[%add3A, %dma_start3A_43, %dma_start3A_44] : memref<25x2x100xi32, #tpu.memory_space<hbm>> -> memref<1x2x100xi32, #tpu.memory_space<hbm>>
        %dma_start3A_46 = tpu.memref_squeeze %dma_start3A_45 : memref<1x2x100xi32, #tpu.memory_space<hbm>> -> memref<2x100xi32, #tpu.memory_space<hbm>>
        %dma_start3A_47 = arith.constant 0 : i32
        %dma_start3A_48 = arith.constant 0 : i32
        %dma_start3A_49 = tpu.memref_slice %arg3[%add3A, %dma_start3A_47, %dma_start3A_48] : memref<25x2x100xi32, #tpu.memory_space<hbm>> -> memref<1x2x100xi32, #tpu.memory_space<hbm>>
        %dma_start3A_50 = tpu.memref_squeeze %dma_start3A_49 : memref<1x2x100xi32, #tpu.memory_space<hbm>> -> memref<2x100xi32, #tpu.memory_space<hbm>>
        tpu.enqueue_dma source(%dma_start3A_50 : memref<2x100xi32, #tpu.memory_space<hbm>>) target(%arg5 : memref<2x100xi32, #tpu.memory_space<vmem>>) target_semaphore(%run_scoped3A : memref<!tpu.dma_semaphore, #tpu.memory_space<semaphore_mem>>)
        %dma_wait3A_51 = arith.constant 0 : i32
        %dma_wait3A_52 = arith.constant 0 : i32
        %dma_wait3A_53 = tpu.memref_slice %arg3[%add3A, %dma_wait3A_51, %dma_wait3A_52] : memref<25x2x100xi32, #tpu.memory_space<hbm>> -> memref<1x2x100xi32, #tpu.memory_space<hbm>>
        %dma_wait3A_54 = tpu.memref_squeeze %dma_wait3A_53 : memref<1x2x100xi32, #tpu.memory_space<hbm>> -> memref<2x100xi32, #tpu.memory_space<hbm>>
        %dma_wait3A_55 = arith.constant 0 : i32
        %dma_wait3A_56 = arith.constant 0 : i32
        %dma_wait3A_57 = tpu.memref_slice %arg3[%add3A, %dma_wait3A_55, %dma_wait3A_56] : memref<25x2x100xi32, #tpu.memory_space<hbm>> -> memref<1x2x100xi32, #tpu.memory_space<hbm>>
        %dma_wait3A_58 = tpu.memref_squeeze %dma_wait3A_57 : memref<1x2x100xi32, #tpu.memory_space<hbm>> -> memref<2x100xi32, #tpu.memory_space<hbm>>
        tpu.wait_dma2 semaphore(%run_scoped3A : memref<!tpu.dma_semaphore, #tpu.memory_space<semaphore_mem>>) src(%dma_wait3A_58 : memref<2x100xi32, #tpu.memory_space<hbm>>) dst(%arg5 : memref<2x100xi32, #tpu.memory_space<vmem>>)
        tpu.yield
      }) : () -> ()
      %dma_start3A = arith.constant 0 : i32
      %dma_start3A_3 = arith.constant 0 : i32
      %dma_start3A_4 = arith.constant 0 : i32
      %dma_start3A_5 = tpu.memref_slice %arg6[%dma_start3A_3, %dma_start3A_4] : memref<200x8xf32, #tpu.memory_space<vmem>> -> memref<100x8xf32, #tpu.memory_space<vmem>>
      %dma_start3A_6 = arith.constant 0 : i32
      %dma_start3A_7 = tpu.memref_slice %arg5[%dma_start3A, %dma_start3A_6] : memref<2x100xi32, #tpu.memory_space<vmem>> -> memref<1x100xi32, #tpu.memory_space<vmem>>
      %dma_start3A_8 = tpu.memref_squeeze %dma_start3A_7 : memref<1x100xi32, #tpu.memory_space<vmem>> -> memref<100xi32, #tpu.memory_space<vmem>>
      %dma_start3A_9 = arith.constant 0 : i32
      %dma_start3A_10 = arith.constant 0 : i32
      %dma_start3A_11 = tpu.memref_slice %arg2[%dma_start3A_9, %dma_start3A_10] : memref<10000x8xf32, #tpu.memory_space<hbm>> -> memref<10000x8xf32, #tpu.memory_space<hbm>>
      tpu.enqueue_indirect_dma source(%dma_start3A_11 : memref<10000x8xf32, #tpu.memory_space<hbm>>) target(%dma_start3A_5 : memref<100x8xf32, #tpu.memory_space<vmem>>) offsets(%dma_start3A_8 : memref<100xi32, #tpu.memory_space<vmem>>) semaphore(%arg7 : memref<!tpu.dma_semaphore, #tpu.memory_space<semaphore_mem>>)
      %dma_wait3A = arith.constant 0 : i32
      %dma_wait3A_12 = arith.constant 0 : i32
      %dma_wait3A_13 = arith.constant 0 : i32
      %dma_wait3A_14 = tpu.memref_slice %arg6[%dma_wait3A_12, %dma_wait3A_13] : memref<200x8xf32, #tpu.memory_space<vmem>> -> memref<100x8xf32, #tpu.memory_space<vmem>>
      %dma_wait3A_15 = arith.constant 0 : i32
      %dma_wait3A_16 = tpu.memref_slice %arg5[%dma_wait3A, %dma_wait3A_15] : memref<2x100xi32, #tpu.memory_space<vmem>> -> memref<1x100xi32, #tpu.memory_space<vmem>>
      %dma_wait3A_17 = tpu.memref_squeeze %dma_wait3A_16 : memref<1x100xi32, #tpu.memory_space<vmem>> -> memref<100xi32, #tpu.memory_space<vmem>>
      %dma_wait3A_18 = arith.constant 0 : i32
      %dma_wait3A_19 = arith.constant 0 : i32
      %dma_wait3A_20 = tpu.memref_slice %arg2[%dma_wait3A_18, %dma_wait3A_19] : memref<10000x8xf32, #tpu.memory_space<hbm>> -> memref<10000x8xf32, #tpu.memory_space<hbm>>
      tpu.wait_indirect_dma semaphore(%arg7 : memref<!tpu.dma_semaphore, #tpu.memory_space<semaphore_mem>>) src(%dma_wait3A_20 : memref<10000x8xf32, #tpu.memory_space<hbm>>) dst(%dma_wait3A_14 : memref<100x8xf32, #tpu.memory_space<vmem>>)
      %dma_start3A_21 = arith.constant 1 : i32
      %dma_start3A_22 = arith.constant 100 : i32
      %dma_start3A_23 = arith.constant 0 : i32
      %dma_start3A_24 = tpu.memref_slice %arg6[%dma_start3A_22, %dma_start3A_23] : memref<200x8xf32, #tpu.memory_space<vmem>> -> memref<100x8xf32, #tpu.memory_space<vmem>>
      %dma_start3A_25 = arith.constant 0 : i32
      %dma_start3A_26 = tpu.memref_slice %arg5[%dma_start3A_21, %dma_start3A_25] : memref<2x100xi32, #tpu.memory_space<vmem>> -> memref<1x100xi32, #tpu.memory_space<vmem>>
      %dma_start3A_27 = tpu.memref_squeeze %dma_start3A_26 : memref<1x100xi32, #tpu.memory_space<vmem>> -> memref<100xi32, #tpu.memory_space<vmem>>
      %dma_start3A_28 = arith.constant 0 : i32
      %dma_start3A_29 = arith.constant 0 : i32
      %dma_start3A_30 = tpu.memref_slice %arg2[%dma_start3A_28, %dma_start3A_29] : memref<10000x8xf32, #tpu.memory_space<hbm>> -> memref<10000x8xf32, #tpu.memory_space<hbm>>
      tpu.enqueue_indirect_dma source(%dma_start3A_30 : memref<10000x8xf32, #tpu.memory_space<hbm>>) target(%dma_start3A_24 : memref<100x8xf32, #tpu.memory_space<vmem>>) offsets(%dma_start3A_27 : memref<100xi32, #tpu.memory_space<vmem>>) semaphore(%arg7 : memref<!tpu.dma_semaphore, #tpu.memory_space<semaphore_mem>>)
      %dma_wait3A_31 = arith.constant 1 : i32
      %dma_wait3A_32 = arith.constant 100 : i32
      %dma_wait3A_33 = arith.constant 0 : i32
      %dma_wait3A_34 = tpu.memref_slice %arg6[%dma_wait3A_32, %dma_wait3A_33] : memref<200x8xf32, #tpu.memory_space<vmem>> -> memref<100x8xf32, #tpu.memory_space<vmem>>
      %dma_wait3A_35 = arith.constant 0 : i32
      %dma_wait3A_36 = tpu.memref_slice %arg5[%dma_wait3A_31, %dma_wait3A_35] : memref<2x100xi32, #tpu.memory_space<vmem>> -> memref<1x100xi32, #tpu.memory_space<vmem>>
      %dma_wait3A_37 = tpu.memref_squeeze %dma_wait3A_36 : memref<1x100xi32, #tpu.memory_space<vmem>> -> memref<100xi32, #tpu.memory_space<vmem>>
      %dma_wait3A_38 = arith.constant 0 : i32
      %dma_wait3A_39 = arith.constant 0 : i32
      %dma_wait3A_40 = tpu.memref_slice %arg2[%dma_wait3A_38, %dma_wait3A_39] : memref<10000x8xf32, #tpu.memory_space<hbm>> -> memref<10000x8xf32, #tpu.memory_space<hbm>>
      tpu.wait_indirect_dma semaphore(%arg7 : memref<!tpu.dma_semaphore, #tpu.memory_space<semaphore_mem>>) src(%dma_wait3A_40 : memref<10000x8xf32, #tpu.memory_space<hbm>>) dst(%dma_wait3A_34 : memref<100x8xf32, #tpu.memory_space<vmem>>)
      %mul3A_41 = arith.constant 200 : i32
      %mul3A_42 = arith.muli %add3A, %mul3A_41 : i32
      "tpu.region"() ({
        %run_scoped3A = tpu.sem_alloc : memref<!tpu.dma_semaphore, #tpu.memory_space<semaphore_mem>>
        %dma_start3A_43 = arith.constant 0 : i32
        %dma_start3A_44 = tpu.memref_slice %arg4[%mul3A_42, %dma_start3A_43] : memref<5000x8xf32, #tpu.memory_space<hbm>> -> memref<200x8xf32, #tpu.memory_space<hbm>>
        %dma_start3A_45 = arith.constant 0 : i32
        %dma_start3A_46 = tpu.memref_slice %arg4[%mul3A_42, %dma_start3A_45] : memref<5000x8xf32, #tpu.memory_space<hbm>> -> memref<200x8xf32, #tpu.memory_space<hbm>>
        tpu.enqueue_dma source(%arg6 : memref<200x8xf32, #tpu.memory_space<vmem>>) target(%dma_start3A_46 : memref<200x8xf32, #tpu.memory_space<hbm>>) target_semaphore(%run_scoped3A : memref<!tpu.dma_semaphore, #tpu.memory_space<semaphore_mem>>)
        %dma_wait3A_47 = arith.constant 0 : i32
        %dma_wait3A_48 = tpu.memref_slice %arg4[%mul3A_42, %dma_wait3A_47] : memref<5000x8xf32, #tpu.memory_space<hbm>> -> memref<200x8xf32, #tpu.memory_space<hbm>>
        %dma_wait3A_49 = arith.constant 0 : i32
        %dma_wait3A_50 = tpu.memref_slice %arg4[%mul3A_42, %dma_wait3A_49] : memref<5000x8xf32, #tpu.memory_space<hbm>> -> memref<200x8xf32, #tpu.memory_space<hbm>>
        tpu.wait_dma2 semaphore(%run_scoped3A : memref<!tpu.dma_semaphore, #tpu.memory_space<semaphore_mem>>) src(%arg6 : memref<200x8xf32, #tpu.memory_space<vmem>>) dst(%dma_wait3A_50 : memref<200x8xf32, #tpu.memory_space<hbm>>)
        tpu.yield
      }) : () -> ()
    } else {
    }
    return
  }
}

module attributes {stable_mosaic.version = 14 : i64} {
  func.func @_k1_body(%arg0: i32, %arg1: memref<2000x128xf32, #tpu.memory_space<vmem>>, %arg2: memref<128x128xf32, #tpu.memory_space<vmem>>, %arg3: memref<1x128xf32, #tpu.memory_space<vmem>>, %arg4: memref<128x128xf32, #tpu.memory_space<vmem>>, %arg5: memref<2000x128xf32, #tpu.memory_space<vmem>>, %arg6: memref<2000x128xf32, #tpu.memory_space<vmem>>, %arg7: memref<8x128xf32, #tpu.memory_space<vmem>>) attributes {dimension_semantics = [#tpu.dimension_semantics<arbitrary>], iteration_bounds = array<i64: 5>, scalar_prefetch = 0 : i64, scratch_operands = 0 : i64, tpu.core_type = #tpu.core_type<tc>, window_params = [{transform_indices = @transform_0, window_bounds = array<i64: 2000, 128>}, {pipeline_mode = #tpu.pipeline_mode<synchronous>, transform_indices = @transform_1, window_bounds = array<i64: 128, 128>}, {pipeline_mode = #tpu.pipeline_mode<synchronous>, transform_indices = @transform_2, window_bounds = array<i64: 1, 128>}, {pipeline_mode = #tpu.pipeline_mode<synchronous>, transform_indices = @transform_3, window_bounds = array<i64: 128, 128>}, {transform_indices = @transform_4, window_bounds = array<i64: 2000, 128>}, {transform_indices = @transform_5, window_bounds = array<i64: 2000, 128>}, {pipeline_mode = #tpu.pipeline_mode<synchronous>, transform_indices = @transform_6, window_bounds = array<i64: 8, 128>}]} {
    %get3A = arith.constant 0 : index
    %get3A_0 = arith.constant 0 : index
    %get3A_1 = vector.load %arg1[%get3A, %get3A_0] : memref<2000x128xf32, #tpu.memory_space<vmem>>, vector<2000x128xf32>
    %get3A_2 = arith.constant 0 : index
    %get3A_3 = arith.constant 0 : index
    %get3A_4 = vector.load %arg2[%get3A_2, %get3A_3] : memref<128x128xf32, #tpu.memory_space<vmem>>, vector<128x128xf32>
    %dot_general3A = arith.constant dense<0.000000e+00> : vector<2000x128xf32>
    %dot_general3A_5 = tpu.matmul %get3A_1, %get3A_4, %dot_general3A {dimension_numbers = #tpu.dot_dimension_numbers<[1], [0], [0], [1], [0, 0, 1, 1], [], []>, transpose_lhs_hint = false} : vector<2000x128xf32>, vector<128x128xf32>, vector<2000x128xf32> -> vector<2000x128xf32>
    %get3A_6 = arith.constant 0 : index
    %get3A_7 = arith.constant 0 : index
    %get3A_8 = vector.load %arg3[%get3A_6, %get3A_7] : memref<1x128xf32, #tpu.memory_space<vmem>>, vector<1x128xf32>
    %add3A = vector.broadcast %get3A_8 : vector<1x128xf32> to vector<2000x128xf32>
    %add3A_9 = arith.addf %dot_general3A_5, %add3A : vector<2000x128xf32>
    %swap3A = arith.constant 0 : index
    %swap3A_10 = arith.constant 0 : index
    %swap3A_11 = vector.load %arg5[%swap3A, %swap3A_10] : memref<2000x128xf32, #tpu.memory_space<vmem>>, vector<2000x128xf32>
    tpu.vector_store %arg5[%swap3A, %swap3A_10], %add3A_9 {strides = array<i32>} : memref<2000x128xf32, #tpu.memory_space<vmem>>, vector<2000x128xf32>,
    %get3A_12 = arith.constant 0 : index
    %get3A_13 = arith.constant 0 : index
    %get3A_14 = vector.load %arg4[%get3A_12, %get3A_13] : memref<128x128xf32, #tpu.memory_space<vmem>>, vector<128x128xf32>
    %dot_general3A_15 = arith.constant dense<0.000000e+00> : vector<2000x128xf32>
    %dot_general3A_16 = tpu.matmul %get3A_1, %get3A_14, %dot_general3A_15 {dimension_numbers = #tpu.dot_dimension_numbers<[1], [0], [0], [1], [0, 0, 1, 1], [], []>, transpose_lhs_hint = false} : vector<2000x128xf32>, vector<128x128xf32>, vector<2000x128xf32> -> vector<2000x128xf32>
    %swap3A_17 = arith.constant 0 : index
    %swap3A_18 = arith.constant 0 : index
    %swap3A_19 = vector.load %arg6[%swap3A_17, %swap3A_18] : memref<2000x128xf32, #tpu.memory_space<vmem>>, vector<2000x128xf32>
    tpu.vector_store %arg6[%swap3A_17, %swap3A_18], %dot_general3A_16 {strides = array<i32>} : memref<2000x128xf32, #tpu.memory_space<vmem>>, vector<2000x128xf32>,
    %reduce_sum3A = arith.constant dense<0.000000e+00> : vector<128xf32>
    %reduce_sum3A_20 = vector.multi_reduction <add>, %add3A_9, %reduce_sum3A [0] : vector<2000x128xf32> to vector<128xf32>
    %broadcast_in_dim3A = vector.shape_cast %reduce_sum3A_20 : vector<128xf32> to vector<1x128xf32>
    %mul3A = arith.mulf %add3A_9, %add3A_9 : vector<2000x128xf32>
    %reduce_sum3A_21 = arith.constant dense<0.000000e+00> : vector<128xf32>
    %reduce_sum3A_22 = vector.multi_reduction <add>, %mul3A, %reduce_sum3A_21 [0] : vector<2000x128xf32> to vector<128xf32>
    %broadcast_in_dim3A_23 = vector.shape_cast %reduce_sum3A_22 : vector<128xf32> to vector<1x128xf32>
    %broadcast_in_dim3A_24 = arith.constant 0.000000e+00 : f32
    %broadcast_in_dim3A_25 = vector.broadcast %broadcast_in_dim3A_24 : f32 to vector<6x128xf32>
    %concatenate3A = tpu.concatenate %broadcast_in_dim3A, %broadcast_in_dim3A_23, %broadcast_in_dim3A_25 in 0 : vector<1x128xf32>, vector<1x128xf32>, vector<6x128xf32> -> vector<8x128xf32>
    %eq3A = arith.constant 0 : i32
    %eq3A_26 = arith.cmpi eq, %arg0, %eq3A : i32
    %convert_element_type3A = arith.extui %eq3A_26 : i1 to i32
    %cond3A = arith.constant 0 : i32
    %cond3A_27 = arith.cmpi ne, %convert_element_type3A, %cond3A : i32
    scf.if %cond3A_27 {
      %swap3A_32 = arith.constant 0 : index
      %swap3A_33 = arith.constant 0 : index
      %swap3A_34 = vector.load %arg7[%swap3A_32, %swap3A_33] : memref<8x128xf32, #tpu.memory_space<vmem>>, vector<8x128xf32>
      tpu.vector_store %arg7[%swap3A_32, %swap3A_33], %concatenate3A {strides = array<i32>} : memref<8x128xf32, #tpu.memory_space<vmem>>, vector<8x128xf32>,
    } else {
    }
    %gt3A = arith.constant 0 : i32
    %gt3A_28 = arith.cmpi sgt, %arg0, %gt3A : i32
    %convert_element_type3A_29 = arith.extui %gt3A_28 : i1 to i32
    %cond3A_30 = arith.constant 0 : i32
    %cond3A_31 = arith.cmpi ne, %convert_element_type3A_29, %cond3A_30 : i32
    scf.if %cond3A_31 {
      %get3A_32 = arith.constant 0 : index
      %get3A_33 = arith.constant 0 : index
      %get3A_34 = vector.load %arg7[%get3A_32, %get3A_33] : memref<8x128xf32, #tpu.memory_space<vmem>>, vector<8x128xf32>
      %add3A_35 = arith.addf %get3A_34, %concatenate3A : vector<8x128xf32>
      %swap3A_36 = arith.constant 0 : index
      %swap3A_37 = arith.constant 0 : index
      %swap3A_38 = vector.load %arg7[%swap3A_36, %swap3A_37] : memref<8x128xf32, #tpu.memory_space<vmem>>, vector<8x128xf32>
      tpu.vector_store %arg7[%swap3A_36, %swap3A_37], %add3A_35 {strides = array<i32>} : memref<8x128xf32, #tpu.memory_space<vmem>>, vector<8x128xf32>,
    } else {
    }
    return
  }
  func.func @transform_0(%arg0: i32) -> (i32, i32) {
    %c0_i32 = arith.constant 0 : i32
    %c0_i32_0 = arith.constant 0 : i32
    return %arg0, %c0_i32 : i32, i32
  }
  func.func @transform_1(%arg0: i32) -> (i32, i32) {
    %c0_i32 = arith.constant 0 : i32
    %c0_i32_0 = arith.constant 0 : i32
    %c0_i32_1 = arith.constant 0 : i32
    return %c0_i32, %c0_i32_0 : i32, i32
  }
  func.func @transform_2(%arg0: i32) -> (i32, i32) {
    %c0_i32 = arith.constant 0 : i32
    %c0_i32_0 = arith.constant 0 : i32
    %c0_i32_1 = arith.constant 0 : i32
    return %c0_i32, %c0_i32_0 : i32, i32
  }
  func.func @transform_3(%arg0: i32) -> (i32, i32) {
    %c0_i32 = arith.constant 0 : i32
    %c0_i32_0 = arith.constant 0 : i32
    %c0_i32_1 = arith.constant 0 : i32
    return %c0_i32, %c0_i32_0 : i32, i32
  }
  func.func @transform_4(%arg0: i32) -> (i32, i32) {
    %c0_i32 = arith.constant 0 : i32
    %c0_i32_0 = arith.constant 0 : i32
    return %arg0, %c0_i32 : i32, i32
  }
  func.func @transform_5(%arg0: i32) -> (i32, i32) {
    %c0_i32 = arith.constant 0 : i32
    %c0_i32_0 = arith.constant 0 : i32
    return %arg0, %c0_i32 : i32, i32
  }
  func.func @transform_6(%arg0: i32) -> (i32, i32) {
    %c0_i32 = arith.constant 0 : i32
    %c0_i32_0 = arith.constant 0 : i32
    %c0_i32_1 = arith.constant 0 : i32
    return %c0_i32, %c0_i32_0 : i32, i32
  }
}

module attributes {stable_mosaic.version = 14 : i64} {
  func.func @_k2_body(%arg0: i32, %arg1: memref<2000x128xf32, #tpu.memory_space<vmem>>, %arg2: memref<8x128xf32, #tpu.memory_space<vmem>>, %arg3: memref<2000x128xf32, #tpu.memory_space<vmem>>, %arg4: memref<1x128xf32, #tpu.memory_space<vmem>>, %arg5: memref<1x128xf32, #tpu.memory_space<vmem>>, %arg6: memref<1x128xf32, #tpu.memory_space<vmem>>, %arg7: memref<128x16xf32, #tpu.memory_space<vmem>>, %arg8: memref<1x16xf32, #tpu.memory_space<vmem>>, %arg9: memref<16x16xf32, #tpu.memory_space<vmem>>, %arg10: memref<2000x16xf32, #tpu.memory_space<vmem>>, %arg11: memref<2000x16xf32, #tpu.memory_space<vmem>>) attributes {dimension_semantics = [#tpu.dimension_semantics<arbitrary>], iteration_bounds = array<i64: 5>, scalar_prefetch = 0 : i64, scratch_operands = 0 : i64, tpu.core_type = #tpu.core_type<tc>, window_params = [{transform_indices = @transform_0, window_bounds = array<i64: 2000, 128>}, {pipeline_mode = #tpu.pipeline_mode<synchronous>, transform_indices = @transform_1, window_bounds = array<i64: 8, 128>}, {transform_indices = @transform_2, window_bounds = array<i64: 2000, 128>}, {pipeline_mode = #tpu.pipeline_mode<synchronous>, transform_indices = @transform_3, window_bounds = array<i64: 1, 128>}, {pipeline_mode = #tpu.pipeline_mode<synchronous>, transform_indices = @transform_4, window_bounds = array<i64: 1, 128>}, {pipeline_mode = #tpu.pipeline_mode<synchronous>, transform_indices = @transform_5, window_bounds = array<i64: 1, 128>}, {pipeline_mode = #tpu.pipeline_mode<synchronous>, transform_indices = @transform_6, window_bounds = array<i64: 128, 16>}, {pipeline_mode = #tpu.pipeline_mode<synchronous>, transform_indices = @transform_7, window_bounds = array<i64: 1, 16>}, {pipeline_mode = #tpu.pipeline_mode<synchronous>, transform_indices = @transform_8, window_bounds = array<i64: 16, 16>}, {transform_indices = @transform_9, window_bounds = array<i64: 2000, 16>}, {transform_indices = @transform_10, window_bounds = array<i64: 2000, 16>}]} {
    %get3A = arith.constant 0 : index
    %get3A_0 = arith.constant 0 : index
    %get3A_1 = vector.load %arg2[%get3A, %get3A_0] : memref<8x128xf32, #tpu.memory_space<vmem>>, vector<8x128xf32>
    %slice3A = vector.extract_strided_slice %get3A_1 {offsets = [0, 0], sizes = [1, 128], strides = [1, 1]} : vector<8x128xf32> to vector<1x128xf32>
    %div3A = arith.constant 1.000000e+04 : f32
    %div3A_2 = vector.broadcast %div3A : f32 to vector<1x128xf32>
    %div3A_3 = arith.divf %slice3A, %div3A_2 : vector<1x128xf32>
    %slice3A_4 = vector.extract_strided_slice %get3A_1 {offsets = [1, 0], sizes = [1, 128], strides = [1, 1]} : vector<8x128xf32> to vector<1x128xf32>
    %div3A_5 = arith.constant 1.000000e+04 : f32
    %div3A_6 = vector.broadcast %div3A_5 : f32 to vector<1x128xf32>
    %div3A_7 = arith.divf %slice3A_4, %div3A_6 : vector<1x128xf32>
    %get3A_8 = arith.constant 0 : index
    %get3A_9 = arith.constant 0 : index
    %get3A_10 = vector.load %arg6[%get3A_8, %get3A_9] : memref<1x128xf32, #tpu.memory_space<vmem>>, vector<1x128xf32>
    %mul3A = arith.constant 2.000000e+00 : f32
    %mul3A_11 = vector.broadcast %mul3A : f32 to vector<1x128xf32>
    %mul3A_12 = arith.mulf %mul3A_11, %get3A_10 : vector<1x128xf32>
    %mul3A_13 = arith.mulf %get3A_10, %get3A_10 : vector<1x128xf32>
    %sub3A = arith.subf %mul3A_12, %mul3A_13 : vector<1x128xf32>
    %mul3A_14 = arith.mulf %sub3A, %div3A_3 : vector<1x128xf32>
    %mul3A_15 = arith.mulf %mul3A_14, %div3A_3 : vector<1x128xf32>
    %sub3A_16 = arith.subf %div3A_7, %mul3A_15 : vector<1x128xf32>
    %get3A_17 = arith.constant 0 : index
    %get3A_18 = arith.constant 0 : index
    %get3A_19 = vector.load %arg4[%get3A_17, %get3A_18] : memref<1x128xf32, #tpu.memory_space<vmem>>, vector<1x128xf32>
    %add3A = arith.constant 9.99999974E-6 : f32
    %add3A_20 = vector.broadcast %add3A : f32 to vector<1x128xf32>
    %add3A_21 = arith.addf %sub3A_16, %add3A_20 : vector<1x128xf32>
    %rsqrt3A = math.rsqrt %add3A_21 : vector<1x128xf32>
    %mul3A_22 = arith.mulf %get3A_19, %rsqrt3A : vector<1x128xf32>
    %get3A_23 = arith.constant 0 : index
    %get3A_24 = arith.constant 0 : index
    %get3A_25 = vector.load %arg5[%get3A_23, %get3A_24] : memref<1x128xf32, #tpu.memory_space<vmem>>, vector<1x128xf32>
    %mul3A_26 = arith.mulf %mul3A_22, %get3A_10 : vector<1x128xf32>
    %mul3A_27 = arith.mulf %mul3A_26, %div3A_3 : vector<1x128xf32>
    %sub3A_28 = arith.subf %get3A_25, %mul3A_27 : vector<1x128xf32>
    %get3A_29 = arith.constant 0 : index
    %get3A_30 = arith.constant 0 : index
    %get3A_31 = vector.load %arg1[%get3A_29, %get3A_30] : memref<2000x128xf32, #tpu.memory_space<vmem>>, vector<2000x128xf32>
    %mul3A_32 = vector.broadcast %mul3A_22 : vector<1x128xf32> to vector<2000x128xf32>
    %mul3A_33 = arith.mulf %get3A_31, %mul3A_32 : vector<2000x128xf32>
    %add3A_34 = vector.broadcast %sub3A_28 : vector<1x128xf32> to vector<2000x128xf32>
    %add3A_35 = arith.addf %mul3A_33, %add3A_34 : vector<2000x128xf32>
    %get3A_36 = arith.constant 0 : index
    %get3A_37 = arith.constant 0 : index
    %get3A_38 = vector.load %arg7[%get3A_36, %get3A_37] : memref<128x16xf32, #tpu.memory_space<vmem>>, vector<128x16xf32>
    %dot_general3A = arith.constant dense<0.000000e+00> : vector<2000x16xf32>
    %dot_general3A_39 = tpu.matmul %add3A_35, %get3A_38, %dot_general3A {dimension_numbers = #tpu.dot_dimension_numbers<[1], [0], [0], [1], [0, 0, 1, 1], [], []>, transpose_lhs_hint = false} : vector<2000x128xf32>, vector<128x16xf32>, vector<2000x16xf32> -> vector<2000x16xf32>
    %get3A_40 = arith.constant 0 : index
    %get3A_41 = arith.constant 0 : index
    %get3A_42 = vector.load %arg8[%get3A_40, %get3A_41] : memref<1x16xf32, #tpu.memory_space<vmem>>, vector<1x16xf32>
    %add3A_43 = vector.broadcast %get3A_42 : vector<1x16xf32> to vector<2000x16xf32>
    %add3A_44 = arith.addf %dot_general3A_39, %add3A_43 : vector<2000x16xf32>
    %max3A = arith.constant 0.000000e+00 : f32
    %max3A_45 = vector.broadcast %max3A : f32 to vector<2000x16xf32>
    %max3A_46 = arith.maximumf %add3A_44, %max3A_45 : vector<2000x16xf32>
    %swap3A = arith.constant 0 : index
    %swap3A_47 = arith.constant 0 : index
    %swap3A_48 = vector.load %arg10[%swap3A, %swap3A_47] : memref<2000x16xf32, #tpu.memory_space<vmem>>, vector<2000x16xf32>
    tpu.vector_store %arg10[%swap3A, %swap3A_47], %max3A_46 {strides = array<i32>} : memref<2000x16xf32, #tpu.memory_space<vmem>>, vector<2000x16xf32>,
    %get3A_49 = arith.constant 0 : index
    %get3A_50 = arith.constant 0 : index
    %get3A_51 = vector.load %arg3[%get3A_49, %get3A_50] : memref<2000x128xf32, #tpu.memory_space<vmem>>, vector<2000x128xf32>
    %slice3A_52 = vector.extract_strided_slice %get3A_51 {offsets = [0, 0], sizes = [2000, 16], strides = [1, 1]} : vector<2000x128xf32> to vector<2000x16xf32>
    %get3A_53 = arith.constant 0 : index
    %get3A_54 = arith.constant 0 : index
    %get3A_55 = vector.load %arg9[%get3A_53, %get3A_54] : memref<16x16xf32, #tpu.memory_space<vmem>>, vector<16x16xf32>
    %dot_general3A_56 = arith.constant dense<0.000000e+00> : vector<2000x16xf32>
    %dot_general3A_57 = tpu.matmul %max3A_46, %get3A_55, %dot_general3A_56 {dimension_numbers = #tpu.dot_dimension_numbers<[1], [0], [0], [1], [0, 0, 1, 1], [], []>, transpose_lhs_hint = false} : vector<2000x16xf32>, vector<16x16xf32>, vector<2000x16xf32> -> vector<2000x16xf32>
    %add3A_58 = arith.addf %slice3A_52, %dot_general3A_57 : vector<2000x16xf32>
    %swap3A_59 = arith.constant 0 : index
    %swap3A_60 = arith.constant 0 : index
    %swap3A_61 = vector.load %arg11[%swap3A_59, %swap3A_60] : memref<2000x16xf32, #tpu.memory_space<vmem>>, vector<2000x16xf32>
    tpu.vector_store %arg11[%swap3A_59, %swap3A_60], %add3A_58 {strides = array<i32>} : memref<2000x16xf32, #tpu.memory_space<vmem>>, vector<2000x16xf32>,
    return
  }
  func.func @transform_0(%arg0: i32) -> (i32, i32) {
    %c0_i32 = arith.constant 0 : i32
    %c0_i32_0 = arith.constant 0 : i32
    return %arg0, %c0_i32 : i32, i32
  }
  func.func @transform_1(%arg0: i32) -> (i32, i32) {
    %c0_i32 = arith.constant 0 : i32
    %c0_i32_0 = arith.constant 0 : i32
    %c0_i32_1 = arith.constant 0 : i32
    return %c0_i32, %c0_i32_0 : i32, i32
  }
  func.func @transform_2(%arg0: i32) -> (i32, i32) {
    %c0_i32 = arith.constant 0 : i32
    %c0_i32_0 = arith.constant 0 : i32
    return %arg0, %c0_i32 : i32, i32
  }
  func.func @transform_3(%arg0: i32) -> (i32, i32) {
    %c0_i32 = arith.constant 0 : i32
    %c0_i32_0 = arith.constant 0 : i32
    %c0_i32_1 = arith.constant 0 : i32
    return %c0_i32, %c0_i32_0 : i32, i32
  }
  func.func @transform_4(%arg0: i32) -> (i32, i32) {
    %c0_i32 = arith.constant 0 : i32
    %c0_i32_0 = arith.constant 0 : i32
    %c0_i32_1 = arith.constant 0 : i32
    return %c0_i32, %c0_i32_0 : i32, i32
  }
  func.func @transform_5(%arg0: i32) -> (i32, i32) {
    %c0_i32 = arith.constant 0 : i32
    %c0_i32_0 = arith.constant 0 : i32
    %c0_i32_1 = arith.constant 0 : i32
    return %c0_i32, %c0_i32_0 : i32, i32
  }
  func.func @transform_6(%arg0: i32) -> (i32, i32) {
    %c0_i32 = arith.constant 0 : i32
    %c0_i32_0 = arith.constant 0 : i32
    %c0_i32_1 = arith.constant 0 : i32
    return %c0_i32, %c0_i32_0 : i32, i32
  }
  func.func @transform_7(%arg0: i32) -> (i32, i32) {
    %c0_i32 = arith.constant 0 : i32
    %c0_i32_0 = arith.constant 0 : i32
    %c0_i32_1 = arith.constant 0 : i32
    return %c0_i32, %c0_i32_0 : i32, i32
  }
  func.func @transform_8(%arg0: i32) -> (i32, i32) {
    %c0_i32 = arith.constant 0 : i32
    %c0_i32_0 = arith.constant 0 : i32
    %c0_i32_1 = arith.constant 0 : i32
    return %c0_i32, %c0_i32_0 : i32, i32
  }
  func.func @transform_9(%arg0: i32) -> (i32, i32) {
    %c0_i32 = arith.constant 0 : i32
    %c0_i32_0 = arith.constant 0 : i32
    return %arg0, %c0_i32 : i32, i32
  }
  func.func @transform_10(%arg0: i32) -> (i32, i32) {
    %c0_i32 = arith.constant 0 : i32
    %c0_i32_0 = arith.constant 0 : i32
    return %arg0, %c0_i32 : i32, i32
  }
}

module attributes {stable_mosaic.version = 14 : i64} {
  func.func @_k3_body(%arg0: i32, %arg1: memref<1000x128xf32, #tpu.memory_space<vmem>>, %arg2: memref<32x32xf32, #tpu.memory_space<vmem>>) attributes {dimension_semantics = [#tpu.dimension_semantics<arbitrary>], iteration_bounds = array<i64: 40>, scalar_prefetch = 0 : i64, scratch_operands = 0 : i64, tpu.core_type = #tpu.core_type<tc>, window_params = [{transform_indices = @transform_0, window_bounds = array<i64: 1000, 128>}, {pipeline_mode = #tpu.pipeline_mode<synchronous>, transform_indices = @transform_1, window_bounds = array<i64: 32, 32>}]} {
    %get3A = arith.constant 0 : index
    %get3A_0 = arith.constant 0 : index
    %get3A_1 = vector.load %arg1[%get3A, %get3A_0] : memref<1000x128xf32, #tpu.memory_space<vmem>>, vector<1000x128xf32>
    %dot_general3A = arith.constant dense<0.000000e+00> : vector<128x128xf32>
    %dot_general3A_2 = tpu.matmul %get3A_1, %get3A_1, %dot_general3A {dimension_numbers = #tpu.dot_dimension_numbers<[0], [0], [1], [1], [0, 1, 1, 1], [], []>, transpose_lhs_hint = false} : vector<1000x128xf32>, vector<1000x128xf32>, vector<128x128xf32> -> vector<128x128xf32>
    %reduce_sum3A = arith.constant dense<0.000000e+00> : vector<128xf32>
    %reduce_sum3A_3 = vector.multi_reduction <add>, %get3A_1, %reduce_sum3A [0] : vector<1000x128xf32> to vector<128xf32>
    %broadcast_in_dim3A = vector.shape_cast %reduce_sum3A_3 : vector<128xf32> to vector<1x128xf32>
    %slice3A = vector.extract_strided_slice %dot_general3A_2 {offsets = [0, 0], sizes = [16, 16], strides = [1, 1]} : vector<128x128xf32> to vector<16x16xf32>
    %slice3A_4 = vector.extract_strided_slice %broadcast_in_dim3A {offsets = [0, 0], sizes = [1, 16], strides = [1, 1]} : vector<1x128xf32> to vector<1x16xf32>
    %slice3A_5 = vector.extract_strided_slice %dot_general3A_2 {offsets = [16, 16], sizes = [16, 16], strides = [1, 1]} : vector<128x128xf32> to vector<16x16xf32>
    %add3A = arith.addf %slice3A, %slice3A_5 : vector<16x16xf32>
    %slice3A_6 = vector.extract_strided_slice %broadcast_in_dim3A {offsets = [0, 16], sizes = [1, 16], strides = [1, 1]} : vector<1x128xf32> to vector<1x16xf32>
    %add3A_7 = arith.addf %slice3A_4, %slice3A_6 : vector<1x16xf32>
    %slice3A_8 = vector.extract_strided_slice %dot_general3A_2 {offsets = [32, 32], sizes = [16, 16], strides = [1, 1]} : vector<128x128xf32> to vector<16x16xf32>
    %add3A_9 = arith.addf %add3A, %slice3A_8 : vector<16x16xf32>
    %slice3A_10 = vector.extract_strided_slice %broadcast_in_dim3A {offsets = [0, 32], sizes = [1, 16], strides = [1, 1]} : vector<1x128xf32> to vector<1x16xf32>
    %add3A_11 = arith.addf %add3A_7, %slice3A_10 : vector<1x16xf32>
    %slice3A_12 = vector.extract_strided_slice %dot_general3A_2 {offsets = [48, 48], sizes = [16, 16], strides = [1, 1]} : vector<128x128xf32> to vector<16x16xf32>
    %add3A_13 = arith.addf %add3A_9, %slice3A_12 : vector<16x16xf32>
    %slice3A_14 = vector.extract_strided_slice %broadcast_in_dim3A {offsets = [0, 48], sizes = [1, 16], strides = [1, 1]} : vector<1x128xf32> to vector<1x16xf32>
    %add3A_15 = arith.addf %add3A_11, %slice3A_14 : vector<1x16xf32>
    %slice3A_16 = vector.extract_strided_slice %dot_general3A_2 {offsets = [64, 64], sizes = [16, 16], strides = [1, 1]} : vector<128x128xf32> to vector<16x16xf32>
    %add3A_17 = arith.addf %add3A_13, %slice3A_16 : vector<16x16xf32>
    %slice3A_18 = vector.extract_strided_slice %broadcast_in_dim3A {offsets = [0, 64], sizes = [1, 16], strides = [1, 1]} : vector<1x128xf32> to vector<1x16xf32>
    %add3A_19 = arith.addf %add3A_15, %slice3A_18 : vector<1x16xf32>
    %slice3A_20 = vector.extract_strided_slice %dot_general3A_2 {offsets = [80, 80], sizes = [16, 16], strides = [1, 1]} : vector<128x128xf32> to vector<16x16xf32>
    %add3A_21 = arith.addf %add3A_17, %slice3A_20 : vector<16x16xf32>
    %slice3A_22 = vector.extract_strided_slice %broadcast_in_dim3A {offsets = [0, 80], sizes = [1, 16], strides = [1, 1]} : vector<1x128xf32> to vector<1x16xf32>
    %add3A_23 = arith.addf %add3A_19, %slice3A_22 : vector<1x16xf32>
    %slice3A_24 = vector.extract_strided_slice %dot_general3A_2 {offsets = [96, 96], sizes = [16, 16], strides = [1, 1]} : vector<128x128xf32> to vector<16x16xf32>
    %add3A_25 = arith.addf %add3A_21, %slice3A_24 : vector<16x16xf32>
    %slice3A_26 = vector.extract_strided_slice %broadcast_in_dim3A {offsets = [0, 96], sizes = [1, 16], strides = [1, 1]} : vector<1x128xf32> to vector<1x16xf32>
    %add3A_27 = arith.addf %add3A_23, %slice3A_26 : vector<1x16xf32>
    %slice3A_28 = vector.extract_strided_slice %dot_general3A_2 {offsets = [112, 112], sizes = [16, 16], strides = [1, 1]} : vector<128x128xf32> to vector<16x16xf32>
    %add3A_29 = arith.addf %add3A_25, %slice3A_28 : vector<16x16xf32>
    %slice3A_30 = vector.extract_strided_slice %broadcast_in_dim3A {offsets = [0, 112], sizes = [1, 16], strides = [1, 1]} : vector<1x128xf32> to vector<1x16xf32>
    %add3A_31 = arith.addf %add3A_27, %slice3A_30 : vector<1x16xf32>
    %broadcast_in_dim3A_32 = arith.constant 0.000000e+00 : f32
    %broadcast_in_dim3A_33 = vector.broadcast %broadcast_in_dim3A_32 : f32 to vector<16x16xf32>
    %concatenate3A = tpu.concatenate %add3A_29, %broadcast_in_dim3A_33 in 1 : vector<16x16xf32>, vector<16x16xf32> -> vector<16x32xf32>
    %broadcast_in_dim3A_34 = arith.constant 0.000000e+00 : f32
    %broadcast_in_dim3A_35 = vector.broadcast %broadcast_in_dim3A_34 : f32 to vector<1x16xf32>
    %concatenate3A_36 = tpu.concatenate %add3A_31, %broadcast_in_dim3A_35 in 1 : vector<1x16xf32>, vector<1x16xf32> -> vector<1x32xf32>
    %broadcast_in_dim3A_37 = arith.constant 0.000000e+00 : f32
    %broadcast_in_dim3A_38 = vector.broadcast %broadcast_in_dim3A_37 : f32 to vector<15x32xf32>
    %concatenate3A_39 = tpu.concatenate %concatenate3A, %concatenate3A_36, %broadcast_in_dim3A_38 in 0 : vector<16x32xf32>, vector<1x32xf32>, vector<15x32xf32> -> vector<32x32xf32>
    %eq3A = arith.constant 0 : i32
    %eq3A_40 = arith.cmpi eq, %arg0, %eq3A : i32
    %convert_element_type3A = arith.extui %eq3A_40 : i1 to i32
    %cond3A = arith.constant 0 : i32
    %cond3A_41 = arith.cmpi ne, %convert_element_type3A, %cond3A : i32
    scf.if %cond3A_41 {
      %swap3A = arith.constant 0 : index
      %swap3A_46 = arith.constant 0 : index
      %swap3A_47 = vector.load %arg2[%swap3A, %swap3A_46] : memref<32x32xf32, #tpu.memory_space<vmem>>, vector<32x32xf32>
      tpu.vector_store %arg2[%swap3A, %swap3A_46], %concatenate3A_39 {strides = array<i32>} : memref<32x32xf32, #tpu.memory_space<vmem>>, vector<32x32xf32>,
    } else {
    }
    %gt3A = arith.constant 0 : i32
    %gt3A_42 = arith.cmpi sgt, %arg0, %gt3A : i32
    %convert_element_type3A_43 = arith.extui %gt3A_42 : i1 to i32
    %cond3A_44 = arith.constant 0 : i32
    %cond3A_45 = arith.cmpi ne, %convert_element_type3A_43, %cond3A_44 : i32
    scf.if %cond3A_45 {
      %get3A_46 = arith.constant 0 : index
      %get3A_47 = arith.constant 0 : index
      %get3A_48 = vector.load %arg2[%get3A_46, %get3A_47] : memref<32x32xf32, #tpu.memory_space<vmem>>, vector<32x32xf32>
      %add3A_49 = arith.addf %get3A_48, %concatenate3A_39 : vector<32x32xf32>
      %swap3A = arith.constant 0 : index
      %swap3A_50 = arith.constant 0 : index
      %swap3A_51 = vector.load %arg2[%swap3A, %swap3A_50] : memref<32x32xf32, #tpu.memory_space<vmem>>, vector<32x32xf32>
      tpu.vector_store %arg2[%swap3A, %swap3A_50], %add3A_49 {strides = array<i32>} : memref<32x32xf32, #tpu.memory_space<vmem>>, vector<32x32xf32>,
    } else {
    }
    return
  }
  func.func @transform_0(%arg0: i32) -> (i32, i32) {
    %c0_i32 = arith.constant 0 : i32
    %c0_i32_0 = arith.constant 0 : i32
    return %arg0, %c0_i32 : i32, i32
  }
  func.func @transform_1(%arg0: i32) -> (i32, i32) {
    %c0_i32 = arith.constant 0 : i32
    %c0_i32_0 = arith.constant 0 : i32
    %c0_i32_1 = arith.constant 0 : i32
    return %c0_i32, %c0_i32_0 : i32, i32
  }
}

module attributes {stable_mosaic.version = 14 : i64} {
  func.func @_k4_body(%arg0: i32, %arg1: memref<2x2000x16xf32, #tpu.memory_space<vmem>>, %arg2: memref<2x2000x8xf32, #tpu.memory_space<vmem>>, %arg3: memref<32x32xf32, #tpu.memory_space<vmem>>, %arg4: memref<2000x128xf32, #tpu.memory_space<vmem>>, %arg5: memref<16x16xf32, #tpu.memory_space<vmem>>, %arg6: memref<1x16xf32, #tpu.memory_space<vmem>>, %arg7: memref<1x16xf32, #tpu.memory_space<vmem>>, %arg8: memref<1x16xf32, #tpu.memory_space<vmem>>, %arg9: memref<1x16xf32, #tpu.memory_space<vmem>>, %arg10: memref<16x64xf32, #tpu.memory_space<vmem>>, %arg11: memref<4x16xf32, #tpu.memory_space<vmem>>, %arg12: memref<4x16xf32, #tpu.memory_space<vmem>>, %arg13: memref<4x2000x16xf32, #tpu.memory_space<vmem>>) attributes {dimension_semantics = [#tpu.dimension_semantics<arbitrary>], iteration_bounds = array<i64: 5>, scalar_prefetch = 0 : i64, scratch_operands = 0 : i64, tpu.core_type = #tpu.core_type<tc>, window_params = [{transform_indices = @transform_0, window_bounds = array<i64: 2, 2000, 16>}, {transform_indices = @transform_1, window_bounds = array<i64: 2, 2000, 8>}, {pipeline_mode = #tpu.pipeline_mode<synchronous>, transform_indices = @transform_2, window_bounds = array<i64: 32, 32>}, {transform_indices = @transform_3, window_bounds = array<i64: 2000, 128>}, {pipeline_mode = #tpu.pipeline_mode<synchronous>, transform_indices = @transform_4, window_bounds = array<i64: 16, 16>}, {pipeline_mode = #tpu.pipeline_mode<synchronous>, transform_indices = @transform_5, window_bounds = array<i64: 1, 16>}, {pipeline_mode = #tpu.pipeline_mode<synchronous>, transform_indices = @transform_6, window_bounds = array<i64: 1, 16>}, {pipeline_mode = #tpu.pipeline_mode<synchronous>, transform_indices = @transform_7, window_bounds = array<i64: 1, 16>}, {pipeline_mode = #tpu.pipeline_mode<synchronous>, transform_indices = @transform_8, window_bounds = array<i64: 1, 16>}, {pipeline_mode = #tpu.pipeline_mode<synchronous>, transform_indices = @transform_9, window_bounds = array<i64: 16, 64>}, {pipeline_mode = #tpu.pipeline_mode<synchronous>, transform_indices = @transform_10, window_bounds = array<i64: 4, 16>}, {pipeline_mode = #tpu.pipeline_mode<synchronous>, transform_indices = @transform_11, window_bounds = array<i64: 4, 16>}, {transform_indices = @transform_12, window_bounds = array<i64: 4, 2000, 16>}]} {
    %get3A = arith.constant 0 : index
    %get3A_0 = arith.constant 0 : index
    %get3A_1 = vector.load %arg3[%get3A, %get3A_0] : memref<32x32xf32, #tpu.memory_space<vmem>>, vector<32x32xf32>
    %slice3A = vector.extract_strided_slice %get3A_1 {offsets = [16, 0], sizes = [1, 16], strides = [1, 1]} : vector<32x32xf32> to vector<1x16xf32>
    %div3A = arith.constant 3.200000e+05 : f32
    %div3A_2 = vector.broadcast %div3A : f32 to vector<1x16xf32>
    %div3A_3 = arith.divf %slice3A, %div3A_2 : vector<1x16xf32>
    %slice3A_4 = vector.extract_strided_slice %get3A_1 {offsets = [0, 0], sizes = [16, 16], strides = [1, 1]} : vector<32x32xf32> to vector<16x16xf32>
    %div3A_5 = arith.constant 3.200000e+05 : f32
    %div3A_6 = vector.broadcast %div3A_5 : f32 to vector<16x16xf32>
    %div3A_7 = arith.divf %slice3A_4, %div3A_6 : vector<16x16xf32>
    %get3A_8 = arith.constant 0 : index
    %get3A_9 = arith.constant 0 : index
    %get3A_10 = vector.load %arg5[%get3A_8, %get3A_9] : memref<16x16xf32, #tpu.memory_space<vmem>>, vector<16x16xf32>
    %get3A_11 = arith.constant 0 : index
    %get3A_12 = arith.constant 0 : index
    %get3A_13 = vector.load %arg6[%get3A_11, %get3A_12] : memref<1x16xf32, #tpu.memory_space<vmem>>, vector<1x16xf32>
    %dot_general3A = arith.constant dense<0.000000e+00> : vector<1x16xf32>
    %dot_general3A_14 = tpu.matmul %div3A_3, %get3A_10, %dot_general3A {dimension_numbers = #tpu.dot_dimension_numbers<[1], [0], [0], [1], [0, 0, 1, 1], [], []>, transpose_lhs_hint = false} : vector<1x16xf32>, vector<16x16xf32>, vector<1x16xf32> -> vector<1x16xf32>
    %add3A = arith.addf %dot_general3A_14, %get3A_13 : vector<1x16xf32>
    %dot_general3A_15 = arith.constant dense<0.000000e+00> : vector<16x16xf32>
    %dot_general3A_16 = tpu.matmul %div3A_7, %get3A_10, %dot_general3A_15 {dimension_numbers = #tpu.dot_dimension_numbers<[1], [0], [0], [1], [0, 0, 1, 1], [], []>, transpose_lhs_hint = false} : vector<16x16xf32>, vector<16x16xf32>, vector<16x16xf32> -> vector<16x16xf32>
    %mul3A = arith.mulf %get3A_10, %dot_general3A_16 : vector<16x16xf32>
    %reduce_sum3A = arith.constant dense<0.000000e+00> : vector<16xf32>
    %reduce_sum3A_17 = vector.multi_reduction <add>, %mul3A, %reduce_sum3A [0] : vector<16x16xf32> to vector<16xf32>
    %broadcast_in_dim3A = vector.shape_cast %reduce_sum3A_17 : vector<16xf32> to vector<1x16xf32>
    %mul3A_18 = arith.constant 2.000000e+00 : f32
    %mul3A_19 = vector.broadcast %mul3A_18 : f32 to vector<1x16xf32>
    %mul3A_20 = arith.mulf %mul3A_19, %get3A_13 : vector<1x16xf32>
    %mul3A_21 = arith.mulf %mul3A_20, %dot_general3A_14 : vector<1x16xf32>
    %add3A_22 = arith.addf %broadcast_in_dim3A, %mul3A_21 : vector<1x16xf32>
    %mul3A_23 = arith.mulf %get3A_13, %get3A_13 : vector<1x16xf32>
    %add3A_24 = arith.addf %add3A_22, %mul3A_23 : vector<1x16xf32>
    %get3A_25 = arith.constant 0 : index
    %get3A_26 = arith.constant 0 : index
    %get3A_27 = vector.load %arg9[%get3A_25, %get3A_26] : memref<1x16xf32, #tpu.memory_space<vmem>>, vector<1x16xf32>
    %mul3A_28 = arith.constant 2.000000e+00 : f32
    %mul3A_29 = vector.broadcast %mul3A_28 : f32 to vector<1x16xf32>
    %mul3A_30 = arith.mulf %mul3A_29, %get3A_27 : vector<1x16xf32>
    %mul3A_31 = arith.mulf %get3A_27, %get3A_27 : vector<1x16xf32>
    %sub3A = arith.subf %mul3A_30, %mul3A_31 : vector<1x16xf32>
    %mul3A_32 = arith.mulf %sub3A, %add3A : vector<1x16xf32>
    %mul3A_33 = arith.mulf %mul3A_32, %add3A : vector<1x16xf32>
    %sub3A_34 = arith.subf %add3A_24, %mul3A_33 : vector<1x16xf32>
    %get3A_35 = arith.constant 0 : index
    %get3A_36 = arith.constant 0 : index
    %get3A_37 = vector.load %arg7[%get3A_35, %get3A_36] : memref<1x16xf32, #tpu.memory_space<vmem>>, vector<1x16xf32>
    %add3A_38 = arith.constant 9.99999974E-6 : f32
    %add3A_39 = vector.broadcast %add3A_38 : f32 to vector<1x16xf32>
    %add3A_40 = arith.addf %sub3A_34, %add3A_39 : vector<1x16xf32>
    %rsqrt3A = math.rsqrt %add3A_40 : vector<1x16xf32>
    %mul3A_41 = arith.mulf %get3A_37, %rsqrt3A : vector<1x16xf32>
    %get3A_42 = arith.constant 0 : index
    %get3A_43 = arith.constant 0 : index
    %get3A_44 = vector.load %arg8[%get3A_42, %get3A_43] : memref<1x16xf32, #tpu.memory_space<vmem>>, vector<1x16xf32>
    %mul3A_45 = arith.mulf %mul3A_41, %get3A_27 : vector<1x16xf32>
    %mul3A_46 = arith.mulf %mul3A_45, %add3A : vector<1x16xf32>
    %sub3A_47 = arith.subf %get3A_44, %mul3A_46 : vector<1x16xf32>
    %get3A_48 = arith.constant 0 : index
    %get3A_49 = arith.constant 0 : index
    %get3A_50 = arith.constant 0 : index
    %get3A_51 = vector.load %arg1[%get3A_48, %get3A_49, %get3A_50] : memref<2x2000x16xf32, #tpu.memory_space<vmem>>, vector<1x2000x16xf32>
    %get3A_52 = vector.shape_cast %get3A_51 : vector<1x2000x16xf32> to vector<2000x16xf32>
    %get3A_53 = arith.constant 1 : index
    %get3A_54 = arith.constant 0 : index
    %get3A_55 = arith.constant 0 : index
    %get3A_56 = vector.load %arg1[%get3A_53, %get3A_54, %get3A_55] : memref<2x2000x16xf32, #tpu.memory_space<vmem>>, vector<1x2000x16xf32>
    %get3A_57 = vector.shape_cast %get3A_56 : vector<1x2000x16xf32> to vector<2000x16xf32>
    %add3A_58 = arith.addf %get3A_52, %get3A_57 : vector<2000x16xf32>
    %get3A_59 = arith.constant 0 : index
    %get3A_60 = arith.constant 0 : index
    %get3A_61 = arith.constant 0 : index
    %get3A_62 = vector.load %arg2[%get3A_59, %get3A_60, %get3A_61] : memref<2x2000x8xf32, #tpu.memory_space<vmem>>, vector<1x2000x8xf32>
    %get3A_63 = vector.shape_cast %get3A_62 : vector<1x2000x8xf32> to vector<2000x8xf32>
    %get3A_64 = arith.constant 1 : index
    %get3A_65 = arith.constant 0 : index
    %get3A_66 = arith.constant 0 : index
    %get3A_67 = vector.load %arg2[%get3A_64, %get3A_65, %get3A_66] : memref<2x2000x8xf32, #tpu.memory_space<vmem>>, vector<1x2000x8xf32>
    %get3A_68 = vector.shape_cast %get3A_67 : vector<1x2000x8xf32> to vector<2000x8xf32>
    %add3A_69 = arith.addf %get3A_63, %get3A_68 : vector<2000x8xf32>
    %slice3A_70 = vector.extract_strided_slice %add3A_69 {offsets = [0, 0], sizes = [2000, 1], strides = [1, 1]} : vector<2000x8xf32> to vector<2000x1xf32>
    %dot_general3A_71 = arith.constant dense<0.000000e+00> : vector<2000x16xf32>
    %dot_general3A_72 = tpu.matmul %add3A_58, %get3A_10, %dot_general3A_71 {dimension_numbers = #tpu.dot_dimension_numbers<[1], [0], [0], [1], [0, 0, 1, 1], [], []>, transpose_lhs_hint = false} : vector<2000x16xf32>, vector<16x16xf32>, vector<2000x16xf32> -> vector<2000x16xf32>
    %mul3A_73 = vector.broadcast %slice3A_70 : vector<2000x1xf32> to vector<2000x16xf32>
    %mul3A_74 = vector.broadcast %get3A_13 : vector<1x16xf32> to vector<2000x16xf32>
    %mul3A_75 = arith.mulf %mul3A_73, %mul3A_74 : vector<2000x16xf32>
    %add3A_76 = arith.addf %dot_general3A_72, %mul3A_75 : vector<2000x16xf32>
    %mul3A_77 = vector.broadcast %mul3A_41 : vector<1x16xf32> to vector<2000x16xf32>
    %mul3A_78 = arith.mulf %add3A_76, %mul3A_77 : vector<2000x16xf32>
    %mul3A_79 = vector.broadcast %slice3A_70 : vector<2000x1xf32> to vector<2000x16xf32>
    %mul3A_80 = vector.broadcast %sub3A_47 : vector<1x16xf32> to vector<2000x16xf32>
    %mul3A_81 = arith.mulf %mul3A_79, %mul3A_80 : vector<2000x16xf32>
    %add3A_82 = arith.addf %mul3A_78, %mul3A_81 : vector<2000x16xf32>
    %get3A_83 = arith.constant 0 : index
    %get3A_84 = arith.constant 0 : index
    %get3A_85 = vector.load %arg4[%get3A_83, %get3A_84] : memref<2000x128xf32, #tpu.memory_space<vmem>>, vector<2000x128xf32>
    %slice3A_86 = vector.extract_strided_slice %get3A_85 {offsets = [0, 64], sizes = [2000, 16], strides = [1, 1]} : vector<2000x128xf32> to vector<2000x16xf32>
    %get3A_87 = arith.constant 0 : index
    %get3A_88 = arith.constant 0 : index
    %get3A_89 = vector.load %arg10[%get3A_87, %get3A_88] : memref<16x64xf32, #tpu.memory_space<vmem>>, vector<16x64xf32>
    %slice3A_90 = vector.extract_strided_slice %get3A_89 {offsets = [0, 0], sizes = [16, 16], strides = [1, 1]} : vector<16x64xf32> to vector<16x16xf32>
    %dot_general3A_91 = arith.constant dense<0.000000e+00> : vector<2000x16xf32>
    %dot_general3A_92 = tpu.matmul %add3A_82, %slice3A_90, %dot_general3A_91 {dimension_numbers = #tpu.dot_dimension_numbers<[1], [0], [0], [1], [0, 0, 1, 1], [], []>, transpose_lhs_hint = false} : vector<2000x16xf32>, vector<16x16xf32>, vector<2000x16xf32> -> vector<2000x16xf32>
    %add3A_93 = arith.addf %slice3A_86, %dot_general3A_92 : vector<2000x16xf32>
    %get3A_94 = arith.constant 0 : index
    %get3A_95 = arith.constant 0 : index
    %get3A_96 = vector.load %arg11[%get3A_94, %get3A_95] : memref<4x16xf32, #tpu.memory_space<vmem>>, vector<1x16xf32>
    %mul3A_97 = vector.broadcast %slice3A_70 : vector<2000x1xf32> to vector<2000x16xf32>
    %mul3A_98 = vector.broadcast %get3A_96 : vector<1x16xf32> to vector<2000x16xf32>
    %mul3A_99 = arith.mulf %mul3A_97, %mul3A_98 : vector<2000x16xf32>
    %add3A_100 = arith.addf %add3A_93, %mul3A_99 : vector<2000x16xf32>
    %get3A_101 = arith.constant 0 : index
    %get3A_102 = arith.constant 0 : index
    %get3A_103 = vector.load %arg12[%get3A_101, %get3A_102] : memref<4x16xf32, #tpu.memory_space<vmem>>, vector<1x16xf32>
    %add3A_104 = vector.broadcast %get3A_103 : vector<1x16xf32> to vector<2000x16xf32>
    %add3A_105 = arith.addf %add3A_100, %add3A_104 : vector<2000x16xf32>
    %swap3A = arith.constant 0 : index
    %swap3A_106 = arith.constant 0 : index
    %swap3A_107 = arith.constant 0 : index
    %swap3A_108 = vector.load %arg13[%swap3A, %swap3A_106, %swap3A_107] : memref<4x2000x16xf32, #tpu.memory_space<vmem>>, vector<1x2000x16xf32>
    %swap3A_109 = vector.shape_cast %swap3A_108 : vector<1x2000x16xf32> to vector<2000x16xf32>
    %swap3A_110 = vector.shape_cast %add3A_105 : vector<2000x16xf32> to vector<1x2000x16xf32>
    tpu.vector_store %arg13[%swap3A, %swap3A_106, %swap3A_107], %swap3A_110 {strides = array<i32>} : memref<4x2000x16xf32, #tpu.memory_space<vmem>>, vector<1x2000x16xf32>,
    %slice3A_111 = vector.extract_strided_slice %get3A_85 {offsets = [0, 80], sizes = [2000, 16], strides = [1, 1]} : vector<2000x128xf32> to vector<2000x16xf32>
    %get3A_112 = arith.constant 0 : index
    %get3A_113 = arith.constant 0 : index
    %get3A_114 = vector.load %arg10[%get3A_112, %get3A_113] : memref<16x64xf32, #tpu.memory_space<vmem>>, vector<16x64xf32>
    %slice3A_115 = vector.extract_strided_slice %get3A_114 {offsets = [0, 16], sizes = [16, 16], strides = [1, 1]} : vector<16x64xf32> to vector<16x16xf32>
    %dot_general3A_116 = arith.constant dense<0.000000e+00> : vector<2000x16xf32>
    %dot_general3A_117 = tpu.matmul %add3A_82, %slice3A_115, %dot_general3A_116 {dimension_numbers = #tpu.dot_dimension_numbers<[1], [0], [0], [1], [0, 0, 1, 1], [], []>, transpose_lhs_hint = false} : vector<2000x16xf32>, vector<16x16xf32>, vector<2000x16xf32> -> vector<2000x16xf32>
    %add3A_118 = arith.addf %slice3A_111, %dot_general3A_117 : vector<2000x16xf32>
    %get3A_119 = arith.constant 1 : index
    %get3A_120 = arith.constant 0 : index
    %get3A_121 = vector.load %arg11[%get3A_119, %get3A_120] : memref<4x16xf32, #tpu.memory_space<vmem>>, vector<1x16xf32>
    %mul3A_122 = vector.broadcast %slice3A_70 : vector<2000x1xf32> to vector<2000x16xf32>
    %mul3A_123 = vector.broadcast %get3A_121 : vector<1x16xf32> to vector<2000x16xf32>
    %mul3A_124 = arith.mulf %mul3A_122, %mul3A_123 : vector<2000x16xf32>
    %add3A_125 = arith.addf %add3A_118, %mul3A_124 : vector<2000x16xf32>
    %get3A_126 = arith.constant 1 : index
    %get3A_127 = arith.constant 0 : index
    %get3A_128 = vector.load %arg12[%get3A_126, %get3A_127] : memref<4x16xf32, #tpu.memory_space<vmem>>, vector<1x16xf32>
    %add3A_129 = vector.broadcast %get3A_128 : vector<1x16xf32> to vector<2000x16xf32>
    %add3A_130 = arith.addf %add3A_125, %add3A_129 : vector<2000x16xf32>
    %swap3A_131 = arith.constant 1 : index
    %swap3A_132 = arith.constant 0 : index
    %swap3A_133 = arith.constant 0 : index
    %swap3A_134 = vector.load %arg13[%swap3A_131, %swap3A_132, %swap3A_133] : memref<4x2000x16xf32, #tpu.memory_space<vmem>>, vector<1x2000x16xf32>
    %swap3A_135 = vector.shape_cast %swap3A_134 : vector<1x2000x16xf32> to vector<2000x16xf32>
    %swap3A_136 = vector.shape_cast %add3A_130 : vector<2000x16xf32> to vector<1x2000x16xf32>
    tpu.vector_store %arg13[%swap3A_131, %swap3A_132, %swap3A_133], %swap3A_136 {strides = array<i32>} : memref<4x2000x16xf32, #tpu.memory_space<vmem>>, vector<1x2000x16xf32>,
    %slice3A_137 = vector.extract_strided_slice %get3A_85 {offsets = [0, 96], sizes = [2000, 16], strides = [1, 1]} : vector<2000x128xf32> to vector<2000x16xf32>
    %get3A_138 = arith.constant 0 : index
    %get3A_139 = arith.constant 0 : index
    %get3A_140 = vector.load %arg10[%get3A_138, %get3A_139] : memref<16x64xf32, #tpu.memory_space<vmem>>, vector<16x64xf32>
    %slice3A_141 = vector.extract_strided_slice %get3A_140 {offsets = [0, 32], sizes = [16, 16], strides = [1, 1]} : vector<16x64xf32> to vector<16x16xf32>
    %dot_general3A_142 = arith.constant dense<0.000000e+00> : vector<2000x16xf32>
    %dot_general3A_143 = tpu.matmul %add3A_82, %slice3A_141, %dot_general3A_142 {dimension_numbers = #tpu.dot_dimension_numbers<[1], [0], [0], [1], [0, 0, 1, 1], [], []>, transpose_lhs_hint = false} : vector<2000x16xf32>, vector<16x16xf32>, vector<2000x16xf32> -> vector<2000x16xf32>
    %add3A_144 = arith.addf %slice3A_137, %dot_general3A_143 : vector<2000x16xf32>
    %get3A_145 = arith.constant 2 : index
    %get3A_146 = arith.constant 0 : index
    %get3A_147 = vector.load %arg11[%get3A_145, %get3A_146] : memref<4x16xf32, #tpu.memory_space<vmem>>, vector<1x16xf32>
    %mul3A_148 = vector.broadcast %slice3A_70 : vector<2000x1xf32> to vector<2000x16xf32>
    %mul3A_149 = vector.broadcast %get3A_147 : vector<1x16xf32> to vector<2000x16xf32>
    %mul3A_150 = arith.mulf %mul3A_148, %mul3A_149 : vector<2000x16xf32>
    %add3A_151 = arith.addf %add3A_144, %mul3A_150 : vector<2000x16xf32>
    %get3A_152 = arith.constant 2 : index
    %get3A_153 = arith.constant 0 : index
    %get3A_154 = vector.load %arg12[%get3A_152, %get3A_153] : memref<4x16xf32, #tpu.memory_space<vmem>>, vector<1x16xf32>
    %add3A_155 = vector.broadcast %get3A_154 : vector<1x16xf32> to vector<2000x16xf32>
    %add3A_156 = arith.addf %add3A_151, %add3A_155 : vector<2000x16xf32>
    %swap3A_157 = arith.constant 2 : index
    %swap3A_158 = arith.constant 0 : index
    %swap3A_159 = arith.constant 0 : index
    %swap3A_160 = vector.load %arg13[%swap3A_157, %swap3A_158, %swap3A_159] : memref<4x2000x16xf32, #tpu.memory_space<vmem>>, vector<1x2000x16xf32>
    %swap3A_161 = vector.shape_cast %swap3A_160 : vector<1x2000x16xf32> to vector<2000x16xf32>
    %swap3A_162 = vector.shape_cast %add3A_156 : vector<2000x16xf32> to vector<1x2000x16xf32>
    tpu.vector_store %arg13[%swap3A_157, %swap3A_158, %swap3A_159], %swap3A_162 {strides = array<i32>} : memref<4x2000x16xf32, #tpu.memory_space<vmem>>, vector<1x2000x16xf32>,
    %slice3A_163 = vector.extract_strided_slice %get3A_85 {offsets = [0, 112], sizes = [2000, 16], strides = [1, 1]} : vector<2000x128xf32> to vector<2000x16xf32>
    %get3A_164 = arith.constant 0 : index
    %get3A_165 = arith.constant 0 : index
    %get3A_166 = vector.load %arg10[%get3A_164, %get3A_165] : memref<16x64xf32, #tpu.memory_space<vmem>>, vector<16x64xf32>
    %slice3A_167 = vector.extract_strided_slice %get3A_166 {offsets = [0, 48], sizes = [16, 16], strides = [1, 1]} : vector<16x64xf32> to vector<16x16xf32>
    %dot_general3A_168 = arith.constant dense<0.000000e+00> : vector<2000x16xf32>
    %dot_general3A_169 = tpu.matmul %add3A_82, %slice3A_167, %dot_general3A_168 {dimension_numbers = #tpu.dot_dimension_numbers<[1], [0], [0], [1], [0, 0, 1, 1], [], []>, transpose_lhs_hint = false} : vector<2000x16xf32>, vector<16x16xf32>, vector<2000x16xf32> -> vector<2000x16xf32>
    %add3A_170 = arith.addf %slice3A_163, %dot_general3A_169 : vector<2000x16xf32>
    %get3A_171 = arith.constant 3 : index
    %get3A_172 = arith.constant 0 : index
    %get3A_173 = vector.load %arg11[%get3A_171, %get3A_172] : memref<4x16xf32, #tpu.memory_space<vmem>>, vector<1x16xf32>
    %mul3A_174 = vector.broadcast %slice3A_70 : vector<2000x1xf32> to vector<2000x16xf32>
    %mul3A_175 = vector.broadcast %get3A_173 : vector<1x16xf32> to vector<2000x16xf32>
    %mul3A_176 = arith.mulf %mul3A_174, %mul3A_175 : vector<2000x16xf32>
    %add3A_177 = arith.addf %add3A_170, %mul3A_176 : vector<2000x16xf32>
    %get3A_178 = arith.constant 3 : index
    %get3A_179 = arith.constant 0 : index
    %get3A_180 = vector.load %arg12[%get3A_178, %get3A_179] : memref<4x16xf32, #tpu.memory_space<vmem>>, vector<1x16xf32>
    %add3A_181 = vector.broadcast %get3A_180 : vector<1x16xf32> to vector<2000x16xf32>
    %add3A_182 = arith.addf %add3A_177, %add3A_181 : vector<2000x16xf32>
    %swap3A_183 = arith.constant 3 : index
    %swap3A_184 = arith.constant 0 : index
    %swap3A_185 = arith.constant 0 : index
    %swap3A_186 = vector.load %arg13[%swap3A_183, %swap3A_184, %swap3A_185] : memref<4x2000x16xf32, #tpu.memory_space<vmem>>, vector<1x2000x16xf32>
    %swap3A_187 = vector.shape_cast %swap3A_186 : vector<1x2000x16xf32> to vector<2000x16xf32>
    %swap3A_188 = vector.shape_cast %add3A_182 : vector<2000x16xf32> to vector<1x2000x16xf32>
    tpu.vector_store %arg13[%swap3A_183, %swap3A_184, %swap3A_185], %swap3A_188 {strides = array<i32>} : memref<4x2000x16xf32, #tpu.memory_space<vmem>>, vector<1x2000x16xf32>,
    return
  }
  func.func @transform_0(%arg0: i32) -> (i32, i32, i32) {
    %c0_i32 = arith.constant 0 : i32
    %c0_i32_0 = arith.constant 0 : i32
    %c0_i32_1 = arith.constant 0 : i32
    return %c0_i32, %arg0, %c0_i32_0 : i32, i32, i32
  }
  func.func @transform_1(%arg0: i32) -> (i32, i32, i32) {
    %c0_i32 = arith.constant 0 : i32
    %c0_i32_0 = arith.constant 0 : i32
    %c0_i32_1 = arith.constant 0 : i32
    return %c0_i32, %arg0, %c0_i32_0 : i32, i32, i32
  }
  func.func @transform_2(%arg0: i32) -> (i32, i32) {
    %c0_i32 = arith.constant 0 : i32
    %c0_i32_0 = arith.constant 0 : i32
    %c0_i32_1 = arith.constant 0 : i32
    return %c0_i32, %c0_i32_0 : i32, i32
  }
  func.func @transform_3(%arg0: i32) -> (i32, i32) {
    %c0_i32 = arith.constant 0 : i32
    %c0_i32_0 = arith.constant 0 : i32
    return %arg0, %c0_i32 : i32, i32
  }
  func.func @transform_4(%arg0: i32) -> (i32, i32) {
    %c0_i32 = arith.constant 0 : i32
    %c0_i32_0 = arith.constant 0 : i32
    %c0_i32_1 = arith.constant 0 : i32
    return %c0_i32, %c0_i32_0 : i32, i32
  }
  func.func @transform_5(%arg0: i32) -> (i32, i32) {
    %c0_i32 = arith.constant 0 : i32
    %c0_i32_0 = arith.constant 0 : i32
    %c0_i32_1 = arith.constant 0 : i32
    return %c0_i32, %c0_i32_0 : i32, i32
  }
  func.func @transform_6(%arg0: i32) -> (i32, i32) {
    %c0_i32 = arith.constant 0 : i32
    %c0_i32_0 = arith.constant 0 : i32
    %c0_i32_1 = arith.constant 0 : i32
    return %c0_i32, %c0_i32_0 : i32, i32
  }
  func.func @transform_7(%arg0: i32) -> (i32, i32) {
    %c0_i32 = arith.constant 0 : i32
    %c0_i32_0 = arith.constant 0 : i32
    %c0_i32_1 = arith.constant 0 : i32
    return %c0_i32, %c0_i32_0 : i32, i32
  }
  func.func @transform_8(%arg0: i32) -> (i32, i32) {
    %c0_i32 = arith.constant 0 : i32
    %c0_i32_0 = arith.constant 0 : i32
    %c0_i32_1 = arith.constant 0 : i32
    return %c0_i32, %c0_i32_0 : i32, i32
  }
  func.func @transform_9(%arg0: i32) -> (i32, i32) {
    %c0_i32 = arith.constant 0 : i32
    %c0_i32_0 = arith.constant 0 : i32
    %c0_i32_1 = arith.constant 0 : i32
    return %c0_i32, %c0_i32_0 : i32, i32
  }
  func.func @transform_10(%arg0: i32) -> (i32, i32) {
    %c0_i32 = arith.constant 0 : i32
    %c0_i32_0 = arith.constant 0 : i32
    %c0_i32_1 = arith.constant 0 : i32
    return %c0_i32, %c0_i32_0 : i32, i32
  }
  func.func @transform_11(%arg0: i32) -> (i32, i32) {
    %c0_i32 = arith.constant 0 : i32
    %c0_i32_0 = arith.constant 0 : i32
    %c0_i32_1 = arith.constant 0 : i32
    return %c0_i32, %c0_i32_0 : i32, i32
  }
  func.func @transform_12(%arg0: i32) -> (i32, i32, i32) {
    %c0_i32 = arith.constant 0 : i32
    %c0_i32_0 = arith.constant 0 : i32
    %c0_i32_1 = arith.constant 0 : i32
    return %c0_i32, %arg0, %c0_i32_0 : i32, i32, i32
  }
}

module attributes {stable_mosaic.version = 14 : i64} {
  func.func @_k5_body(%arg0: i32, %arg1: memref<2x2000x16xf32, #tpu.memory_space<vmem>>, %arg2: memref<2000x16xf32, #tpu.memory_space<vmem>>, %arg3: memref<2000x16xf32, #tpu.memory_space<vmem>>, %arg4: memref<2000x16xf32, #tpu.memory_space<vmem>>, %arg5: memref<16x16xf32, #tpu.memory_space<vmem>>, %arg6: memref<16x16xf32, #tpu.memory_space<vmem>>, %arg7: memref<2000x16xf32, #tpu.memory_space<vmem>>, %arg8: memref<2000x16xf32, #tpu.memory_space<vmem>>) attributes {dimension_semantics = [#tpu.dimension_semantics<arbitrary>], iteration_bounds = array<i64: 5>, scalar_prefetch = 0 : i64, scratch_operands = 0 : i64, tpu.core_type = #tpu.core_type<tc>, window_params = [{transform_indices = @transform_0, window_bounds = array<i64: 2, 2000, 16>}, {transform_indices = @transform_1, window_bounds = array<i64: 2000, 16>}, {transform_indices = @transform_2, window_bounds = array<i64: 2000, 16>}, {transform_indices = @transform_3, window_bounds = array<i64: 2000, 16>}, {pipeline_mode = #tpu.pipeline_mode<synchronous>, transform_indices = @transform_4, window_bounds = array<i64: 16, 16>}, {pipeline_mode = #tpu.pipeline_mode<synchronous>, transform_indices = @transform_5, window_bounds = array<i64: 16, 16>}, {transform_indices = @transform_6, window_bounds = array<i64: 2000, 16>}, {transform_indices = @transform_7, window_bounds = array<i64: 2000, 16>}]} {
    %get3A = arith.constant 0 : index
    %get3A_0 = arith.constant 0 : index
    %get3A_1 = vector.load %arg2[%get3A, %get3A_0] : memref<2000x16xf32, #tpu.memory_space<vmem>>, vector<2000x16xf32>
    %get3A_2 = arith.constant 0 : index
    %get3A_3 = arith.constant 0 : index
    %get3A_4 = vector.load %arg3[%get3A_2, %get3A_3] : memref<2000x16xf32, #tpu.memory_space<vmem>>, vector<2000x16xf32>
    %get3A_5 = arith.constant 0 : index
    %get3A_6 = arith.constant 0 : index
    %get3A_7 = vector.load %arg5[%get3A_5, %get3A_6] : memref<16x16xf32, #tpu.memory_space<vmem>>, vector<16x16xf32>
    %dot_general3A = arith.constant dense<0.000000e+00> : vector<2000x16xf32>
    %dot_general3A_8 = tpu.matmul %get3A_4, %get3A_7, %dot_general3A {dimension_numbers = #tpu.dot_dimension_numbers<[1], [0], [0], [1], [0, 0, 1, 1], [], []>, transpose_lhs_hint = false} : vector<2000x16xf32>, vector<16x16xf32>, vector<2000x16xf32> -> vector<2000x16xf32>
    %add3A = arith.addf %get3A_1, %dot_general3A_8 : vector<2000x16xf32>
    %get3A_9 = arith.constant 0 : index
    %get3A_10 = arith.constant 0 : index
    %get3A_11 = arith.constant 0 : index
    %get3A_12 = vector.load %arg1[%get3A_9, %get3A_10, %get3A_11] : memref<2x2000x16xf32, #tpu.memory_space<vmem>>, vector<1x2000x16xf32>
    %get3A_13 = vector.shape_cast %get3A_12 : vector<1x2000x16xf32> to vector<2000x16xf32>
    %add3A_14 = arith.addf %add3A, %get3A_13 : vector<2000x16xf32>
    %get3A_15 = arith.constant 1 : index
    %get3A_16 = arith.constant 0 : index
    %get3A_17 = arith.constant 0 : index
    %get3A_18 = vector.load %arg1[%get3A_15, %get3A_16, %get3A_17] : memref<2x2000x16xf32, #tpu.memory_space<vmem>>, vector<1x2000x16xf32>
    %get3A_19 = vector.shape_cast %get3A_18 : vector<1x2000x16xf32> to vector<2000x16xf32>
    %add3A_20 = arith.addf %add3A_14, %get3A_19 : vector<2000x16xf32>
    %max3A = arith.constant 0.000000e+00 : f32
    %max3A_21 = vector.broadcast %max3A : f32 to vector<2000x16xf32>
    %max3A_22 = arith.maximumf %add3A_20, %max3A_21 : vector<2000x16xf32>
    %swap3A = arith.constant 0 : index
    %swap3A_23 = arith.constant 0 : index
    %swap3A_24 = vector.load %arg7[%swap3A, %swap3A_23] : memref<2000x16xf32, #tpu.memory_space<vmem>>, vector<2000x16xf32>
    tpu.vector_store %arg7[%swap3A, %swap3A_23], %max3A_22 {strides = array<i32>} : memref<2000x16xf32, #tpu.memory_space<vmem>>, vector<2000x16xf32>,
    %get3A_25 = arith.constant 0 : index
    %get3A_26 = arith.constant 0 : index
    %get3A_27 = vector.load %arg4[%get3A_25, %get3A_26] : memref<2000x16xf32, #tpu.memory_space<vmem>>, vector<2000x16xf32>
    %get3A_28 = arith.constant 0 : index
    %get3A_29 = arith.constant 0 : index
    %get3A_30 = vector.load %arg6[%get3A_28, %get3A_29] : memref<16x16xf32, #tpu.memory_space<vmem>>, vector<16x16xf32>
    %dot_general3A_31 = arith.constant dense<0.000000e+00> : vector<2000x16xf32>
    %dot_general3A_32 = tpu.matmul %max3A_22, %get3A_30, %dot_general3A_31 {dimension_numbers = #tpu.dot_dimension_numbers<[1], [0], [0], [1], [0, 0, 1, 1], [], []>, transpose_lhs_hint = false} : vector<2000x16xf32>, vector<16x16xf32>, vector<2000x16xf32> -> vector<2000x16xf32>
    %add3A_33 = arith.addf %get3A_27, %dot_general3A_32 : vector<2000x16xf32>
    %swap3A_34 = arith.constant 0 : index
    %swap3A_35 = arith.constant 0 : index
    %swap3A_36 = vector.load %arg8[%swap3A_34, %swap3A_35] : memref<2000x16xf32, #tpu.memory_space<vmem>>, vector<2000x16xf32>
    tpu.vector_store %arg8[%swap3A_34, %swap3A_35], %add3A_33 {strides = array<i32>} : memref<2000x16xf32, #tpu.memory_space<vmem>>, vector<2000x16xf32>,
    return
  }
  func.func @transform_0(%arg0: i32) -> (i32, i32, i32) {
    %c0_i32 = arith.constant 0 : i32
    %c0_i32_0 = arith.constant 0 : i32
    %c0_i32_1 = arith.constant 0 : i32
    return %c0_i32, %arg0, %c0_i32_0 : i32, i32, i32
  }
  func.func @transform_1(%arg0: i32) -> (i32, i32) {
    %c0_i32 = arith.constant 0 : i32
    %c0_i32_0 = arith.constant 0 : i32
    return %arg0, %c0_i32 : i32, i32
  }
  func.func @transform_2(%arg0: i32) -> (i32, i32) {
    %c0_i32 = arith.constant 0 : i32
    %c0_i32_0 = arith.constant 0 : i32
    return %arg0, %c0_i32 : i32, i32
  }
  func.func @transform_3(%arg0: i32) -> (i32, i32) {
    %c0_i32 = arith.constant 0 : i32
    %c0_i32_0 = arith.constant 0 : i32
    return %arg0, %c0_i32 : i32, i32
  }
  func.func @transform_4(%arg0: i32) -> (i32, i32) {
    %c0_i32 = arith.constant 0 : i32
    %c0_i32_0 = arith.constant 0 : i32
    %c0_i32_1 = arith.constant 0 : i32
    return %c0_i32, %c0_i32_0 : i32, i32
  }
  func.func @transform_5(%arg0: i32) -> (i32, i32) {
    %c0_i32 = arith.constant 0 : i32
    %c0_i32_0 = arith.constant 0 : i32
    %c0_i32_1 = arith.constant 0 : i32
    return %c0_i32, %c0_i32_0 : i32, i32
  }
  func.func @transform_6(%arg0: i32) -> (i32, i32) {
    %c0_i32 = arith.constant 0 : i32
    %c0_i32_0 = arith.constant 0 : i32
    return %arg0, %c0_i32 : i32, i32
  }
  func.func @transform_7(%arg0: i32) -> (i32, i32) {
    %c0_i32 = arith.constant 0 : i32
    %c0_i32_0 = arith.constant 0 : i32
    return %arg0, %c0_i32 : i32, i32
  }
}

module attributes {stable_mosaic.version = 14 : i64} {
  func.func @_k6_body(%arg0: i32, %arg1: memref<2x2000x16xf32, #tpu.memory_space<vmem>>, %arg2: memref<2000x16xf32, #tpu.memory_space<vmem>>, %arg3: memref<2000x16xf32, #tpu.memory_space<vmem>>, %arg4: memref<16x16xf32, #tpu.memory_space<vmem>>, %arg5: memref<16x16xf32, #tpu.memory_space<vmem>>, %arg6: memref<1x16xf32, #tpu.memory_space<vmem>>, %arg7: memref<2000x8xf32, #tpu.memory_space<vmem>>) attributes {dimension_semantics = [#tpu.dimension_semantics<arbitrary>], iteration_bounds = array<i64: 5>, scalar_prefetch = 0 : i64, scratch_operands = 0 : i64, tpu.core_type = #tpu.core_type<tc>, window_params = [{transform_indices = @transform_0, window_bounds = array<i64: 2, 2000, 16>}, {transform_indices = @transform_1, window_bounds = array<i64: 2000, 16>}, {transform_indices = @transform_2, window_bounds = array<i64: 2000, 16>}, {pipeline_mode = #tpu.pipeline_mode<synchronous>, transform_indices = @transform_3, window_bounds = array<i64: 16, 16>}, {pipeline_mode = #tpu.pipeline_mode<synchronous>, transform_indices = @transform_4, window_bounds = array<i64: 16, 16>}, {pipeline_mode = #tpu.pipeline_mode<synchronous>, transform_indices = @transform_5, window_bounds = array<i64: 1, 16>}, {transform_indices = @transform_6, window_bounds = array<i64: 2000, 8>}]} {
    %get3A = arith.constant 0 : index
    %get3A_0 = arith.constant 0 : index
    %get3A_1 = vector.load %arg2[%get3A, %get3A_0] : memref<2000x16xf32, #tpu.memory_space<vmem>>, vector<2000x16xf32>
    %get3A_2 = arith.constant 0 : index
    %get3A_3 = arith.constant 0 : index
    %get3A_4 = vector.load %arg3[%get3A_2, %get3A_3] : memref<2000x16xf32, #tpu.memory_space<vmem>>, vector<2000x16xf32>
    %get3A_5 = arith.constant 0 : index
    %get3A_6 = arith.constant 0 : index
    %get3A_7 = vector.load %arg4[%get3A_5, %get3A_6] : memref<16x16xf32, #tpu.memory_space<vmem>>, vector<16x16xf32>
    %dot_general3A = arith.constant dense<0.000000e+00> : vector<2000x16xf32>
    %dot_general3A_8 = tpu.matmul %get3A_4, %get3A_7, %dot_general3A {dimension_numbers = #tpu.dot_dimension_numbers<[1], [0], [0], [1], [0, 0, 1, 1], [], []>, transpose_lhs_hint = false} : vector<2000x16xf32>, vector<16x16xf32>, vector<2000x16xf32> -> vector<2000x16xf32>
    %add3A = arith.addf %get3A_1, %dot_general3A_8 : vector<2000x16xf32>
    %get3A_9 = arith.constant 0 : index
    %get3A_10 = arith.constant 0 : index
    %get3A_11 = arith.constant 0 : index
    %get3A_12 = vector.load %arg1[%get3A_9, %get3A_10, %get3A_11] : memref<2x2000x16xf32, #tpu.memory_space<vmem>>, vector<1x2000x16xf32>
    %get3A_13 = vector.shape_cast %get3A_12 : vector<1x2000x16xf32> to vector<2000x16xf32>
    %add3A_14 = arith.addf %add3A, %get3A_13 : vector<2000x16xf32>
    %get3A_15 = arith.constant 1 : index
    %get3A_16 = arith.constant 0 : index
    %get3A_17 = arith.constant 0 : index
    %get3A_18 = vector.load %arg1[%get3A_15, %get3A_16, %get3A_17] : memref<2x2000x16xf32, #tpu.memory_space<vmem>>, vector<1x2000x16xf32>
    %get3A_19 = vector.shape_cast %get3A_18 : vector<1x2000x16xf32> to vector<2000x16xf32>
    %add3A_20 = arith.addf %add3A_14, %get3A_19 : vector<2000x16xf32>
    %max3A = arith.constant 0.000000e+00 : f32
    %max3A_21 = vector.broadcast %max3A : f32 to vector<2000x16xf32>
    %max3A_22 = arith.maximumf %add3A_20, %max3A_21 : vector<2000x16xf32>
    %get3A_23 = arith.constant 0 : index
    %get3A_24 = arith.constant 0 : index
    %get3A_25 = vector.load %arg5[%get3A_23, %get3A_24] : memref<16x16xf32, #tpu.memory_space<vmem>>, vector<16x16xf32>
    %dot_general3A_26 = arith.constant dense<0.000000e+00> : vector<2000x16xf32>
    %dot_general3A_27 = tpu.matmul %max3A_22, %get3A_25, %dot_general3A_26 {dimension_numbers = #tpu.dot_dimension_numbers<[1], [0], [0], [1], [0, 0, 1, 1], [], []>, transpose_lhs_hint = false} : vector<2000x16xf32>, vector<16x16xf32>, vector<2000x16xf32> -> vector<2000x16xf32>
    %get3A_28 = arith.constant 0 : index
    %get3A_29 = arith.constant 0 : index
    %get3A_30 = vector.load %arg6[%get3A_28, %get3A_29] : memref<1x16xf32, #tpu.memory_space<vmem>>, vector<1x16xf32>
    %add3A_31 = vector.broadcast %get3A_30 : vector<1x16xf32> to vector<2000x16xf32>
    %add3A_32 = arith.addf %dot_general3A_27, %add3A_31 : vector<2000x16xf32>
    %slice3A = vector.extract_strided_slice %add3A_32 {offsets = [0, 0], sizes = [2000, 1], strides = [1, 1]} : vector<2000x16xf32> to vector<2000x1xf32>
    %slice3A_33 = vector.extract_strided_slice %add3A_32 {offsets = [0, 1], sizes = [2000, 1], strides = [1, 1]} : vector<2000x16xf32> to vector<2000x1xf32>
    %max3A_34 = arith.maximumf %slice3A, %slice3A_33 : vector<2000x1xf32>
    %sub3A = arith.subf %slice3A, %max3A_34 : vector<2000x1xf32>
    %exp3A = math.exp %sub3A : vector<2000x1xf32>
    %sub3A_35 = arith.subf %slice3A_33, %max3A_34 : vector<2000x1xf32>
    %exp3A_36 = math.exp %sub3A_35 : vector<2000x1xf32>
    %add3A_37 = arith.addf %exp3A, %exp3A_36 : vector<2000x1xf32>
    %div3A = arith.divf %exp3A, %add3A_37 : vector<2000x1xf32>
    %div3A_38 = arith.divf %exp3A_36, %add3A_37 : vector<2000x1xf32>
    %broadcast_in_dim3A = arith.constant 0.000000e+00 : f32
    %broadcast_in_dim3A_39 = vector.broadcast %broadcast_in_dim3A : f32 to vector<2000x6xf32>
    %concatenate3A = tpu.concatenate %div3A, %div3A_38, %broadcast_in_dim3A_39 in 1 : vector<2000x1xf32>, vector<2000x1xf32>, vector<2000x6xf32> -> vector<2000x8xf32>
    %swap3A = arith.constant 0 : index
    %swap3A_40 = arith.constant 0 : index
    %swap3A_41 = vector.load %arg7[%swap3A, %swap3A_40] : memref<2000x8xf32, #tpu.memory_space<vmem>>, vector<2000x8xf32>
    tpu.vector_store %arg7[%swap3A, %swap3A_40], %concatenate3A {strides = array<i32>} : memref<2000x8xf32, #tpu.memory_space<vmem>>, vector<2000x8xf32>,
    return
  }
  func.func @transform_0(%arg0: i32) -> (i32, i32, i32) {
    %c0_i32 = arith.constant 0 : i32
    %c0_i32_0 = arith.constant 0 : i32
    %c0_i32_1 = arith.constant 0 : i32
    return %c0_i32, %arg0, %c0_i32_0 : i32, i32, i32
  }
  func.func @transform_1(%arg0: i32) -> (i32, i32) {
    %c0_i32 = arith.constant 0 : i32
    %c0_i32_0 = arith.constant 0 : i32
    return %arg0, %c0_i32 : i32, i32
  }
  func.func @transform_2(%arg0: i32) -> (i32, i32) {
    %c0_i32 = arith.constant 0 : i32
    %c0_i32_0 = arith.constant 0 : i32
    return %arg0, %c0_i32 : i32, i32
  }
  func.func @transform_3(%arg0: i32) -> (i32, i32) {
    %c0_i32 = arith.constant 0 : i32
    %c0_i32_0 = arith.constant 0 : i32
    %c0_i32_1 = arith.constant 0 : i32
    return %c0_i32, %c0_i32_0 : i32, i32
  }
  func.func @transform_4(%arg0: i32) -> (i32, i32) {
    %c0_i32 = arith.constant 0 : i32
    %c0_i32_0 = arith.constant 0 : i32
    %c0_i32_1 = arith.constant 0 : i32
    return %c0_i32, %c0_i32_0 : i32, i32
  }
  func.func @transform_5(%arg0: i32) -> (i32, i32) {
    %c0_i32 = arith.constant 0 : i32
    %c0_i32_0 = arith.constant 0 : i32
    %c0_i32_1 = arith.constant 0 : i32
    return %c0_i32, %c0_i32_0 : i32, i32
  }
  func.func @transform_6(%arg0: i32) -> (i32, i32) {
    %c0_i32 = arith.constant 0 : i32
    %c0_i32_0 = arith.constant 0 : i32
    return %arg0, %c0_i32 : i32, i32
  }
}

</mosaic_0001>

<sc_bundles>
// kernel: kernel.16.cloned.1.call-start
scs
__scs_entry_jumppad:
0x0: {  	(pc) =	sbr.rel $0x88, $3  }
0x1: {  	(tag) =	ssettag $0x0;
	lr =	simm.s32 $0x1  }
0x2: {  	[smem:$0x3F7F] =	sst lr;
	_ =	strace $0xD0000000  }
0x3: {  	_ = 	snop  }
0x4: {  	_ = 	snop  }
0x5: {  	_ = 	snop  }
0x6: {  	_ = 	snop  }
0x7: {  	_ = 	snop  }
__scs_overlays_trampoline_lowered:
0x8: {  	[smem:$0x3F8E] =	sst s0  }
0x9: {  	[smem:$0x3F8F] =	sst s1  }
0xa: {  	[smem:$0x3F90] =	sst s2  }
0xb: {  	[smem:$0x3F91] =	sst s3  }
0xc: {  	[smem:$0x3F92] =	sst s4  }
0xd: {  	[smem:$0x3F93] =	sst s5  }
0xe: {  	[smem:$0x3F94] =	sst s6  }
0xf: {  	[smem:$0x3F95] =	sst s7  }
0x10: {  	[smem:$0x3F96] =	sst s8  }
0x11: {  	[smem:$0x3F97] =	sst s9;
	s0 =	simm.s32 @!p0 $0x0  }
0x12: {  	s1 =	sld [smem:$0x3F7D];
	s0 =	simm.s32 @p0 $0x1  }
0x13: {  	[smem:$0x3F98] =	sst s0;
	s0 =	simm.s32 @!p1 $0x0  }
0x14: {  	s2 =	sld [smem:$0x3F7C];
	s0 =	simm.s32 @p1 $0x1  }
0x15: {  	[smem:$0x3F99] =	sst s0;
	s0 =	simm.s32 @!p2 $0x0  }
0x16: {  	s3 =	sld [smem:$0x3FDB];
	s0 =	simm.s32 @p2 $0x1  }
0x17: {  	s4 =	simm.s32 $0x1BF5;
	[smem:$0x3F9B] =	sst s0  }
0x18: {  	s0 =	sld [smem:$0x3F7E];
	_ =	swait.ge [sflag:s4], $0x0  }
0x19: {  	s7 =	sld [smem:$0x3F7F]  }
0x1a: {  	s8 =	sadd.s32 $0xFFFFE003, lr  }
0x1b: {  	s9 =	sadd.s32 $0xFFFFFEF7, lr;
	s5 =	simm.s32 $0xFFFFFFFF;
	p2 =	slt.u32 s8, $0xFFFFF086  }
0x1c: {  	p1 =	slt.u32 s9, $0xF7A;
	s5 =	simm.s32 @!p2 $0x0  }
0x1d: {  	s5 =	simm.s32 @p1 $0x1;
	p0 =	seq.s32 s7, s2  }
0x1e: {  	s7 =	smul.u32 @!p0 $0xF7A, s2;
	p2 =	seq.s32 @!p0 s5, $0x0  }
0x1f: {  	s9 =	smul.u32 $0xF7A, s1;
	s8 =	simm.s32 @!p0 $0x1BF5;
	p2 =	por !p2, p0  }
0x20: {  	[sflag:s8] =	ssyncset.s32 @!p0 $0xFFFFF086;
	s6 =	sadd.s32 @!p0 s3, s7;
	s7 =	simm.s32 @!p0 $0x108  }
0x21: {  	s3 =	sadd.s32 s3, s9;
	s6 =	sadd.s32 @!p0 $0x88, s6;
	s7 =	simm.s32 @p2 $0x1082  }
0x22: {  	[simem:s7], [sflag:s8] =	dma.local @!p0 [hbm:s6], $0xF7A  }
0x23: {  	s9 =	sor.u32 $0xD0000000, s2;
	s6 =	simm.s32 $0x108;
	_ =	swait.ge @!p0 [sflag:s8], $0x0  }
0x24: {  	s3 =	sadd.s32 $0x88, s3;
	s6 =	simm.s32 @!p1 $0x1082;
	[sflag:s4] =	ssyncset.s32 $0xFFFFF086  }
0x25: {  	[simem:s6], [sflag:s4] =	dma.local [hbm:s3], $0xF7A  }
0x26: {  	[smem:$0x3F7F] =	sst s1;
	(tag) =	ssettag s2;
	_ =	strace s9  }
0x27: {  	s1 =	sld [smem:$0x3F8F]  }
0x28: {  	s2 =	sld [smem:$0x3F90]  }
0x29: {  	s4 =	sld [smem:$0x3F92]  }
0x2a: {  	p0 =	seq.s32 s5, $0x0;
	s5 =	sld [smem:$0x3F93]  }
0x2b: {  	s6 =	sld [smem:$0x3F94]  }
0x2c: {  	s7 =	sld [smem:$0x3F95]  }
0x2d: {  	s3 =	simm.s32 $0x108;
	s8 =	sld [smem:$0x3F96]  }
0x2e: {  	s3 =	simm.s32 @!p0 $0x1082;
	s9 =	sld [smem:$0x3F97]  }
0x2f: {  	lr =	sadd.s32 s0, s3;
	s0 =	sld [smem:$0x3F8E]  }
0x30: {  	s3 =	sld [smem:$0x3F91]  }
0x31: {  	[smem:$0x3F9A] =	sst s10  }
0x32: {  	s10 =	sld [smem:$0x3F98];
	_ =	sdelay $0x3  }
0x33: {  	p0 =	seq.s32 s10, $0x1;
	s10 =	sld [smem:$0x3F9A];
	_ =	sdelay $0x3  }
0x34: {  	[smem:$0x3F9A] =	sst s10  }
0x35: {  	s10 =	sld [smem:$0x3F99];
	_ =	sdelay $0x3  }
0x36: {  	p1 =	seq.s32 s10, $0x1;
	s10 =	sld [smem:$0x3F9A];
	_ =	sdelay $0x3  }
0x37: {  	[smem:$0x3F9A] =	sst s10  }
0x38: {  	s10 =	sld [smem:$0x3F9B]  }
0x39: {  	_ = 	snop;
	(pc) =	sbr.ind lr, $3  }
0x3a: {  	_ = 	snop  }
0x3b: {  	_ = 	snop  }
0x3c: {  	p2 =	seq.s32 s10, $0x1;
	s10 =	sld [smem:$0x3F9A]  }
0x3d: {  	_ =	shalt  }
0x3e: {  	_ =	shalt  }
0x3f: {  	_ =	shalt  }
0x40: {  	_ =	shalt  }
0x41: {  	_ =	shalt  }
0x42: {  	_ =	shalt  }
0x43: {  	_ =	shalt  }
0x44: {  	_ =	shalt  }
0x45: {  	_ =	shalt  }
0x46: {  	_ =	shalt  }
0x47: {  	_ =	shalt  }
0x48: {  	_ =	shalt  }
0x49: {  	_ =	shalt  }
0x4a: {  	_ =	shalt  }
0x4b: {  	_ =	shalt  }
0x4c: {  	_ =	shalt  }
0x4d: {  	_ =	shalt  }
0x4e: {  	_ =	shalt  }
0x4f: {  	_ =	shalt  }
0x50: {  	_ =	shalt  }
0x51: {  	_ =	shalt  }
0x52: {  	_ =	shalt  }
0x53: {  	_ =	shalt  }
0x54: {  	_ =	shalt  }
0x55: {  	_ =	shalt  }
0x56: {  	_ =	shalt  }
0x57: {  	_ =	shalt  }
0x58: {  	_ =	shalt  }
0x59: {  	_ =	shalt  }
0x5a: {  	_ =	shalt  }
0x5b: {  	_ =	shalt  }
0x5c: {  	_ =	shalt  }
0x5d: {  	_ =	shalt  }
0x5e: {  	_ =	shalt  }
0x5f: {  	_ =	shalt  }
0x60: {  	_ =	shalt  }
0x61: {  	_ =	shalt  }
0x62: {  	_ =	shalt  }
0x63: {  	_ =	shalt  }
0x64: {  	_ =	shalt  }
0x65: {  	_ =	shalt  }
0x66: {  	_ =	shalt  }
0x67: {  	_ =	shalt  }
0x68: {  	_ =	shalt  }
0x69: {  	_ =	shalt  }
0x6a: {  	_ =	shalt  }
0x6b: {  	_ =	shalt  }
0x6c: {  	_ =	shalt  }
0x6d: {  	_ =	shalt  }
0x6e: {  	_ =	shalt  }
0x6f: {  	_ =	shalt  }
0x70: {  	_ =	shalt  }
0x71: {  	_ =	shalt  }
0x72: {  	_ =	shalt  }
0x73: {  	_ =	shalt  }
0x74: {  	_ =	shalt  }
0x75: {  	_ =	shalt  }
0x76: {  	_ =	shalt  }
0x77: {  	_ =	shalt  }
0x78: {  	_ =	shalt  }
0x79: {  	_ =	shalt  }
0x7a: {  	_ =	shalt  }
0x7b: {  	_ =	shalt  }
0x7c: {  	_ =	shalt  }
0x7d: {  	_ =	shalt  }
0x7e: {  	_ =	shalt  }
0x7f: {  	_ =	shalt  }
0x80: {  	_ =	shalt  }
0x81: {  	_ =	shalt  }
0x82: {  	_ =	shalt  }
0x83: {  	_ =	shalt  }
0x84: {  	_ =	shalt  }
0x85: {  	_ =	shalt  }
0x86: {  	_ =	shalt  }
0x87: {  	_ =	shalt  }
.Lfunc_end0:
.L_simem_size_0:
called_computation_lowered:
.L_overlay_start_0:
0x88: {  	s2 =	sld [smem:$0x3FD9]  }
0x89: {  	s3 =	sld [smem:$0x3FFE];
	_ =	sdelay $0x1  }
0x8a: {  	s1 =	srdreg.scid  }
0x8b: {  	s0 =	sand.u32 $0x1, s1  }
0x8c: {  	s17 =	sshll.u32 s0, $0xA;
	s2 =	sadd.s32 s3, s2  }
0x8d: {  	s2 =	sadd.s32 s2, s17  }
0x8e: {  	[smem:$0x3FA6] =	sst s2  }
0x8f: {  	_ = 	snop  }
0x90: {  	s2 =	sld [smem:$0x3FD0];
	(tm) =	ssettm $0x1  }
0x91: {  	s18 =	sld [smem:$0x3FFB];
	_ =	sdelay $0x3  }
0x92: {  	_ =	strace s18  }
0x93: {  	s3 =	sld [smem:$0x3FFC];
	_ =	sdelay $0x3  }
0x94: {  	_ =	strace s3  }
0x95: {  	s3 =	sld [smem:$0x3FFD];
	_ =	sdelay $0x3  }
0x96: {  	_ =	strace s3  }
0x97: {  	_ =	strace $0x8FFFFFFF  }
0x98: {  	s19 =	sld [smem:$0x3FDB];
	_ =	sdelay $0x1  }
0x99: {  	s4 =	simm.s32 $_scs_section_size  }
0x9a: {  	s5 =	simm.s32 $_size__tile_overlayer_lowered;
	s6 =	simm.s32 $_tile_overlayer_lowered  }
0x9b: {  	s22 =	simm.s32 $0x1BFF;
	s21 =	sshll.u32 s6, $0x1;
	s3 =	sadd.s32 s4, s19  }
0x9c: {  	s7 =	simm.s32 $0x0;
	s20 =	sshll.u32 s5, $0x1;
	s5 =	sadd.s32 s21, s3  }
0x9d: {  	[timem:s7], [sflag:s22] =	dma.local [hbm:s5], s20  }
0x9e: {  	_ =	swait.ge [sflag:s22], s20  }
0x9f: {  	s4 =	ssub.s32 $0x0, s20;
	[sflag:s22] =	ssyncset.done $0x0  }
0xa0: {  	[sflag:s22] =	ssyncadd.s32 s4;
	_ =	sdelay $0x1  }
0xa1: {  	s23 =	simm.s32 $0x1B8B  }
0xa2: {  	_ =	swait.ge [sflag:s23], $0x1  }
0xa3: {  	[sflag:s23] =	ssyncset.done $0x0  }
0xa4: {  	s25 =	simm.s32 $0x1B8E;
	s24 =	sld [smem:$0x3FFE];
	[sflag:s23] =	ssyncadd.s32 $0xFFFFFFFF  }
0xa5: {  	s26 =	simm.s32 $execute0_lowered;
	[smem:$0x3FD2] =	sst s25  }
0xa6: {  	s5 =	sshll.u32 s26, $0x1;
	_ =	strace $0x80000046;
	[dreg:$0x1] =	wrdreg $0xFFFFFFFF  }
0xa7: {  	s28 =	simm.s32 $_size_execute0_lowered;
	s3 =	sadd.s32 s3, s5;
	[dreg:$0x0] =	wrdreg $0x0  }
0xa8: {  	s5 =	sshll.u32 s28, $0x1;
	[dreg:$0x2] =	wrdreg s3  }
0xa9: {  	[dreg:$0x3] =	wrdreg s5  }
0xaa: {  	[dreg:$0x4] =	wrdreg $0xC0  }
0xab: {  	_ =	task [dreg:s7], $0x5FFFF  }
0xac: {  	[dreg:$0x1] =	wrdreg $0xFFFFFFFF  }
0xad: {  	[dreg:$0x0] =	wrdreg $0x60  }
0xae: {  	[dreg:$0x2] =	wrdreg s24  }
0xaf: {  	[dreg:$0x3] =	wrdreg s2  }
0xb0: {  	[dreg:$0x4] =	wrdreg $0x3C000  }
0xb1: {  	[dreg:$0x5] =	wrdreg $0x63180  }
0xb2: {  	[dreg:$0x6] =	wrdreg $0x9  }
0xb3: {  	_ =	task.clear_ibuf [dreg:s7], $0x7FFFF;
	_ =	strace $0x90000046  }
0xb4: {  	s29 =	simm.s32 $0x9;
	_ =	strace $0x80000048  }
0xb5: {  	_ =	swait.ge [sflag:s29], $0x1  }
0xb6: {  	[sflag:s29] =	ssyncadd.s32 $0xFFFFFFFF  }
0xb7: {  	_ =	strace $0x90000048  }
0xb8: {  	_ =	sfence  }
0xb9: {  	s30 =	sld [smem:$0x0];
	_ =	sdelay $0x2  }
0xba: {  	s31 =	sshll.u32 s1, $0xD;
	s1 =	sshrl.u32 s1, $0x2  }
0xbb: {  	s3 =	sand.u32 $0x4000, s31;
	s1 =	sadd.s32 s1, s30  }
0xbc: {  	s0 =	sor.u32 s3, s0;
	s1 =	sshll.u32 s1, $0x11  }
0xbd: {  	s0 =	sor.u32 s1, s0  }
0xbe: {  	s0 =	sadd.s32 $0x8F2B, s0  }
0xbf: {  	[sflag:s0] =	ssyncadd.remote.s32 $0x1  }
0xc0: {  	_ =	sfence.sel $0xFFFF  }
0xc1: {  	[dreg:$0x0] =	wrdreg $0xFFFFFFFF;
	(pc) =	sbr.abs _section_cstart, $3  }
0xc2: {  	[dreg:$0x1] =	wrdreg $0xFFFFFFFF  }
0xc3: {  	_ =	task.clear_ibuf [dreg:s7], $0x2FFFF;
	_ =	strace $0x9FFFFFFF  }
0xc4: {  	(tm) =	ssettm $0x7FFFFFFF  }
0xc5: {  	_ =	shalt  }
tec
execute0_lowered:
.L_overlay_start_1:
0x0: {  	(tag) =	ssettag $0x1  }
0x1: {  	s0 =	rddreg [dreg:$0x0]  }
0x2: {  	s1 =	srdreg.scid;
	s3 =	rddreg [dreg:$0x2]  }
0x3: {  	s15 =	stileid.u32;
	s4 =	rddreg [dreg:$0x3];
	s5 =	simm.s32 $0x0  }
0x4: {  	s28 =	simm.s32 $0x1;
	s29 =	simm.s32 $0x2;
	s30 =	simm.s32 $0x80  }
0x5: {  	s31 =	simm.s32 $0x2780;
	s1 =	sand.u32 $0x1, s1;
	s6 =	sadd.s32 $0x4EFC00, s0  }
0x6: {  	s2 =	sshll.u32 s15, $0x1;
	s10 =	sadd.s32 $0x596400, s0;
	s11 =	smul.u32 $0x2700, s15  }
0x7: {  	[smem:$0x7FF] =	sst s5;
	s12 =	sadd.s32 $0x596600, s0;
	s14 =	smul.u32 $0x1380, s15  }
0x8: {  	s18 =	sadd.s32 $0x27000, s3;
	s16 =	sadd.s32 $0x13800, s4;
	s23 =	smul.u32 $0x5000, s15  }
0x9: {  	p0 =	sne.s32 s15, $0xF;
	s2 =	sor.u32 s1, s2;
	s26 =	smul.u32 $0x27180, s1  }
0xa: {  	_ =	strace $0x80000047;
	[dreg:$0x5] =	wrdreg s10;
	s19 =	smul.u32 $0x138C0, s1  }
0xb: {  	s24 =	ssub.s32 $0x2, s1;
	[dreg:$0x9] =	wrdreg s18;
	s1 =	smul.u32 $0x2800, s1  }
0xc: {  	[dreg:$0xa] =	wrdreg s16;
	s8 =	smul.u32 $0x2800, s2;
	s25 =	sadd.s32 s11, s3  }
0xd: {  	s13 =	sshrl.u32 s24, $0x1;
	s17 =	sadd.s32 s14, s4;
	[dreg:$0x7] =	wrdreg s25  }
0xe: {  	s2 =	smul.u32 $0x5000, s2;
	s10 =	ssub.s32 s24, s13;
	[dreg:$0x8] =	wrdreg s17  }
0xf: {  	s20 =	sadd.s32 s11, s26;
	s21 =	sadd.s32 s14, s19;
	s13 =	sshrl.u32 s19, $0x3  }
0x10: {  	s25 =	sadd.s32 s1, s23;
	s23 =	simm.s32 $0x3;
	s7 =	sshrl.u32 s8, $0x3  }
0x11: {  	s2 =	sadd.s32 s6, s2;
	s8 =	sshll.u32 s8, $0x1;
	s22 =	sshrl.u32 s21, $0x3  }
0x12: {  	s19 =	smax.u32 s10, $0x1;
	s9 =	sadd.s32 s7, s0;
	s7 =	sadd.s32 $0x596000, s0  }
0x13: {  	[dreg:$0xb] =	wrdreg s2;
	s2 =	sshrl.u32 s20, $0x3;
	s9 =	sadd.s32 $0x58C000, s9  }
0x14: {  	s0 =	sadd.s32 $0x5A0400, s0;
	s2 =	sadd.s32 s12, s2;
	[dreg:$0x6] =	wrdreg s9  }
0x15: {  	s20 =	sor.u32 $0x100, s25;
	s25 =	simm.s32 $0x2800;
	[dreg:$0xc] =	wrdreg s2  }
0x16: {  	s9 =	sshrl.u32 s26, $0x3;
	s2 =	sadd.s32 s0, s22;
	s0 =	sadd.s32 s0, s13  }
0x17: {  	s26 =	sadd.s32 s8, s6;
	s22 =	sshll.u32 s20, $0x1;
	[dreg:$0xd] =	wrdreg s2  }
0x18: {  	s24 =	sadd.s32 s12, s9;
	s0 =	sadd.s32 $0x2700, s0;
	s21 =	sadd.s32 $0x100, s26  }
0x19: {  	s26 =	simm.s32 $0x3000;
	s2 =	sadd.s32 $0x4E00, s24;
	[dreg:$0xf] =	wrdreg s0  }
0x1a: {  	s24 =	simm.s32 $0x3800;
	[dreg:$0xe] =	wrdreg s2;
	s2 =	simm.s32 $0x0  }
.LBB2_1:
0x1b: {  	s0 =	rddreg [dreg:$0x6]  }
0x1c: {  	[tilespmem:s5], [sflag:$0x3] =	stream.linear.gather [hbm4b:s0+s5], $0x2800, $0x38;
	[tilespmem:$0x76A8] =	vst v63  }
0x1d: {  	_ =	swait.ge [sflag:s23], $0x2800  }
0x1e: {  	[sflag:s23] =	ssyncset.done $0x0  }
0x1f: {  	s15 =	rddreg [dreg:$0x5];
	[sflag:s23] =	ssyncadd.s32 $0xFFFFD800  }
0x20: {  	[tilespmem:s24], [sflag:$0x3] =	stream.linear.gather [hbm4b:s15+s5], $0x400, $0x38;
	[tilespmem:$0x76A8] =	vst v63  }
0x21: {  	_ =	swait.ge [sflag:s23], $0x400  }
0x22: {  	s16 =	stileid.u32;
	[sflag:s23] =	ssyncset.done $0x0  }
0x23: {  	s0 =	sshll.u32 s16, $0x6;
	s1 =	rddreg [dreg:$0x7];
	[sflag:s23] =	ssyncadd.s32 $0xFFFFFC00  }
0x24: {  	s0 =	sor.u32 $0x1C03, s0;
	s1 =	sshrl.u32 s1, $0x3;
	s10 =	rddreg [dreg:$0x1]  }
0x25: {  	[spmem:s1], [sflag:s0] =	dma.local [hbm:s10], $0x4E0  }
0x26: {  	_ =	swait.ge [sflag:s23], $0x4E0  }
0x27: {  	[sflag:s23] =	ssyncset.done $0x0;
	s8 =	rddreg [dreg:$0x8]  }
0x28: {  	[sflag:s23] =	ssyncadd.s32 $0xFFFFFB20;
	s8 =	sshrl.u32 s8, $0x3  }
0x29: {  	[spmem:s8], [sflag:s0] =	dma.local [hbm:s7], $0x270  }
0x2a: {  	_ =	swait.ge [sflag:s23], $0x270  }
0x2b: {  	[sflag:s23] =	ssyncset.done $0x0;
	s9 =	rddreg [dreg:$0x9]  }
0x2c: {  	s11 =	simm.s32 @!p0 $0x3;
	[sflag:s23] =	ssyncadd.s32 $0xFFFFFD90;
	s9 =	sshrl.u32 @!p0 s9, $0x3  }
0x2d: {  	[spmem:s9], [sflag:s0] =	dma.local @!p0 [hbm:s10], $0x30  }
0x2e: {  	_ =	swait.ge @!p0 [sflag:s11], $0x30  }
0x2f: {  	[sflag:s11] =	ssyncset.done @!p0 $0x0;
	s10 =	rddreg [dreg:$0xa]  }
0x30: {  	[sflag:s11] =	ssyncadd.s32 @!p0 $0xFFFFFFD0;
	s10 =	sshrl.u32 @!p0 s10, $0x3  }
0x31: {  	[spmem:s10], [sflag:s0] =	dma.local @!p0 [hbm:s7], $0x18  }
0x32: {  	_ =	swait.ge @!p0 [sflag:s11], $0x18  }
0x33: {  	[sflag:s11] =	ssyncset.done @!p0 $0x0  }
0x34: {  	[sflag:s11] =	ssyncadd.s32 @!p0 $0xFFFFFFE8  }
0x35: {  	[bflag:$0x0] =	sbarrier.arrive $0xFFFF  }
0x36: {  	s17 =	rddreg [dreg:$0xb]  }
0x37: {  	[tilespmem:s25], [sflag:$0x1] =	stream.linear.gather [hbm4b:s17+s5], $0x800, $0x38;
	[tilespmem:$0x76A8] =	vst v63  }
0x38: {  	_ =	swait.ge [sflag:s28], $0x800  }
0x39: {  	[sflag:s28] =	ssyncset.done $0x0  }
0x3a: {  	[sflag:s28] =	ssyncadd.s32 $0xFFFFF800  }
0x3b: {  	[tilespmem:s26], [sflag:$0x1] =	stream.linear.gather [hbm4b:s21+s5], $0x800, $0x38;
	[tilespmem:$0x76A8] =	vst v63  }
0x3c: {  	_ = 	snop  }
0x3d: {  	[spmem:s3] =	stream.indirect.scatter.add.f32 [tilespmem:s25], [sflag:$0x2], $0x10, s5, s30, $0xb8;
	[tilespmem:$0x76A8] =	vst v63  }
0x3e: {  	_ = 	snop  }
0x3f: {  	[spmem:s4] =	stream.indirect.scatter.add.f32 [tilespmem:s24], [sflag:$0x2], $0x8, s5, s30, $0xb8;
	[tilespmem:$0x76A8] =	vst v63  }
0x40: {  	_ =	swait.ge [sflag:s28], $0x800  }
0x41: {  	[sflag:s28] =	ssyncset.done $0x0  }
0x42: {  	[sflag:s28] =	ssyncadd.s32 $0xFFFFF800  }
0x43: {  	_ =	swait.ge [sflag:s29], $0x800  }
0x44: {  	[sflag:s29] =	ssyncset.done $0x0  }
0x45: {  	s18 =	simm.s32 $0x800;
	[sflag:s29] =	ssyncadd.s32 $0xFFFFF800  }
0x46: {  	p1 =	slt.u32 s20, $0x4E181;
	s12 =	smov.u32 s22;
	_ =	swait.ge [sflag:s29], $0x400  }
0x47: {  	s12 =	simm.s32 @!p1 $0x0;
	s11 =	sand.u32 $0x800, s18;
	[sflag:s29] =	ssyncset.done $0x0  }
0x48: {  	s12 =	sadd.s32 s6, s12;
	s13 =	ssub.s32 $0x3000, s11;
	[sflag:s29] =	ssyncadd.s32 $0xFFFFFC00  }
0x49: {  	[tilespmem:s13], [sflag:$0x1] =	stream.linear.gather [hbm4b:s12+s5], $0x800, $0x38;
	[tilespmem:$0x76A8] =	vst v63  }
0x4a: {  	s14 =	simm.s32 $0x100;
	s15 =	simm.s32 $0x80;
	s11 =	sadd.s32 $0x2800, s11  }
0x4b: {  	[spmem:s3] =	stream.indirect.scatter.add.f32 [tilespmem:s11], [sflag:$0x2], $0x10, s30, s30, $0xb8;
	[tilespmem:$0x76A8] =	vst v63  }
0x4c: {  	s17 =	sadd.s32 $0x100, s22;
	s13 =	sadd.s32 $0x80, s20;
	s11 =	simm.s32 $0x2  }
.LBB2_2:
0x4d: {  	[spmem:s4] =	stream.indirect.scatter.add.f32 [tilespmem:s24], [sflag:$0x2], $0x8, s15, s30, $0xb8;
	[tilespmem:$0x76A8] =	vst v63  }
0x4e: {  	p1 =	sne.s32 s11, $0x4E;
	s16 =	smov.u32 s11;
	s11 =	sadd.s32 $0x1, s11  }
0x4f: {  	s15 =	smov.u32 s14;
	_ =	swait.ge [sflag:s28], $0x800  }
0x50: {  	[sflag:s28] =	ssyncset.done $0x0  }
0x51: {  	[sflag:s28] =	ssyncadd.s32 $0xFFFFF800  }
0x52: {  	_ =	swait.ge [sflag:s29], $0x800  }
0x53: {  	[sflag:s29] =	ssyncset.done $0x0  }
0x54: {  	p2 =	slt.u32 s13, $0x4E181;
	s12 =	smov.u32 s17;
	[sflag:s29] =	ssyncadd.s32 $0xFFFFF800  }
0x55: {  	s16 =	sshll.u32 s16, $0xB;
	s12 =	simm.s32 @!p2 $0x0;
	_ =	swait.ge [sflag:s29], $0x400  }
0x56: {  	s16 =	sand.u32 $0x800, s16;
	s12 =	sadd.s32 s6, s12;
	[sflag:s29] =	ssyncset.done $0x0  }
.Ltmp0:
0x57: {  	s18 =	ssub.s32 $0x3000, s16;
	[sflag:s29] =	ssyncadd.s32 $0xFFFFFC00;
	(pc) =	sbr.rel @p1 .LBB2_2-.Ltmp0, $4  }
0x58: {  	[tilespmem:s18], [sflag:$0x1] =	stream.linear.gather [hbm4b:s12+s5], $0x800, $0x38;
	[tilespmem:$0x76A8] =	vst v63  }
0x59: {  	s12 =	sadd.s32 $0x2800, s16  }
0x5a: {  	[spmem:s3] =	stream.indirect.scatter.add.f32 [tilespmem:s12], [sflag:$0x2], $0x10, s14, s30, $0xb8;
	[tilespmem:$0x76A8] =	vst v63  }
0x5b: {  	s17 =	sadd.s32 $0x100, s17;
	s13 =	sadd.s32 $0x80, s13;
	s14 =	sadd.s32 $0x80, s14  }
0x5c: {  	[spmem:s4] =	stream.indirect.scatter.add.f32 [tilespmem:s24], [sflag:$0x2], $0x8, s15, s30, $0xb8;
	[tilespmem:$0x76A8] =	vst v63  }
0x5d: {  	_ =	swait.ge [sflag:s28], $0x800  }
0x5e: {  	[sflag:s28] =	ssyncset.done $0x0  }
0x5f: {  	[sflag:s28] =	ssyncadd.s32 $0xFFFFF800  }
0x60: {  	_ =	swait.ge [sflag:s29], $0x800  }
0x61: {  	[sflag:s29] =	ssyncset.done $0x0  }
0x62: {  	[sflag:s29] =	ssyncadd.s32 $0xFFFFF800  }
0x63: {  	_ =	swait.ge [sflag:s29], $0x400  }
0x64: {  	[sflag:s29] =	ssyncset.done $0x0  }
0x65: {  	[sflag:s29] =	ssyncadd.s32 $0xFFFFFC00  }
0x66: {  	[spmem:s3] =	stream.indirect.scatter.add.f32 [tilespmem:s26], [sflag:$0x2], $0x10, s31, s30, $0xb8;
	[tilespmem:$0x76A8] =	vst v63  }
0x67: {  	_ = 	snop  }
0x68: {  	[spmem:s4] =	stream.indirect.scatter.add.f32 [tilespmem:s24], [sflag:$0x2], $0x8, s31, s30, $0xb8;
	[tilespmem:$0x76A8] =	vst v63  }
0x69: {  	_ =	swait.ge [sflag:s29], $0x800  }
0x6a: {  	[sflag:s29] =	ssyncset.done $0x0  }
0x6b: {  	[sflag:s29] =	ssyncadd.s32 $0xFFFFF800  }
0x6c: {  	_ =	swait.ge [sflag:s29], $0x400  }
0x6d: {  	[sflag:s29] =	ssyncset.done $0x0  }
0x6e: {  	[sflag:s29] =	ssyncadd.s32 $0xFFFFFC00  }
0x6f: {  	[bflag:$0x0] =	sbarrier.arrive $0xFFFF  }
0x70: {  	s11 =	rddreg [dreg:$0xc]  }
0x71: {  	[hbm:s11], [sflag:s0] =	dma.local [spmem:s1], $0x4E0  }
0x72: {  	_ =	swait.ge [sflag:s23], $0x4E0  }
0x73: {  	[sflag:s23] =	ssyncset.done $0x0  }
0x74: {  	s18 =	rddreg [dreg:$0xd];
	[sflag:s23] =	ssyncadd.s32 $0xFFFFFB20  }
0x75: {  	[hbm:s18], [sflag:s0] =	dma.local [spmem:s8], $0x270  }
0x76: {  	_ =	swait.ge [sflag:s23], $0x270  }
0x77: {  	[sflag:s23] =	ssyncset.done $0x0  }
0x78: {  	s1 =	rddreg [dreg:$0xe];
	[sflag:s23] =	ssyncadd.s32 $0xFFFFFD90  }
0x79: {  	[hbm:s1], [sflag:s0] =	dma.local @!p0 [spmem:s9], $0x30  }
0x7a: {  	s1 =	simm.s32 @!p0 $0x3  }
0x7b: {  	s2 =	sadd.s32 $0x1, s2;
	_ =	swait.ge @!p0 [sflag:s1], $0x30  }
0x7c: {  	p1 =	sne.s32 s2, s19;
	[sflag:s1] =	ssyncset.done @!p0 $0x0  }
.Ltmp1:
0x7d: {  	s8 =	rddreg [dreg:$0xf];
	[sflag:s1] =	ssyncadd.s32 @!p0 $0xFFFFFFD0;
	(pc) =	sbr.rel @p1 .LBB2_1-.Ltmp1, $4  }
0x7e: {  	[hbm:s8], [sflag:s0] =	dma.local @!p0 [spmem:s10], $0x18  }
0x7f: {  	_ =	swait.ge @!p0 [sflag:s1], $0x18  }
0x80: {  	[sflag:s1] =	ssyncset.done @!p0 $0x0  }
0x81: {  	[sflag:s1] =	ssyncadd.s32 @!p0 $0xFFFFFFE8  }
0x82: {  	_ =	sfence.sel $0x180000  }
0x83: {  	[bflag:$0x0] =	sbarrier.arrive $0xFFFF  }
0x84: {  	_ =	strace $0x90000047  }
0x85: {  	s0 =	stileid.u32;
	[bflag:$0x2] =	sbarrier.arrive $0xFFFF  }
0x86: {  	p0 =	sne.s32 s0, $0x0;
	s0 =	rddreg [dreg:$0x4]  }
0x87: {  	s0 =	sadd.s32 @!p0 $0x100000, s0  }
0x88: {  	[sflag:s0] =	ssyncadd.tile.s32 @!p0 $0x1;
	_ =	shalt  }
.Lfunc_end2:
_tile_overlayer_lowered:
.L_overlay_start_2:
0x89: {  	(tag) =	ssettag $0x2  }
0x8a: {  	s0 =	rddreg [dreg:$0x0];
	s2 =	stileid.u32  }
0x8b: {  	s1 =	rddreg [dreg:$0x1];
	p0 =	sne.s32 s2, $0x0  }
0x8c: {  	s3 =	rddreg [dreg:$0x2];
	[bflag:$0x3] =	sbarrier.arrive $0xFFFF;
	s2 =	simm.s32 @!p0 $0x1C03  }
0x8d: {  	[timem:s3], [sflag:s2] =	dma.local @!p0 [hbm:s0], s1  }
0x8e: {  	s0 =	simm.s32 @!p0 $0x3  }
0x8f: {  	_ =	swait.ge @!p0 [sflag:s0], s1  }
0x90: {  	s1 =	ssub.s32 @!p0 $0x0, s1;
	[sflag:s0] =	ssyncset.done @!p0 $0x0  }
0x91: {  	[sflag:s0] =	ssyncadd.s32 @!p0 s1  }
0x92: {  	[bflag:$0x3] =	sbarrier.arrive $0xFFFF  }
0x93: {  	_ =	shalt  }

// kernel: kernel.19.cloned.1.call-start
scs
__scs_entry_jumppad:
0x0: {  	(pc) =	sbr.rel $0x88, $3  }
0x1: {  	(tag) =	ssettag $0x0;
	lr =	simm.s32 $0x1  }
0x2: {  	[smem:$0x3F7F] =	sst lr;
	_ =	strace $0xD0000000  }
0x3: {  	_ = 	snop  }
0x4: {  	_ = 	snop  }
0x5: {  	_ = 	snop  }
0x6: {  	_ = 	snop  }
0x7: {  	_ = 	snop  }
__scs_overlays_trampoline_lowered:
0x8: {  	[smem:$0x3F8E] =	sst s0  }
0x9: {  	[smem:$0x3F8F] =	sst s1  }
0xa: {  	[smem:$0x3F90] =	sst s2  }
0xb: {  	[smem:$0x3F91] =	sst s3  }
0xc: {  	[smem:$0x3F92] =	sst s4  }
0xd: {  	[smem:$0x3F93] =	sst s5  }
0xe: {  	[smem:$0x3F94] =	sst s6  }
0xf: {  	[smem:$0x3F95] =	sst s7  }
0x10: {  	[smem:$0x3F96] =	sst s8  }
0x11: {  	[smem:$0x3F97] =	sst s9;
	s0 =	simm.s32 @!p0 $0x0  }
0x12: {  	s1 =	sld [smem:$0x3F7D];
	s0 =	simm.s32 @p0 $0x1  }
0x13: {  	[smem:$0x3F98] =	sst s0;
	s0 =	simm.s32 @!p1 $0x0  }
0x14: {  	s2 =	sld [smem:$0x3F7C];
	s0 =	simm.s32 @p1 $0x1  }
0x15: {  	[smem:$0x3F99] =	sst s0;
	s0 =	simm.s32 @!p2 $0x0  }
0x16: {  	s3 =	sld [smem:$0x3FDB];
	s0 =	simm.s32 @p2 $0x1  }
0x17: {  	s4 =	simm.s32 $0x1BF5;
	[smem:$0x3F9B] =	sst s0  }
0x18: {  	s0 =	sld [smem:$0x3F7E];
	_ =	swait.ge [sflag:s4], $0x0  }
0x19: {  	s7 =	sld [smem:$0x3F7F]  }
0x1a: {  	s8 =	sadd.s32 $0xFFFFE003, lr  }
0x1b: {  	s9 =	sadd.s32 $0xFFFFFEF7, lr;
	s5 =	simm.s32 $0xFFFFFFFF;
	p2 =	slt.u32 s8, $0xFFFFF086  }
0x1c: {  	p1 =	slt.u32 s9, $0xF7A;
	s5 =	simm.s32 @!p2 $0x0  }
0x1d: {  	s5 =	simm.s32 @p1 $0x1;
	p0 =	seq.s32 s7, s2  }
0x1e: {  	s7 =	smul.u32 @!p0 $0xF7A, s2;
	p2 =	seq.s32 @!p0 s5, $0x0  }
0x1f: {  	s9 =	smul.u32 $0xF7A, s1;
	s8 =	simm.s32 @!p0 $0x1BF5;
	p2 =	por !p2, p0  }
0x20: {  	[sflag:s8] =	ssyncset.s32 @!p0 $0xFFFFF086;
	s6 =	sadd.s32 @!p0 s3, s7;
	s7 =	simm.s32 @!p0 $0x108  }
0x21: {  	s3 =	sadd.s32 s3, s9;
	s6 =	sadd.s32 @!p0 $0x88, s6;
	s7 =	simm.s32 @p2 $0x1082  }
0x22: {  	[simem:s7], [sflag:s8] =	dma.local @!p0 [hbm:s6], $0xF7A  }
0x23: {  	s9 =	sor.u32 $0xD0000000, s2;
	s6 =	simm.s32 $0x108;
	_ =	swait.ge @!p0 [sflag:s8], $0x0  }
0x24: {  	s3 =	sadd.s32 $0x88, s3;
	s6 =	simm.s32 @!p1 $0x1082;
	[sflag:s4] =	ssyncset.s32 $0xFFFFF086  }
0x25: {  	[simem:s6], [sflag:s4] =	dma.local [hbm:s3], $0xF7A  }
0x26: {  	[smem:$0x3F7F] =	sst s1;
	(tag) =	ssettag s2;
	_ =	strace s9  }
0x27: {  	s1 =	sld [smem:$0x3F8F]  }
0x28: {  	s2 =	sld [smem:$0x3F90]  }
0x29: {  	s4 =	sld [smem:$0x3F92]  }
0x2a: {  	p0 =	seq.s32 s5, $0x0;
	s5 =	sld [smem:$0x3F93]  }
0x2b: {  	s6 =	sld [smem:$0x3F94]  }
0x2c: {  	s7 =	sld [smem:$0x3F95]  }
0x2d: {  	s3 =	simm.s32 $0x108;
	s8 =	sld [smem:$0x3F96]  }
0x2e: {  	s3 =	simm.s32 @!p0 $0x1082;
	s9 =	sld [smem:$0x3F97]  }
0x2f: {  	lr =	sadd.s32 s0, s3;
	s0 =	sld [smem:$0x3F8E]  }
0x30: {  	s3 =	sld [smem:$0x3F91]  }
0x31: {  	[smem:$0x3F9A] =	sst s10  }
0x32: {  	s10 =	sld [smem:$0x3F98];
	_ =	sdelay $0x3  }
0x33: {  	p0 =	seq.s32 s10, $0x1;
	s10 =	sld [smem:$0x3F9A];
	_ =	sdelay $0x3  }
0x34: {  	[smem:$0x3F9A] =	sst s10  }
0x35: {  	s10 =	sld [smem:$0x3F99];
	_ =	sdelay $0x3  }
0x36: {  	p1 =	seq.s32 s10, $0x1;
	s10 =	sld [smem:$0x3F9A];
	_ =	sdelay $0x3  }
0x37: {  	[smem:$0x3F9A] =	sst s10  }
0x38: {  	s10 =	sld [smem:$0x3F9B]  }
0x39: {  	_ = 	snop;
	(pc) =	sbr.ind lr, $3  }
0x3a: {  	_ = 	snop  }
0x3b: {  	_ = 	snop  }
0x3c: {  	p2 =	seq.s32 s10, $0x1;
	s10 =	sld [smem:$0x3F9A]  }
0x3d: {  	_ =	shalt  }
0x3e: {  	_ =	shalt  }
0x3f: {  	_ =	shalt  }
0x40: {  	_ =	shalt  }
0x41: {  	_ =	shalt  }
0x42: {  	_ =	shalt  }
0x43: {  	_ =	shalt  }
0x44: {  	_ =	shalt  }
0x45: {  	_ =	shalt  }
0x46: {  	_ =	shalt  }
0x47: {  	_ =	shalt  }
0x48: {  	_ =	shalt  }
0x49: {  	_ =	shalt  }
0x4a: {  	_ =	shalt  }
0x4b: {  	_ =	shalt  }
0x4c: {  	_ =	shalt  }
0x4d: {  	_ =	shalt  }
0x4e: {  	_ =	shalt  }
0x4f: {  	_ =	shalt  }
0x50: {  	_ =	shalt  }
0x51: {  	_ =	shalt  }
0x52: {  	_ =	shalt  }
0x53: {  	_ =	shalt  }
0x54: {  	_ =	shalt  }
0x55: {  	_ =	shalt  }
0x56: {  	_ =	shalt  }
0x57: {  	_ =	shalt  }
0x58: {  	_ =	shalt  }
0x59: {  	_ =	shalt  }
0x5a: {  	_ =	shalt  }
0x5b: {  	_ =	shalt  }
0x5c: {  	_ =	shalt  }
0x5d: {  	_ =	shalt  }
0x5e: {  	_ =	shalt  }
0x5f: {  	_ =	shalt  }
0x60: {  	_ =	shalt  }
0x61: {  	_ =	shalt  }
0x62: {  	_ =	shalt  }
0x63: {  	_ =	shalt  }
0x64: {  	_ =	shalt  }
0x65: {  	_ =	shalt  }
0x66: {  	_ =	shalt  }
0x67: {  	_ =	shalt  }
0x68: {  	_ =	shalt  }
0x69: {  	_ =	shalt  }
0x6a: {  	_ =	shalt  }
0x6b: {  	_ =	shalt  }
0x6c: {  	_ =	shalt  }
0x6d: {  	_ =	shalt  }
0x6e: {  	_ =	shalt  }
0x6f: {  	_ =	shalt  }
0x70: {  	_ =	shalt  }
0x71: {  	_ =	shalt  }
0x72: {  	_ =	shalt  }
0x73: {  	_ =	shalt  }
0x74: {  	_ =	shalt  }
0x75: {  	_ =	shalt  }
0x76: {  	_ =	shalt  }
0x77: {  	_ =	shalt  }
0x78: {  	_ =	shalt  }
0x79: {  	_ =	shalt  }
0x7a: {  	_ =	shalt  }
0x7b: {  	_ =	shalt  }
0x7c: {  	_ =	shalt  }
0x7d: {  	_ =	shalt  }
0x7e: {  	_ =	shalt  }
0x7f: {  	_ =	shalt  }
0x80: {  	_ =	shalt  }
0x81: {  	_ =	shalt  }
0x82: {  	_ =	shalt  }
0x83: {  	_ =	shalt  }
0x84: {  	_ =	shalt  }
0x85: {  	_ =	shalt  }
0x86: {  	_ =	shalt  }
0x87: {  	_ =	shalt  }
.Lfunc_end0:
.L_simem_size_0:
called_computation.1_lowered:
.L_overlay_start_0:
0x88: {  	s2 =	sld [smem:$0x3FD9]  }
0x89: {  	s3 =	sld [smem:$0x3FFE];
	_ =	sdelay $0x1  }
0x8a: {  	s1 =	srdreg.scid  }
0x8b: {  	s0 =	sand.u32 $0x1, s1  }
0x8c: {  	s17 =	sshll.u32 s0, $0xA;
	s2 =	sadd.s32 s3, s2  }
0x8d: {  	s2 =	sadd.s32 s2, s17  }
0x8e: {  	[smem:$0x3FA6] =	sst s2  }
0x8f: {  	_ = 	snop  }
0x90: {  	s2 =	sld [smem:$0x3FD0];
	(tm) =	ssettm $0x1  }
0x91: {  	s18 =	sld [smem:$0x3FFB];
	_ =	sdelay $0x3  }
0x92: {  	_ =	strace s18  }
0x93: {  	s3 =	sld [smem:$0x3FFC];
	_ =	sdelay $0x3  }
0x94: {  	_ =	strace s3  }
0x95: {  	s3 =	sld [smem:$0x3FFD];
	_ =	sdelay $0x3  }
0x96: {  	_ =	strace s3  }
0x97: {  	_ =	strace $0x8FFFFFFF  }
0x98: {  	s19 =	sld [smem:$0x3FDB];
	_ =	sdelay $0x1  }
0x99: {  	s4 =	simm.s32 $_scs_section_size  }
0x9a: {  	s5 =	simm.s32 $_size__tile_overlayer_lowered;
	s6 =	simm.s32 $_tile_overlayer_lowered  }
0x9b: {  	s22 =	simm.s32 $0x1BFF;
	s21 =	sshll.u32 s6, $0x1;
	s3 =	sadd.s32 s4, s19  }
0x9c: {  	s7 =	simm.s32 $0x0;
	s20 =	sshll.u32 s5, $0x1;
	s5 =	sadd.s32 s21, s3  }
0x9d: {  	[timem:s7], [sflag:s22] =	dma.local [hbm:s5], s20  }
0x9e: {  	_ =	swait.ge [sflag:s22], s20  }
0x9f: {  	s4 =	ssub.s32 $0x0, s20;
	[sflag:s22] =	ssyncset.done $0x0  }
0xa0: {  	[sflag:s22] =	ssyncadd.s32 s4;
	_ =	sdelay $0x1  }
0xa1: {  	s23 =	simm.s32 $0x1B8B  }
0xa2: {  	_ =	swait.ge [sflag:s23], $0x1  }
0xa3: {  	[sflag:s23] =	ssyncset.done $0x0  }
0xa4: {  	s25 =	simm.s32 $0x1B8E;
	s24 =	sld [smem:$0x3FFE];
	[sflag:s23] =	ssyncadd.s32 $0xFFFFFFFF  }
0xa5: {  	s26 =	simm.s32 $execute0_lowered;
	[smem:$0x3FD2] =	sst s25  }
0xa6: {  	s5 =	sshll.u32 s26, $0x1;
	_ =	strace $0x80000049;
	[dreg:$0x1] =	wrdreg $0xFFFFFFFF  }
0xa7: {  	s28 =	simm.s32 $_size_execute0_lowered;
	s3 =	sadd.s32 s3, s5;
	[dreg:$0x0] =	wrdreg $0x0  }
0xa8: {  	s5 =	sshll.u32 s28, $0x1;
	[dreg:$0x2] =	wrdreg s3  }
0xa9: {  	[dreg:$0x3] =	wrdreg s5  }
0xaa: {  	[dreg:$0x4] =	wrdreg $0xC0  }
0xab: {  	_ =	task [dreg:s7], $0x5FFFF  }
0xac: {  	[dreg:$0x1] =	wrdreg $0xFFFFFFFF  }
0xad: {  	[dreg:$0x0] =	wrdreg $0x60  }
0xae: {  	[dreg:$0x2] =	wrdreg s24  }
0xaf: {  	[dreg:$0x3] =	wrdreg s2  }
0xb0: {  	[dreg:$0x4] =	wrdreg $0x70000  }
0xb1: {  	[dreg:$0x5] =	wrdreg $0x9  }
0xb2: {  	_ =	task.clear_ibuf [dreg:s7], $0x6FFFF;
	_ =	strace $0x90000049  }
0xb3: {  	s29 =	simm.s32 $0x9;
	_ =	strace $0x8000004B  }
0xb4: {  	_ =	swait.ge [sflag:s29], $0x1  }
0xb5: {  	[sflag:s29] =	ssyncadd.s32 $0xFFFFFFFF  }
0xb6: {  	_ =	strace $0x9000004B  }
0xb7: {  	_ =	sfence  }
0xb8: {  	s30 =	sld [smem:$0x0];
	_ =	sdelay $0x2  }
0xb9: {  	s31 =	sshll.u32 s1, $0xD;
	s1 =	sshrl.u32 s1, $0x2  }
0xba: {  	s3 =	sand.u32 $0x4000, s31;
	s1 =	sadd.s32 s1, s30  }
0xbb: {  	s0 =	sor.u32 s3, s0;
	s1 =	sshll.u32 s1, $0x11  }
0xbc: {  	s0 =	sor.u32 s1, s0  }
0xbd: {  	s0 =	sadd.s32 $0x8F2B, s0  }
0xbe: {  	[sflag:s0] =	ssyncadd.remote.s32 $0x1  }
0xbf: {  	_ =	sfence.sel $0xFFFF  }
0xc0: {  	[dreg:$0x0] =	wrdreg $0xFFFFFFFF;
	(pc) =	sbr.abs _section_cstart, $3  }
0xc1: {  	[dreg:$0x1] =	wrdreg $0xFFFFFFFF  }
0xc2: {  	_ =	task.clear_ibuf [dreg:s7], $0x2FFFF;
	_ =	strace $0x9FFFFFFF  }
0xc3: {  	(tm) =	ssettm $0x7FFFFFFF  }
tec
execute0_lowered:
.L_overlay_start_1:
0x0: {  	(tag) =	ssettag $0x1  }
0x1: {  	s0 =	rddreg [dreg:$0x0]  }
0x2: {  	s2 =	rddreg [dreg:$0x1]  }
0x3: {  	s3 =	rddreg [dreg:$0x2]  }
0x4: {  	s5 =	srdreg.scid;
	s1 =	stileid.u32  }
0x5: {  	s4 =	simm.s32 $0x0;
	s12 =	simm.s32 $0x2800;
	s16 =	simm.s32 $0x80  }
0x6: {  	s17 =	simm.s32 $0x5000;
	s19 =	simm.s32 $0x100;
	s20 =	simm.s32 $0x6000  }
0x7: {  	s21 =	simm.s32 $0x180;
	s22 =	simm.s32 $0x6800;
	s23 =	simm.s32 $0x1  }
0x8: {  	s24 =	simm.s32 $0x2;
	s25 =	simm.s32 $0x0;
	s6 =	sand.u32 $0x1, s5  }
0x9: {  	s28 =	sshll.u32 s1, $0x1;
	[smem:$0x7FF] =	sst s4;
	s9 =	smul.u32 $0x2700, s1  }
0xa: {  	s15 =	sadd.s32 $0x27000, s3;
	p0 =	sne.s32 s1, $0xF;
	s31 =	sshll.u32 s1, $0x6  }
0xb: {  	s5 =	sor.u32 s6, s28;
	_ =	strace $0x8000004A;
	s8 =	ssub.s32 $0x2, s6  }
0xc: {  	s11 =	smul.u32 $0x27180, s6;
	s13 =	sor.u32 $0x1C03, s31;
	s15 =	sshrl.u32 @!p0 s15, $0x3  }
0xd: {  	s7 =	smul.u32 $0x500, s5;
	s5 =	sadd.s32 $0x596000, s0;
	s10 =	sshrl.u32 s8, $0x1  }
0xe: {  	s14 =	sadd.s32 s9, s3;
	s10 =	ssub.s32 s8, s10;
	s29 =	sadd.s32 s9, s11  }
0xf: {  	s11 =	sshrl.u32 s11, $0x3;
	s14 =	sshrl.u32 s14, $0x3;
	s7 =	sadd.s32 s7, s0  }
0x10: {  	s0 =	sadd.s32 $0x53E000, s0;
	s8 =	sshrl.u32 s29, $0x3;
	s10 =	smax.u32 s10, $0x1  }
0x11: {  	s6 =	sadd.s32 $0x5A5600, s7;
	s7 =	sadd.s32 $0x58C000, s7;
	s30 =	sadd.s32 s0, s11  }
0x12: {  	s8 =	sadd.s32 s0, s8;
	s11 =	simm.s32 $0x3;
	s9 =	sadd.s32 $0x4E00, s30  }
.LBB2_1:
0x13: {  	[tilespmem:s4], [sflag:$0x3] =	stream.linear.gather [hbm4b:s6+s4], $0x2800, $0x38;
	[tilespmem:$0x9718] =	vst v63  }
0x14: {  	_ =	swait.ge [sflag:s11], $0x2800  }
0x15: {  	[sflag:s11] =	ssyncset.done $0x0  }
0x16: {  	[sflag:s11] =	ssyncadd.s32 $0xFFFFD800  }
0x17: {  	[tilespmem:s12], [sflag:$0x3] =	stream.linear.gather [hbm4b:s7+s4], $0x2800, $0x38;
	[tilespmem:$0x9718] =	vst v63  }
0x18: {  	_ =	swait.ge [sflag:s11], $0x2800  }
0x19: {  	[sflag:s11] =	ssyncset.done $0x0  }
0x1a: {  	[sflag:s11] =	ssyncadd.s32 $0xFFFFD800  }
0x1b: {  	[spmem:s14], [sflag:s13] =	dma.local [hbm:s2], $0x4E0  }
0x1c: {  	_ =	swait.ge [sflag:s11], $0x4E0  }
0x1d: {  	[sflag:s11] =	ssyncset.done $0x0  }
0x1e: {  	s0 =	simm.s32 @!p0 $0x3;
	[sflag:s11] =	ssyncadd.s32 $0xFFFFFB20  }
0x1f: {  	[spmem:s15], [sflag:s13] =	dma.local @!p0 [hbm:s2], $0x30  }
0x20: {  	_ =	swait.ge @!p0 [sflag:s0], $0x30  }
0x21: {  	[sflag:s0] =	ssyncset.done @!p0 $0x0  }
0x22: {  	[sflag:s0] =	ssyncadd.s32 @!p0 $0xFFFFFFD0  }
0x23: {  	[bflag:$0x0] =	sbarrier.arrive $0xFFFF  }
0x24: {  	[tilespmem:s17], [sflag:$0x1] =	stream.indirect.gather [hbm4b:s5+s16], $0x10, s4, s16, $0xb8;
	[tilespmem:$0x9718] =	vst v63  }
0x25: {  	s26 =	simm.s32 $0x5800  }
0x26: {  	[tilespmem:s26], [sflag:$0x1] =	stream.indirect.gather [hbm4b:s5+s16], $0x10, s16, s16, $0xb8;
	[tilespmem:$0x9718] =	vst v63  }
0x27: {  	_ = 	snop  }
0x28: {  	[tilespmem:s20], [sflag:$0x1] =	stream.indirect.gather [hbm4b:s5+s16], $0x10, s19, s16, $0xb8;
	[tilespmem:$0x9718] =	vst v63  }
0x29: {  	_ =	swait.ge [sflag:s23], $0x800  }
0x2a: {  	[sflag:s23] =	ssyncset.done $0x0  }
0x2b: {  	[sflag:s23] =	ssyncadd.s32 $0xFFFFF800  }
0x2c: {  	[tilespmem:s22], [sflag:$0x1] =	stream.indirect.gather [hbm4b:s5+s16], $0x10, s21, s16, $0xb8;
	[tilespmem:$0x9718] =	vst v63  }
0x2d: {  	_ = 	snop  }
0x2e: {  	[spmem:s3] =	stream.indirect.scatter.add.f32 [tilespmem:s17], [sflag:$0x2], $0x10, s12, s16, $0xb8;
	[tilespmem:$0x9718] =	vst v63  }
0x2f: {  	_ =	swait.ge [sflag:s23], $0x800  }
0x30: {  	p1 =	por $0x0, $0x0;
	[sflag:s23] =	ssyncset.done $0x0  }
0x31: {  	s29 =	simm.s32 $0x2000;
	s0 =	simm.s32 $0x8000;
	[sflag:s23] =	ssyncadd.s32 $0xFFFFF800  }
0x32: {  	s30 =	simm.s32 $0x280;
	s0 =	sand.u32 @!p1 $0x6000, s0;
	_ =	swait.ge [sflag:s24], $0x800  }
0x33: {  	s28 =	simm.s32 @!p1 $0x80;
	s0 =	sshrl.u32 @!p1 s0, $0x2;
	[sflag:s24] =	ssyncset.done $0x0  }
0x34: {  	s0 =	sadd.s32 @!p1 $0x5000, s0;
	s26 =	simm.s32 $0x200;
	[sflag:s24] =	ssyncadd.s32 $0xFFFFF800  }
0x35: {  	[tilespmem:s0], [sflag:$0x1] =	stream.indirect.gather @!p1 [hbm4b:s5+s28], $0x10, s26, s28, $0xb8;
	[tilespmem:$0x9718] =	vst v63  }
0x36: {  	s31 =	simm.s32 $0x2880;
	s29 =	sand.u32 $0x6000, s29;
	s26 =	simm.s32 $0x2880  }
0x37: {  	s28 =	simm.s32 $0x2;
	s0 =	sshrl.u32 s29, $0x2;
	s29 =	simm.s32 $0xA000  }
.LBB2_2:
0x38: {  	s0 =	sadd.s32 $0x5000, s0  }
0x39: {  	s26 =	sadd.s32 $0x80, s26;
	s1 =	smov.u32 s28;
	s28 =	sadd.s32 $0x1, s28  }
0x3a: {  	[spmem:s3] =	stream.indirect.scatter.add.f32 [tilespmem:s0], [sflag:$0x2], $0x10, s31, s16, $0xb8;
	[tilespmem:$0x9718] =	vst v63  }
0x3b: {  	p1 =	sne.s32 s28, $0x50;
	s31 =	smov.u32 s26;
	_ =	swait.ge [sflag:s23], $0x800  }
0x3c: {  	p2 =	sgt.u32 s1, $0x4C;
	[sflag:s23] =	ssyncset.done $0x0  }
0x3d: {  	s0 =	sand.u32 @!p2 $0x6000, s29;
	[sflag:s23] =	ssyncadd.s32 $0xFFFFF800  }
.Ltmp0:
0x3e: {  	s1 =	simm.s32 @!p2 $0x80;
	_ =	swait.ge [sflag:s24], $0x800;
	(pc) =	sbr.rel @p1 .LBB2_2-.Ltmp0, $4  }
0x3f: {  	s18 =	sadd.s32 $0xFFFFA000, s29;
	s0 =	sshrl.u32 @!p2 s0, $0x2;
	[sflag:s24] =	ssyncset.done $0x0  }
0x40: {  	s18 =	sand.u32 $0x6000, s18;
	s0 =	sadd.s32 @!p2 $0x5000, s0;
	[sflag:s24] =	ssyncadd.s32 $0xFFFFF800  }
0x41: {  	[tilespmem:s0], [sflag:$0x1] =	stream.indirect.gather @!p2 [hbm4b:s5+s1], $0x10, s30, s1, $0xb8;
	[tilespmem:$0x9718] =	vst v63  }
0x42: {  	s29 =	sadd.s32 $0x2000, s29;
	s0 =	sshrl.u32 s18, $0x2;
	s30 =	sadd.s32 $0x80, s30  }
0x43: {  	s0 =	sadd.s32 $0x5000, s0  }
0x44: {  	[spmem:s3] =	stream.indirect.scatter.add.f32 [tilespmem:s0], [sflag:$0x2], $0x10, s31, s16, $0xb8;
	[tilespmem:$0x9718] =	vst v63  }
0x45: {  	_ =	swait.ge [sflag:s24], $0x800  }
0x46: {  	[sflag:s24] =	ssyncset.done $0x0  }
0x47: {  	[sflag:s24] =	ssyncadd.s32 $0xFFFFF800  }
0x48: {  	[bflag:$0x0] =	sbarrier.arrive $0xFFFF  }
0x49: {  	[hbm:s8], [sflag:s13] =	dma.local [spmem:s14], $0x4E0  }
0x4a: {  	s25 =	sadd.s32 $0x1, s25;
	_ =	swait.ge [sflag:s11], $0x4E0  }
0x4b: {  	p1 =	sne.s32 s25, s10;
	[sflag:s11] =	ssyncset.done $0x0  }
.Ltmp1:
0x4c: {  	s0 =	simm.s32 @!p0 $0x3;
	[sflag:s11] =	ssyncadd.s32 $0xFFFFFB20;
	(pc) =	sbr.rel @p1 .LBB2_1-.Ltmp1, $4  }
0x4d: {  	[hbm:s9], [sflag:s13] =	dma.local @!p0 [spmem:s15], $0x30  }
0x4e: {  	_ =	swait.ge @!p0 [sflag:s0], $0x30  }
0x4f: {  	[sflag:s0] =	ssyncset.done @!p0 $0x0  }
0x50: {  	[sflag:s0] =	ssyncadd.s32 @!p0 $0xFFFFFFD0  }
0x51: {  	_ =	sfence.sel $0x180000  }
0x52: {  	[bflag:$0x0] =	sbarrier.arrive $0xFFFF  }
0x53: {  	_ =	strace $0x9000004A  }
0x54: {  	s0 =	stileid.u32;
	[bflag:$0x2] =	sbarrier.arrive $0xFFFF  }
0x55: {  	p0 =	sne.s32 s0, $0x0;
	s0 =	rddreg [dreg:$0x3]  }
0x56: {  	s0 =	sadd.s32 @!p0 $0x100000, s0  }
0x57: {  	[sflag:s0] =	ssyncadd.tile.s32 @!p0 $0x1;
	_ =	shalt  }
.Lfunc_end2:
_tile_overlayer_lowered:
.L_overlay_start_2:
0x58: {  	(tag) =	ssettag $0x2  }
0x59: {  	s0 =	rddreg [dreg:$0x0];
	s2 =	stileid.u32  }
0x5a: {  	s1 =	rddreg [dreg:$0x1];
	p0 =	sne.s32 s2, $0x0  }
0x5b: {  	s3 =	rddreg [dreg:$0x2];
	[bflag:$0x3] =	sbarrier.arrive $0xFFFF;
	s2 =	simm.s32 @!p0 $0x1C03  }
0x5c: {  	[timem:s3], [sflag:s2] =	dma.local @!p0 [hbm:s0], s1  }
0x5d: {  	s0 =	simm.s32 @!p0 $0x3  }
0x5e: {  	_ =	swait.ge @!p0 [sflag:s0], s1  }
0x5f: {  	s1 =	ssub.s32 @!p0 $0x0, s1;
	[sflag:s0] =	ssyncset.done @!p0 $0x0  }
0x60: {  	[sflag:s0] =	ssyncadd.s32 @!p0 s1  }
0x61: {  	[bflag:$0x3] =	sbarrier.arrive $0xFFFF  }
0x62: {  	_ =	shalt  }

// kernel: kernel.22.cloned.1.call-start
scs
__scs_entry_jumppad:
0x0: {  	(pc) =	sbr.rel $0x88, $3  }
0x1: {  	(tag) =	ssettag $0x0;
	lr =	simm.s32 $0x1  }
0x2: {  	[smem:$0x3F7F] =	sst lr;
	_ =	strace $0xD0000000  }
0x3: {  	_ = 	snop  }
0x4: {  	_ = 	snop  }
0x5: {  	_ = 	snop  }
0x6: {  	_ = 	snop  }
0x7: {  	_ = 	snop  }
__scs_overlays_trampoline_lowered:
0x8: {  	[smem:$0x3F8E] =	sst s0  }
0x9: {  	[smem:$0x3F8F] =	sst s1  }
0xa: {  	[smem:$0x3F90] =	sst s2  }
0xb: {  	[smem:$0x3F91] =	sst s3  }
0xc: {  	[smem:$0x3F92] =	sst s4  }
0xd: {  	[smem:$0x3F93] =	sst s5  }
0xe: {  	[smem:$0x3F94] =	sst s6  }
0xf: {  	[smem:$0x3F95] =	sst s7  }
0x10: {  	[smem:$0x3F96] =	sst s8  }
0x11: {  	[smem:$0x3F97] =	sst s9;
	s0 =	simm.s32 @!p0 $0x0  }
0x12: {  	s1 =	sld [smem:$0x3F7D];
	s0 =	simm.s32 @p0 $0x1  }
0x13: {  	[smem:$0x3F98] =	sst s0;
	s0 =	simm.s32 @!p1 $0x0  }
0x14: {  	s2 =	sld [smem:$0x3F7C];
	s0 =	simm.s32 @p1 $0x1  }
0x15: {  	[smem:$0x3F99] =	sst s0;
	s0 =	simm.s32 @!p2 $0x0  }
0x16: {  	s3 =	sld [smem:$0x3FDB];
	s0 =	simm.s32 @p2 $0x1  }
0x17: {  	s4 =	simm.s32 $0x1BF5;
	[smem:$0x3F9B] =	sst s0  }
0x18: {  	s0 =	sld [smem:$0x3F7E];
	_ =	swait.ge [sflag:s4], $0x0  }
0x19: {  	s7 =	sld [smem:$0x3F7F]  }
0x1a: {  	s8 =	sadd.s32 $0xFFFFE003, lr  }
0x1b: {  	s9 =	sadd.s32 $0xFFFFFEF7, lr;
	s5 =	simm.s32 $0xFFFFFFFF;
	p2 =	slt.u32 s8, $0xFFFFF086  }
0x1c: {  	p1 =	slt.u32 s9, $0xF7A;
	s5 =	simm.s32 @!p2 $0x0  }
0x1d: {  	s5 =	simm.s32 @p1 $0x1;
	p0 =	seq.s32 s7, s2  }
0x1e: {  	s7 =	smul.u32 @!p0 $0xF7A, s2;
	p2 =	seq.s32 @!p0 s5, $0x0  }
0x1f: {  	s9 =	smul.u32 $0xF7A, s1;
	s8 =	simm.s32 @!p0 $0x1BF5;
	p2 =	por !p2, p0  }
0x20: {  	[sflag:s8] =	ssyncset.s32 @!p0 $0xFFFFF086;
	s6 =	sadd.s32 @!p0 s3, s7;
	s7 =	simm.s32 @!p0 $0x108  }
0x21: {  	s3 =	sadd.s32 s3, s9;
	s6 =	sadd.s32 @!p0 $0x88, s6;
	s7 =	simm.s32 @p2 $0x1082  }
0x22: {  	[simem:s7], [sflag:s8] =	dma.local @!p0 [hbm:s6], $0xF7A  }
0x23: {  	s9 =	sor.u32 $0xD0000000, s2;
	s6 =	simm.s32 $0x108;
	_ =	swait.ge @!p0 [sflag:s8], $0x0  }
0x24: {  	s3 =	sadd.s32 $0x88, s3;
	s6 =	simm.s32 @!p1 $0x1082;
	[sflag:s4] =	ssyncset.s32 $0xFFFFF086  }
0x25: {  	[simem:s6], [sflag:s4] =	dma.local [hbm:s3], $0xF7A  }
0x26: {  	[smem:$0x3F7F] =	sst s1;
	(tag) =	ssettag s2;
	_ =	strace s9  }
0x27: {  	s1 =	sld [smem:$0x3F8F]  }
0x28: {  	s2 =	sld [smem:$0x3F90]  }
0x29: {  	s4 =	sld [smem:$0x3F92]  }
0x2a: {  	p0 =	seq.s32 s5, $0x0;
	s5 =	sld [smem:$0x3F93]  }
0x2b: {  	s6 =	sld [smem:$0x3F94]  }
0x2c: {  	s7 =	sld [smem:$0x3F95]  }
0x2d: {  	s3 =	simm.s32 $0x108;
	s8 =	sld [smem:$0x3F96]  }
0x2e: {  	s3 =	simm.s32 @!p0 $0x1082;
	s9 =	sld [smem:$0x3F97]  }
0x2f: {  	lr =	sadd.s32 s0, s3;
	s0 =	sld [smem:$0x3F8E]  }
0x30: {  	s3 =	sld [smem:$0x3F91]  }
0x31: {  	[smem:$0x3F9A] =	sst s10  }
0x32: {  	s10 =	sld [smem:$0x3F98];
	_ =	sdelay $0x3  }
0x33: {  	p0 =	seq.s32 s10, $0x1;
	s10 =	sld [smem:$0x3F9A];
	_ =	sdelay $0x3  }
0x34: {  	[smem:$0x3F9A] =	sst s10  }
0x35: {  	s10 =	sld [smem:$0x3F99];
	_ =	sdelay $0x3  }
0x36: {  	p1 =	seq.s32 s10, $0x1;
	s10 =	sld [smem:$0x3F9A];
	_ =	sdelay $0x3  }
0x37: {  	[smem:$0x3F9A] =	sst s10  }
0x38: {  	s10 =	sld [smem:$0x3F9B]  }
0x39: {  	_ = 	snop;
	(pc) =	sbr.ind lr, $3  }
0x3a: {  	_ = 	snop  }
0x3b: {  	_ = 	snop  }
0x3c: {  	p2 =	seq.s32 s10, $0x1;
	s10 =	sld [smem:$0x3F9A]  }
0x3d: {  	_ =	shalt  }
0x3e: {  	_ =	shalt  }
0x3f: {  	_ =	shalt  }
0x40: {  	_ =	shalt  }
0x41: {  	_ =	shalt  }
0x42: {  	_ =	shalt  }
0x43: {  	_ =	shalt  }
0x44: {  	_ =	shalt  }
0x45: {  	_ =	shalt  }
0x46: {  	_ =	shalt  }
0x47: {  	_ =	shalt  }
0x48: {  	_ =	shalt  }
0x49: {  	_ =	shalt  }
0x4a: {  	_ =	shalt  }
0x4b: {  	_ =	shalt  }
0x4c: {  	_ =	shalt  }
0x4d: {  	_ =	shalt  }
0x4e: {  	_ =	shalt  }
0x4f: {  	_ =	shalt  }
0x50: {  	_ =	shalt  }
0x51: {  	_ =	shalt  }
0x52: {  	_ =	shalt  }
0x53: {  	_ =	shalt  }
0x54: {  	_ =	shalt  }
0x55: {  	_ =	shalt  }
0x56: {  	_ =	shalt  }
0x57: {  	_ =	shalt  }
0x58: {  	_ =	shalt  }
0x59: {  	_ =	shalt  }
0x5a: {  	_ =	shalt  }
0x5b: {  	_ =	shalt  }
0x5c: {  	_ =	shalt  }
0x5d: {  	_ =	shalt  }
0x5e: {  	_ =	shalt  }
0x5f: {  	_ =	shalt  }
0x60: {  	_ =	shalt  }
0x61: {  	_ =	shalt  }
0x62: {  	_ =	shalt  }
0x63: {  	_ =	shalt  }
0x64: {  	_ =	shalt  }
0x65: {  	_ =	shalt  }
0x66: {  	_ =	shalt  }
0x67: {  	_ =	shalt  }
0x68: {  	_ =	shalt  }
0x69: {  	_ =	shalt  }
0x6a: {  	_ =	shalt  }
0x6b: {  	_ =	shalt  }
0x6c: {  	_ =	shalt  }
0x6d: {  	_ =	shalt  }
0x6e: {  	_ =	shalt  }
0x6f: {  	_ =	shalt  }
0x70: {  	_ =	shalt  }
0x71: {  	_ =	shalt  }
0x72: {  	_ =	shalt  }
0x73: {  	_ =	shalt  }
0x74: {  	_ =	shalt  }
0x75: {  	_ =	shalt  }
0x76: {  	_ =	shalt  }
0x77: {  	_ =	shalt  }
0x78: {  	_ =	shalt  }
0x79: {  	_ =	shalt  }
0x7a: {  	_ =	shalt  }
0x7b: {  	_ =	shalt  }
0x7c: {  	_ =	shalt  }
0x7d: {  	_ =	shalt  }
0x7e: {  	_ =	shalt  }
0x7f: {  	_ =	shalt  }
0x80: {  	_ =	shalt  }
0x81: {  	_ =	shalt  }
0x82: {  	_ =	shalt  }
0x83: {  	_ =	shalt  }
0x84: {  	_ =	shalt  }
0x85: {  	_ =	shalt  }
0x86: {  	_ =	shalt  }
0x87: {  	_ =	shalt  }
.Lfunc_end0:
.L_simem_size_0:
called_computation.2_lowered:
.L_overlay_start_0:
0x88: {  	s2 =	sld [smem:$0x3FD9]  }
0x89: {  	s3 =	sld [smem:$0x3FFE];
	_ =	sdelay $0x1  }
0x8a: {  	s1 =	srdreg.scid  }
0x8b: {  	s0 =	sand.u32 $0x1, s1  }
0x8c: {  	s17 =	sshll.u32 s0, $0xA;
	s2 =	sadd.s32 s3, s2  }
0x8d: {  	s2 =	sadd.s32 s2, s17  }
0x8e: {  	[smem:$0x3FA6] =	sst s2  }
0x8f: {  	_ = 	snop  }
0x90: {  	s2 =	sld [smem:$0x3FD0];
	(tm) =	ssettm $0x1  }
0x91: {  	s18 =	sld [smem:$0x3FFB];
	_ =	sdelay $0x3  }
0x92: {  	_ =	strace s18  }
0x93: {  	s3 =	sld [smem:$0x3FFC];
	_ =	sdelay $0x3  }
0x94: {  	_ =	strace s3  }
0x95: {  	s3 =	sld [smem:$0x3FFD];
	_ =	sdelay $0x3  }
0x96: {  	_ =	strace s3  }
0x97: {  	_ =	strace $0x8FFFFFFF  }
0x98: {  	s19 =	sld [smem:$0x3FDB];
	_ =	sdelay $0x1  }
0x99: {  	s4 =	simm.s32 $_scs_section_size  }
0x9a: {  	s5 =	simm.s32 $_size__tile_overlayer_lowered;
	s6 =	simm.s32 $_tile_overlayer_lowered  }
0x9b: {  	s22 =	simm.s32 $0x1BFF;
	s21 =	sshll.u32 s6, $0x1;
	s3 =	sadd.s32 s4, s19  }
0x9c: {  	s7 =	simm.s32 $0x0;
	s20 =	sshll.u32 s5, $0x1;
	s5 =	sadd.s32 s21, s3  }
0x9d: {  	[timem:s7], [sflag:s22] =	dma.local [hbm:s5], s20  }
0x9e: {  	_ =	swait.ge [sflag:s22], s20  }
0x9f: {  	s4 =	ssub.s32 $0x0, s20;
	[sflag:s22] =	ssyncset.done $0x0  }
0xa0: {  	[sflag:s22] =	ssyncadd.s32 s4;
	_ =	sdelay $0x1  }
0xa1: {  	s23 =	simm.s32 $0x1B8B  }
0xa2: {  	_ =	swait.ge [sflag:s23], $0x1  }
0xa3: {  	[sflag:s23] =	ssyncset.done $0x0  }
0xa4: {  	s25 =	simm.s32 $0x1B8E;
	s24 =	sld [smem:$0x3FFE];
	[sflag:s23] =	ssyncadd.s32 $0xFFFFFFFF  }
0xa5: {  	s26 =	simm.s32 $execute0_lowered;
	[smem:$0x3FD2] =	sst s25  }
0xa6: {  	s5 =	sshll.u32 s26, $0x1;
	_ =	strace $0x8000004C;
	[dreg:$0x1] =	wrdreg $0xFFFFFFFF  }
0xa7: {  	s28 =	simm.s32 $_size_execute0_lowered;
	s3 =	sadd.s32 s3, s5;
	[dreg:$0x0] =	wrdreg $0x0  }
0xa8: {  	s5 =	sshll.u32 s28, $0x1;
	[dreg:$0x2] =	wrdreg s3  }
0xa9: {  	[dreg:$0x3] =	wrdreg s5  }
0xaa: {  	[dreg:$0x4] =	wrdreg $0xC0  }
0xab: {  	_ =	task [dreg:s7], $0x5FFFF  }
0xac: {  	[dreg:$0x1] =	wrdreg $0xFFFFFFFF  }
0xad: {  	[dreg:$0x0] =	wrdreg $0x60  }
0xae: {  	[dreg:$0x2] =	wrdreg s24  }
0xaf: {  	[dreg:$0x3] =	wrdreg s2  }
0xb0: {  	[dreg:$0x4] =	wrdreg $0x70000  }
0xb1: {  	[dreg:$0x5] =	wrdreg $0x9  }
0xb2: {  	_ =	task.clear_ibuf [dreg:s7], $0x6FFFF;
	_ =	strace $0x9000004C  }
0xb3: {  	s29 =	simm.s32 $0x9;
	_ =	strace $0x8000004E  }
0xb4: {  	_ =	swait.ge [sflag:s29], $0x1  }
0xb5: {  	[sflag:s29] =	ssyncadd.s32 $0xFFFFFFFF  }
0xb6: {  	_ =	strace $0x9000004E  }
0xb7: {  	_ =	sfence  }
0xb8: {  	s30 =	sld [smem:$0x0];
	_ =	sdelay $0x2  }
0xb9: {  	s31 =	sshll.u32 s1, $0xD;
	s1 =	sshrl.u32 s1, $0x2  }
0xba: {  	s3 =	sand.u32 $0x4000, s31;
	s1 =	sadd.s32 s1, s30  }
0xbb: {  	s0 =	sor.u32 s3, s0;
	s1 =	sshll.u32 s1, $0x11  }
0xbc: {  	s0 =	sor.u32 s1, s0  }
0xbd: {  	s0 =	sadd.s32 $0x8F2B, s0  }
0xbe: {  	[sflag:s0] =	ssyncadd.remote.s32 $0x1  }
0xbf: {  	_ =	sfence.sel $0xFFFF  }
0xc0: {  	[dreg:$0x0] =	wrdreg $0xFFFFFFFF;
	(pc) =	sbr.abs _section_cstart, $3  }
0xc1: {  	[dreg:$0x1] =	wrdreg $0xFFFFFFFF  }
0xc2: {  	_ =	task.clear_ibuf [dreg:s7], $0x2FFFF;
	_ =	strace $0x9FFFFFFF  }
0xc3: {  	(tm) =	ssettm $0x7FFFFFFF  }
tec
execute0_lowered:
.L_overlay_start_1:
0x0: {  	(tag) =	ssettag $0x1  }
0x1: {  	s0 =	rddreg [dreg:$0x0]  }
0x2: {  	s2 =	rddreg [dreg:$0x1]  }
0x3: {  	s3 =	rddreg [dreg:$0x2]  }
0x4: {  	s5 =	srdreg.scid;
	s1 =	stileid.u32  }
0x5: {  	s4 =	simm.s32 $0x0;
	s12 =	simm.s32 $0x2800;
	s16 =	simm.s32 $0x80  }
0x6: {  	s17 =	simm.s32 $0x5000;
	s19 =	simm.s32 $0x100;
	s20 =	simm.s32 $0x6000  }
0x7: {  	s21 =	simm.s32 $0x180;
	s22 =	simm.s32 $0x6800;
	s23 =	simm.s32 $0x1  }
0x8: {  	s24 =	simm.s32 $0x2;
	s25 =	simm.s32 $0x0;
	s6 =	sand.u32 $0x1, s5  }
0x9: {  	s28 =	sshll.u32 s1, $0x1;
	[smem:$0x7FF] =	sst s4;
	s9 =	smul.u32 $0x2700, s1  }
0xa: {  	s15 =	sadd.s32 $0x27000, s3;
	p0 =	sne.s32 s1, $0xF;
	s31 =	sshll.u32 s1, $0x6  }
0xb: {  	s5 =	sor.u32 s6, s28;
	_ =	strace $0x8000004D;
	s8 =	ssub.s32 $0x2, s6  }
0xc: {  	s11 =	smul.u32 $0x27180, s6;
	s13 =	sor.u32 $0x1C03, s31;
	s15 =	sshrl.u32 @!p0 s15, $0x3  }
0xd: {  	s7 =	smul.u32 $0x500, s5;
	s5 =	sadd.s32 $0x596000, s0;
	s10 =	sshrl.u32 s8, $0x1  }
0xe: {  	s14 =	sadd.s32 s9, s3;
	s10 =	ssub.s32 s8, s10;
	s29 =	sadd.s32 s9, s11  }
0xf: {  	s11 =	sshrl.u32 s11, $0x3;
	s14 =	sshrl.u32 s14, $0x3;
	s7 =	sadd.s32 s7, s0  }
0x10: {  	s0 =	sadd.s32 $0x59B000, s0;
	s8 =	sshrl.u32 s29, $0x3;
	s10 =	smax.u32 s10, $0x1  }
0x11: {  	s6 =	sadd.s32 $0x5A5600, s7;
	s7 =	sadd.s32 $0x58C000, s7;
	s30 =	sadd.s32 s0, s11  }
0x12: {  	s8 =	sadd.s32 s0, s8;
	s11 =	simm.s32 $0x3;
	s9 =	sadd.s32 $0x4E00, s30  }
.LBB2_1:
0x13: {  	[tilespmem:s4], [sflag:$0x3] =	stream.linear.gather [hbm4b:s6+s4], $0x2800, $0x38;
	[tilespmem:$0x9718] =	vst v63  }
0x14: {  	_ =	swait.ge [sflag:s11], $0x2800  }
0x15: {  	[sflag:s11] =	ssyncset.done $0x0  }
0x16: {  	[sflag:s11] =	ssyncadd.s32 $0xFFFFD800  }
0x17: {  	[tilespmem:s12], [sflag:$0x3] =	stream.linear.gather [hbm4b:s7+s4], $0x2800, $0x38;
	[tilespmem:$0x9718] =	vst v63  }
0x18: {  	_ =	swait.ge [sflag:s11], $0x2800  }
0x19: {  	[sflag:s11] =	ssyncset.done $0x0  }
0x1a: {  	[sflag:s11] =	ssyncadd.s32 $0xFFFFD800  }
0x1b: {  	[spmem:s14], [sflag:s13] =	dma.local [hbm:s2], $0x4E0  }
0x1c: {  	_ =	swait.ge [sflag:s11], $0x4E0  }
0x1d: {  	[sflag:s11] =	ssyncset.done $0x0  }
0x1e: {  	s0 =	simm.s32 @!p0 $0x3;
	[sflag:s11] =	ssyncadd.s32 $0xFFFFFB20  }
0x1f: {  	[spmem:s15], [sflag:s13] =	dma.local @!p0 [hbm:s2], $0x30  }
0x20: {  	_ =	swait.ge @!p0 [sflag:s0], $0x30  }
0x21: {  	[sflag:s0] =	ssyncset.done @!p0 $0x0  }
0x22: {  	[sflag:s0] =	ssyncadd.s32 @!p0 $0xFFFFFFD0  }
0x23: {  	[bflag:$0x0] =	sbarrier.arrive $0xFFFF  }
0x24: {  	[tilespmem:s17], [sflag:$0x1] =	stream.indirect.gather [hbm4b:s5+s16], $0x10, s4, s16, $0xb8;
	[tilespmem:$0x9718] =	vst v63  }
0x25: {  	s26 =	simm.s32 $0x5800  }
0x26: {  	[tilespmem:s26], [sflag:$0x1] =	stream.indirect.gather [hbm4b:s5+s16], $0x10, s16, s16, $0xb8;
	[tilespmem:$0x9718] =	vst v63  }
0x27: {  	_ = 	snop  }
0x28: {  	[tilespmem:s20], [sflag:$0x1] =	stream.indirect.gather [hbm4b:s5+s16], $0x10, s19, s16, $0xb8;
	[tilespmem:$0x9718] =	vst v63  }
0x29: {  	_ =	swait.ge [sflag:s23], $0x800  }
0x2a: {  	[sflag:s23] =	ssyncset.done $0x0  }
0x2b: {  	[sflag:s23] =	ssyncadd.s32 $0xFFFFF800  }
0x2c: {  	[tilespmem:s22], [sflag:$0x1] =	stream.indirect.gather [hbm4b:s5+s16], $0x10, s21, s16, $0xb8;
	[tilespmem:$0x9718] =	vst v63  }
0x2d: {  	_ = 	snop  }
0x2e: {  	[spmem:s3] =	stream.indirect.scatter.add.f32 [tilespmem:s17], [sflag:$0x2], $0x10, s12, s16, $0xb8;
	[tilespmem:$0x9718] =	vst v63  }
0x2f: {  	_ =	swait.ge [sflag:s23], $0x800  }
0x30: {  	p1 =	por $0x0, $0x0;
	[sflag:s23] =	ssyncset.done $0x0  }
0x31: {  	s29 =	simm.s32 $0x2000;
	s0 =	simm.s32 $0x8000;
	[sflag:s23] =	ssyncadd.s32 $0xFFFFF800  }
0x32: {  	s30 =	simm.s32 $0x280;
	s0 =	sand.u32 @!p1 $0x6000, s0;
	_ =	swait.ge [sflag:s24], $0x800  }
0x33: {  	s28 =	simm.s32 @!p1 $0x80;
	s0 =	sshrl.u32 @!p1 s0, $0x2;
	[sflag:s24] =	ssyncset.done $0x0  }
0x34: {  	s0 =	sadd.s32 @!p1 $0x5000, s0;
	s26 =	simm.s32 $0x200;
	[sflag:s24] =	ssyncadd.s32 $0xFFFFF800  }
0x35: {  	[tilespmem:s0], [sflag:$0x1] =	stream.indirect.gather @!p1 [hbm4b:s5+s28], $0x10, s26, s28, $0xb8;
	[tilespmem:$0x9718] =	vst v63  }
0x36: {  	s31 =	simm.s32 $0x2880;
	s29 =	sand.u32 $0x6000, s29;
	s26 =	simm.s32 $0x2880  }
0x37: {  	s28 =	simm.s32 $0x2;
	s0 =	sshrl.u32 s29, $0x2;
	s29 =	simm.s32 $0xA000  }
.LBB2_2:
0x38: {  	s0 =	sadd.s32 $0x5000, s0  }
0x39: {  	s26 =	sadd.s32 $0x80, s26;
	s1 =	smov.u32 s28;
	s28 =	sadd.s32 $0x1, s28  }
0x3a: {  	[spmem:s3] =	stream.indirect.scatter.add.f32 [tilespmem:s0], [sflag:$0x2], $0x10, s31, s16, $0xb8;
	[tilespmem:$0x9718] =	vst v63  }
0x3b: {  	p1 =	sne.s32 s28, $0x50;
	s31 =	smov.u32 s26;
	_ =	swait.ge [sflag:s23], $0x800  }
0x3c: {  	p2 =	sgt.u32 s1, $0x4C;
	[sflag:s23] =	ssyncset.done $0x0  }
0x3d: {  	s0 =	sand.u32 @!p2 $0x6000, s29;
	[sflag:s23] =	ssyncadd.s32 $0xFFFFF800  }
.Ltmp0:
0x3e: {  	s1 =	simm.s32 @!p2 $0x80;
	_ =	swait.ge [sflag:s24], $0x800;
	(pc) =	sbr.rel @p1 .LBB2_2-.Ltmp0, $4  }
0x3f: {  	s18 =	sadd.s32 $0xFFFFA000, s29;
	s0 =	sshrl.u32 @!p2 s0, $0x2;
	[sflag:s24] =	ssyncset.done $0x0  }
0x40: {  	s18 =	sand.u32 $0x6000, s18;
	s0 =	sadd.s32 @!p2 $0x5000, s0;
	[sflag:s24] =	ssyncadd.s32 $0xFFFFF800  }
0x41: {  	[tilespmem:s0], [sflag:$0x1] =	stream.indirect.gather @!p2 [hbm4b:s5+s1], $0x10, s30, s1, $0xb8;
	[tilespmem:$0x9718] =	vst v63  }
0x42: {  	s29 =	sadd.s32 $0x2000, s29;
	s0 =	sshrl.u32 s18, $0x2;
	s30 =	sadd.s32 $0x80, s30  }
0x43: {  	s0 =	sadd.s32 $0x5000, s0  }
0x44: {  	[spmem:s3] =	stream.indirect.scatter.add.f32 [tilespmem:s0], [sflag:$0x2], $0x10, s31, s16, $0xb8;
	[tilespmem:$0x9718] =	vst v63  }
0x45: {  	_ =	swait.ge [sflag:s24], $0x800  }
0x46: {  	[sflag:s24] =	ssyncset.done $0x0  }
0x47: {  	[sflag:s24] =	ssyncadd.s32 $0xFFFFF800  }
0x48: {  	[bflag:$0x0] =	sbarrier.arrive $0xFFFF  }
0x49: {  	[hbm:s8], [sflag:s13] =	dma.local [spmem:s14], $0x4E0  }
0x4a: {  	s25 =	sadd.s32 $0x1, s25;
	_ =	swait.ge [sflag:s11], $0x4E0  }
0x4b: {  	p1 =	sne.s32 s25, s10;
	[sflag:s11] =	ssyncset.done $0x0  }
.Ltmp1:
0x4c: {  	s0 =	simm.s32 @!p0 $0x3;
	[sflag:s11] =	ssyncadd.s32 $0xFFFFFB20;
	(pc) =	sbr.rel @p1 .LBB2_1-.Ltmp1, $4  }
0x4d: {  	[hbm:s9], [sflag:s13] =	dma.local @!p0 [spmem:s15], $0x30  }
0x4e: {  	_ =	swait.ge @!p0 [sflag:s0], $0x30  }
0x4f: {  	[sflag:s0] =	ssyncset.done @!p0 $0x0  }
0x50: {  	[sflag:s0] =	ssyncadd.s32 @!p0 $0xFFFFFFD0  }
0x51: {  	_ =	sfence.sel $0x180000  }
0x52: {  	[bflag:$0x0] =	sbarrier.arrive $0xFFFF  }
0x53: {  	_ =	strace $0x9000004D  }
0x54: {  	s0 =	stileid.u32;
	[bflag:$0x2] =	sbarrier.arrive $0xFFFF  }
0x55: {  	p0 =	sne.s32 s0, $0x0;
	s0 =	rddreg [dreg:$0x3]  }
0x56: {  	s0 =	sadd.s32 @!p0 $0x100000, s0  }
0x57: {  	[sflag:s0] =	ssyncadd.tile.s32 @!p0 $0x1;
	_ =	shalt  }
.Lfunc_end2:
_tile_overlayer_lowered:
.L_overlay_start_2:
0x58: {  	(tag) =	ssettag $0x2  }
0x59: {  	s0 =	rddreg [dreg:$0x0];
	s2 =	stileid.u32  }
0x5a: {  	s1 =	rddreg [dreg:$0x1];
	p0 =	sne.s32 s2, $0x0  }
0x5b: {  	s3 =	rddreg [dreg:$0x2];
	[bflag:$0x3] =	sbarrier.arrive $0xFFFF;
	s2 =	simm.s32 @!p0 $0x1C03  }
0x5c: {  	[timem:s3], [sflag:s2] =	dma.local @!p0 [hbm:s0], s1  }
0x5d: {  	s0 =	simm.s32 @!p0 $0x3  }
0x5e: {  	_ =	swait.ge @!p0 [sflag:s0], s1  }
0x5f: {  	s1 =	ssub.s32 @!p0 $0x0, s1;
	[sflag:s0] =	ssyncset.done @!p0 $0x0  }
0x60: {  	[sflag:s0] =	ssyncadd.s32 @!p0 s1  }
0x61: {  	[bflag:$0x3] =	sbarrier.arrive $0xFFFF  }
0x62: {  	_ =	shalt  }

// kernel: kernel.25.cloned.1.call-start
scs
__scs_entry_jumppad:
0x0: {  	(pc) =	sbr.rel $0x88, $3  }
0x1: {  	(tag) =	ssettag $0x0;
	lr =	simm.s32 $0x1  }
0x2: {  	[smem:$0x3F7F] =	sst lr;
	_ =	strace $0xD0000000  }
0x3: {  	_ = 	snop  }
0x4: {  	_ = 	snop  }
0x5: {  	_ = 	snop  }
0x6: {  	_ = 	snop  }
0x7: {  	_ = 	snop  }
__scs_overlays_trampoline_lowered:
0x8: {  	[smem:$0x3F8E] =	sst s0  }
0x9: {  	[smem:$0x3F8F] =	sst s1  }
0xa: {  	[smem:$0x3F90] =	sst s2  }
0xb: {  	[smem:$0x3F91] =	sst s3  }
0xc: {  	[smem:$0x3F92] =	sst s4  }
0xd: {  	[smem:$0x3F93] =	sst s5  }
0xe: {  	[smem:$0x3F94] =	sst s6  }
0xf: {  	[smem:$0x3F95] =	sst s7  }
0x10: {  	[smem:$0x3F96] =	sst s8  }
0x11: {  	[smem:$0x3F97] =	sst s9;
	s0 =	simm.s32 @!p0 $0x0  }
0x12: {  	s1 =	sld [smem:$0x3F7D];
	s0 =	simm.s32 @p0 $0x1  }
0x13: {  	[smem:$0x3F98] =	sst s0;
	s0 =	simm.s32 @!p1 $0x0  }
0x14: {  	s2 =	sld [smem:$0x3F7C];
	s0 =	simm.s32 @p1 $0x1  }
0x15: {  	[smem:$0x3F99] =	sst s0;
	s0 =	simm.s32 @!p2 $0x0  }
0x16: {  	s3 =	sld [smem:$0x3FDB];
	s0 =	simm.s32 @p2 $0x1  }
0x17: {  	s4 =	simm.s32 $0x1BF5;
	[smem:$0x3F9B] =	sst s0  }
0x18: {  	s0 =	sld [smem:$0x3F7E];
	_ =	swait.ge [sflag:s4], $0x0  }
0x19: {  	s7 =	sld [smem:$0x3F7F]  }
0x1a: {  	s8 =	sadd.s32 $0xFFFFE003, lr  }
0x1b: {  	s9 =	sadd.s32 $0xFFFFFEF7, lr;
	s5 =	simm.s32 $0xFFFFFFFF;
	p2 =	slt.u32 s8, $0xFFFFF086  }
0x1c: {  	p1 =	slt.u32 s9, $0xF7A;
	s5 =	simm.s32 @!p2 $0x0  }
0x1d: {  	s5 =	simm.s32 @p1 $0x1;
	p0 =	seq.s32 s7, s2  }
0x1e: {  	s7 =	smul.u32 @!p0 $0xF7A, s2;
	p2 =	seq.s32 @!p0 s5, $0x0  }
0x1f: {  	s9 =	smul.u32 $0xF7A, s1;
	s8 =	simm.s32 @!p0 $0x1BF5;
	p2 =	por !p2, p0  }
0x20: {  	[sflag:s8] =	ssyncset.s32 @!p0 $0xFFFFF086;
	s6 =	sadd.s32 @!p0 s3, s7;
	s7 =	simm.s32 @!p0 $0x108  }
0x21: {  	s3 =	sadd.s32 s3, s9;
	s6 =	sadd.s32 @!p0 $0x88, s6;
	s7 =	simm.s32 @p2 $0x1082  }
0x22: {  	[simem:s7], [sflag:s8] =	dma.local @!p0 [hbm:s6], $0xF7A  }
0x23: {  	s9 =	sor.u32 $0xD0000000, s2;
	s6 =	simm.s32 $0x108;
	_ =	swait.ge @!p0 [sflag:s8], $0x0  }
0x24: {  	s3 =	sadd.s32 $0x88, s3;
	s6 =	simm.s32 @!p1 $0x1082;
	[sflag:s4] =	ssyncset.s32 $0xFFFFF086  }
0x25: {  	[simem:s6], [sflag:s4] =	dma.local [hbm:s3], $0xF7A  }
0x26: {  	[smem:$0x3F7F] =	sst s1;
	(tag) =	ssettag s2;
	_ =	strace s9  }
0x27: {  	s1 =	sld [smem:$0x3F8F]  }
0x28: {  	s2 =	sld [smem:$0x3F90]  }
0x29: {  	s4 =	sld [smem:$0x3F92]  }
0x2a: {  	p0 =	seq.s32 s5, $0x0;
	s5 =	sld [smem:$0x3F93]  }
0x2b: {  	s6 =	sld [smem:$0x3F94]  }
0x2c: {  	s7 =	sld [smem:$0x3F95]  }
0x2d: {  	s3 =	simm.s32 $0x108;
	s8 =	sld [smem:$0x3F96]  }
0x2e: {  	s3 =	simm.s32 @!p0 $0x1082;
	s9 =	sld [smem:$0x3F97]  }
0x2f: {  	lr =	sadd.s32 s0, s3;
	s0 =	sld [smem:$0x3F8E]  }
0x30: {  	s3 =	sld [smem:$0x3F91]  }
0x31: {  	[smem:$0x3F9A] =	sst s10  }
0x32: {  	s10 =	sld [smem:$0x3F98];
	_ =	sdelay $0x3  }
0x33: {  	p0 =	seq.s32 s10, $0x1;
	s10 =	sld [smem:$0x3F9A];
	_ =	sdelay $0x3  }
0x34: {  	[smem:$0x3F9A] =	sst s10  }
0x35: {  	s10 =	sld [smem:$0x3F99];
	_ =	sdelay $0x3  }
0x36: {  	p1 =	seq.s32 s10, $0x1;
	s10 =	sld [smem:$0x3F9A];
	_ =	sdelay $0x3  }
0x37: {  	[smem:$0x3F9A] =	sst s10  }
0x38: {  	s10 =	sld [smem:$0x3F9B]  }
0x39: {  	_ = 	snop;
	(pc) =	sbr.ind lr, $3  }
0x3a: {  	_ = 	snop  }
0x3b: {  	_ = 	snop  }
0x3c: {  	p2 =	seq.s32 s10, $0x1;
	s10 =	sld [smem:$0x3F9A]  }
0x3d: {  	_ =	shalt  }
0x3e: {  	_ =	shalt  }
0x3f: {  	_ =	shalt  }
0x40: {  	_ =	shalt  }
0x41: {  	_ =	shalt  }
0x42: {  	_ =	shalt  }
0x43: {  	_ =	shalt  }
0x44: {  	_ =	shalt  }
0x45: {  	_ =	shalt  }
0x46: {  	_ =	shalt  }
0x47: {  	_ =	shalt  }
0x48: {  	_ =	shalt  }
0x49: {  	_ =	shalt  }
0x4a: {  	_ =	shalt  }
0x4b: {  	_ =	shalt  }
0x4c: {  	_ =	shalt  }
0x4d: {  	_ =	shalt  }
0x4e: {  	_ =	shalt  }
0x4f: {  	_ =	shalt  }
0x50: {  	_ =	shalt  }
0x51: {  	_ =	shalt  }
0x52: {  	_ =	shalt  }
0x53: {  	_ =	shalt  }
0x54: {  	_ =	shalt  }
0x55: {  	_ =	shalt  }
0x56: {  	_ =	shalt  }
0x57: {  	_ =	shalt  }
0x58: {  	_ =	shalt  }
0x59: {  	_ =	shalt  }
0x5a: {  	_ =	shalt  }
0x5b: {  	_ =	shalt  }
0x5c: {  	_ =	shalt  }
0x5d: {  	_ =	shalt  }
0x5e: {  	_ =	shalt  }
0x5f: {  	_ =	shalt  }
0x60: {  	_ =	shalt  }
0x61: {  	_ =	shalt  }
0x62: {  	_ =	shalt  }
0x63: {  	_ =	shalt  }
0x64: {  	_ =	shalt  }
0x65: {  	_ =	shalt  }
0x66: {  	_ =	shalt  }
0x67: {  	_ =	shalt  }
0x68: {  	_ =	shalt  }
0x69: {  	_ =	shalt  }
0x6a: {  	_ =	shalt  }
0x6b: {  	_ =	shalt  }
0x6c: {  	_ =	shalt  }
0x6d: {  	_ =	shalt  }
0x6e: {  	_ =	shalt  }
0x6f: {  	_ =	shalt  }
0x70: {  	_ =	shalt  }
0x71: {  	_ =	shalt  }
0x72: {  	_ =	shalt  }
0x73: {  	_ =	shalt  }
0x74: {  	_ =	shalt  }
0x75: {  	_ =	shalt  }
0x76: {  	_ =	shalt  }
0x77: {  	_ =	shalt  }
0x78: {  	_ =	shalt  }
0x79: {  	_ =	shalt  }
0x7a: {  	_ =	shalt  }
0x7b: {  	_ =	shalt  }
0x7c: {  	_ =	shalt  }
0x7d: {  	_ =	shalt  }
0x7e: {  	_ =	shalt  }
0x7f: {  	_ =	shalt  }
0x80: {  	_ =	shalt  }
0x81: {  	_ =	shalt  }
0x82: {  	_ =	shalt  }
0x83: {  	_ =	shalt  }
0x84: {  	_ =	shalt  }
0x85: {  	_ =	shalt  }
0x86: {  	_ =	shalt  }
0x87: {  	_ =	shalt  }
.Lfunc_end0:
.L_simem_size_0:
called_computation.3_lowered:
.L_overlay_start_0:
0x88: {  	s2 =	sld [smem:$0x3FD9]  }
0x89: {  	s3 =	sld [smem:$0x3FFE];
	_ =	sdelay $0x1  }
0x8a: {  	s1 =	srdreg.scid  }
0x8b: {  	s0 =	sand.u32 $0x1, s1  }
0x8c: {  	s17 =	sshll.u32 s0, $0xA;
	s2 =	sadd.s32 s3, s2  }
0x8d: {  	s2 =	sadd.s32 s2, s17  }
0x8e: {  	[smem:$0x3FA6] =	sst s2  }
0x8f: {  	_ = 	snop  }
0x90: {  	s2 =	sld [smem:$0x3FD0];
	(tm) =	ssettm $0x1  }
0x91: {  	s18 =	sld [smem:$0x3FFB];
	_ =	sdelay $0x3  }
0x92: {  	_ =	strace s18  }
0x93: {  	s3 =	sld [smem:$0x3FFC];
	_ =	sdelay $0x3  }
0x94: {  	_ =	strace s3  }
0x95: {  	s3 =	sld [smem:$0x3FFD];
	_ =	sdelay $0x3  }
0x96: {  	_ =	strace s3  }
0x97: {  	_ =	strace $0x8FFFFFFF  }
0x98: {  	s19 =	sld [smem:$0x3FDB];
	_ =	sdelay $0x1  }
0x99: {  	s4 =	simm.s32 $_scs_section_size  }
0x9a: {  	s5 =	simm.s32 $_size__tile_overlayer_lowered;
	s6 =	simm.s32 $_tile_overlayer_lowered  }
0x9b: {  	s22 =	simm.s32 $0x1BFF;
	s21 =	sshll.u32 s6, $0x1;
	s3 =	sadd.s32 s4, s19  }
0x9c: {  	s7 =	simm.s32 $0x0;
	s20 =	sshll.u32 s5, $0x1;
	s5 =	sadd.s32 s21, s3  }
0x9d: {  	[timem:s7], [sflag:s22] =	dma.local [hbm:s5], s20  }
0x9e: {  	_ =	swait.ge [sflag:s22], s20  }
0x9f: {  	s4 =	ssub.s32 $0x0, s20;
	[sflag:s22] =	ssyncset.done $0x0  }
0xa0: {  	[sflag:s22] =	ssyncadd.s32 s4;
	_ =	sdelay $0x1  }
0xa1: {  	s23 =	simm.s32 $0x1B8B  }
0xa2: {  	_ =	swait.ge [sflag:s23], $0x1  }
0xa3: {  	[sflag:s23] =	ssyncset.done $0x0  }
0xa4: {  	s25 =	simm.s32 $0x1B8E;
	s24 =	sld [smem:$0x3FFE];
	[sflag:s23] =	ssyncadd.s32 $0xFFFFFFFF  }
0xa5: {  	s26 =	simm.s32 $execute0_lowered;
	[smem:$0x3FD2] =	sst s25  }
0xa6: {  	s5 =	sshll.u32 s26, $0x1;
	_ =	strace $0x8000004F;
	[dreg:$0x1] =	wrdreg $0xFFFFFFFF  }
0xa7: {  	s28 =	simm.s32 $_size_execute0_lowered;
	s3 =	sadd.s32 s3, s5;
	[dreg:$0x0] =	wrdreg $0x0  }
0xa8: {  	s5 =	sshll.u32 s28, $0x1;
	[dreg:$0x2] =	wrdreg s3  }
0xa9: {  	[dreg:$0x3] =	wrdreg s5  }
0xaa: {  	[dreg:$0x4] =	wrdreg $0xC0  }
0xab: {  	_ =	task [dreg:s7], $0x5FFFF  }
0xac: {  	[dreg:$0x1] =	wrdreg $0xFFFFFFFF  }
0xad: {  	[dreg:$0x0] =	wrdreg $0x60  }
0xae: {  	[dreg:$0x2] =	wrdreg s24  }
0xaf: {  	[dreg:$0x3] =	wrdreg s2  }
0xb0: {  	[dreg:$0x4] =	wrdreg $0x70000  }
0xb1: {  	[dreg:$0x5] =	wrdreg $0x9  }
0xb2: {  	_ =	task.clear_ibuf [dreg:s7], $0x6FFFF;
	_ =	strace $0x9000004F  }
0xb3: {  	s29 =	simm.s32 $0x9;
	_ =	strace $0x80000051  }
0xb4: {  	_ =	swait.ge [sflag:s29], $0x1  }
0xb5: {  	[sflag:s29] =	ssyncadd.s32 $0xFFFFFFFF  }
0xb6: {  	_ =	strace $0x90000051  }
0xb7: {  	_ =	sfence  }
0xb8: {  	s30 =	sld [smem:$0x0];
	_ =	sdelay $0x2  }
0xb9: {  	s31 =	sshll.u32 s1, $0xD;
	s1 =	sshrl.u32 s1, $0x2  }
0xba: {  	s3 =	sand.u32 $0x4000, s31;
	s1 =	sadd.s32 s1, s30  }
0xbb: {  	s0 =	sor.u32 s3, s0;
	s1 =	sshll.u32 s1, $0x11  }
0xbc: {  	s0 =	sor.u32 s1, s0  }
0xbd: {  	s0 =	sadd.s32 $0x8F2B, s0  }
0xbe: {  	[sflag:s0] =	ssyncadd.remote.s32 $0x1  }
0xbf: {  	_ =	sfence.sel $0xFFFF  }
0xc0: {  	[dreg:$0x0] =	wrdreg $0xFFFFFFFF;
	(pc) =	sbr.abs _section_cstart, $3  }
0xc1: {  	[dreg:$0x1] =	wrdreg $0xFFFFFFFF  }
0xc2: {  	_ =	task.clear_ibuf [dreg:s7], $0x2FFFF;
	_ =	strace $0x9FFFFFFF  }
0xc3: {  	(tm) =	ssettm $0x7FFFFFFF  }
tec
execute0_lowered:
.L_overlay_start_1:
0x0: {  	(tag) =	ssettag $0x1  }
0x1: {  	s0 =	rddreg [dreg:$0x0]  }
0x2: {  	s2 =	rddreg [dreg:$0x1]  }
0x3: {  	s3 =	rddreg [dreg:$0x2]  }
0x4: {  	s5 =	srdreg.scid;
	s1 =	stileid.u32  }
0x5: {  	s4 =	simm.s32 $0x0;
	s12 =	simm.s32 $0x2800;
	s16 =	simm.s32 $0x80  }
0x6: {  	s17 =	simm.s32 $0x5000;
	s19 =	simm.s32 $0x100;
	s20 =	simm.s32 $0x6000  }
0x7: {  	s21 =	simm.s32 $0x180;
	s22 =	simm.s32 $0x6800;
	s23 =	simm.s32 $0x1  }
0x8: {  	s24 =	simm.s32 $0x2;
	s25 =	simm.s32 $0x0;
	s6 =	sand.u32 $0x1, s5  }
0x9: {  	s28 =	sshll.u32 s1, $0x1;
	[smem:$0x7FF] =	sst s4;
	s9 =	smul.u32 $0x2700, s1  }
0xa: {  	s15 =	sadd.s32 $0x27000, s3;
	p0 =	sne.s32 s1, $0xF;
	s31 =	sshll.u32 s1, $0x6  }
0xb: {  	s5 =	sor.u32 s6, s28;
	_ =	strace $0x80000050;
	s8 =	ssub.s32 $0x2, s6  }
0xc: {  	s11 =	smul.u32 $0x27180, s6;
	s13 =	sor.u32 $0x1C03, s31;
	s15 =	sshrl.u32 @!p0 s15, $0x3  }
0xd: {  	s7 =	smul.u32 $0x500, s5;
	s5 =	sadd.s32 $0x596000, s0;
	s10 =	sshrl.u32 s8, $0x1  }
0xe: {  	s14 =	sadd.s32 s9, s3;
	s10 =	ssub.s32 s8, s10;
	s29 =	sadd.s32 s9, s11  }
0xf: {  	s11 =	sshrl.u32 s11, $0x3;
	s14 =	sshrl.u32 s14, $0x3;
	s7 =	sadd.s32 s7, s0  }
0x10: {  	s0 =	sadd.s32 $0x59B000, s0;
	s8 =	sshrl.u32 s29, $0x3;
	s10 =	smax.u32 s10, $0x1  }
0x11: {  	s6 =	sadd.s32 $0x5A5600, s7;
	s7 =	sadd.s32 $0x58C000, s7;
	s30 =	sadd.s32 s0, s11  }
0x12: {  	s8 =	sadd.s32 s0, s8;
	s11 =	simm.s32 $0x3;
	s9 =	sadd.s32 $0x4E00, s30  }
.LBB2_1:
0x13: {  	[tilespmem:s4], [sflag:$0x3] =	stream.linear.gather [hbm4b:s6+s4], $0x2800, $0x38;
	[tilespmem:$0x9718] =	vst v63  }
0x14: {  	_ =	swait.ge [sflag:s11], $0x2800  }
0x15: {  	[sflag:s11] =	ssyncset.done $0x0  }
0x16: {  	[sflag:s11] =	ssyncadd.s32 $0xFFFFD800  }
0x17: {  	[tilespmem:s12], [sflag:$0x3] =	stream.linear.gather [hbm4b:s7+s4], $0x2800, $0x38;
	[tilespmem:$0x9718] =	vst v63  }
0x18: {  	_ =	swait.ge [sflag:s11], $0x2800  }
0x19: {  	[sflag:s11] =	ssyncset.done $0x0  }
0x1a: {  	[sflag:s11] =	ssyncadd.s32 $0xFFFFD800  }
0x1b: {  	[spmem:s14], [sflag:s13] =	dma.local [hbm:s2], $0x4E0  }
0x1c: {  	_ =	swait.ge [sflag:s11], $0x4E0  }
0x1d: {  	[sflag:s11] =	ssyncset.done $0x0  }
0x1e: {  	s0 =	simm.s32 @!p0 $0x3;
	[sflag:s11] =	ssyncadd.s32 $0xFFFFFB20  }
0x1f: {  	[spmem:s15], [sflag:s13] =	dma.local @!p0 [hbm:s2], $0x30  }
0x20: {  	_ =	swait.ge @!p0 [sflag:s0], $0x30  }
0x21: {  	[sflag:s0] =	ssyncset.done @!p0 $0x0  }
0x22: {  	[sflag:s0] =	ssyncadd.s32 @!p0 $0xFFFFFFD0  }
0x23: {  	[bflag:$0x0] =	sbarrier.arrive $0xFFFF  }
0x24: {  	[tilespmem:s17], [sflag:$0x1] =	stream.indirect.gather [hbm4b:s5+s16], $0x10, s4, s16, $0xb8;
	[tilespmem:$0x9718] =	vst v63  }
0x25: {  	s26 =	simm.s32 $0x5800  }
0x26: {  	[tilespmem:s26], [sflag:$0x1] =	stream.indirect.gather [hbm4b:s5+s16], $0x10, s16, s16, $0xb8;
	[tilespmem:$0x9718] =	vst v63  }
0x27: {  	_ = 	snop  }
0x28: {  	[tilespmem:s20], [sflag:$0x1] =	stream.indirect.gather [hbm4b:s5+s16], $0x10, s19, s16, $0xb8;
	[tilespmem:$0x9718] =	vst v63  }
0x29: {  	_ =	swait.ge [sflag:s23], $0x800  }
0x2a: {  	[sflag:s23] =	ssyncset.done $0x0  }
0x2b: {  	[sflag:s23] =	ssyncadd.s32 $0xFFFFF800  }
0x2c: {  	[tilespmem:s22], [sflag:$0x1] =	stream.indirect.gather [hbm4b:s5+s16], $0x10, s21, s16, $0xb8;
	[tilespmem:$0x9718] =	vst v63  }
0x2d: {  	_ = 	snop  }
0x2e: {  	[spmem:s3] =	stream.indirect.scatter.add.f32 [tilespmem:s17], [sflag:$0x2], $0x10, s12, s16, $0xb8;
	[tilespmem:$0x9718] =	vst v63  }
0x2f: {  	_ =	swait.ge [sflag:s23], $0x800  }
0x30: {  	p1 =	por $0x0, $0x0;
	[sflag:s23] =	ssyncset.done $0x0  }
0x31: {  	s29 =	simm.s32 $0x2000;
	s0 =	simm.s32 $0x8000;
	[sflag:s23] =	ssyncadd.s32 $0xFFFFF800  }
0x32: {  	s30 =	simm.s32 $0x280;
	s0 =	sand.u32 @!p1 $0x6000, s0;
	_ =	swait.ge [sflag:s24], $0x800  }
0x33: {  	s28 =	simm.s32 @!p1 $0x80;
	s0 =	sshrl.u32 @!p1 s0, $0x2;
	[sflag:s24] =	ssyncset.done $0x0  }
0x34: {  	s0 =	sadd.s32 @!p1 $0x5000, s0;
	s26 =	simm.s32 $0x200;
	[sflag:s24] =	ssyncadd.s32 $0xFFFFF800  }
0x35: {  	[tilespmem:s0], [sflag:$0x1] =	stream.indirect.gather @!p1 [hbm4b:s5+s28], $0x10, s26, s28, $0xb8;
	[tilespmem:$0x9718] =	vst v63  }
0x36: {  	s31 =	simm.s32 $0x2880;
	s29 =	sand.u32 $0x6000, s29;
	s26 =	simm.s32 $0x2880  }
0x37: {  	s28 =	simm.s32 $0x2;
	s0 =	sshrl.u32 s29, $0x2;
	s29 =	simm.s32 $0xA000  }
.LBB2_2:
0x38: {  	s0 =	sadd.s32 $0x5000, s0  }
0x39: {  	s26 =	sadd.s32 $0x80, s26;
	s1 =	smov.u32 s28;
	s28 =	sadd.s32 $0x1, s28  }
0x3a: {  	[spmem:s3] =	stream.indirect.scatter.add.f32 [tilespmem:s0], [sflag:$0x2], $0x10, s31, s16, $0xb8;
	[tilespmem:$0x9718] =	vst v63  }
0x3b: {  	p1 =	sne.s32 s28, $0x50;
	s31 =	smov.u32 s26;
	_ =	swait.ge [sflag:s23], $0x800  }
0x3c: {  	p2 =	sgt.u32 s1, $0x4C;
	[sflag:s23] =	ssyncset.done $0x0  }
0x3d: {  	s0 =	sand.u32 @!p2 $0x6000, s29;
	[sflag:s23] =	ssyncadd.s32 $0xFFFFF800  }
.Ltmp0:
0x3e: {  	s1 =	simm.s32 @!p2 $0x80;
	_ =	swait.ge [sflag:s24], $0x800;
	(pc) =	sbr.rel @p1 .LBB2_2-.Ltmp0, $4  }
0x3f: {  	s18 =	sadd.s32 $0xFFFFA000, s29;
	s0 =	sshrl.u32 @!p2 s0, $0x2;
	[sflag:s24] =	ssyncset.done $0x0  }
0x40: {  	s18 =	sand.u32 $0x6000, s18;
	s0 =	sadd.s32 @!p2 $0x5000, s0;
	[sflag:s24] =	ssyncadd.s32 $0xFFFFF800  }
0x41: {  	[tilespmem:s0], [sflag:$0x1] =	stream.indirect.gather @!p2 [hbm4b:s5+s1], $0x10, s30, s1, $0xb8;
	[tilespmem:$0x9718] =	vst v63  }
0x42: {  	s29 =	sadd.s32 $0x2000, s29;
	s0 =	sshrl.u32 s18, $0x2;
	s30 =	sadd.s32 $0x80, s30  }
0x43: {  	s0 =	sadd.s32 $0x5000, s0  }
0x44: {  	[spmem:s3] =	stream.indirect.scatter.add.f32 [tilespmem:s0], [sflag:$0x2], $0x10, s31, s16, $0xb8;
	[tilespmem:$0x9718] =	vst v63  }
0x45: {  	_ =	swait.ge [sflag:s24], $0x800  }
0x46: {  	[sflag:s24] =	ssyncset.done $0x0  }
0x47: {  	[sflag:s24] =	ssyncadd.s32 $0xFFFFF800  }
0x48: {  	[bflag:$0x0] =	sbarrier.arrive $0xFFFF  }
0x49: {  	[hbm:s8], [sflag:s13] =	dma.local [spmem:s14], $0x4E0  }
0x4a: {  	s25 =	sadd.s32 $0x1, s25;
	_ =	swait.ge [sflag:s11], $0x4E0  }
0x4b: {  	p1 =	sne.s32 s25, s10;
	[sflag:s11] =	ssyncset.done $0x0  }
.Ltmp1:
0x4c: {  	s0 =	simm.s32 @!p0 $0x3;
	[sflag:s11] =	ssyncadd.s32 $0xFFFFFB20;
	(pc) =	sbr.rel @p1 .LBB2_1-.Ltmp1, $4  }
0x4d: {  	[hbm:s9], [sflag:s13] =	dma.local @!p0 [spmem:s15], $0x30  }
0x4e: {  	_ =	swait.ge @!p0 [sflag:s0], $0x30  }
0x4f: {  	[sflag:s0] =	ssyncset.done @!p0 $0x0  }
0x50: {  	[sflag:s0] =	ssyncadd.s32 @!p0 $0xFFFFFFD0  }
0x51: {  	_ =	sfence.sel $0x180000  }
0x52: {  	[bflag:$0x0] =	sbarrier.arrive $0xFFFF  }
0x53: {  	_ =	strace $0x90000050  }
0x54: {  	s0 =	stileid.u32;
	[bflag:$0x2] =	sbarrier.arrive $0xFFFF  }
0x55: {  	p0 =	sne.s32 s0, $0x0;
	s0 =	rddreg [dreg:$0x3]  }
0x56: {  	s0 =	sadd.s32 @!p0 $0x100000, s0  }
0x57: {  	[sflag:s0] =	ssyncadd.tile.s32 @!p0 $0x1;
	_ =	shalt  }
.Lfunc_end2:
_tile_overlayer_lowered:
.L_overlay_start_2:
0x58: {  	(tag) =	ssettag $0x2  }
0x59: {  	s0 =	rddreg [dreg:$0x0];
	s2 =	stileid.u32  }
0x5a: {  	s1 =	rddreg [dreg:$0x1];
	p0 =	sne.s32 s2, $0x0  }
0x5b: {  	s3 =	rddreg [dreg:$0x2];
	[bflag:$0x3] =	sbarrier.arrive $0xFFFF;
	s2 =	simm.s32 @!p0 $0x1C03  }
0x5c: {  	[timem:s3], [sflag:s2] =	dma.local @!p0 [hbm:s0], s1  }
0x5d: {  	s0 =	simm.s32 @!p0 $0x3  }
0x5e: {  	_ =	swait.ge @!p0 [sflag:s0], s1  }
0x5f: {  	s1 =	ssub.s32 @!p0 $0x0, s1;
	[sflag:s0] =	ssyncset.done @!p0 $0x0  }
0x60: {  	[sflag:s0] =	ssyncadd.s32 @!p0 s1  }
0x61: {  	[bflag:$0x3] =	sbarrier.arrive $0xFFFF  }
0x62: {  	_ =	shalt  }

// kernel: kernel.28.cloned.1.call-start
scs
__scs_entry_jumppad:
0x0: {  	(pc) =	sbr.rel $0x88, $3  }
0x1: {  	(tag) =	ssettag $0x0;
	lr =	simm.s32 $0x1  }
0x2: {  	[smem:$0x3F7F] =	sst lr;
	_ =	strace $0xD0000000  }
0x3: {  	_ = 	snop  }
0x4: {  	_ = 	snop  }
0x5: {  	_ = 	snop  }
0x6: {  	_ = 	snop  }
0x7: {  	_ = 	snop  }
__scs_overlays_trampoline_lowered:
0x8: {  	[smem:$0x3F8E] =	sst s0  }
0x9: {  	[smem:$0x3F8F] =	sst s1  }
0xa: {  	[smem:$0x3F90] =	sst s2  }
0xb: {  	[smem:$0x3F91] =	sst s3  }
0xc: {  	[smem:$0x3F92] =	sst s4  }
0xd: {  	[smem:$0x3F93] =	sst s5  }
0xe: {  	[smem:$0x3F94] =	sst s6  }
0xf: {  	[smem:$0x3F95] =	sst s7  }
0x10: {  	[smem:$0x3F96] =	sst s8  }
0x11: {  	[smem:$0x3F97] =	sst s9;
	s0 =	simm.s32 @!p0 $0x0  }
0x12: {  	s1 =	sld [smem:$0x3F7D];
	s0 =	simm.s32 @p0 $0x1  }
0x13: {  	[smem:$0x3F98] =	sst s0;
	s0 =	simm.s32 @!p1 $0x0  }
0x14: {  	s2 =	sld [smem:$0x3F7C];
	s0 =	simm.s32 @p1 $0x1  }
0x15: {  	[smem:$0x3F99] =	sst s0;
	s0 =	simm.s32 @!p2 $0x0  }
0x16: {  	s3 =	sld [smem:$0x3FDB];
	s0 =	simm.s32 @p2 $0x1  }
0x17: {  	s4 =	simm.s32 $0x1BF5;
	[smem:$0x3F9B] =	sst s0  }
0x18: {  	s0 =	sld [smem:$0x3F7E];
	_ =	swait.ge [sflag:s4], $0x0  }
0x19: {  	s7 =	sld [smem:$0x3F7F]  }
0x1a: {  	s8 =	sadd.s32 $0xFFFFE003, lr  }
0x1b: {  	s9 =	sadd.s32 $0xFFFFFEF7, lr;
	s5 =	simm.s32 $0xFFFFFFFF;
	p2 =	slt.u32 s8, $0xFFFFF086  }
0x1c: {  	p1 =	slt.u32 s9, $0xF7A;
	s5 =	simm.s32 @!p2 $0x0  }
0x1d: {  	s5 =	simm.s32 @p1 $0x1;
	p0 =	seq.s32 s7, s2  }
0x1e: {  	s7 =	smul.u32 @!p0 $0xF7A, s2;
	p2 =	seq.s32 @!p0 s5, $0x0  }
0x1f: {  	s9 =	smul.u32 $0xF7A, s1;
	s8 =	simm.s32 @!p0 $0x1BF5;
	p2 =	por !p2, p0  }
0x20: {  	[sflag:s8] =	ssyncset.s32 @!p0 $0xFFFFF086;
	s6 =	sadd.s32 @!p0 s3, s7;
	s7 =	simm.s32 @!p0 $0x108  }
0x21: {  	s3 =	sadd.s32 s3, s9;
	s6 =	sadd.s32 @!p0 $0x88, s6;
	s7 =	simm.s32 @p2 $0x1082  }
0x22: {  	[simem:s7], [sflag:s8] =	dma.local @!p0 [hbm:s6], $0xF7A  }
0x23: {  	s9 =	sor.u32 $0xD0000000, s2;
	s6 =	simm.s32 $0x108;
	_ =	swait.ge @!p0 [sflag:s8], $0x0  }
0x24: {  	s3 =	sadd.s32 $0x88, s3;
	s6 =	simm.s32 @!p1 $0x1082;
	[sflag:s4] =	ssyncset.s32 $0xFFFFF086  }
0x25: {  	[simem:s6], [sflag:s4] =	dma.local [hbm:s3], $0xF7A  }
0x26: {  	[smem:$0x3F7F] =	sst s1;
	(tag) =	ssettag s2;
	_ =	strace s9  }
0x27: {  	s1 =	sld [smem:$0x3F8F]  }
0x28: {  	s2 =	sld [smem:$0x3F90]  }
0x29: {  	s4 =	sld [smem:$0x3F92]  }
0x2a: {  	p0 =	seq.s32 s5, $0x0;
	s5 =	sld [smem:$0x3F93]  }
0x2b: {  	s6 =	sld [smem:$0x3F94]  }
0x2c: {  	s7 =	sld [smem:$0x3F95]  }
0x2d: {  	s3 =	simm.s32 $0x108;
	s8 =	sld [smem:$0x3F96]  }
0x2e: {  	s3 =	simm.s32 @!p0 $0x1082;
	s9 =	sld [smem:$0x3F97]  }
0x2f: {  	lr =	sadd.s32 s0, s3;
	s0 =	sld [smem:$0x3F8E]  }
0x30: {  	s3 =	sld [smem:$0x3F91]  }
0x31: {  	[smem:$0x3F9A] =	sst s10  }
0x32: {  	s10 =	sld [smem:$0x3F98];
	_ =	sdelay $0x3  }
0x33: {  	p0 =	seq.s32 s10, $0x1;
	s10 =	sld [smem:$0x3F9A];
	_ =	sdelay $0x3  }
0x34: {  	[smem:$0x3F9A] =	sst s10  }
0x35: {  	s10 =	sld [smem:$0x3F99];
	_ =	sdelay $0x3  }
0x36: {  	p1 =	seq.s32 s10, $0x1;
	s10 =	sld [smem:$0x3F9A];
	_ =	sdelay $0x3  }
0x37: {  	[smem:$0x3F9A] =	sst s10  }
0x38: {  	s10 =	sld [smem:$0x3F9B]  }
0x39: {  	_ = 	snop;
	(pc) =	sbr.ind lr, $3  }
0x3a: {  	_ = 	snop  }
0x3b: {  	_ = 	snop  }
0x3c: {  	p2 =	seq.s32 s10, $0x1;
	s10 =	sld [smem:$0x3F9A]  }
0x3d: {  	_ =	shalt  }
0x3e: {  	_ =	shalt  }
0x3f: {  	_ =	shalt  }
0x40: {  	_ =	shalt  }
0x41: {  	_ =	shalt  }
0x42: {  	_ =	shalt  }
0x43: {  	_ =	shalt  }
0x44: {  	_ =	shalt  }
0x45: {  	_ =	shalt  }
0x46: {  	_ =	shalt  }
0x47: {  	_ =	shalt  }
0x48: {  	_ =	shalt  }
0x49: {  	_ =	shalt  }
0x4a: {  	_ =	shalt  }
0x4b: {  	_ =	shalt  }
0x4c: {  	_ =	shalt  }
0x4d: {  	_ =	shalt  }
0x4e: {  	_ =	shalt  }
0x4f: {  	_ =	shalt  }
0x50: {  	_ =	shalt  }
0x51: {  	_ =	shalt  }
0x52: {  	_ =	shalt  }
0x53: {  	_ =	shalt  }
0x54: {  	_ =	shalt  }
0x55: {  	_ =	shalt  }
0x56: {  	_ =	shalt  }
0x57: {  	_ =	shalt  }
0x58: {  	_ =	shalt  }
0x59: {  	_ =	shalt  }
0x5a: {  	_ =	shalt  }
0x5b: {  	_ =	shalt  }
0x5c: {  	_ =	shalt  }
0x5d: {  	_ =	shalt  }
0x5e: {  	_ =	shalt  }
0x5f: {  	_ =	shalt  }
0x60: {  	_ =	shalt  }
0x61: {  	_ =	shalt  }
0x62: {  	_ =	shalt  }
0x63: {  	_ =	shalt  }
0x64: {  	_ =	shalt  }
0x65: {  	_ =	shalt  }
0x66: {  	_ =	shalt  }
0x67: {  	_ =	shalt  }
0x68: {  	_ =	shalt  }
0x69: {  	_ =	shalt  }
0x6a: {  	_ =	shalt  }
0x6b: {  	_ =	shalt  }
0x6c: {  	_ =	shalt  }
0x6d: {  	_ =	shalt  }
0x6e: {  	_ =	shalt  }
0x6f: {  	_ =	shalt  }
0x70: {  	_ =	shalt  }
0x71: {  	_ =	shalt  }
0x72: {  	_ =	shalt  }
0x73: {  	_ =	shalt  }
0x74: {  	_ =	shalt  }
0x75: {  	_ =	shalt  }
0x76: {  	_ =	shalt  }
0x77: {  	_ =	shalt  }
0x78: {  	_ =	shalt  }
0x79: {  	_ =	shalt  }
0x7a: {  	_ =	shalt  }
0x7b: {  	_ =	shalt  }
0x7c: {  	_ =	shalt  }
0x7d: {  	_ =	shalt  }
0x7e: {  	_ =	shalt  }
0x7f: {  	_ =	shalt  }
0x80: {  	_ =	shalt  }
0x81: {  	_ =	shalt  }
0x82: {  	_ =	shalt  }
0x83: {  	_ =	shalt  }
0x84: {  	_ =	shalt  }
0x85: {  	_ =	shalt  }
0x86: {  	_ =	shalt  }
0x87: {  	_ =	shalt  }
.Lfunc_end0:
.L_simem_size_0:
called_computation.4_lowered:
.L_overlay_start_0:
0x88: {  	s2 =	sld [smem:$0x3FD9]  }
0x89: {  	s3 =	sld [smem:$0x3FFE];
	_ =	sdelay $0x1  }
0x8a: {  	s1 =	srdreg.scid  }
0x8b: {  	s0 =	sand.u32 $0x1, s1  }
0x8c: {  	s17 =	sshll.u32 s0, $0xA;
	s2 =	sadd.s32 s3, s2  }
0x8d: {  	s2 =	sadd.s32 s2, s17  }
0x8e: {  	[smem:$0x3FA6] =	sst s2  }
0x8f: {  	_ = 	snop  }
0x90: {  	s2 =	sld [smem:$0x3FD0];
	(tm) =	ssettm $0x1  }
0x91: {  	s18 =	sld [smem:$0x3FFB];
	_ =	sdelay $0x3  }
0x92: {  	_ =	strace s18  }
0x93: {  	s3 =	sld [smem:$0x3FFC];
	_ =	sdelay $0x3  }
0x94: {  	_ =	strace s3  }
0x95: {  	s3 =	sld [smem:$0x3FFD];
	_ =	sdelay $0x3  }
0x96: {  	_ =	strace s3  }
0x97: {  	_ =	strace $0x8FFFFFFF  }
0x98: {  	s19 =	sld [smem:$0x3FDB];
	_ =	sdelay $0x1  }
0x99: {  	s4 =	simm.s32 $_scs_section_size  }
0x9a: {  	s5 =	simm.s32 $_size__tile_overlayer_lowered;
	s6 =	simm.s32 $_tile_overlayer_lowered  }
0x9b: {  	s22 =	simm.s32 $0x1BFF;
	s21 =	sshll.u32 s6, $0x1;
	s3 =	sadd.s32 s4, s19  }
0x9c: {  	s7 =	simm.s32 $0x0;
	s20 =	sshll.u32 s5, $0x1;
	s5 =	sadd.s32 s21, s3  }
0x9d: {  	[timem:s7], [sflag:s22] =	dma.local [hbm:s5], s20  }
0x9e: {  	_ =	swait.ge [sflag:s22], s20  }
0x9f: {  	s4 =	ssub.s32 $0x0, s20;
	[sflag:s22] =	ssyncset.done $0x0  }
0xa0: {  	[sflag:s22] =	ssyncadd.s32 s4;
	_ =	sdelay $0x1  }
0xa1: {  	s23 =	simm.s32 $0x1B8B  }
0xa2: {  	_ =	swait.ge [sflag:s23], $0x1  }
0xa3: {  	[sflag:s23] =	ssyncset.done $0x0  }
0xa4: {  	s25 =	simm.s32 $0x1B8E;
	s24 =	sld [smem:$0x3FFE];
	[sflag:s23] =	ssyncadd.s32 $0xFFFFFFFF  }
0xa5: {  	s26 =	simm.s32 $execute0_lowered;
	[smem:$0x3FD2] =	sst s25  }
0xa6: {  	s5 =	sshll.u32 s26, $0x1;
	_ =	strace $0x80000052;
	[dreg:$0x1] =	wrdreg $0xFFFFFFFF  }
0xa7: {  	s28 =	simm.s32 $_size_execute0_lowered;
	s3 =	sadd.s32 s3, s5;
	[dreg:$0x0] =	wrdreg $0x0  }
0xa8: {  	s5 =	sshll.u32 s28, $0x1;
	[dreg:$0x2] =	wrdreg s3  }
0xa9: {  	[dreg:$0x3] =	wrdreg s5  }
0xaa: {  	[dreg:$0x4] =	wrdreg $0xC0  }
0xab: {  	_ =	task [dreg:s7], $0x5FFFF  }
0xac: {  	[dreg:$0x1] =	wrdreg $0xFFFFFFFF  }
0xad: {  	[dreg:$0x0] =	wrdreg $0x60  }
0xae: {  	[dreg:$0x2] =	wrdreg s24  }
0xaf: {  	[dreg:$0x3] =	wrdreg s2  }
0xb0: {  	[dreg:$0x4] =	wrdreg $0x70000  }
0xb1: {  	[dreg:$0x5] =	wrdreg $0x9  }
0xb2: {  	_ =	task.clear_ibuf [dreg:s7], $0x6FFFF;
	_ =	strace $0x90000052  }
0xb3: {  	s29 =	simm.s32 $0x9;
	_ =	strace $0x80000054  }
0xb4: {  	_ =	swait.ge [sflag:s29], $0x1  }
0xb5: {  	[sflag:s29] =	ssyncadd.s32 $0xFFFFFFFF  }
0xb6: {  	_ =	strace $0x90000054  }
0xb7: {  	_ =	sfence  }
0xb8: {  	s30 =	sld [smem:$0x0];
	_ =	sdelay $0x2  }
0xb9: {  	s31 =	sshll.u32 s1, $0xD;
	s1 =	sshrl.u32 s1, $0x2  }
0xba: {  	s3 =	sand.u32 $0x4000, s31;
	s1 =	sadd.s32 s1, s30  }
0xbb: {  	s0 =	sor.u32 s3, s0;
	s1 =	sshll.u32 s1, $0x11  }
0xbc: {  	s0 =	sor.u32 s1, s0  }
0xbd: {  	s0 =	sadd.s32 $0x8F2B, s0  }
0xbe: {  	[sflag:s0] =	ssyncadd.remote.s32 $0x1  }
0xbf: {  	_ =	sfence.sel $0xFFFF  }
0xc0: {  	[dreg:$0x0] =	wrdreg $0xFFFFFFFF;
	(pc) =	sbr.abs _section_cstart, $3  }
0xc1: {  	[dreg:$0x1] =	wrdreg $0xFFFFFFFF  }
0xc2: {  	_ =	task.clear_ibuf [dreg:s7], $0x2FFFF;
	_ =	strace $0x9FFFFFFF  }
0xc3: {  	(tm) =	ssettm $0x7FFFFFFF  }
tec
execute0_lowered:
.L_overlay_start_1:
0x0: {  	(tag) =	ssettag $0x1  }
0x1: {  	s0 =	rddreg [dreg:$0x0]  }
0x2: {  	s2 =	rddreg [dreg:$0x1]  }
0x3: {  	s3 =	rddreg [dreg:$0x2]  }
0x4: {  	s5 =	srdreg.scid;
	s1 =	stileid.u32  }
0x5: {  	s4 =	simm.s32 $0x0;
	s12 =	simm.s32 $0x2800;
	s16 =	simm.s32 $0x80  }
0x6: {  	s17 =	simm.s32 $0x5000;
	s19 =	simm.s32 $0x100;
	s20 =	simm.s32 $0x6000  }
0x7: {  	s21 =	simm.s32 $0x180;
	s22 =	simm.s32 $0x6800;
	s23 =	simm.s32 $0x1  }
0x8: {  	s24 =	simm.s32 $0x2;
	s25 =	simm.s32 $0x0;
	s6 =	sand.u32 $0x1, s5  }
0x9: {  	s28 =	sshll.u32 s1, $0x1;
	[smem:$0x7FF] =	sst s4;
	s9 =	smul.u32 $0x2700, s1  }
0xa: {  	s15 =	sadd.s32 $0x27000, s3;
	p0 =	sne.s32 s1, $0xF;
	s31 =	sshll.u32 s1, $0x6  }
0xb: {  	s5 =	sor.u32 s6, s28;
	_ =	strace $0x80000053;
	s8 =	ssub.s32 $0x2, s6  }
0xc: {  	s11 =	smul.u32 $0x27180, s6;
	s13 =	sor.u32 $0x1C03, s31;
	s15 =	sshrl.u32 @!p0 s15, $0x3  }
0xd: {  	s7 =	smul.u32 $0x500, s5;
	s5 =	sadd.s32 $0x596000, s0;
	s10 =	sshrl.u32 s8, $0x1  }
0xe: {  	s14 =	sadd.s32 s9, s3;
	s10 =	ssub.s32 s8, s10;
	s29 =	sadd.s32 s9, s11  }
0xf: {  	s11 =	sshrl.u32 s11, $0x3;
	s14 =	sshrl.u32 s14, $0x3;
	s7 =	sadd.s32 s7, s0  }
0x10: {  	s0 =	sadd.s32 $0x59B000, s0;
	s8 =	sshrl.u32 s29, $0x3;
	s10 =	smax.u32 s10, $0x1  }
0x11: {  	s6 =	sadd.s32 $0x5A5600, s7;
	s7 =	sadd.s32 $0x58C000, s7;
	s30 =	sadd.s32 s0, s11  }
0x12: {  	s8 =	sadd.s32 s0, s8;
	s11 =	simm.s32 $0x3;
	s9 =	sadd.s32 $0x4E00, s30  }
.LBB2_1:
0x13: {  	[tilespmem:s4], [sflag:$0x3] =	stream.linear.gather [hbm4b:s6+s4], $0x2800, $0x38;
	[tilespmem:$0x9718] =	vst v63  }
0x14: {  	_ =	swait.ge [sflag:s11], $0x2800  }
0x15: {  	[sflag:s11] =	ssyncset.done $0x0  }
0x16: {  	[sflag:s11] =	ssyncadd.s32 $0xFFFFD800  }
0x17: {  	[tilespmem:s12], [sflag:$0x3] =	stream.linear.gather [hbm4b:s7+s4], $0x2800, $0x38;
	[tilespmem:$0x9718] =	vst v63  }
0x18: {  	_ =	swait.ge [sflag:s11], $0x2800  }
0x19: {  	[sflag:s11] =	ssyncset.done $0x0  }
0x1a: {  	[sflag:s11] =	ssyncadd.s32 $0xFFFFD800  }
0x1b: {  	[spmem:s14], [sflag:s13] =	dma.local [hbm:s2], $0x4E0  }
0x1c: {  	_ =	swait.ge [sflag:s11], $0x4E0  }
0x1d: {  	[sflag:s11] =	ssyncset.done $0x0  }
0x1e: {  	s0 =	simm.s32 @!p0 $0x3;
	[sflag:s11] =	ssyncadd.s32 $0xFFFFFB20  }
0x1f: {  	[spmem:s15], [sflag:s13] =	dma.local @!p0 [hbm:s2], $0x30  }
0x20: {  	_ =	swait.ge @!p0 [sflag:s0], $0x30  }
0x21: {  	[sflag:s0] =	ssyncset.done @!p0 $0x0  }
0x22: {  	[sflag:s0] =	ssyncadd.s32 @!p0 $0xFFFFFFD0  }
0x23: {  	[bflag:$0x0] =	sbarrier.arrive $0xFFFF  }
0x24: {  	[tilespmem:s17], [sflag:$0x1] =	stream.indirect.gather [hbm4b:s5+s16], $0x10, s4, s16, $0xb8;
	[tilespmem:$0x9718] =	vst v63  }
0x25: {  	s26 =	simm.s32 $0x5800  }
0x26: {  	[tilespmem:s26], [sflag:$0x1] =	stream.indirect.gather [hbm4b:s5+s16], $0x10, s16, s16, $0xb8;
	[tilespmem:$0x9718] =	vst v63  }
0x27: {  	_ = 	snop  }
0x28: {  	[tilespmem:s20], [sflag:$0x1] =	stream.indirect.gather [hbm4b:s5+s16], $0x10, s19, s16, $0xb8;
	[tilespmem:$0x9718] =	vst v63  }
0x29: {  	_ =	swait.ge [sflag:s23], $0x800  }
0x2a: {  	[sflag:s23] =	ssyncset.done $0x0  }
0x2b: {  	[sflag:s23] =	ssyncadd.s32 $0xFFFFF800  }
0x2c: {  	[tilespmem:s22], [sflag:$0x1] =	stream.indirect.gather [hbm4b:s5+s16], $0x10, s21, s16, $0xb8;
	[tilespmem:$0x9718] =	vst v63  }
0x2d: {  	_ = 	snop  }
0x2e: {  	[spmem:s3] =	stream.indirect.scatter.add.f32 [tilespmem:s17], [sflag:$0x2], $0x10, s12, s16, $0xb8;
	[tilespmem:$0x9718] =	vst v63  }
0x2f: {  	_ =	swait.ge [sflag:s23], $0x800  }
0x30: {  	p1 =	por $0x0, $0x0;
	[sflag:s23] =	ssyncset.done $0x0  }
0x31: {  	s29 =	simm.s32 $0x2000;
	s0 =	simm.s32 $0x8000;
	[sflag:s23] =	ssyncadd.s32 $0xFFFFF800  }
0x32: {  	s30 =	simm.s32 $0x280;
	s0 =	sand.u32 @!p1 $0x6000, s0;
	_ =	swait.ge [sflag:s24], $0x800  }
0x33: {  	s28 =	simm.s32 @!p1 $0x80;
	s0 =	sshrl.u32 @!p1 s0, $0x2;
	[sflag:s24] =	ssyncset.done $0x0  }
0x34: {  	s0 =	sadd.s32 @!p1 $0x5000, s0;
	s26 =	simm.s32 $0x200;
	[sflag:s24] =	ssyncadd.s32 $0xFFFFF800  }
0x35: {  	[tilespmem:s0], [sflag:$0x1] =	stream.indirect.gather @!p1 [hbm4b:s5+s28], $0x10, s26, s28, $0xb8;
	[tilespmem:$0x9718] =	vst v63  }
0x36: {  	s31 =	simm.s32 $0x2880;
	s29 =	sand.u32 $0x6000, s29;
	s26 =	simm.s32 $0x2880  }
0x37: {  	s28 =	simm.s32 $0x2;
	s0 =	sshrl.u32 s29, $0x2;
	s29 =	simm.s32 $0xA000  }
.LBB2_2:
0x38: {  	s0 =	sadd.s32 $0x5000, s0  }
0x39: {  	s26 =	sadd.s32 $0x80, s26;
	s1 =	smov.u32 s28;
	s28 =	sadd.s32 $0x1, s28  }
0x3a: {  	[spmem:s3] =	stream.indirect.scatter.add.f32 [tilespmem:s0], [sflag:$0x2], $0x10, s31, s16, $0xb8;
	[tilespmem:$0x9718] =	vst v63  }
0x3b: {  	p1 =	sne.s32 s28, $0x50;
	s31 =	smov.u32 s26;
	_ =	swait.ge [sflag:s23], $0x800  }
0x3c: {  	p2 =	sgt.u32 s1, $0x4C;
	[sflag:s23] =	ssyncset.done $0x0  }
0x3d: {  	s0 =	sand.u32 @!p2 $0x6000, s29;
	[sflag:s23] =	ssyncadd.s32 $0xFFFFF800  }
.Ltmp0:
0x3e: {  	s1 =	simm.s32 @!p2 $0x80;
	_ =	swait.ge [sflag:s24], $0x800;
	(pc) =	sbr.rel @p1 .LBB2_2-.Ltmp0, $4  }
0x3f: {  	s18 =	sadd.s32 $0xFFFFA000, s29;
	s0 =	sshrl.u32 @!p2 s0, $0x2;
	[sflag:s24] =	ssyncset.done $0x0  }
0x40: {  	s18 =	sand.u32 $0x6000, s18;
	s0 =	sadd.s32 @!p2 $0x5000, s0;
	[sflag:s24] =	ssyncadd.s32 $0xFFFFF800  }
0x41: {  	[tilespmem:s0], [sflag:$0x1] =	stream.indirect.gather @!p2 [hbm4b:s5+s1], $0x10, s30, s1, $0xb8;
	[tilespmem:$0x9718] =	vst v63  }
0x42: {  	s29 =	sadd.s32 $0x2000, s29;
	s0 =	sshrl.u32 s18, $0x2;
	s30 =	sadd.s32 $0x80, s30  }
0x43: {  	s0 =	sadd.s32 $0x5000, s0  }
0x44: {  	[spmem:s3] =	stream.indirect.scatter.add.f32 [tilespmem:s0], [sflag:$0x2], $0x10, s31, s16, $0xb8;
	[tilespmem:$0x9718] =	vst v63  }
0x45: {  	_ =	swait.ge [sflag:s24], $0x800  }
0x46: {  	[sflag:s24] =	ssyncset.done $0x0  }
0x47: {  	[sflag:s24] =	ssyncadd.s32 $0xFFFFF800  }
0x48: {  	[bflag:$0x0] =	sbarrier.arrive $0xFFFF  }
0x49: {  	[hbm:s8], [sflag:s13] =	dma.local [spmem:s14], $0x4E0  }
0x4a: {  	s25 =	sadd.s32 $0x1, s25;
	_ =	swait.ge [sflag:s11], $0x4E0  }
0x4b: {  	p1 =	sne.s32 s25, s10;
	[sflag:s11] =	ssyncset.done $0x0  }
.Ltmp1:
0x4c: {  	s0 =	simm.s32 @!p0 $0x3;
	[sflag:s11] =	ssyncadd.s32 $0xFFFFFB20;
	(pc) =	sbr.rel @p1 .LBB2_1-.Ltmp1, $4  }
0x4d: {  	[hbm:s9], [sflag:s13] =	dma.local @!p0 [spmem:s15], $0x30  }
0x4e: {  	_ =	swait.ge @!p0 [sflag:s0], $0x30  }
0x4f: {  	[sflag:s0] =	ssyncset.done @!p0 $0x0  }
0x50: {  	[sflag:s0] =	ssyncadd.s32 @!p0 $0xFFFFFFD0  }
0x51: {  	_ =	sfence.sel $0x180000  }
0x52: {  	[bflag:$0x0] =	sbarrier.arrive $0xFFFF  }
0x53: {  	_ =	strace $0x90000053  }
0x54: {  	s0 =	stileid.u32;
	[bflag:$0x2] =	sbarrier.arrive $0xFFFF  }
0x55: {  	p0 =	sne.s32 s0, $0x0;
	s0 =	rddreg [dreg:$0x3]  }
0x56: {  	s0 =	sadd.s32 @!p0 $0x100000, s0  }
0x57: {  	[sflag:s0] =	ssyncadd.tile.s32 @!p0 $0x1;
	_ =	shalt  }
.Lfunc_end2:
_tile_overlayer_lowered:
.L_overlay_start_2:
0x58: {  	(tag) =	ssettag $0x2  }
0x59: {  	s0 =	rddreg [dreg:$0x0];
	s2 =	stileid.u32  }
0x5a: {  	s1 =	rddreg [dreg:$0x1];
	p0 =	sne.s32 s2, $0x0  }
0x5b: {  	s3 =	rddreg [dreg:$0x2];
	[bflag:$0x3] =	sbarrier.arrive $0xFFFF;
	s2 =	simm.s32 @!p0 $0x1C03  }
0x5c: {  	[timem:s3], [sflag:s2] =	dma.local @!p0 [hbm:s0], s1  }
0x5d: {  	s0 =	simm.s32 @!p0 $0x3  }
0x5e: {  	_ =	swait.ge @!p0 [sflag:s0], s1  }
0x5f: {  	s1 =	ssub.s32 @!p0 $0x0, s1;
	[sflag:s0] =	ssyncset.done @!p0 $0x0  }
0x60: {  	[sflag:s0] =	ssyncadd.s32 @!p0 s1  }
0x61: {  	[bflag:$0x3] =	sbarrier.arrive $0xFFFF  }
0x62: {  	_ =	shalt  }

// kernel: kernel.31.cloned.1.call-start
scs
__scs_entry_jumppad:
0x0: {  	(pc) =	sbr.rel $0x88, $3  }
0x1: {  	(tag) =	ssettag $0x0;
	lr =	simm.s32 $0x1  }
0x2: {  	[smem:$0x3F7F] =	sst lr;
	_ =	strace $0xD0000000  }
0x3: {  	_ = 	snop  }
0x4: {  	_ = 	snop  }
0x5: {  	_ = 	snop  }
0x6: {  	_ = 	snop  }
0x7: {  	_ = 	snop  }
__scs_overlays_trampoline_lowered:
0x8: {  	[smem:$0x3F8E] =	sst s0  }
0x9: {  	[smem:$0x3F8F] =	sst s1  }
0xa: {  	[smem:$0x3F90] =	sst s2  }
0xb: {  	[smem:$0x3F91] =	sst s3  }
0xc: {  	[smem:$0x3F92] =	sst s4  }
0xd: {  	[smem:$0x3F93] =	sst s5  }
0xe: {  	[smem:$0x3F94] =	sst s6  }
0xf: {  	[smem:$0x3F95] =	sst s7  }
0x10: {  	[smem:$0x3F96] =	sst s8  }
0x11: {  	[smem:$0x3F97] =	sst s9;
	s0 =	simm.s32 @!p0 $0x0  }
0x12: {  	s1 =	sld [smem:$0x3F7D];
	s0 =	simm.s32 @p0 $0x1  }
0x13: {  	[smem:$0x3F98] =	sst s0;
	s0 =	simm.s32 @!p1 $0x0  }
0x14: {  	s2 =	sld [smem:$0x3F7C];
	s0 =	simm.s32 @p1 $0x1  }
0x15: {  	[smem:$0x3F99] =	sst s0;
	s0 =	simm.s32 @!p2 $0x0  }
0x16: {  	s3 =	sld [smem:$0x3FDB];
	s0 =	simm.s32 @p2 $0x1  }
0x17: {  	s4 =	simm.s32 $0x1BF5;
	[smem:$0x3F9B] =	sst s0  }
0x18: {  	s0 =	sld [smem:$0x3F7E];
	_ =	swait.ge [sflag:s4], $0x0  }
0x19: {  	s7 =	sld [smem:$0x3F7F]  }
0x1a: {  	s8 =	sadd.s32 $0xFFFFE003, lr  }
0x1b: {  	s9 =	sadd.s32 $0xFFFFFEF7, lr;
	s5 =	simm.s32 $0xFFFFFFFF;
	p2 =	slt.u32 s8, $0xFFFFF086  }
0x1c: {  	p1 =	slt.u32 s9, $0xF7A;
	s5 =	simm.s32 @!p2 $0x0  }
0x1d: {  	s5 =	simm.s32 @p1 $0x1;
	p0 =	seq.s32 s7, s2  }
0x1e: {  	s7 =	smul.u32 @!p0 $0xF7A, s2;
	p2 =	seq.s32 @!p0 s5, $0x0  }
0x1f: {  	s9 =	smul.u32 $0xF7A, s1;
	s8 =	simm.s32 @!p0 $0x1BF5;
	p2 =	por !p2, p0  }
0x20: {  	[sflag:s8] =	ssyncset.s32 @!p0 $0xFFFFF086;
	s6 =	sadd.s32 @!p0 s3, s7;
	s7 =	simm.s32 @!p0 $0x108  }
0x21: {  	s3 =	sadd.s32 s3, s9;
	s6 =	sadd.s32 @!p0 $0x88, s6;
	s7 =	simm.s32 @p2 $0x1082  }
0x22: {  	[simem:s7], [sflag:s8] =	dma.local @!p0 [hbm:s6], $0xF7A  }
0x23: {  	s9 =	sor.u32 $0xD0000000, s2;
	s6 =	simm.s32 $0x108;
	_ =	swait.ge @!p0 [sflag:s8], $0x0  }
0x24: {  	s3 =	sadd.s32 $0x88, s3;
	s6 =	simm.s32 @!p1 $0x1082;
	[sflag:s4] =	ssyncset.s32 $0xFFFFF086  }
0x25: {  	[simem:s6], [sflag:s4] =	dma.local [hbm:s3], $0xF7A  }
0x26: {  	[smem:$0x3F7F] =	sst s1;
	(tag) =	ssettag s2;
	_ =	strace s9  }
0x27: {  	s1 =	sld [smem:$0x3F8F]  }
0x28: {  	s2 =	sld [smem:$0x3F90]  }
0x29: {  	s4 =	sld [smem:$0x3F92]  }
0x2a: {  	p0 =	seq.s32 s5, $0x0;
	s5 =	sld [smem:$0x3F93]  }
0x2b: {  	s6 =	sld [smem:$0x3F94]  }
0x2c: {  	s7 =	sld [smem:$0x3F95]  }
0x2d: {  	s3 =	simm.s32 $0x108;
	s8 =	sld [smem:$0x3F96]  }
0x2e: {  	s3 =	simm.s32 @!p0 $0x1082;
	s9 =	sld [smem:$0x3F97]  }
0x2f: {  	lr =	sadd.s32 s0, s3;
	s0 =	sld [smem:$0x3F8E]  }
0x30: {  	s3 =	sld [smem:$0x3F91]  }
0x31: {  	[smem:$0x3F9A] =	sst s10  }
0x32: {  	s10 =	sld [smem:$0x3F98];
	_ =	sdelay $0x3  }
0x33: {  	p0 =	seq.s32 s10, $0x1;
	s10 =	sld [smem:$0x3F9A];
	_ =	sdelay $0x3  }
0x34: {  	[smem:$0x3F9A] =	sst s10  }
0x35: {  	s10 =	sld [smem:$0x3F99];
	_ =	sdelay $0x3  }
0x36: {  	p1 =	seq.s32 s10, $0x1;
	s10 =	sld [smem:$0x3F9A];
	_ =	sdelay $0x3  }
0x37: {  	[smem:$0x3F9A] =	sst s10  }
0x38: {  	s10 =	sld [smem:$0x3F9B]  }
0x39: {  	_ = 	snop;
	(pc) =	sbr.ind lr, $3  }
0x3a: {  	_ = 	snop  }
0x3b: {  	_ = 	snop  }
0x3c: {  	p2 =	seq.s32 s10, $0x1;
	s10 =	sld [smem:$0x3F9A]  }
0x3d: {  	_ =	shalt  }
0x3e: {  	_ =	shalt  }
0x3f: {  	_ =	shalt  }
0x40: {  	_ =	shalt  }
0x41: {  	_ =	shalt  }
0x42: {  	_ =	shalt  }
0x43: {  	_ =	shalt  }
0x44: {  	_ =	shalt  }
0x45: {  	_ =	shalt  }
0x46: {  	_ =	shalt  }
0x47: {  	_ =	shalt  }
0x48: {  	_ =	shalt  }
0x49: {  	_ =	shalt  }
0x4a: {  	_ =	shalt  }
0x4b: {  	_ =	shalt  }
0x4c: {  	_ =	shalt  }
0x4d: {  	_ =	shalt  }
0x4e: {  	_ =	shalt  }
0x4f: {  	_ =	shalt  }
0x50: {  	_ =	shalt  }
0x51: {  	_ =	shalt  }
0x52: {  	_ =	shalt  }
0x53: {  	_ =	shalt  }
0x54: {  	_ =	shalt  }
0x55: {  	_ =	shalt  }
0x56: {  	_ =	shalt  }
0x57: {  	_ =	shalt  }
0x58: {  	_ =	shalt  }
0x59: {  	_ =	shalt  }
0x5a: {  	_ =	shalt  }
0x5b: {  	_ =	shalt  }
0x5c: {  	_ =	shalt  }
0x5d: {  	_ =	shalt  }
0x5e: {  	_ =	shalt  }
0x5f: {  	_ =	shalt  }
0x60: {  	_ =	shalt  }
0x61: {  	_ =	shalt  }
0x62: {  	_ =	shalt  }
0x63: {  	_ =	shalt  }
0x64: {  	_ =	shalt  }
0x65: {  	_ =	shalt  }
0x66: {  	_ =	shalt  }
0x67: {  	_ =	shalt  }
0x68: {  	_ =	shalt  }
0x69: {  	_ =	shalt  }
0x6a: {  	_ =	shalt  }
0x6b: {  	_ =	shalt  }
0x6c: {  	_ =	shalt  }
0x6d: {  	_ =	shalt  }
0x6e: {  	_ =	shalt  }
0x6f: {  	_ =	shalt  }
0x70: {  	_ =	shalt  }
0x71: {  	_ =	shalt  }
0x72: {  	_ =	shalt  }
0x73: {  	_ =	shalt  }
0x74: {  	_ =	shalt  }
0x75: {  	_ =	shalt  }
0x76: {  	_ =	shalt  }
0x77: {  	_ =	shalt  }
0x78: {  	_ =	shalt  }
0x79: {  	_ =	shalt  }
0x7a: {  	_ =	shalt  }
0x7b: {  	_ =	shalt  }
0x7c: {  	_ =	shalt  }
0x7d: {  	_ =	shalt  }
0x7e: {  	_ =	shalt  }
0x7f: {  	_ =	shalt  }
0x80: {  	_ =	shalt  }
0x81: {  	_ =	shalt  }
0x82: {  	_ =	shalt  }
0x83: {  	_ =	shalt  }
0x84: {  	_ =	shalt  }
0x85: {  	_ =	shalt  }
0x86: {  	_ =	shalt  }
0x87: {  	_ =	shalt  }
.Lfunc_end0:
.L_simem_size_0:
called_computation.5_lowered:
.L_overlay_start_0:
0x88: {  	s2 =	sld [smem:$0x3FD9]  }
0x89: {  	s3 =	sld [smem:$0x3FFE];
	_ =	sdelay $0x1  }
0x8a: {  	s1 =	srdreg.scid  }
0x8b: {  	s0 =	sand.u32 $0x1, s1  }
0x8c: {  	s16 =	sshll.u32 s0, $0xA;
	s2 =	sadd.s32 s3, s2  }
0x8d: {  	s2 =	sadd.s32 s2, s16  }
0x8e: {  	[smem:$0x3FA6] =	sst s2  }
0x8f: {  	_ = 	snop  }
0x90: {  	(tm) =	ssettm $0x1  }
0x91: {  	s17 =	sld [smem:$0x3FFB];
	_ =	sdelay $0x3  }
0x92: {  	_ =	strace s17  }
0x93: {  	s2 =	sld [smem:$0x3FFC];
	_ =	sdelay $0x3  }
0x94: {  	_ =	strace s2  }
0x95: {  	s2 =	sld [smem:$0x3FFD];
	_ =	sdelay $0x3  }
0x96: {  	_ =	strace s2  }
0x97: {  	_ =	strace $0x8FFFFFFF  }
0x98: {  	s18 =	sld [smem:$0x3FDB];
	_ =	sdelay $0x1  }
0x99: {  	s19 =	simm.s32 $_scs_section_size  }
0x9a: {  	s4 =	simm.s32 $_size__tile_overlayer_lowered;
	s5 =	simm.s32 $_tile_overlayer_lowered  }
0x9b: {  	s22 =	simm.s32 $0x1BFF;
	s21 =	sshll.u32 s5, $0x1;
	s2 =	sadd.s32 s19, s18  }
0x9c: {  	s6 =	simm.s32 $0x0;
	s20 =	sshll.u32 s4, $0x1;
	s4 =	sadd.s32 s21, s2  }
0x9d: {  	[timem:s6], [sflag:s22] =	dma.local [hbm:s4], s20  }
0x9e: {  	_ =	swait.ge [sflag:s22], s20  }
0x9f: {  	s3 =	ssub.s32 $0x0, s20;
	[sflag:s22] =	ssyncset.done $0x0  }
0xa0: {  	[sflag:s22] =	ssyncadd.s32 s3;
	_ =	sdelay $0x1  }
0xa1: {  	s23 =	simm.s32 $0x1B8B  }
0xa2: {  	_ =	swait.ge [sflag:s23], $0x1  }
0xa3: {  	[sflag:s23] =	ssyncset.done $0x0  }
0xa4: {  	s25 =	simm.s32 $0x1B8E;
	s24 =	sld [smem:$0x3FFE];
	[sflag:s23] =	ssyncadd.s32 $0xFFFFFFFF  }
0xa5: {  	s26 =	simm.s32 $execute0_lowered;
	[smem:$0x3FD2] =	sst s25  }
0xa6: {  	s4 =	sshll.u32 s26, $0x1;
	_ =	strace $0x80000055;
	[dreg:$0x1] =	wrdreg $0xFFFFFFFF  }
0xa7: {  	s28 =	simm.s32 $_size_execute0_lowered;
	s2 =	sadd.s32 s2, s4;
	[dreg:$0x0] =	wrdreg $0x0  }
0xa8: {  	s4 =	sshll.u32 s28, $0x1;
	[dreg:$0x2] =	wrdreg s2  }
0xa9: {  	[dreg:$0x3] =	wrdreg s4  }
0xaa: {  	[dreg:$0x4] =	wrdreg $0xC0  }
0xab: {  	_ =	task [dreg:s6], $0x5FFFF  }
0xac: {  	[dreg:$0x1] =	wrdreg $0xFFFFFFFF  }
0xad: {  	[dreg:$0x0] =	wrdreg $0x60  }
0xae: {  	[dreg:$0x2] =	wrdreg s24  }
0xaf: {  	[dreg:$0x3] =	wrdreg $0x9  }
0xb0: {  	_ =	task.clear_ibuf [dreg:s6], $0x4FFFF;
	_ =	strace $0x90000055  }
0xb1: {  	s29 =	simm.s32 $0x9;
	_ =	strace $0x80000057  }
0xb2: {  	_ =	swait.ge [sflag:s29], $0x1  }
0xb3: {  	[sflag:s29] =	ssyncadd.s32 $0xFFFFFFFF  }
0xb4: {  	_ =	strace $0x90000057  }
0xb5: {  	_ =	sfence  }
0xb6: {  	s30 =	sld [smem:$0x0];
	_ =	sdelay $0x2  }
0xb7: {  	s31 =	sshll.u32 s1, $0xD;
	s1 =	sshrl.u32 s1, $0x2  }
0xb8: {  	s3 =	sand.u32 $0x4000, s31;
	s1 =	sadd.s32 s1, s30  }
0xb9: {  	s0 =	sor.u32 s3, s0;
	s1 =	sshll.u32 s1, $0x11  }
0xba: {  	s0 =	sor.u32 s1, s0  }
0xbb: {  	s0 =	sadd.s32 $0x8F2B, s0  }
0xbc: {  	[sflag:s0] =	ssyncadd.remote.s32 $0x1  }
0xbd: {  	_ =	sfence.sel $0xFFFF  }
0xbe: {  	[dreg:$0x0] =	wrdreg $0xFFFFFFFF;
	(pc) =	sbr.abs _section_cstart, $3  }
0xbf: {  	[dreg:$0x1] =	wrdreg $0xFFFFFFFF  }
0xc0: {  	_ =	task.clear_ibuf [dreg:s6], $0x2FFFF;
	_ =	strace $0x9FFFFFFF  }
0xc1: {  	(tm) =	ssettm $0x7FFFFFFF  }
tec
execute0_lowered:
.L_overlay_start_1:
0x0: {  	(tag) =	ssettag $0x1  }
0x1: {  	s1 =	srdreg.scid;
	s0 =	stileid.u32  }
0x2: {  	s9 =	sand.u32 $0x1, s1;
	s3 =	sshll.u32 s0, $0x1  }
0x3: {  	s10 =	sor.u32 s9, s3  }
0x4: {  	p0 =	sgt.u32 s10, $0x18  }
.Ltmp0:
0x5: {  	_ = 	snop;
	(pc) =	sbr.rel @p0 .LBB2_4-.Ltmp0, $4  }
0x6: {  	_ = 	snop  }
0x7: {  	s11 =	rddreg [dreg:$0x0];
	s2 =	simm.s32 $0x0  }
0x8: {  	[smem:$0x7FF] =	sst s2  }
0x9: {  	s1 =	rddreg [dreg:$0x1];
	_ =	strace $0x80000056  }
0xa: {  	s3 =	smul.u32 $0x1A, s10  }
0xb: {  	s4 =	sadd.s32 $0x5A4E00, s11  }
0xc: {  	s4 =	sadd.s32 s4, s3;
	s3 =	simm.s32 $0x2  }
0xd: {  	[tilespmem:s2], [sflag:$0x2] =	stream.linear.gather [hbm4b:s4+s2], $0xD0, $0x38;
	[tilespmem:$0x710] =	vst v63  }
0xe: {  	s5 =	sadd.s32 $0xDC00, s11;
	s6 =	simm.s32 $0x64;
	_ =	swait.ge [sflag:s3], $0xD0  }
0xf: {  	s7 =	simm.s32 $0xD0;
	s8 =	simm.s32 $0x1;
	[sflag:s3] =	ssyncset.done $0x0  }
0x10: {  	s12 =	smul.u32 $0xC8, s10;
	s13 =	ssub.s32 $0x2, s9;
	[sflag:s3] =	ssyncadd.s32 $0xFFFFFF30  }
0x11: {  	[tilespmem:s7], [sflag:$0x1] =	stream.indirect.gather [hbm4b:s5+s6], $0x8, s2, s6, $0xb8;
	[tilespmem:$0x710] =	vst v63  }
0x12: {  	s9 =	simm.s32 $0x68;
	s14 =	sshrl.u32 s13, $0x1;
	_ =	swait.ge [sflag:s8], $0x320  }
0x13: {  	s10 =	simm.s32 $0x3F0;
	s31 =	ssub.s32 s13, s14;
	[sflag:s8] =	ssyncset.done $0x0  }
0x14: {  	s30 =	sadd.s32 s12, s11;
	s12 =	smax.u32 s31, $0x1;
	[sflag:s8] =	ssyncadd.s32 $0xFFFFFCE0  }
0x15: {  	[tilespmem:s10], [sflag:$0x1] =	stream.indirect.gather [hbm4b:s5+s6], $0x8, s9, s6, $0xb8;
	[tilespmem:$0x710] =	vst v63  }
0x16: {  	p0 =	sne.s32 s12, $0x1;
	_ =	swait.ge [sflag:s8], $0x320  }
.Ltmp1:
0x17: {  	[sflag:s8] =	ssyncset.done $0x0;
	(pc) =	sbr.rel @!p0 .LBB2_3-.Ltmp1, $4  }
0x18: {  	s11 =	sadd.s32 $0x10400, s30;
	[sflag:s8] =	ssyncadd.s32 $0xFFFFFCE0  }
0x19: {  	[hbm4b:s11+s2] =	stream.linear.scatter [tilespmem:s7], [sflag:$0x2], $0x640, $0x38;
	[tilespmem:$0x710] =	vst v63  }
0x1a: {  	_ =	swait.ge [sflag:s3], $0x640  }
0x1b: {  	s12 =	sadd.s32 $0xFFFFFFFF, s12;
	[sflag:s3] =	ssyncset.done $0x0  }
.LBB2_2:
0x1c: {  	p0 =	sne.s32 s12, $0x1;
	s12 =	sadd.s32 $0xFFFFFFFF, s12;
	[sflag:s3] =	ssyncadd.s32 $0xFFFFF9C0  }
0x1d: {  	[tilespmem:s2], [sflag:$0x2] =	stream.linear.gather [hbm4b:s4+s2], $0xD0, $0x38;
	[tilespmem:$0x710] =	vst v63  }
0x1e: {  	_ =	swait.ge [sflag:s3], $0xD0  }
0x1f: {  	[sflag:s3] =	ssyncset.done $0x0  }
0x20: {  	[sflag:s3] =	ssyncadd.s32 $0xFFFFFF30  }
0x21: {  	[tilespmem:s7], [sflag:$0x1] =	stream.indirect.gather [hbm4b:s5+s6], $0x8, s2, s6, $0xb8;
	[tilespmem:$0x710] =	vst v63  }
0x22: {  	_ =	swait.ge [sflag:s8], $0x320  }
0x23: {  	[sflag:s8] =	ssyncset.done $0x0  }
0x24: {  	[sflag:s8] =	ssyncadd.s32 $0xFFFFFCE0  }
0x25: {  	[tilespmem:s10], [sflag:$0x1] =	stream.indirect.gather [hbm4b:s5+s6], $0x8, s9, s6, $0xb8;
	[tilespmem:$0x710] =	vst v63  }
0x26: {  	_ =	swait.ge [sflag:s8], $0x320  }
.Ltmp2:
0x27: {  	[sflag:s8] =	ssyncset.done $0x0;
	(pc) =	sbr.rel @p0 .LBB2_2-.Ltmp2, $4  }
0x28: {  	[sflag:s8] =	ssyncadd.s32 $0xFFFFFCE0  }
0x29: {  	[hbm4b:s11+s2] =	stream.linear.scatter [tilespmem:s7], [sflag:$0x2], $0x640, $0x38;
	[tilespmem:$0x710] =	vst v63  }
0x2a: {  	_ =	swait.ge [sflag:s3], $0x640  }
0x2b: {  	[sflag:s3] =	ssyncset.done $0x0  }
.LBB2_3:
0x2c: {  	[sflag:s3] =	ssyncadd.s32 $0xFFFFF9C0  }
.LBB2_4:
0x2d: {  	_ =	sfence.sel $0x180000  }
0x2e: {  	[bflag:$0x0] =	sbarrier.arrive $0xFFFF  }
0x2f: {  	p0 =	sne.s32 s0, $0x0;
	_ =	strace $0x90000056  }
0x30: {  	s0 =	sadd.s32 @!p0 $0x100000, s1;
	[bflag:$0x2] =	sbarrier.arrive $0xFFFF  }
0x31: {  	[sflag:s0] =	ssyncadd.tile.s32 @!p0 $0x1;
	_ =	shalt  }
.Lfunc_end2:
_tile_overlayer_lowered:
.L_overlay_start_2:
0x32: {  	(tag) =	ssettag $0x2  }
0x33: {  	s0 =	rddreg [dreg:$0x0];
	s2 =	stileid.u32  }
0x34: {  	s1 =	rddreg [dreg:$0x1];
	p0 =	sne.s32 s2, $0x0  }
0x35: {  	s3 =	rddreg [dreg:$0x2];
	[bflag:$0x3] =	sbarrier.arrive $0xFFFF;
	s2 =	simm.s32 @!p0 $0x1C02  }
0x36: {  	[timem:s3], [sflag:s2] =	dma.local @!p0 [hbm:s0], s1  }
0x37: {  	s0 =	simm.s32 @!p0 $0x2  }
0x38: {  	_ =	swait.ge @!p0 [sflag:s0], s1  }
0x39: {  	s1 =	ssub.s32 @!p0 $0x0, s1;
	[sflag:s0] =	ssyncset.done @!p0 $0x0  }
0x3a: {  	[sflag:s0] =	ssyncadd.s32 @!p0 s1  }
0x3b: {  	[bflag:$0x3] =	sbarrier.arrive $0xFFFF  }
0x3c: {  	_ =	shalt  }

</sc_bundles>
